<compile_context>
chip_gen: v7x
topology: tpu7x:2x2x1
jax: 0.10.2.dev20260603
libtpu: 0.0.44.dev20260713+nightly
codegen_flags: <defaults>
</compile_context>

<pallas_src>
import jax
import jax.numpy as jnp
from jax import lax
from jax.experimental import pallas as pl
from jax.experimental.pallas import tpu as pltpu
from jax.experimental.pallas import tpu_sc as plsc

S = 7
B = 2
C = 20
HW = S * S
MAXOBJ = 16
IGNORE_THRESH = 0.5
L_COORD = 5.0
L_OBJ = 1.0
L_NOOBJ = 0.5
L_CLASS = 1.0
NB = 128

NCORES = 2
NSUBCORES = 16
NWORKERS = NCORES * NSUBCORES
NREC = 7


def _sig(x):
    return 1.0 / (1.0 + jnp.exp(-x))


def _sc_assign_body(op_hbm, tg_hbm, rec_hbm, tgv, gv, recv, sem):
    i32 = jnp.int32
    f32 = jnp.float32
    wid = lax.axis_index("s") * NCORES + lax.axis_index("c")
    ipw = 512 // NWORKERS
    base = wid * ipw
    nch = 5 * B + C
    pltpu.sync_copy(tg_hbm.at[pl.ds(base * 5 * MAXOBJ, ipw * 5 * MAXOBJ)], tgv)
    lanes = lax.iota(i32, MAXOBJ)
    lanesf = lanes.astype(f32)
    neg_inf = jnp.full((MAXOBJ,), -jnp.inf, f32)
    gpi = 2 * 5 * MAXOBJ

    def fire_body(j, carry):
        toff = j * (5 * MAXOBJ)
        tx = tgv[pl.ds(toff + 0 * MAXOBJ, MAXOBJ)]
        ty = tgv[pl.ds(toff + 1 * MAXOBJ, MAXOBJ)]
        celli = (ty * S).astype(i32) * S + (tx * S).astype(i32)
        obase = (base + j) * (nch * HW) + celli
        for ch in range(2 * 5):
            pltpu.async_copy(
                op_hbm.at[obase + ch * HW],
                gv.at[pl.ds(j * gpi + ch * MAXOBJ, MAXOBJ)],
                sem,
            )
        return carry

    lax.fori_loop(0, ipw, fire_body, 0)
    pltpu.make_async_copy(op_hbm.at[pl.ds(0, ipw * gpi)], gv, sem).wait()

    def item_body(j, carry):
        toff = j * (5 * MAXOBJ)
        t = [tgv[pl.ds(toff + k * MAXOBJ, MAXOBJ)] for k in range(5)]
        gx = t[0] * S
        gy = t[1] * S
        gw = t[2] * S
        gh = t[3] * S
        rowsum = t[0] + t[1] + t[2] + t[3] + t[4]
        validrow = jnp.where(rowsum > 0, 1.0, 0.0)
        nval = jnp.float32(0.0)
        for k in range(MAXOBJ):
            nval = nval + validrow[k]
        validf = jnp.where(lanesf < nval, 1.0, 0.0)
        cxi = gx.astype(i32)
        cyi = gy.astype(i32)
        cxf = cxi.astype(f32)
        cyf = cyi.astype(f32)
        celli = cyi * S + cxi
        sg = [
            _sig(gv[pl.ds(j * gpi + ch * MAXOBJ, MAXOBJ)])
            for ch in range(2 * 5)
        ]
        gx1 = gx - gw * 0.5
        gx2 = gx + gw * 0.5
        gy1 = gy - gh * 0.5
        gy2 = gy + gh * 0.5
        areag = gw * gh
        dio = []
        pbox = []
        for b in range(B):
            px = sg[4 * b + 0] + cxf
            py = sg[4 * b + 1] + cyf
            pw = sg[4 * b + 2] * S
            ph = sg[4 * b + 3] * S
            pbox.append((px - pw * 0.5, px + pw * 0.5, py - ph * 0.5,
                         py + ph * 0.5, pw * ph))
            tlx = jnp.maximum(pbox[b][0], gx1)
            brx = jnp.minimum(pbox[b][1], gx2)
            tly = jnp.maximum(pbox[b][2], gy1)
            bry = jnp.minimum(pbox[b][3], gy2)
            en = jnp.logical_and(tlx < brx, tly < bry)
            ai = jnp.where(en, (brx - tlx) * (bry - tly), 0.0)
            dio.append(ai / (pbox[b][4] + areag - ai))
        slot1 = dio[1] > dio[0]
        pxm = jnp.where(slot1, pbox[1][0], pbox[0][0])
        pxp = jnp.where(slot1, pbox[1][1], pbox[0][1])
        pym = jnp.where(slot1, pbox[1][2], pbox[0][2])
        pyp = jnp.where(slot1, pbox[1][3], pbox[0][3])
        areap = jnp.where(slot1, pbox[1][4], pbox[0][4])
        slot1i = jnp.where(slot1, 1, 0)
        keyf = (celli * 2 + slot1i).astype(f32)
        miou = neg_inf
        owf = jnp.zeros((MAXOBJ,), f32)
        for op_ in range(MAXOBJ):
            tlx = jnp.maximum(pxm, gx1[op_])
            brx = jnp.minimum(pxp, gx2[op_])
            tly = jnp.maximum(pym, gy1[op_])
            bry = jnp.minimum(pyp, gy2[op_])
            en = jnp.logical_and(tlx < brx, tly < bry)
            ai = jnp.where(en, (brx - tlx) * (bry - tly), 0.0)
            iou = ai / (areap + areag[op_] - ai)
            vb = jnp.float32(op_) < nval
            miou = jnp.maximum(miou, jnp.where(vb, iou, neg_inf))
            owm = jnp.where(
                jnp.logical_and(keyf == keyf[op_], lanesf < op_), 1.0, 0.0
            )
            owf = jnp.maximum(owf, jnp.where(vb, owm, 0.0))
        winboxf = validf * (1.0 - owf)
        conf = jnp.where(slot1, sg[9], sg[8])
        recs = [
            winboxf,
            jnp.where(winboxf > 0.5, miou, 0.0),
            conf,
            jnp.where(slot1, sg[4], sg[0]),
            jnp.where(slot1, sg[5], sg[1]),
            jnp.where(slot1, sg[6], sg[2]),
            jnp.where(slot1, sg[7], sg[3]),
        ]
        rbase = j * (NREC * MAXOBJ)
        for r in range(NREC):
            recv[pl.ds(rbase + r * MAXOBJ, MAXOBJ)] = recs[r]
        return carry

    lax.fori_loop(0, ipw, item_body, 0)
    pltpu.sync_copy(
        recv,
        rec_hbm.at[pl.ds(base * NREC * MAXOBJ, ipw * NREC * MAXOBJ)],
    )


def _sc_records(op3, targets):
    mesh = plsc.VectorSubcoreMesh(
        core_axis_name="c", subcore_axis_name="s",
        num_cores=NCORES, num_subcores=NSUBCORES,
    )
    ipw = 512 // NWORKERS
    kern = pl.kernel(
        _sc_assign_body,
        out_type=jax.ShapeDtypeStruct((512 * NREC * MAXOBJ,), jnp.float32),
        mesh=mesh,
        scratch_types=[
            pltpu.VMEM((ipw * 5 * MAXOBJ,), jnp.float32),
            pltpu.VMEM((ipw * 2 * 5 * MAXOBJ,), jnp.float32),
            pltpu.VMEM((ipw * NREC * MAXOBJ,), jnp.float32),
            pltpu.SemaphoreType.DMA,
        ],
    )
    tgt_sc = jnp.transpose(targets, (0, 2, 1)).reshape(-1)
    return kern(op3.reshape(-1), tgt_sc).reshape(512, NREC * MAXOBJ)


def _tc1_kernel(op_ref, tg_ref, out_ref, anyp_ref):
    f32 = jnp.float32
    nb = op_ref.shape[-1]
    cell_ids = jax.lax.broadcasted_iota(jnp.int32, (HW, 1), 0).astype(f32)
    xs = cell_ids % S
    ys = jnp.floor(cell_ids / S)

    pxm, pxp, pym, pyp, areap, conf = [], [], [], [], [], []
    for b in range(B):
        base = 4 * b
        pxb = _sig(op_ref[base + 0]) + xs
        pyb = _sig(op_ref[base + 1]) + ys
        pwb = _sig(op_ref[base + 2]) * S
        phb = _sig(op_ref[base + 3]) * S
        pxm.append(pxb - pwb * 0.5)
        pxp.append(pxb + pwb * 0.5)
        pym.append(pyb - phb * 0.5)
        pyp.append(pyb + phb * 0.5)
        areap.append(pwb * phb)
        conf.append(_sig(op_ref[4 * B + b]))

    tsum = jnp.sum(tg_ref[...], axis=1)
    num_obj = jnp.sum((tsum > 0).astype(f32), axis=0, keepdims=True)
    has_obj = num_obj > 0

    neg_inf = jnp.float32(-jnp.inf)
    miou = [jnp.full((HW, nb), neg_inf, f32) for _ in range(B)]
    clsm = jnp.zeros((HW, nb), jnp.bool_)
    clst = jnp.zeros((HW, nb), f32)

    for o in range(MAXOBJ):
        g = tg_ref[o]
        gxo = g[0:1] * S
        gyo = g[1:2] * S
        gwo = g[2:3] * S
        gho = g[3:4] * S
        gco = jnp.floor(g[4:5])
        v = num_obj > o
        gx1 = gxo - gwo * 0.5
        gx2 = gxo + gwo * 0.5
        gy1 = gyo - gho * 0.5
        gy2 = gyo + gho * 0.5
        areag = gwo * gho
        for b in range(B):
            tlx = jnp.maximum(pxm[b], gx1)
            brx = jnp.minimum(pxp[b], gx2)
            tly = jnp.maximum(pym[b], gy1)
            bry = jnp.minimum(pyp[b], gy2)
            en = jnp.logical_and(tlx < brx, tly < bry)
            ai = jnp.where(en, (brx - tlx) * (bry - tly), 0.0)
            iou_bo = ai / (areap[b] + areag - ai)
            miou[b] = jnp.maximum(miou[b], jnp.where(v, iou_bo, neg_inf))
        cello = jnp.floor(gyo) * S + jnp.floor(gxo)
        hv = jnp.logical_and(cell_ids == cello, v)
        clsm = jnp.logical_or(clsm, hv)
        clst = jnp.where(hv, gco, clst)

    npos = jnp.zeros((1, nb), f32)
    for b in range(B):
        npos += jnp.sum((miou[b] > IGNORE_THRESH).astype(f32), axis=0,
                        keepdims=True)
    anypos = npos > 0

    lnoobj_dense = jnp.float32(0.0)
    for b in range(B):
        keep_b = jnp.logical_and(
            has_obj,
            jnp.logical_not(
                jnp.logical_and(anypos, miou[b] >= IGNORE_THRESH)
            ),
        )
        lnoobj_dense += jnp.sum(jnp.where(keep_b, conf[b] * conf[b], 0.0))

    m = op_ref[5 * B]
    for ch in range(1, C):
        m = jnp.maximum(m, op_ref[5 * B + ch])
    ssum = jnp.zeros((HW, nb), f32)
    psel = jnp.zeros((HW, nb), f32)
    for ch in range(C):
        p = op_ref[5 * B + ch]
        ssum += jnp.exp(p - m)
        psel = jnp.where(clst == ch, p, psel)
    picked = psel - m - jnp.log(ssum)
    lclass = -jnp.sum(jnp.where(clsm, picked, 0.0))

    partial = lnoobj_dense * L_NOOBJ + lclass * L_CLASS

    anyp_ref[...] = anypos.astype(f32)

    @pl.when(pl.program_id(0) == 0)
    def _():
        out_ref[0, 0] = 0.0

    out_ref[0, 0] += partial


def _tc1(opt, tgt):
    n = opt.shape[-1]
    nb = min(NB, n)
    grid = n // nb
    out, anyp = pl.pallas_call(
        _tc1_kernel,
        grid=(grid,),
        in_specs=[
            pl.BlockSpec((5 * B + C, HW, nb), lambda i: (0, 0, i)),
            pl.BlockSpec((MAXOBJ, 5, nb), lambda i: (0, 0, i)),
        ],
        out_specs=[
            pl.BlockSpec(memory_space=pltpu.SMEM),
            pl.BlockSpec((1, nb), lambda i: (0, i)),
        ],
        out_shape=[
            jax.ShapeDtypeStruct((1, 1), jnp.float32),
            jax.ShapeDtypeStruct((1, n), jnp.float32),
        ],
    )(opt, tgt)
    return out[0, 0], anyp


def _tc2_kernel(rec_ref, tg_ref, anyp_ref, out_ref):
    f32 = jnp.float32
    m = MAXOBJ
    winbox = rec_ref[pl.ds(0 * m, m), :] > 0.0
    iou_rec = rec_ref[pl.ds(1 * m, m), :]
    conf_rec = rec_ref[pl.ds(2 * m, m), :]
    psx = rec_ref[pl.ds(3 * m, m), :]
    psy = rec_ref[pl.ds(4 * m, m), :]
    psw = rec_ref[pl.ds(5 * m, m), :]
    psh = rec_ref[pl.ds(6 * m, m), :]
    anyp = anyp_ref[...] > 0.0

    gx = tg_ref[:, 0, :] * S
    gy = tg_ref[:, 1, :] * S
    gw = tg_ref[:, 2, :] * S
    gh = tg_ref[:, 3, :] * S
    tx = gx - jnp.floor(gx)
    ty = gy - jnp.floor(gy)
    tw = gw / S
    th = gh / S

    keep_rec = jnp.logical_not(
        jnp.logical_and(anyp, iou_rec >= IGNORE_THRESH)
    )
    lobj = jnp.sum(jnp.where(winbox, (conf_rec - iou_rec) ** 2, 0.0))
    ncorr = jnp.sum(
        jnp.where(jnp.logical_and(winbox, keep_rec), conf_rec * conf_rec, 0.0)
    )
    lxy = jnp.sum(jnp.where(winbox, (psx - tx) ** 2 + (psy - ty) ** 2, 0.0))
    lwh = jnp.sum(
        jnp.where(
            winbox,
            (jnp.sqrt(psw) - jnp.sqrt(tw)) ** 2
            + (jnp.sqrt(psh) - jnp.sqrt(th)) ** 2,
            0.0,
        )
    )
    partial = (lxy + lwh) * L_COORD + lobj * L_OBJ - ncorr * L_NOOBJ

    @pl.when(pl.program_id(0) == 0)
    def _():
        out_ref[0, 0] = 0.0

    out_ref[0, 0] += partial


def _tc2(rec, tgt, anyp):
    n = tgt.shape[-1]
    nb = min(NB, n)
    grid = n // nb
    out = pl.pallas_call(
        _tc2_kernel,
        grid=(grid,),
        in_specs=[
            pl.BlockSpec((NREC * MAXOBJ, nb), lambda i: (0, i)),
            pl.BlockSpec((MAXOBJ, 5, nb), lambda i: (0, 0, i)),
            pl.BlockSpec((1, nb), lambda i: (0, i)),
        ],
        out_specs=pl.BlockSpec(memory_space=pltpu.SMEM),
        out_shape=jax.ShapeDtypeStruct((1, 1), jnp.float32),
    )(rec, tgt, anyp)
    return out[0, 0]


@jax.jit
def kernel(outputs, targets):
    n = outputs.shape[0]
    op3 = outputs.reshape(n, 5 * B + C, HW)
    opt = jnp.transpose(op3, (1, 2, 0))
    tgt = jnp.transpose(targets, (1, 2, 0))
    rec = jnp.transpose(_sc_records(op3, targets), (1, 0))
    tc1_loss, anyp = _tc1(opt, tgt)
    tc2_loss = _tc2(rec, tgt, anyp)
    return tc1_loss + tc2_loss

# --- scband reference (transcript-rebuilt; emitter-appended) ---
"""Pipeline reference for scband-yolov1-loss-20925080666761 (READ-ONLY COPY).

The authoritative reference and input builder live on the scoring server;
editing this copy changes nothing except your own understanding.
"""

import jax, jax.numpy as jnp
import numpy as np

S = 7; B = 2; C = 20
IGNORE_THRESH = 0.5
LAMBDA_COORD = 5.0; LAMBDA_OBJ = 1.0; LAMBDA_NOOBJ = 0.5; LAMBDA_CLASS = 1.0


def _sigmoid_np(x):
    return 1.0 / (1.0 + np.exp(-x))


def _bboxes_iou_np(a, b):
    # xyxy=False: boxes are (cx, cy, w, h)
    tl = np.maximum(a[:, None, :2] - a[:, None, 2:] / 2.0, b[None, :, :2] - b[None, :, 2:] / 2.0)
    br = np.minimum(a[:, None, :2] + a[:, None, 2:] / 2.0, b[None, :, :2] + b[None, :, 2:] / 2.0)
    area_a = np.prod(a[:, 2:], axis=1)
    area_b = np.prod(b[:, 2:], axis=1)
    en = (tl < br).all(axis=2).astype(np.float32)
    area_i = np.prod(br - tl, axis=2) * en
    return area_i / (area_a[:, None] + area_b[None, :] - area_i)


def _build_target_np(outputs, targets):
    N, n_ch, H, W = outputs.shape
    assert n_ch == B * 5 + C and H == W == S
    iou_target = np.zeros((N, H * W, B), np.float32)
    iou_mask = np.ones((N, H * W, B), np.float32)
    box_target = np.zeros((N, H * W, B, 4), np.float32)
    box_mask = np.zeros((N, H * W, B, 1), np.float32)
    class_target = np.zeros((N, H * W, 1), np.float32)
    class_mask = np.zeros((N, H * W, 1), np.float32)
    op = outputs.transpose(0, 2, 3, 1)
    x_shift = np.broadcast_to(np.arange(W).reshape(1, 1, W, 1), (N, H, W, B)).astype(np.float32)
    y_shift = np.broadcast_to(np.arange(H).reshape(1, H, 1, 1), (N, H, W, B)).astype(np.float32)
    apb = _sigmoid_np(op[..., :B * 4].reshape(N, H, W, B, 4)).copy()
    apb[..., 0] += x_shift
    apb[..., 1] += y_shift
    apb[..., 2] *= W
    apb[..., 3] *= H
    gt_num_objs = (targets.sum(axis=2) > 0).sum(axis=1)
    for ni in range(N):
        num_obj = int(gt_num_objs[ni])
        if num_obj == 0:
            iou_mask[ni, ...] = 0
            continue
        gt = targets[ni][:num_obj].copy()
        gt_cls_ids = gt[:, 4]
        gt_boxes = gt[:, :4]
        gt_boxes[:, 0::2] *= W
        gt_boxes[:, 1::2] *= H
        pred_boxes = apb[ni].reshape(-1, 4)
        ious = _bboxes_iou_np(pred_boxes, gt_boxes).reshape(H * W, B, num_obj)
        max_iou = ious.max(axis=-1, keepdims=True)
        n_pos = int((max_iou.reshape(-1) > IGNORE_THRESH).sum())
        if n_pos > 0:
            iou_mask[ni][max_iou.squeeze(-1) >= IGNORE_THRESH] = 0
        for oi in range(num_obj):
            gt_box = gt_boxes[oi]
            cell_idx_x = float(np.floor(gt_box[0]))
            cell_idx_y = float(np.floor(gt_box[1]))
            cell_idx = int(cell_idx_y * W + cell_idx_x)
            class_target[ni, cell_idx, 0] = float(int(gt_cls_ids[oi]))
            class_mask[ni, cell_idx, 0] = 1
            argmax_idx = int(np.argmax(ious[cell_idx, :, oi]))
            gt_box[0] -= cell_idx_x
            gt_box[1] -= cell_idx_y
            gt_box[2] /= W
            gt_box[3] /= H
            box_target[ni, cell_idx, argmax_idx, :] = gt_box
            box_mask[ni, cell_idx, argmax_idx, 0] = 1
            iou_target[ni, cell_idx, argmax_idx] = max_iou[cell_idx, argmax_idx, 0]
            iou_mask[ni, cell_idx, argmax_idx] = 2
    return (iou_target.reshape(-1), iou_mask.reshape(-1), box_target.reshape(-1, 4),
            box_mask.reshape(-1), class_target.reshape(-1).astype(np.int64), class_mask.reshape(-1))


def _sigmoid_jnp(x):
    return 1.0 / (1.0 + jnp.exp(-x))


def _bboxes_iou_jnp(a, b):
    # xyxy=False: boxes are (cx, cy, w, h)
    tl = jnp.maximum(a[:, None, :2] - a[:, None, 2:] / 2.0, b[None, :, :2] - b[None, :, 2:] / 2.0)
    br = jnp.minimum(a[:, None, :2] + a[:, None, 2:] / 2.0, b[None, :, :2] + b[None, :, 2:] / 2.0)
    area_a = jnp.prod(a[:, 2:], axis=1)
    area_b = jnp.prod(b[:, 2:], axis=1)
    en = (tl < br).all(axis=2).astype(jnp.float32)
    area_i = jnp.prod(br - tl, axis=2) * en
    return area_i / (area_a[:, None] + area_b[None, :] - area_i)


def _build_target_single(op_i, tgt_i):
    # op_i: (H, W, n_ch) already transposed; tgt_i: (max_obj, 5)
    H = W = S
    HW = H * W
    max_obj = tgt_i.shape[0]
    x_shift = jnp.broadcast_to(jnp.arange(W).reshape(1, W, 1), (H, W, B)).astype(jnp.float32)
    y_shift = jnp.broadcast_to(jnp.arange(H).reshape(H, 1, 1), (H, W, B)).astype(jnp.float32)
    apb = _sigmoid_jnp(op_i[..., :B * 4].reshape(H, W, B, 4))
    px = apb[..., 0] + x_shift
    py = apb[..., 1] + y_shift
    pw = apb[..., 2] * W
    ph = apb[..., 3] * H
    pred_boxes = jnp.stack([px, py, pw, ph], axis=-1).reshape(-1, 4)
    num_obj = jnp.sum(jnp.sum(tgt_i, axis=1) > 0)
    valid = jnp.arange(max_obj) < num_obj
    gx = tgt_i[:, 0] * W
    gy = tgt_i[:, 1] * H
    gw = tgt_i[:, 2] * W
    gh = tgt_i[:, 3] * H
    gt_boxes = jnp.stack([gx, gy, gw, gh], axis=-1)
    ious = _bboxes_iou_jnp(pred_boxes, gt_boxes).reshape(HW, B, max_obj)
    ious_v = jnp.where(valid[None, None, :], ious, -jnp.inf)
    max_iou = ious_v.max(axis=-1)
    n_pos = jnp.sum(max_iou > IGNORE_THRESH)
    keep = (num_obj > 0) & ~((n_pos > 0) & (max_iou >= IGNORE_THRESH))
    iou_mask0 = jnp.where(keep, 1.0, 0.0).astype(jnp.float32)

    def body(oi, carry):
        iou_t, iou_m, box_t, box_m, cls_t, cls_m = carry
        v = oi < num_obj
        cx = jnp.floor(gx[oi])
        cy = jnp.floor(gy[oi])
        cell = (cy * W + cx).astype(jnp.int32)
        cls_val = jnp.trunc(tgt_i[oi, 4])
        argmax_idx = jnp.argmax(ious[cell, :, oi]).astype(jnp.int32)
        new_box = jnp.stack([gx[oi] - cx, gy[oi] - cy, gw[oi] / W, gh[oi] / H])
        cls_t = cls_t.at[cell].set(jnp.where(v, cls_val, cls_t[cell]))
        cls_m = cls_m.at[cell].set(jnp.where(v, 1.0, cls_m[cell]))
        box_t = box_t.at[cell, argmax_idx].set(jnp.where(v, new_box, box_t[cell, argmax_idx]))
        box_m = box_m.at[cell, argmax_idx].set(jnp.where(v, 1.0, box_m[cell, argmax_idx]))
        iou_t = iou_t.at[cell, argmax_idx].set(jnp.where(v, max_iou[cell, argmax_idx], iou_t[cell, argmax_idx]))
        iou_m = iou_m.at[cell, argmax_idx].set(jnp.where(v, 2.0, iou_m[cell, argmax_idx]))
        return (iou_t, iou_m, box_t, box_m, cls_t, cls_m)

    init = (jnp.zeros((HW, B), jnp.float32), iou_mask0,
            jnp.zeros((HW, B, 4), jnp.float32), jnp.zeros((HW, B), jnp.float32),
            jnp.zeros((HW,), jnp.float32), jnp.zeros((HW,), jnp.float32))
    return jax.lax.fori_loop(0, max_obj, body, init)


def setup_inputs(seed: int = 0) -> dict:
    key = jax.random.key(seed)
    k1, k2 = jax.random.split(key)
    outputs = jax.random.normal(k1, (512, B * 5 + C, S, S), dtype=jnp.float32)
    targets = jax.random.uniform(k2, (512, 16, 5), dtype=jnp.float32)
    return {"outputs": outputs, "targets": targets}


def reference(outputs, targets):
    N, n_ch, H, W = outputs.shape
    op = jnp.transpose(outputs, (0, 2, 3, 1))
    iou_t, iou_m, box_t, box_m, cls_tf, cls_m = jax.vmap(_build_target_single)(op, targets)
    iou_t = iou_t.reshape(-1)
    iou_m = iou_m.reshape(-1)
    box_t = box_t.reshape(-1, 4)
    box_m = box_m.reshape(-1)
    cls_t = cls_tf.reshape(-1).astype(jnp.int32)
    cls_m = cls_m.reshape(-1)
    sig = jax.nn.sigmoid(op[..., :B * 5])
    pred_boxes = sig[..., :B * 4].reshape(N, H, W, B, 4).reshape(-1, 4)
    pred_confs = sig[..., B * 4:B * 5].reshape(-1)
    pred_probs = op[..., B * 5:].reshape(-1, C)
    obj_sel = (iou_m == 2).astype(jnp.float32)
    noobj_sel = (iou_m == 1).astype(jnp.float32)
    box_sel = (box_m > 0).astype(jnp.float32)
    cls_sel = (cls_m > 0).astype(jnp.float32)
    loss_obj = jnp.sum(obj_sel * (pred_confs - iou_t) ** 2)
    loss_noobj = jnp.sum(noobj_sel * (pred_confs - iou_t) ** 2)
    loss_xy = jnp.sum(box_sel[:, None] * (pred_boxes[:, :2] - box_t[:, :2]) ** 2)
    loss_wh = jnp.sum(box_sel[:, None] * (jnp.sqrt(pred_boxes[:, 2:4]) - jnp.sqrt(box_t[:, 2:4])) ** 2)
    logp = jax.nn.log_softmax(pred_probs, axis=-1)
    picked = jnp.take_along_axis(logp, cls_t[:, None], axis=1)[:, 0]
    loss_class = -jnp.sum(cls_sel * picked)
    loss = (loss_xy + loss_wh) * LAMBDA_COORD + loss_obj * LAMBDA_OBJ + loss_noobj * LAMBDA_NOOBJ + loss_class * LAMBDA_CLASS
    return loss

if __name__ == "__main__":
    import jax
    _d = setup_inputs()
    print(jax.jit(kernel)(*tuple(_d.values())))

</pallas_src>

<mosaic_0001>
#map = affine_map<(d0, d1) -> (0)>
module attributes {stable_mosaic.version = 14 : i64} {
  func.func @_sc_assign_body(%arg0: i32, %arg1: i32, %arg2: memref<752640xf32, #tpu.memory_space<hbm>>, %arg3: memref<40960xf32, #tpu.memory_space<hbm>>, %arg4: memref<57344xf32, #tpu.memory_space<hbm>>, %arg5: memref<1280xf32, #tpu.memory_space<vmem>>, %arg6: memref<2560xf32, #tpu.memory_space<vmem>>, %arg7: memref<1792xf32, #tpu.memory_space<vmem>>, %arg8: memref<!tpu.dma_semaphore, #tpu.memory_space<semaphore_mem>>) attributes {dimension_semantics = [#tpu.dimension_semantics<core_parallel>, #tpu.dimension_semantics<subcore_parallel>], iteration_bounds = array<i64: 2, 16>, scalar_prefetch = 0 : i64, scratch_operands = 4 : i64, tpu.core_type = #tpu.core_type<sc_vector_subcore>, window_params = [{transform_indices = #map}, {transform_indices = #map}, {transform_indices = #map}]} {
    %mul3A = arith.constant 2 : i32
    %mul3A_0 = arith.muli %arg1, %mul3A : i32
    %add3A = arith.addi %mul3A_0, %arg0 : i32
    %mul3A_1 = arith.constant 16 : i32
    %mul3A_2 = arith.muli %add3A, %mul3A_1 : i32
    %mul3A_3 = arith.constant 5 : i32
    %mul3A_4 = arith.muli %mul3A_2, %mul3A_3 : i32
    %mul3A_5 = arith.constant 16 : i32
    %mul3A_6 = arith.muli %mul3A_4, %mul3A_5 : i32
    "tpu.region"() ({
      %run_scoped3A = tpu.sem_alloc : memref<!tpu.dma_semaphore, #tpu.memory_space<semaphore_mem>>
      %dma_start3A = tpu.memref_slice %arg3[%mul3A_6] : memref<40960xf32, #tpu.memory_space<hbm>> -> memref<1280xf32, #tpu.memory_space<hbm>>
      %dma_start3A_26 = tpu.memref_slice %arg3[%mul3A_6] : memref<40960xf32, #tpu.memory_space<hbm>> -> memref<1280xf32, #tpu.memory_space<hbm>>
      tpu.enqueue_dma source(%dma_start3A_26 : memref<1280xf32, #tpu.memory_space<hbm>>) target(%arg5 : memref<1280xf32, #tpu.memory_space<vmem>>) target_semaphore(%run_scoped3A : memref<!tpu.dma_semaphore, #tpu.memory_space<semaphore_mem>>)
      %dma_wait3A_27 = tpu.memref_slice %arg3[%mul3A_6] : memref<40960xf32, #tpu.memory_space<hbm>> -> memref<1280xf32, #tpu.memory_space<hbm>>
      %dma_wait3A_28 = tpu.memref_slice %arg3[%mul3A_6] : memref<40960xf32, #tpu.memory_space<hbm>> -> memref<1280xf32, #tpu.memory_space<hbm>>
      tpu.wait_dma2 semaphore(%run_scoped3A : memref<!tpu.dma_semaphore, #tpu.memory_space<semaphore_mem>>) src(%dma_wait3A_28 : memref<1280xf32, #tpu.memory_space<hbm>>) dst(%arg5 : memref<1280xf32, #tpu.memory_space<vmem>>)
      tpu.yield
    }) : () -> ()
    %iota3A = tpu.iota {dimensions = array<i32: 0>} : vector<16xi32>
    %convert_element_type3A = arith.sitofp %iota3A : vector<16xi32> to vector<16xf32>
    %broadcast_in_dim3A = arith.constant 0xFF800000 : f32
    %broadcast_in_dim3A_7 = vector.broadcast %broadcast_in_dim3A : f32 to vector<16xf32>
    %scan3A = arith.constant 0 : i32
    %scan3A_8 = arith.constant 0 : i32
    %scan3A_9 = arith.constant 16 : i32
    %scan3A_10 = arith.addi %scan3A_8, %scan3A_9 : i32
    %scan3A_11 = arith.constant 1 : i32
    scf.for %scan3A_26 = %scan3A_8 to %scan3A_10 step %scan3A_11  : i32 {
      %mul3A_27 = arith.constant 80 : i32
      %mul3A_28 = arith.muli %scan3A_26, %mul3A_27 : i32
      %add3A_29 = arith.constant 0 : i32
      %add3A_30 = arith.addi %mul3A_28, %add3A_29 : i32
      %get3A = arith.index_cast %add3A_30 : i32 to index
      %get3A_31 = tpu.vector_load %arg5[%get3A] {strides = array<i32>} : memref<1280xf32, #tpu.memory_space<vmem>>, vector<16xf32>,
      %get3A_32 = vector.shape_cast %get3A_31 : vector<16xf32> to vector<16xf32>
      %add3A_33 = arith.constant 16 : i32
      %add3A_34 = arith.addi %mul3A_28, %add3A_33 : i32
      %get3A_35 = arith.index_cast %add3A_34 : i32 to index
      %get3A_36 = tpu.vector_load %arg5[%get3A_35] {strides = array<i32>} : memref<1280xf32, #tpu.memory_space<vmem>>, vector<16xf32>,
      %get3A_37 = vector.shape_cast %get3A_36 : vector<16xf32> to vector<16xf32>
      %mul3A_38 = arith.constant 7.000000e+00 : f32
      %mul3A_39 = vector.broadcast %mul3A_38 : f32 to vector<16xf32>
      %mul3A_40 = arith.mulf %get3A_37, %mul3A_39 : vector<16xf32>
      %convert_element_type3A_41 = arith.fptosi %mul3A_40 : vector<16xf32> to vector<16xi32>
      %mul3A_42 = arith.constant 7 : i32
      %mul3A_43 = vector.broadcast %mul3A_42 : i32 to vector<16xi32>
      %mul3A_44 = arith.muli %convert_element_type3A_41, %mul3A_43 : vector<16xi32>
      %mul3A_45 = arith.constant 7.000000e+00 : f32
      %mul3A_46 = vector.broadcast %mul3A_45 : f32 to vector<16xf32>
      %mul3A_47 = arith.mulf %get3A_32, %mul3A_46 : vector<16xf32>
      %convert_element_type3A_48 = arith.fptosi %mul3A_47 : vector<16xf32> to vector<16xi32>
      %add3A_49 = arith.addi %mul3A_44, %convert_element_type3A_48 : vector<16xi32>
      %add3A_50 = arith.addi %mul3A_2, %scan3A_26 : i32
      %mul3A_51 = arith.constant 1470 : i32
      %mul3A_52 = arith.muli %add3A_50, %mul3A_51 : i32
      %add3A_53 = vector.broadcast %mul3A_52 : i32 to vector<16xi32>
      %add3A_54 = arith.addi %add3A_53, %add3A_49 : vector<16xi32>
      %add3A_55 = arith.constant 0 : i32
      %add3A_56 = vector.broadcast %add3A_55 : i32 to vector<16xi32>
      %add3A_57 = arith.addi %add3A_54, %add3A_56 : vector<16xi32>
      %mul3A_58 = arith.constant 160 : i32
      %mul3A_59 = arith.muli %scan3A_26, %mul3A_58 : i32
      %add3A_60 = arith.constant 0 : i32
      %add3A_61 = arith.addi %mul3A_59, %add3A_60 : i32
      %dma_start3A = tpu.memref_slice %arg6[%add3A_61] : memref<2560xf32, #tpu.memory_space<vmem>> -> memref<16xf32, #tpu.memory_space<vmem>>
      %dma_start3A_62 = arith.constant 0 : i32
      %dma_start3A_63 = tpu.memref_slice %arg2[%dma_start3A_62] : memref<752640xf32, #tpu.memory_space<hbm>> -> memref<752640xf32, #tpu.memory_space<hbm>>
      tpu.enqueue_indirect_dma source(%dma_start3A_63 : memref<752640xf32, #tpu.memory_space<hbm>>) target(%dma_start3A : memref<16xf32, #tpu.memory_space<vmem>>) offsets(%add3A_57 : vector<16xi32>) semaphore(%arg8 : memref<!tpu.dma_semaphore, #tpu.memory_space<semaphore_mem>>)
      %add3A_64 = arith.constant 49 : i32
      %add3A_65 = vector.broadcast %add3A_64 : i32 to vector<16xi32>
      %add3A_66 = arith.addi %add3A_54, %add3A_65 : vector<16xi32>
      %mul3A_67 = arith.constant 160 : i32
      %mul3A_68 = arith.muli %scan3A_26, %mul3A_67 : i32
      %add3A_69 = arith.constant 16 : i32
      %add3A_70 = arith.addi %mul3A_68, %add3A_69 : i32
      %dma_start3A_71 = tpu.memref_slice %arg6[%add3A_70] : memref<2560xf32, #tpu.memory_space<vmem>> -> memref<16xf32, #tpu.memory_space<vmem>>
      %dma_start3A_72 = arith.constant 0 : i32
      %dma_start3A_73 = tpu.memref_slice %arg2[%dma_start3A_72] : memref<752640xf32, #tpu.memory_space<hbm>> -> memref<752640xf32, #tpu.memory_space<hbm>>
      tpu.enqueue_indirect_dma source(%dma_start3A_73 : memref<752640xf32, #tpu.memory_space<hbm>>) target(%dma_start3A_71 : memref<16xf32, #tpu.memory_space<vmem>>) offsets(%add3A_66 : vector<16xi32>) semaphore(%arg8 : memref<!tpu.dma_semaphore, #tpu.memory_space<semaphore_mem>>)
      %add3A_74 = arith.constant 98 : i32
      %add3A_75 = vector.broadcast %add3A_74 : i32 to vector<16xi32>
      %add3A_76 = arith.addi %add3A_54, %add3A_75 : vector<16xi32>
      %mul3A_77 = arith.constant 160 : i32
      %mul3A_78 = arith.muli %scan3A_26, %mul3A_77 : i32
      %add3A_79 = arith.constant 32 : i32
      %add3A_80 = arith.addi %mul3A_78, %add3A_79 : i32
      %dma_start3A_81 = tpu.memref_slice %arg6[%add3A_80] : memref<2560xf32, #tpu.memory_space<vmem>> -> memref<16xf32, #tpu.memory_space<vmem>>
      %dma_start3A_82 = arith.constant 0 : i32
      %dma_start3A_83 = tpu.memref_slice %arg2[%dma_start3A_82] : memref<752640xf32, #tpu.memory_space<hbm>> -> memref<752640xf32, #tpu.memory_space<hbm>>
      tpu.enqueue_indirect_dma source(%dma_start3A_83 : memref<752640xf32, #tpu.memory_space<hbm>>) target(%dma_start3A_81 : memref<16xf32, #tpu.memory_space<vmem>>) offsets(%add3A_76 : vector<16xi32>) semaphore(%arg8 : memref<!tpu.dma_semaphore, #tpu.memory_space<semaphore_mem>>)
      %add3A_84 = arith.constant 147 : i32
      %add3A_85 = vector.broadcast %add3A_84 : i32 to vector<16xi32>
      %add3A_86 = arith.addi %add3A_54, %add3A_85 : vector<16xi32>
      %mul3A_87 = arith.constant 160 : i32
      %mul3A_88 = arith.muli %scan3A_26, %mul3A_87 : i32
      %add3A_89 = arith.constant 48 : i32
      %add3A_90 = arith.addi %mul3A_88, %add3A_89 : i32
      %dma_start3A_91 = tpu.memref_slice %arg6[%add3A_90] : memref<2560xf32, #tpu.memory_space<vmem>> -> memref<16xf32, #tpu.memory_space<vmem>>
      %dma_start3A_92 = arith.constant 0 : i32
      %dma_start3A_93 = tpu.memref_slice %arg2[%dma_start3A_92] : memref<752640xf32, #tpu.memory_space<hbm>> -> memref<752640xf32, #tpu.memory_space<hbm>>
      tpu.enqueue_indirect_dma source(%dma_start3A_93 : memref<752640xf32, #tpu.memory_space<hbm>>) target(%dma_start3A_91 : memref<16xf32, #tpu.memory_space<vmem>>) offsets(%add3A_86 : vector<16xi32>) semaphore(%arg8 : memref<!tpu.dma_semaphore, #tpu.memory_space<semaphore_mem>>)
      %add3A_94 = arith.constant 196 : i32
      %add3A_95 = vector.broadcast %add3A_94 : i32 to vector<16xi32>
      %add3A_96 = arith.addi %add3A_54, %add3A_95 : vector<16xi32>
      %mul3A_97 = arith.constant 160 : i32
      %mul3A_98 = arith.muli %scan3A_26, %mul3A_97 : i32
      %add3A_99 = arith.constant 64 : i32
      %add3A_100 = arith.addi %mul3A_98, %add3A_99 : i32
      %dma_start3A_101 = tpu.memref_slice %arg6[%add3A_100] : memref<2560xf32, #tpu.memory_space<vmem>> -> memref<16xf32, #tpu.memory_space<vmem>>
      %dma_start3A_102 = arith.constant 0 : i32
      %dma_start3A_103 = tpu.memref_slice %arg2[%dma_start3A_102] : memref<752640xf32, #tpu.memory_space<hbm>> -> memref<752640xf32, #tpu.memory_space<hbm>>
      tpu.enqueue_indirect_dma source(%dma_start3A_103 : memref<752640xf32, #tpu.memory_space<hbm>>) target(%dma_start3A_101 : memref<16xf32, #tpu.memory_space<vmem>>) offsets(%add3A_96 : vector<16xi32>) semaphore(%arg8 : memref<!tpu.dma_semaphore, #tpu.memory_space<semaphore_mem>>)
      %add3A_104 = arith.constant 245 : i32
      %add3A_105 = vector.broadcast %add3A_104 : i32 to vector<16xi32>
      %add3A_106 = arith.addi %add3A_54, %add3A_105 : vector<16xi32>
      %mul3A_107 = arith.constant 160 : i32
      %mul3A_108 = arith.muli %scan3A_26, %mul3A_107 : i32
      %add3A_109 = arith.constant 80 : i32
      %add3A_110 = arith.addi %mul3A_108, %add3A_109 : i32
      %dma_start3A_111 = tpu.memref_slice %arg6[%add3A_110] : memref<2560xf32, #tpu.memory_space<vmem>> -> memref<16xf32, #tpu.memory_space<vmem>>
      %dma_start3A_112 = arith.constant 0 : i32
      %dma_start3A_113 = tpu.memref_slice %arg2[%dma_start3A_112] : memref<752640xf32, #tpu.memory_space<hbm>> -> memref<752640xf32, #tpu.memory_space<hbm>>
      tpu.enqueue_indirect_dma source(%dma_start3A_113 : memref<752640xf32, #tpu.memory_space<hbm>>) target(%dma_start3A_111 : memref<16xf32, #tpu.memory_space<vmem>>) offsets(%add3A_106 : vector<16xi32>) semaphore(%arg8 : memref<!tpu.dma_semaphore, #tpu.memory_space<semaphore_mem>>)
      %add3A_114 = arith.constant 294 : i32
      %add3A_115 = vector.broadcast %add3A_114 : i32 to vector<16xi32>
      %add3A_116 = arith.addi %add3A_54, %add3A_115 : vector<16xi32>
      %mul3A_117 = arith.constant 160 : i32
      %mul3A_118 = arith.muli %scan3A_26, %mul3A_117 : i32
      %add3A_119 = arith.constant 96 : i32
      %add3A_120 = arith.addi %mul3A_118, %add3A_119 : i32
      %dma_start3A_121 = tpu.memref_slice %arg6[%add3A_120] : memref<2560xf32, #tpu.memory_space<vmem>> -> memref<16xf32, #tpu.memory_space<vmem>>
      %dma_start3A_122 = arith.constant 0 : i32
      %dma_start3A_123 = tpu.memref_slice %arg2[%dma_start3A_122] : memref<752640xf32, #tpu.memory_space<hbm>> -> memref<752640xf32, #tpu.memory_space<hbm>>
      tpu.enqueue_indirect_dma source(%dma_start3A_123 : memref<752640xf32, #tpu.memory_space<hbm>>) target(%dma_start3A_121 : memref<16xf32, #tpu.memory_space<vmem>>) offsets(%add3A_116 : vector<16xi32>) semaphore(%arg8 : memref<!tpu.dma_semaphore, #tpu.memory_space<semaphore_mem>>)
      %add3A_124 = arith.constant 343 : i32
      %add3A_125 = vector.broadcast %add3A_124 : i32 to vector<16xi32>
      %add3A_126 = arith.addi %add3A_54, %add3A_125 : vector<16xi32>
      %mul3A_127 = arith.constant 160 : i32
      %mul3A_128 = arith.muli %scan3A_26, %mul3A_127 : i32
      %add3A_129 = arith.constant 112 : i32
      %add3A_130 = arith.addi %mul3A_128, %add3A_129 : i32
      %dma_start3A_131 = tpu.memref_slice %arg6[%add3A_130] : memref<2560xf32, #tpu.memory_space<vmem>> -> memref<16xf32, #tpu.memory_space<vmem>>
      %dma_start3A_132 = arith.constant 0 : i32
      %dma_start3A_133 = tpu.memref_slice %arg2[%dma_start3A_132] : memref<752640xf32, #tpu.memory_space<hbm>> -> memref<752640xf32, #tpu.memory_space<hbm>>
      tpu.enqueue_indirect_dma source(%dma_start3A_133 : memref<752640xf32, #tpu.memory_space<hbm>>) target(%dma_start3A_131 : memref<16xf32, #tpu.memory_space<vmem>>) offsets(%add3A_126 : vector<16xi32>) semaphore(%arg8 : memref<!tpu.dma_semaphore, #tpu.memory_space<semaphore_mem>>)
      %add3A_134 = arith.constant 392 : i32
      %add3A_135 = vector.broadcast %add3A_134 : i32 to vector<16xi32>
      %add3A_136 = arith.addi %add3A_54, %add3A_135 : vector<16xi32>
      %mul3A_137 = arith.constant 160 : i32
      %mul3A_138 = arith.muli %scan3A_26, %mul3A_137 : i32
      %add3A_139 = arith.constant 128 : i32
      %add3A_140 = arith.addi %mul3A_138, %add3A_139 : i32
      %dma_start3A_141 = tpu.memref_slice %arg6[%add3A_140] : memref<2560xf32, #tpu.memory_space<vmem>> -> memref<16xf32, #tpu.memory_space<vmem>>
      %dma_start3A_142 = arith.constant 0 : i32
      %dma_start3A_143 = tpu.memref_slice %arg2[%dma_start3A_142] : memref<752640xf32, #tpu.memory_space<hbm>> -> memref<752640xf32, #tpu.memory_space<hbm>>
      tpu.enqueue_indirect_dma source(%dma_start3A_143 : memref<752640xf32, #tpu.memory_space<hbm>>) target(%dma_start3A_141 : memref<16xf32, #tpu.memory_space<vmem>>) offsets(%add3A_136 : vector<16xi32>) semaphore(%arg8 : memref<!tpu.dma_semaphore, #tpu.memory_space<semaphore_mem>>)
      %add3A_144 = arith.constant 441 : i32
      %add3A_145 = vector.broadcast %add3A_144 : i32 to vector<16xi32>
      %add3A_146 = arith.addi %add3A_54, %add3A_145 : vector<16xi32>
      %mul3A_147 = arith.constant 160 : i32
      %mul3A_148 = arith.muli %scan3A_26, %mul3A_147 : i32
      %add3A_149 = arith.constant 144 : i32
      %add3A_150 = arith.addi %mul3A_148, %add3A_149 : i32
      %dma_start3A_151 = tpu.memref_slice %arg6[%add3A_150] : memref<2560xf32, #tpu.memory_space<vmem>> -> memref<16xf32, #tpu.memory_space<vmem>>
      %dma_start3A_152 = arith.constant 0 : i32
      %dma_start3A_153 = tpu.memref_slice %arg2[%dma_start3A_152] : memref<752640xf32, #tpu.memory_space<hbm>> -> memref<752640xf32, #tpu.memory_space<hbm>>
      tpu.enqueue_indirect_dma source(%dma_start3A_153 : memref<752640xf32, #tpu.memory_space<hbm>>) target(%dma_start3A_151 : memref<16xf32, #tpu.memory_space<vmem>>) offsets(%add3A_146 : vector<16xi32>) semaphore(%arg8 : memref<!tpu.dma_semaphore, #tpu.memory_space<semaphore_mem>>)
    }
    %scan3A_12 = arith.constant 16 : i32
    %dma_wait3A = arith.constant 0 : i32
    %dma_wait3A_13 = tpu.memref_slice %arg2[%dma_wait3A] : memref<752640xf32, #tpu.memory_space<hbm>> -> memref<2560xf32, #tpu.memory_space<hbm>>
    %dma_wait3A_14 = arith.constant 0 : i32
    %dma_wait3A_15 = tpu.memref_slice %arg2[%dma_wait3A_14] : memref<752640xf32, #tpu.memory_space<hbm>> -> memref<2560xf32, #tpu.memory_space<hbm>>
    tpu.wait_dma2 semaphore(%arg8 : memref<!tpu.dma_semaphore, #tpu.memory_space<semaphore_mem>>) src(%dma_wait3A_15 : memref<2560xf32, #tpu.memory_space<hbm>>) dst(%arg6 : memref<2560xf32, #tpu.memory_space<vmem>>)
    %scan3A_16 = arith.constant 0 : i32
    %scan3A_17 = arith.constant 0 : i32
    %scan3A_18 = arith.constant 16 : i32
    %scan3A_19 = arith.addi %scan3A_17, %scan3A_18 : i32
    %scan3A_20 = arith.constant 1 : i32
    scf.for %scan3A_26 = %scan3A_17 to %scan3A_19 step %scan3A_20  : i32 {
      %mul3A_27 = arith.constant 80 : i32
      %mul3A_28 = arith.muli %scan3A_26, %mul3A_27 : i32
      %add3A_29 = arith.constant 0 : i32
      %add3A_30 = arith.addi %mul3A_28, %add3A_29 : i32
      %get3A = arith.index_cast %add3A_30 : i32 to index
      %get3A_31 = tpu.vector_load %arg5[%get3A] {strides = array<i32>} : memref<1280xf32, #tpu.memory_space<vmem>>, vector<16xf32>,
      %get3A_32 = vector.shape_cast %get3A_31 : vector<16xf32> to vector<16xf32>
      %add3A_33 = arith.constant 16 : i32
      %add3A_34 = arith.addi %mul3A_28, %add3A_33 : i32
      %get3A_35 = arith.index_cast %add3A_34 : i32 to index
      %get3A_36 = tpu.vector_load %arg5[%get3A_35] {strides = array<i32>} : memref<1280xf32, #tpu.memory_space<vmem>>, vector<16xf32>,
      %get3A_37 = vector.shape_cast %get3A_36 : vector<16xf32> to vector<16xf32>
      %add3A_38 = arith.constant 32 : i32
      %add3A_39 = arith.addi %mul3A_28, %add3A_38 : i32
      %get3A_40 = arith.index_cast %add3A_39 : i32 to index
      %get3A_41 = tpu.vector_load %arg5[%get3A_40] {strides = array<i32>} : memref<1280xf32, #tpu.memory_space<vmem>>, vector<16xf32>,
      %get3A_42 = vector.shape_cast %get3A_41 : vector<16xf32> to vector<16xf32>
      %add3A_43 = arith.constant 48 : i32
      %add3A_44 = arith.addi %mul3A_28, %add3A_43 : i32
      %get3A_45 = arith.index_cast %add3A_44 : i32 to index
      %get3A_46 = tpu.vector_load %arg5[%get3A_45] {strides = array<i32>} : memref<1280xf32, #tpu.memory_space<vmem>>, vector<16xf32>,
      %get3A_47 = vector.shape_cast %get3A_46 : vector<16xf32> to vector<16xf32>
      %add3A_48 = arith.constant 64 : i32
      %add3A_49 = arith.addi %mul3A_28, %add3A_48 : i32
      %get3A_50 = arith.index_cast %add3A_49 : i32 to index
      %get3A_51 = tpu.vector_load %arg5[%get3A_50] {strides = array<i32>} : memref<1280xf32, #tpu.memory_space<vmem>>, vector<16xf32>,
      %get3A_52 = vector.shape_cast %get3A_51 : vector<16xf32> to vector<16xf32>
      %mul3A_53 = arith.constant 7.000000e+00 : f32
      %mul3A_54 = vector.broadcast %mul3A_53 : f32 to vector<16xf32>
      %mul3A_55 = arith.mulf %get3A_32, %mul3A_54 : vector<16xf32>
      %mul3A_56 = arith.constant 7.000000e+00 : f32
      %mul3A_57 = vector.broadcast %mul3A_56 : f32 to vector<16xf32>
      %mul3A_58 = arith.mulf %get3A_37, %mul3A_57 : vector<16xf32>
      %mul3A_59 = arith.constant 7.000000e+00 : f32
      %mul3A_60 = vector.broadcast %mul3A_59 : f32 to vector<16xf32>
      %mul3A_61 = arith.mulf %get3A_42, %mul3A_60 : vector<16xf32>
      %mul3A_62 = arith.constant 7.000000e+00 : f32
      %mul3A_63 = vector.broadcast %mul3A_62 : f32 to vector<16xf32>
      %mul3A_64 = arith.mulf %get3A_47, %mul3A_63 : vector<16xf32>
      %add3A_65 = arith.addf %get3A_32, %get3A_37 : vector<16xf32>
      %add3A_66 = arith.addf %add3A_65, %get3A_42 : vector<16xf32>
      %add3A_67 = arith.addf %add3A_66, %get3A_47 : vector<16xf32>
      %add3A_68 = arith.addf %add3A_67, %get3A_52 : vector<16xf32>
      %gt3A = arith.constant 0.000000e+00 : f32
      %gt3A_69 = vector.broadcast %gt3A : f32 to vector<16xf32>
      %gt3A_70 = arith.cmpf ogt, %add3A_68, %gt3A_69 : vector<16xf32>
      %jit3A = arith.constant 1.000000e+00 : f32
      %jit3A_71 = arith.constant 0.000000e+00 : f32
      %broadcast_in_dim3A_72 = vector.broadcast %jit3A : f32 to vector<16xf32>
      %broadcast_in_dim3A_73 = vector.broadcast %jit3A_71 : f32 to vector<16xf32>
      %select_n3A = arith.select %gt3A_70, %broadcast_in_dim3A_72, %broadcast_in_dim3A_73 : vector<16xi1>, vector<16xf32>
      %slice3A = vector.extract_strided_slice %select_n3A {offsets = [0], sizes = [1], strides = [1]} : vector<16xf32> to vector<1xf32>
      %squeeze3A = vector.extract %slice3A[0] : f32 from vector<1xf32>
      %add3A_74 = arith.constant 0.000000e+00 : f32
      %add3A_75 = arith.addf %add3A_74, %squeeze3A : f32
      %slice3A_76 = vector.extract_strided_slice %select_n3A {offsets = [1], sizes = [1], strides = [1]} : vector<16xf32> to vector<1xf32>
      %squeeze3A_77 = vector.extract %slice3A_76[0] : f32 from vector<1xf32>
      %add3A_78 = arith.addf %add3A_75, %squeeze3A_77 : f32
      %slice3A_79 = vector.extract_strided_slice %select_n3A {offsets = [2], sizes = [1], strides = [1]} : vector<16xf32> to vector<1xf32>
      %squeeze3A_80 = vector.extract %slice3A_79[0] : f32 from vector<1xf32>
      %add3A_81 = arith.addf %add3A_78, %squeeze3A_80 : f32
      %slice3A_82 = vector.extract_strided_slice %select_n3A {offsets = [3], sizes = [1], strides = [1]} : vector<16xf32> to vector<1xf32>
      %squeeze3A_83 = vector.extract %slice3A_82[0] : f32 from vector<1xf32>
      %add3A_84 = arith.addf %add3A_81, %squeeze3A_83 : f32
      %slice3A_85 = vector.extract_strided_slice %select_n3A {offsets = [4], sizes = [1], strides = [1]} : vector<16xf32> to vector<1xf32>
      %squeeze3A_86 = vector.extract %slice3A_85[0] : f32 from vector<1xf32>
      %add3A_87 = arith.addf %add3A_84, %squeeze3A_86 : f32
      %slice3A_88 = vector.extract_strided_slice %select_n3A {offsets = [5], sizes = [1], strides = [1]} : vector<16xf32> to vector<1xf32>
      %squeeze3A_89 = vector.extract %slice3A_88[0] : f32 from vector<1xf32>
      %add3A_90 = arith.addf %add3A_87, %squeeze3A_89 : f32
      %slice3A_91 = vector.extract_strided_slice %select_n3A {offsets = [6], sizes = [1], strides = [1]} : vector<16xf32> to vector<1xf32>
      %squeeze3A_92 = vector.extract %slice3A_91[0] : f32 from vector<1xf32>
      %add3A_93 = arith.addf %add3A_90, %squeeze3A_92 : f32
      %slice3A_94 = vector.extract_strided_slice %select_n3A {offsets = [7], sizes = [1], strides = [1]} : vector<16xf32> to vector<1xf32>
      %squeeze3A_95 = vector.extract %slice3A_94[0] : f32 from vector<1xf32>
      %add3A_96 = arith.addf %add3A_93, %squeeze3A_95 : f32
      %slice3A_97 = vector.extract_strided_slice %select_n3A {offsets = [8], sizes = [1], strides = [1]} : vector<16xf32> to vector<1xf32>
      %squeeze3A_98 = vector.extract %slice3A_97[0] : f32 from vector<1xf32>
      %add3A_99 = arith.addf %add3A_96, %squeeze3A_98 : f32
      %slice3A_100 = vector.extract_strided_slice %select_n3A {offsets = [9], sizes = [1], strides = [1]} : vector<16xf32> to vector<1xf32>
      %squeeze3A_101 = vector.extract %slice3A_100[0] : f32 from vector<1xf32>
      %add3A_102 = arith.addf %add3A_99, %squeeze3A_101 : f32
      %slice3A_103 = vector.extract_strided_slice %select_n3A {offsets = [10], sizes = [1], strides = [1]} : vector<16xf32> to vector<1xf32>
      %squeeze3A_104 = vector.extract %slice3A_103[0] : f32 from vector<1xf32>
      %add3A_105 = arith.addf %add3A_102, %squeeze3A_104 : f32
      %slice3A_106 = vector.extract_strided_slice %select_n3A {offsets = [11], sizes = [1], strides = [1]} : vector<16xf32> to vector<1xf32>
      %squeeze3A_107 = vector.extract %slice3A_106[0] : f32 from vector<1xf32>
      %add3A_108 = arith.addf %add3A_105, %squeeze3A_107 : f32
      %slice3A_109 = vector.extract_strided_slice %select_n3A {offsets = [12], sizes = [1], strides = [1]} : vector<16xf32> to vector<1xf32>
      %squeeze3A_110 = vector.extract %slice3A_109[0] : f32 from vector<1xf32>
      %add3A_111 = arith.addf %add3A_108, %squeeze3A_110 : f32
      %slice3A_112 = vector.extract_strided_slice %select_n3A {offsets = [13], sizes = [1], strides = [1]} : vector<16xf32> to vector<1xf32>
      %squeeze3A_113 = vector.extract %slice3A_112[0] : f32 from vector<1xf32>
      %add3A_114 = arith.addf %add3A_111, %squeeze3A_113 : f32
      %slice3A_115 = vector.extract_strided_slice %select_n3A {offsets = [14], sizes = [1], strides = [1]} : vector<16xf32> to vector<1xf32>
      %squeeze3A_116 = vector.extract %slice3A_115[0] : f32 from vector<1xf32>
      %add3A_117 = arith.addf %add3A_114, %squeeze3A_116 : f32
      %slice3A_118 = vector.extract_strided_slice %select_n3A {offsets = [15], sizes = [1], strides = [1]} : vector<16xf32> to vector<1xf32>
      %squeeze3A_119 = vector.extract %slice3A_118[0] : f32 from vector<1xf32>
      %add3A_120 = arith.addf %add3A_117, %squeeze3A_119 : f32
      %lt3A = vector.broadcast %add3A_120 : f32 to vector<16xf32>
      %lt3A_121 = arith.cmpf olt, %convert_element_type3A, %lt3A : vector<16xf32>
      %jit3A_122 = arith.constant 1.000000e+00 : f32
      %jit3A_123 = arith.constant 0.000000e+00 : f32
      %broadcast_in_dim3A_124 = vector.broadcast %jit3A_122 : f32 to vector<16xf32>
      %broadcast_in_dim3A_125 = vector.broadcast %jit3A_123 : f32 to vector<16xf32>
      %select_n3A_126 = arith.select %lt3A_121, %broadcast_in_dim3A_124, %broadcast_in_dim3A_125 : vector<16xi1>, vector<16xf32>
      %convert_element_type3A_127 = arith.fptosi %mul3A_55 : vector<16xf32> to vector<16xi32>
      %convert_element_type3A_128 = arith.fptosi %mul3A_58 : vector<16xf32> to vector<16xi32>
      %convert_element_type3A_129 = arith.sitofp %convert_element_type3A_127 : vector<16xi32> to vector<16xf32>
      %convert_element_type3A_130 = arith.sitofp %convert_element_type3A_128 : vector<16xi32> to vector<16xf32>
      %mul3A_131 = arith.constant 7 : i32
      %mul3A_132 = vector.broadcast %mul3A_131 : i32 to vector<16xi32>
      %mul3A_133 = arith.muli %convert_element_type3A_128, %mul3A_132 : vector<16xi32>
      %add3A_134 = arith.addi %mul3A_133, %convert_element_type3A_127 : vector<16xi32>
      %mul3A_135 = arith.constant 160 : i32
      %mul3A_136 = arith.muli %scan3A_26, %mul3A_135 : i32
      %add3A_137 = arith.constant 0 : i32
      %add3A_138 = arith.addi %mul3A_136, %add3A_137 : i32
      %get3A_139 = arith.index_cast %add3A_138 : i32 to index
      %get3A_140 = tpu.vector_load %arg6[%get3A_139] {strides = array<i32>} : memref<2560xf32, #tpu.memory_space<vmem>>, vector<16xf32>,
      %get3A_141 = vector.shape_cast %get3A_140 : vector<16xf32> to vector<16xf32>
      %neg3A = arith.constant 0.000000e+00 : f32
      %neg3A_142 = vector.broadcast %neg3A : f32 to vector<16xf32>
      %neg3A_143 = arith.subf %neg3A_142, %get3A_141 : vector<16xf32>
      %exp3A = math.exp %neg3A_143 : vector<16xf32>
      %add3A_144 = arith.constant 1.000000e+00 : f32
      %add3A_145 = vector.broadcast %add3A_144 : f32 to vector<16xf32>
      %add3A_146 = arith.addf %add3A_145, %exp3A : vector<16xf32>
      %div3A = arith.constant 1.000000e+00 : f32
      %div3A_147 = vector.broadcast %div3A : f32 to vector<16xf32>
      %div3A_148 = arith.divf %div3A_147, %add3A_146 : vector<16xf32>
      %mul3A_149 = arith.constant 160 : i32
      %mul3A_150 = arith.muli %scan3A_26, %mul3A_149 : i32
      %add3A_151 = arith.constant 16 : i32
      %add3A_152 = arith.addi %mul3A_150, %add3A_151 : i32
      %get3A_153 = arith.index_cast %add3A_152 : i32 to index
      %get3A_154 = tpu.vector_load %arg6[%get3A_153] {strides = array<i32>} : memref<2560xf32, #tpu.memory_space<vmem>>, vector<16xf32>,
      %get3A_155 = vector.shape_cast %get3A_154 : vector<16xf32> to vector<16xf32>
      %neg3A_156 = arith.constant 0.000000e+00 : f32
      %neg3A_157 = vector.broadcast %neg3A_156 : f32 to vector<16xf32>
      %neg3A_158 = arith.subf %neg3A_157, %get3A_155 : vector<16xf32>
      %exp3A_159 = math.exp %neg3A_158 : vector<16xf32>
      %add3A_160 = arith.constant 1.000000e+00 : f32
      %add3A_161 = vector.broadcast %add3A_160 : f32 to vector<16xf32>
      %add3A_162 = arith.addf %add3A_161, %exp3A_159 : vector<16xf32>
      %div3A_163 = arith.constant 1.000000e+00 : f32
      %div3A_164 = vector.broadcast %div3A_163 : f32 to vector<16xf32>
      %div3A_165 = arith.divf %div3A_164, %add3A_162 : vector<16xf32>
      %mul3A_166 = arith.constant 160 : i32
      %mul3A_167 = arith.muli %scan3A_26, %mul3A_166 : i32
      %add3A_168 = arith.constant 32 : i32
      %add3A_169 = arith.addi %mul3A_167, %add3A_168 : i32
      %get3A_170 = arith.index_cast %add3A_169 : i32 to index
      %get3A_171 = tpu.vector_load %arg6[%get3A_170] {strides = array<i32>} : memref<2560xf32, #tpu.memory_space<vmem>>, vector<16xf32>,
      %get3A_172 = vector.shape_cast %get3A_171 : vector<16xf32> to vector<16xf32>
      %neg3A_173 = arith.constant 0.000000e+00 : f32
      %neg3A_174 = vector.broadcast %neg3A_173 : f32 to vector<16xf32>
      %neg3A_175 = arith.subf %neg3A_174, %get3A_172 : vector<16xf32>
      %exp3A_176 = math.exp %neg3A_175 : vector<16xf32>
      %add3A_177 = arith.constant 1.000000e+00 : f32
      %add3A_178 = vector.broadcast %add3A_177 : f32 to vector<16xf32>
      %add3A_179 = arith.addf %add3A_178, %exp3A_176 : vector<16xf32>
      %div3A_180 = arith.constant 1.000000e+00 : f32
      %div3A_181 = vector.broadcast %div3A_180 : f32 to vector<16xf32>
      %div3A_182 = arith.divf %div3A_181, %add3A_179 : vector<16xf32>
      %mul3A_183 = arith.constant 160 : i32
      %mul3A_184 = arith.muli %scan3A_26, %mul3A_183 : i32
      %add3A_185 = arith.constant 48 : i32
      %add3A_186 = arith.addi %mul3A_184, %add3A_185 : i32
      %get3A_187 = arith.index_cast %add3A_186 : i32 to index
      %get3A_188 = tpu.vector_load %arg6[%get3A_187] {strides = array<i32>} : memref<2560xf32, #tpu.memory_space<vmem>>, vector<16xf32>,
      %get3A_189 = vector.shape_cast %get3A_188 : vector<16xf32> to vector<16xf32>
      %neg3A_190 = arith.constant 0.000000e+00 : f32
      %neg3A_191 = vector.broadcast %neg3A_190 : f32 to vector<16xf32>
      %neg3A_192 = arith.subf %neg3A_191, %get3A_189 : vector<16xf32>
      %exp3A_193 = math.exp %neg3A_192 : vector<16xf32>
      %add3A_194 = arith.constant 1.000000e+00 : f32
      %add3A_195 = vector.broadcast %add3A_194 : f32 to vector<16xf32>
      %add3A_196 = arith.addf %add3A_195, %exp3A_193 : vector<16xf32>
      %div3A_197 = arith.constant 1.000000e+00 : f32
      %div3A_198 = vector.broadcast %div3A_197 : f32 to vector<16xf32>
      %div3A_199 = arith.divf %div3A_198, %add3A_196 : vector<16xf32>
      %mul3A_200 = arith.constant 160 : i32
      %mul3A_201 = arith.muli %scan3A_26, %mul3A_200 : i32
      %add3A_202 = arith.constant 64 : i32
      %add3A_203 = arith.addi %mul3A_201, %add3A_202 : i32
      %get3A_204 = arith.index_cast %add3A_203 : i32 to index
      %get3A_205 = tpu.vector_load %arg6[%get3A_204] {strides = array<i32>} : memref<2560xf32, #tpu.memory_space<vmem>>, vector<16xf32>,
      %get3A_206 = vector.shape_cast %get3A_205 : vector<16xf32> to vector<16xf32>
      %neg3A_207 = arith.constant 0.000000e+00 : f32
      %neg3A_208 = vector.broadcast %neg3A_207 : f32 to vector<16xf32>
      %neg3A_209 = arith.subf %neg3A_208, %get3A_206 : vector<16xf32>
      %exp3A_210 = math.exp %neg3A_209 : vector<16xf32>
      %add3A_211 = arith.constant 1.000000e+00 : f32
      %add3A_212 = vector.broadcast %add3A_211 : f32 to vector<16xf32>
      %add3A_213 = arith.addf %add3A_212, %exp3A_210 : vector<16xf32>
      %div3A_214 = arith.constant 1.000000e+00 : f32
      %div3A_215 = vector.broadcast %div3A_214 : f32 to vector<16xf32>
      %div3A_216 = arith.divf %div3A_215, %add3A_213 : vector<16xf32>
      %mul3A_217 = arith.constant 160 : i32
      %mul3A_218 = arith.muli %scan3A_26, %mul3A_217 : i32
      %add3A_219 = arith.constant 80 : i32
      %add3A_220 = arith.addi %mul3A_218, %add3A_219 : i32
      %get3A_221 = arith.index_cast %add3A_220 : i32 to index
      %get3A_222 = tpu.vector_load %arg6[%get3A_221] {strides = array<i32>} : memref<2560xf32, #tpu.memory_space<vmem>>, vector<16xf32>,
      %get3A_223 = vector.shape_cast %get3A_222 : vector<16xf32> to vector<16xf32>
      %neg3A_224 = arith.constant 0.000000e+00 : f32
      %neg3A_225 = vector.broadcast %neg3A_224 : f32 to vector<16xf32>
      %neg3A_226 = arith.subf %neg3A_225, %get3A_223 : vector<16xf32>
      %exp3A_227 = math.exp %neg3A_226 : vector<16xf32>
      %add3A_228 = arith.constant 1.000000e+00 : f32
      %add3A_229 = vector.broadcast %add3A_228 : f32 to vector<16xf32>
      %add3A_230 = arith.addf %add3A_229, %exp3A_227 : vector<16xf32>
      %div3A_231 = arith.constant 1.000000e+00 : f32
      %div3A_232 = vector.broadcast %div3A_231 : f32 to vector<16xf32>
      %div3A_233 = arith.divf %div3A_232, %add3A_230 : vector<16xf32>
      %mul3A_234 = arith.constant 160 : i32
      %mul3A_235 = arith.muli %scan3A_26, %mul3A_234 : i32
      %add3A_236 = arith.constant 96 : i32
      %add3A_237 = arith.addi %mul3A_235, %add3A_236 : i32
      %get3A_238 = arith.index_cast %add3A_237 : i32 to index
      %get3A_239 = tpu.vector_load %arg6[%get3A_238] {strides = array<i32>} : memref<2560xf32, #tpu.memory_space<vmem>>, vector<16xf32>,
      %get3A_240 = vector.shape_cast %get3A_239 : vector<16xf32> to vector<16xf32>
      %neg3A_241 = arith.constant 0.000000e+00 : f32
      %neg3A_242 = vector.broadcast %neg3A_241 : f32 to vector<16xf32>
      %neg3A_243 = arith.subf %neg3A_242, %get3A_240 : vector<16xf32>
      %exp3A_244 = math.exp %neg3A_243 : vector<16xf32>
      %add3A_245 = arith.constant 1.000000e+00 : f32
      %add3A_246 = vector.broadcast %add3A_245 : f32 to vector<16xf32>
      %add3A_247 = arith.addf %add3A_246, %exp3A_244 : vector<16xf32>
      %div3A_248 = arith.constant 1.000000e+00 : f32
      %div3A_249 = vector.broadcast %div3A_248 : f32 to vector<16xf32>
      %div3A_250 = arith.divf %div3A_249, %add3A_247 : vector<16xf32>
      %mul3A_251 = arith.constant 160 : i32
      %mul3A_252 = arith.muli %scan3A_26, %mul3A_251 : i32
      %add3A_253 = arith.constant 112 : i32
      %add3A_254 = arith.addi %mul3A_252, %add3A_253 : i32
      %get3A_255 = arith.index_cast %add3A_254 : i32 to index
      %get3A_256 = tpu.vector_load %arg6[%get3A_255] {strides = array<i32>} : memref<2560xf32, #tpu.memory_space<vmem>>, vector<16xf32>,
      %get3A_257 = vector.shape_cast %get3A_256 : vector<16xf32> to vector<16xf32>
      %neg3A_258 = arith.constant 0.000000e+00 : f32
      %neg3A_259 = vector.broadcast %neg3A_258 : f32 to vector<16xf32>
      %neg3A_260 = arith.subf %neg3A_259, %get3A_257 : vector<16xf32>
      %exp3A_261 = math.exp %neg3A_260 : vector<16xf32>
      %add3A_262 = arith.constant 1.000000e+00 : f32
      %add3A_263 = vector.broadcast %add3A_262 : f32 to vector<16xf32>
      %add3A_264 = arith.addf %add3A_263, %exp3A_261 : vector<16xf32>
      %div3A_265 = arith.constant 1.000000e+00 : f32
      %div3A_266 = vector.broadcast %div3A_265 : f32 to vector<16xf32>
      %div3A_267 = arith.divf %div3A_266, %add3A_264 : vector<16xf32>
      %mul3A_268 = arith.constant 160 : i32
      %mul3A_269 = arith.muli %scan3A_26, %mul3A_268 : i32
      %add3A_270 = arith.constant 128 : i32
      %add3A_271 = arith.addi %mul3A_269, %add3A_270 : i32
      %get3A_272 = arith.index_cast %add3A_271 : i32 to index
      %get3A_273 = tpu.vector_load %arg6[%get3A_272] {strides = array<i32>} : memref<2560xf32, #tpu.memory_space<vmem>>, vector<16xf32>,
      %get3A_274 = vector.shape_cast %get3A_273 : vector<16xf32> to vector<16xf32>
      %neg3A_275 = arith.constant 0.000000e+00 : f32
      %neg3A_276 = vector.broadcast %neg3A_275 : f32 to vector<16xf32>
      %neg3A_277 = arith.subf %neg3A_276, %get3A_274 : vector<16xf32>
      %exp3A_278 = math.exp %neg3A_277 : vector<16xf32>
      %add3A_279 = arith.constant 1.000000e+00 : f32
      %add3A_280 = vector.broadcast %add3A_279 : f32 to vector<16xf32>
      %add3A_281 = arith.addf %add3A_280, %exp3A_278 : vector<16xf32>
      %div3A_282 = arith.constant 1.000000e+00 : f32
      %div3A_283 = vector.broadcast %div3A_282 : f32 to vector<16xf32>
      %div3A_284 = arith.divf %div3A_283, %add3A_281 : vector<16xf32>
      %mul3A_285 = arith.constant 160 : i32
      %mul3A_286 = arith.muli %scan3A_26, %mul3A_285 : i32
      %add3A_287 = arith.constant 144 : i32
      %add3A_288 = arith.addi %mul3A_286, %add3A_287 : i32
      %get3A_289 = arith.index_cast %add3A_288 : i32 to index
      %get3A_290 = tpu.vector_load %arg6[%get3A_289] {strides = array<i32>} : memref<2560xf32, #tpu.memory_space<vmem>>, vector<16xf32>,
      %get3A_291 = vector.shape_cast %get3A_290 : vector<16xf32> to vector<16xf32>
      %neg3A_292 = arith.constant 0.000000e+00 : f32
      %neg3A_293 = vector.broadcast %neg3A_292 : f32 to vector<16xf32>
      %neg3A_294 = arith.subf %neg3A_293, %get3A_291 : vector<16xf32>
      %exp3A_295 = math.exp %neg3A_294 : vector<16xf32>
      %add3A_296 = arith.constant 1.000000e+00 : f32
      %add3A_297 = vector.broadcast %add3A_296 : f32 to vector<16xf32>
      %add3A_298 = arith.addf %add3A_297, %exp3A_295 : vector<16xf32>
      %div3A_299 = arith.constant 1.000000e+00 : f32
      %div3A_300 = vector.broadcast %div3A_299 : f32 to vector<16xf32>
      %div3A_301 = arith.divf %div3A_300, %add3A_298 : vector<16xf32>
      %mul3A_302 = arith.constant 5.000000e-01 : f32
      %mul3A_303 = vector.broadcast %mul3A_302 : f32 to vector<16xf32>
      %mul3A_304 = arith.mulf %mul3A_61, %mul3A_303 : vector<16xf32>
      %sub3A = arith.subf %mul3A_55, %mul3A_304 : vector<16xf32>
      %mul3A_305 = arith.constant 5.000000e-01 : f32
      %mul3A_306 = vector.broadcast %mul3A_305 : f32 to vector<16xf32>
      %mul3A_307 = arith.mulf %mul3A_61, %mul3A_306 : vector<16xf32>
      %add3A_308 = arith.addf %mul3A_55, %mul3A_307 : vector<16xf32>
      %mul3A_309 = arith.constant 5.000000e-01 : f32
      %mul3A_310 = vector.broadcast %mul3A_309 : f32 to vector<16xf32>
      %mul3A_311 = arith.mulf %mul3A_64, %mul3A_310 : vector<16xf32>
      %sub3A_312 = arith.subf %mul3A_58, %mul3A_311 : vector<16xf32>
      %mul3A_313 = arith.constant 5.000000e-01 : f32
      %mul3A_314 = vector.broadcast %mul3A_313 : f32 to vector<16xf32>
      %mul3A_315 = arith.mulf %mul3A_64, %mul3A_314 : vector<16xf32>
      %add3A_316 = arith.addf %mul3A_58, %mul3A_315 : vector<16xf32>
      %mul3A_317 = arith.mulf %mul3A_61, %mul3A_64 : vector<16xf32>
      %add3A_318 = arith.addf %div3A_148, %convert_element_type3A_129 : vector<16xf32>
      %add3A_319 = arith.addf %div3A_165, %convert_element_type3A_130 : vector<16xf32>
      %mul3A_320 = arith.constant 7.000000e+00 : f32
      %mul3A_321 = vector.broadcast %mul3A_320 : f32 to vector<16xf32>
      %mul3A_322 = arith.mulf %div3A_182, %mul3A_321 : vector<16xf32>
      %mul3A_323 = arith.constant 7.000000e+00 : f32
      %mul3A_324 = vector.broadcast %mul3A_323 : f32 to vector<16xf32>
      %mul3A_325 = arith.mulf %div3A_199, %mul3A_324 : vector<16xf32>
      %mul3A_326 = arith.constant 5.000000e-01 : f32
      %mul3A_327 = vector.broadcast %mul3A_326 : f32 to vector<16xf32>
      %mul3A_328 = arith.mulf %mul3A_322, %mul3A_327 : vector<16xf32>
      %sub3A_329 = arith.subf %add3A_318, %mul3A_328 : vector<16xf32>
      %mul3A_330 = arith.constant 5.000000e-01 : f32
      %mul3A_331 = vector.broadcast %mul3A_330 : f32 to vector<16xf32>
      %mul3A_332 = arith.mulf %mul3A_322, %mul3A_331 : vector<16xf32>
      %add3A_333 = arith.addf %add3A_318, %mul3A_332 : vector<16xf32>
      %mul3A_334 = arith.constant 5.000000e-01 : f32
      %mul3A_335 = vector.broadcast %mul3A_334 : f32 to vector<16xf32>
      %mul3A_336 = arith.mulf %mul3A_325, %mul3A_335 : vector<16xf32>
      %sub3A_337 = arith.subf %add3A_319, %mul3A_336 : vector<16xf32>
      %mul3A_338 = arith.constant 5.000000e-01 : f32
      %mul3A_339 = vector.broadcast %mul3A_338 : f32 to vector<16xf32>
      %mul3A_340 = arith.mulf %mul3A_325, %mul3A_339 : vector<16xf32>
      %add3A_341 = arith.addf %add3A_319, %mul3A_340 : vector<16xf32>
      %mul3A_342 = arith.mulf %mul3A_322, %mul3A_325 : vector<16xf32>
      %max3A = arith.maximumf %sub3A_329, %sub3A : vector<16xf32>
      %min3A = arith.minimumf %add3A_333, %add3A_308 : vector<16xf32>
      %max3A_343 = arith.maximumf %sub3A_337, %sub3A_312 : vector<16xf32>
      %min3A_344 = arith.minimumf %add3A_341, %add3A_316 : vector<16xf32>
      %lt3A_345 = arith.cmpf olt, %max3A, %min3A : vector<16xf32>
      %lt3A_346 = arith.cmpf olt, %max3A_343, %min3A_344 : vector<16xf32>
      %and3A = arith.andi %lt3A_345, %lt3A_346 : vector<16xi1>
      %sub3A_347 = arith.subf %min3A, %max3A : vector<16xf32>
      %sub3A_348 = arith.subf %min3A_344, %max3A_343 : vector<16xf32>
      %mul3A_349 = arith.mulf %sub3A_347, %sub3A_348 : vector<16xf32>
      %jit3A_350 = arith.constant 0.000000e+00 : f32
      %broadcast_in_dim3A_351 = vector.broadcast %jit3A_350 : f32 to vector<16xf32>
      %select_n3A_352 = arith.select %and3A, %mul3A_349, %broadcast_in_dim3A_351 : vector<16xi1>, vector<16xf32>
      %add3A_353 = arith.addf %mul3A_342, %mul3A_317 : vector<16xf32>
      %sub3A_354 = arith.subf %add3A_353, %select_n3A_352 : vector<16xf32>
      %div3A_355 = arith.divf %select_n3A_352, %sub3A_354 : vector<16xf32>
      %add3A_356 = arith.addf %div3A_216, %convert_element_type3A_129 : vector<16xf32>
      %add3A_357 = arith.addf %div3A_233, %convert_element_type3A_130 : vector<16xf32>
      %mul3A_358 = arith.constant 7.000000e+00 : f32
      %mul3A_359 = vector.broadcast %mul3A_358 : f32 to vector<16xf32>
      %mul3A_360 = arith.mulf %div3A_250, %mul3A_359 : vector<16xf32>
      %mul3A_361 = arith.constant 7.000000e+00 : f32
      %mul3A_362 = vector.broadcast %mul3A_361 : f32 to vector<16xf32>
      %mul3A_363 = arith.mulf %div3A_267, %mul3A_362 : vector<16xf32>
      %mul3A_364 = arith.constant 5.000000e-01 : f32
      %mul3A_365 = vector.broadcast %mul3A_364 : f32 to vector<16xf32>
      %mul3A_366 = arith.mulf %mul3A_360, %mul3A_365 : vector<16xf32>
      %sub3A_367 = arith.subf %add3A_356, %mul3A_366 : vector<16xf32>
      %mul3A_368 = arith.constant 5.000000e-01 : f32
      %mul3A_369 = vector.broadcast %mul3A_368 : f32 to vector<16xf32>
      %mul3A_370 = arith.mulf %mul3A_360, %mul3A_369 : vector<16xf32>
      %add3A_371 = arith.addf %add3A_356, %mul3A_370 : vector<16xf32>
      %mul3A_372 = arith.constant 5.000000e-01 : f32
      %mul3A_373 = vector.broadcast %mul3A_372 : f32 to vector<16xf32>
      %mul3A_374 = arith.mulf %mul3A_363, %mul3A_373 : vector<16xf32>
      %sub3A_375 = arith.subf %add3A_357, %mul3A_374 : vector<16xf32>
      %mul3A_376 = arith.constant 5.000000e-01 : f32
      %mul3A_377 = vector.broadcast %mul3A_376 : f32 to vector<16xf32>
      %mul3A_378 = arith.mulf %mul3A_363, %mul3A_377 : vector<16xf32>
      %add3A_379 = arith.addf %add3A_357, %mul3A_378 : vector<16xf32>
      %mul3A_380 = arith.mulf %mul3A_360, %mul3A_363 : vector<16xf32>
      %max3A_381 = arith.maximumf %sub3A_367, %sub3A : vector<16xf32>
      %min3A_382 = arith.minimumf %add3A_371, %add3A_308 : vector<16xf32>
      %max3A_383 = arith.maximumf %sub3A_375, %sub3A_312 : vector<16xf32>
      %min3A_384 = arith.minimumf %add3A_379, %add3A_316 : vector<16xf32>
      %lt3A_385 = arith.cmpf olt, %max3A_381, %min3A_382 : vector<16xf32>
      %lt3A_386 = arith.cmpf olt, %max3A_383, %min3A_384 : vector<16xf32>
      %and3A_387 = arith.andi %lt3A_385, %lt3A_386 : vector<16xi1>
      %sub3A_388 = arith.subf %min3A_382, %max3A_381 : vector<16xf32>
      %sub3A_389 = arith.subf %min3A_384, %max3A_383 : vector<16xf32>
      %mul3A_390 = arith.mulf %sub3A_388, %sub3A_389 : vector<16xf32>
      %jit3A_391 = arith.constant 0.000000e+00 : f32
      %broadcast_in_dim3A_392 = vector.broadcast %jit3A_391 : f32 to vector<16xf32>
      %select_n3A_393 = arith.select %and3A_387, %mul3A_390, %broadcast_in_dim3A_392 : vector<16xi1>, vector<16xf32>
      %add3A_394 = arith.addf %mul3A_380, %mul3A_317 : vector<16xf32>
      %sub3A_395 = arith.subf %add3A_394, %select_n3A_393 : vector<16xf32>
      %div3A_396 = arith.divf %select_n3A_393, %sub3A_395 : vector<16xf32>
      %gt3A_397 = arith.cmpf ogt, %div3A_396, %div3A_355 : vector<16xf32>
      %select_n3A_398 = arith.select %gt3A_397, %sub3A_367, %sub3A_329 : vector<16xi1>, vector<16xf32>
      %select_n3A_399 = arith.select %gt3A_397, %add3A_371, %add3A_333 : vector<16xi1>, vector<16xf32>
      %select_n3A_400 = arith.select %gt3A_397, %sub3A_375, %sub3A_337 : vector<16xi1>, vector<16xf32>
      %select_n3A_401 = arith.select %gt3A_397, %add3A_379, %add3A_341 : vector<16xi1>, vector<16xf32>
      %select_n3A_402 = arith.select %gt3A_397, %mul3A_380, %mul3A_342 : vector<16xi1>, vector<16xf32>
      %jit3A_403 = arith.constant 1 : i32
      %jit3A_404 = arith.constant 0 : i32
      %broadcast_in_dim3A_405 = vector.broadcast %jit3A_403 : i32 to vector<16xi32>
      %broadcast_in_dim3A_406 = vector.broadcast %jit3A_404 : i32 to vector<16xi32>
      %select_n3A_407 = arith.select %gt3A_397, %broadcast_in_dim3A_405, %broadcast_in_dim3A_406 : vector<16xi1>, vector<16xi32>
      %mul3A_408 = arith.constant 2 : i32
      %mul3A_409 = vector.broadcast %mul3A_408 : i32 to vector<16xi32>
      %mul3A_410 = arith.muli %add3A_134, %mul3A_409 : vector<16xi32>
      %add3A_411 = arith.addi %mul3A_410, %select_n3A_407 : vector<16xi32>
      %convert_element_type3A_412 = arith.sitofp %add3A_411 : vector<16xi32> to vector<16xf32>
      %broadcast_in_dim3A_413 = arith.constant 0.000000e+00 : f32
      %broadcast_in_dim3A_414 = vector.broadcast %broadcast_in_dim3A_413 : f32 to vector<16xf32>
      %slice3A_415 = vector.extract_strided_slice %sub3A {offsets = [0], sizes = [1], strides = [1]} : vector<16xf32> to vector<1xf32>
      %squeeze3A_416 = vector.extract %slice3A_415[0] : f32 from vector<1xf32>
      %max3A_417 = vector.broadcast %squeeze3A_416 : f32 to vector<16xf32>
      %max3A_418 = arith.maximumf %select_n3A_398, %max3A_417 : vector<16xf32>
      %slice3A_419 = vector.extract_strided_slice %add3A_308 {offsets = [0], sizes = [1], strides = [1]} : vector<16xf32> to vector<1xf32>
      %squeeze3A_420 = vector.extract %slice3A_419[0] : f32 from vector<1xf32>
      %min3A_421 = vector.broadcast %squeeze3A_420 : f32 to vector<16xf32>
      %min3A_422 = arith.minimumf %select_n3A_399, %min3A_421 : vector<16xf32>
      %slice3A_423 = vector.extract_strided_slice %sub3A_312 {offsets = [0], sizes = [1], strides = [1]} : vector<16xf32> to vector<1xf32>
      %squeeze3A_424 = vector.extract %slice3A_423[0] : f32 from vector<1xf32>
      %max3A_425 = vector.broadcast %squeeze3A_424 : f32 to vector<16xf32>
      %max3A_426 = arith.maximumf %select_n3A_400, %max3A_425 : vector<16xf32>
      %slice3A_427 = vector.extract_strided_slice %add3A_316 {offsets = [0], sizes = [1], strides = [1]} : vector<16xf32> to vector<1xf32>
      %squeeze3A_428 = vector.extract %slice3A_427[0] : f32 from vector<1xf32>
      %min3A_429 = vector.broadcast %squeeze3A_428 : f32 to vector<16xf32>
      %min3A_430 = arith.minimumf %select_n3A_401, %min3A_429 : vector<16xf32>
      %lt3A_431 = arith.cmpf olt, %max3A_418, %min3A_422 : vector<16xf32>
      %lt3A_432 = arith.cmpf olt, %max3A_426, %min3A_430 : vector<16xf32>
      %and3A_433 = arith.andi %lt3A_431, %lt3A_432 : vector<16xi1>
      %sub3A_434 = arith.subf %min3A_422, %max3A_418 : vector<16xf32>
      %sub3A_435 = arith.subf %min3A_430, %max3A_426 : vector<16xf32>
      %mul3A_436 = arith.mulf %sub3A_434, %sub3A_435 : vector<16xf32>
      %jit3A_437 = arith.constant 0.000000e+00 : f32
      %broadcast_in_dim3A_438 = vector.broadcast %jit3A_437 : f32 to vector<16xf32>
      %select_n3A_439 = arith.select %and3A_433, %mul3A_436, %broadcast_in_dim3A_438 : vector<16xi1>, vector<16xf32>
      %slice3A_440 = vector.extract_strided_slice %mul3A_317 {offsets = [0], sizes = [1], strides = [1]} : vector<16xf32> to vector<1xf32>
      %squeeze3A_441 = vector.extract %slice3A_440[0] : f32 from vector<1xf32>
      %add3A_442 = vector.broadcast %squeeze3A_441 : f32 to vector<16xf32>
      %add3A_443 = arith.addf %select_n3A_402, %add3A_442 : vector<16xf32>
      %sub3A_444 = arith.subf %add3A_443, %select_n3A_439 : vector<16xf32>
      %div3A_445 = arith.divf %select_n3A_439, %sub3A_444 : vector<16xf32>
      %lt3A_446 = arith.constant 0.000000e+00 : f32
      %lt3A_447 = arith.cmpf olt, %lt3A_446, %add3A_120 : f32
      %select_n3A_448 = arith.select %lt3A_447, %div3A_445, %broadcast_in_dim3A_7 : vector<16xf32>
      %max3A_449 = arith.maximumf %broadcast_in_dim3A_7, %select_n3A_448 : vector<16xf32>
      %slice3A_450 = vector.extract_strided_slice %convert_element_type3A_412 {offsets = [0], sizes = [1], strides = [1]} : vector<16xf32> to vector<1xf32>
      %squeeze3A_451 = vector.extract %slice3A_450[0] : f32 from vector<1xf32>
      %eq3A = vector.broadcast %squeeze3A_451 : f32 to vector<16xf32>
      %eq3A_452 = arith.cmpf oeq, %convert_element_type3A_412, %eq3A : vector<16xf32>
      %lt3A_453 = arith.constant 0.000000e+00 : f32
      %lt3A_454 = vector.broadcast %lt3A_453 : f32 to vector<16xf32>
      %lt3A_455 = arith.cmpf olt, %convert_element_type3A, %lt3A_454 : vector<16xf32>
      %and3A_456 = arith.andi %eq3A_452, %lt3A_455 : vector<16xi1>
      %jit3A_457 = arith.constant 1.000000e+00 : f32
      %jit3A_458 = arith.constant 0.000000e+00 : f32
      %broadcast_in_dim3A_459 = vector.broadcast %jit3A_457 : f32 to vector<16xf32>
      %broadcast_in_dim3A_460 = vector.broadcast %jit3A_458 : f32 to vector<16xf32>
      %select_n3A_461 = arith.select %and3A_456, %broadcast_in_dim3A_459, %broadcast_in_dim3A_460 : vector<16xi1>, vector<16xf32>
      %jit3A_462 = arith.constant 0.000000e+00 : f32
      %broadcast_in_dim3A_463 = vector.broadcast %jit3A_462 : f32 to vector<16xf32>
      %select_n3A_464 = arith.select %lt3A_447, %select_n3A_461, %broadcast_in_dim3A_463 : vector<16xf32>
      %max3A_465 = arith.maximumf %broadcast_in_dim3A_414, %select_n3A_464 : vector<16xf32>
      %slice3A_466 = vector.extract_strided_slice %sub3A {offsets = [1], sizes = [1], strides = [1]} : vector<16xf32> to vector<1xf32>
      %squeeze3A_467 = vector.extract %slice3A_466[0] : f32 from vector<1xf32>
      %max3A_468 = vector.broadcast %squeeze3A_467 : f32 to vector<16xf32>
      %max3A_469 = arith.maximumf %select_n3A_398, %max3A_468 : vector<16xf32>
      %slice3A_470 = vector.extract_strided_slice %add3A_308 {offsets = [1], sizes = [1], strides = [1]} : vector<16xf32> to vector<1xf32>
      %squeeze3A_471 = vector.extract %slice3A_470[0] : f32 from vector<1xf32>
      %min3A_472 = vector.broadcast %squeeze3A_471 : f32 to vector<16xf32>
      %min3A_473 = arith.minimumf %select_n3A_399, %min3A_472 : vector<16xf32>
      %slice3A_474 = vector.extract_strided_slice %sub3A_312 {offsets = [1], sizes = [1], strides = [1]} : vector<16xf32> to vector<1xf32>
      %squeeze3A_475 = vector.extract %slice3A_474[0] : f32 from vector<1xf32>
      %max3A_476 = vector.broadcast %squeeze3A_475 : f32 to vector<16xf32>
      %max3A_477 = arith.maximumf %select_n3A_400, %max3A_476 : vector<16xf32>
      %slice3A_478 = vector.extract_strided_slice %add3A_316 {offsets = [1], sizes = [1], strides = [1]} : vector<16xf32> to vector<1xf32>
      %squeeze3A_479 = vector.extract %slice3A_478[0] : f32 from vector<1xf32>
      %min3A_480 = vector.broadcast %squeeze3A_479 : f32 to vector<16xf32>
      %min3A_481 = arith.minimumf %select_n3A_401, %min3A_480 : vector<16xf32>
      %lt3A_482 = arith.cmpf olt, %max3A_469, %min3A_473 : vector<16xf32>
      %lt3A_483 = arith.cmpf olt, %max3A_477, %min3A_481 : vector<16xf32>
      %and3A_484 = arith.andi %lt3A_482, %lt3A_483 : vector<16xi1>
      %sub3A_485 = arith.subf %min3A_473, %max3A_469 : vector<16xf32>
      %sub3A_486 = arith.subf %min3A_481, %max3A_477 : vector<16xf32>
      %mul3A_487 = arith.mulf %sub3A_485, %sub3A_486 : vector<16xf32>
      %jit3A_488 = arith.constant 0.000000e+00 : f32
      %broadcast_in_dim3A_489 = vector.broadcast %jit3A_488 : f32 to vector<16xf32>
      %select_n3A_490 = arith.select %and3A_484, %mul3A_487, %broadcast_in_dim3A_489 : vector<16xi1>, vector<16xf32>
      %slice3A_491 = vector.extract_strided_slice %mul3A_317 {offsets = [1], sizes = [1], strides = [1]} : vector<16xf32> to vector<1xf32>
      %squeeze3A_492 = vector.extract %slice3A_491[0] : f32 from vector<1xf32>
      %add3A_493 = vector.broadcast %squeeze3A_492 : f32 to vector<16xf32>
      %add3A_494 = arith.addf %select_n3A_402, %add3A_493 : vector<16xf32>
      %sub3A_495 = arith.subf %add3A_494, %select_n3A_490 : vector<16xf32>
      %div3A_496 = arith.divf %select_n3A_490, %sub3A_495 : vector<16xf32>
      %lt3A_497 = arith.constant 1.000000e+00 : f32
      %lt3A_498 = arith.cmpf olt, %lt3A_497, %add3A_120 : f32
      %select_n3A_499 = arith.select %lt3A_498, %div3A_496, %broadcast_in_dim3A_7 : vector<16xf32>
      %max3A_500 = arith.maximumf %max3A_449, %select_n3A_499 : vector<16xf32>
      %slice3A_501 = vector.extract_strided_slice %convert_element_type3A_412 {offsets = [1], sizes = [1], strides = [1]} : vector<16xf32> to vector<1xf32>
      %squeeze3A_502 = vector.extract %slice3A_501[0] : f32 from vector<1xf32>
      %eq3A_503 = vector.broadcast %squeeze3A_502 : f32 to vector<16xf32>
      %eq3A_504 = arith.cmpf oeq, %convert_element_type3A_412, %eq3A_503 : vector<16xf32>
      %lt3A_505 = arith.constant 1.000000e+00 : f32
      %lt3A_506 = vector.broadcast %lt3A_505 : f32 to vector<16xf32>
      %lt3A_507 = arith.cmpf olt, %convert_element_type3A, %lt3A_506 : vector<16xf32>
      %and3A_508 = arith.andi %eq3A_504, %lt3A_507 : vector<16xi1>
      %jit3A_509 = arith.constant 1.000000e+00 : f32
      %jit3A_510 = arith.constant 0.000000e+00 : f32
      %broadcast_in_dim3A_511 = vector.broadcast %jit3A_509 : f32 to vector<16xf32>
      %broadcast_in_dim3A_512 = vector.broadcast %jit3A_510 : f32 to vector<16xf32>
      %select_n3A_513 = arith.select %and3A_508, %broadcast_in_dim3A_511, %broadcast_in_dim3A_512 : vector<16xi1>, vector<16xf32>
      %jit3A_514 = arith.constant 0.000000e+00 : f32
      %broadcast_in_dim3A_515 = vector.broadcast %jit3A_514 : f32 to vector<16xf32>
      %select_n3A_516 = arith.select %lt3A_498, %select_n3A_513, %broadcast_in_dim3A_515 : vector<16xf32>
      %max3A_517 = arith.maximumf %max3A_465, %select_n3A_516 : vector<16xf32>
      %slice3A_518 = vector.extract_strided_slice %sub3A {offsets = [2], sizes = [1], strides = [1]} : vector<16xf32> to vector<1xf32>
      %squeeze3A_519 = vector.extract %slice3A_518[0] : f32 from vector<1xf32>
      %max3A_520 = vector.broadcast %squeeze3A_519 : f32 to vector<16xf32>
      %max3A_521 = arith.maximumf %select_n3A_398, %max3A_520 : vector<16xf32>
      %slice3A_522 = vector.extract_strided_slice %add3A_308 {offsets = [2], sizes = [1], strides = [1]} : vector<16xf32> to vector<1xf32>
      %squeeze3A_523 = vector.extract %slice3A_522[0] : f32 from vector<1xf32>
      %min3A_524 = vector.broadcast %squeeze3A_523 : f32 to vector<16xf32>
      %min3A_525 = arith.minimumf %select_n3A_399, %min3A_524 : vector<16xf32>
      %slice3A_526 = vector.extract_strided_slice %sub3A_312 {offsets = [2], sizes = [1], strides = [1]} : vector<16xf32> to vector<1xf32>
      %squeeze3A_527 = vector.extract %slice3A_526[0] : f32 from vector<1xf32>
      %max3A_528 = vector.broadcast %squeeze3A_527 : f32 to vector<16xf32>
      %max3A_529 = arith.maximumf %select_n3A_400, %max3A_528 : vector<16xf32>
      %slice3A_530 = vector.extract_strided_slice %add3A_316 {offsets = [2], sizes = [1], strides = [1]} : vector<16xf32> to vector<1xf32>
      %squeeze3A_531 = vector.extract %slice3A_530[0] : f32 from vector<1xf32>
      %min3A_532 = vector.broadcast %squeeze3A_531 : f32 to vector<16xf32>
      %min3A_533 = arith.minimumf %select_n3A_401, %min3A_532 : vector<16xf32>
      %lt3A_534 = arith.cmpf olt, %max3A_521, %min3A_525 : vector<16xf32>
      %lt3A_535 = arith.cmpf olt, %max3A_529, %min3A_533 : vector<16xf32>
      %and3A_536 = arith.andi %lt3A_534, %lt3A_535 : vector<16xi1>
      %sub3A_537 = arith.subf %min3A_525, %max3A_521 : vector<16xf32>
      %sub3A_538 = arith.subf %min3A_533, %max3A_529 : vector<16xf32>
      %mul3A_539 = arith.mulf %sub3A_537, %sub3A_538 : vector<16xf32>
      %jit3A_540 = arith.constant 0.000000e+00 : f32
      %broadcast_in_dim3A_541 = vector.broadcast %jit3A_540 : f32 to vector<16xf32>
      %select_n3A_542 = arith.select %and3A_536, %mul3A_539, %broadcast_in_dim3A_541 : vector<16xi1>, vector<16xf32>
      %slice3A_543 = vector.extract_strided_slice %mul3A_317 {offsets = [2], sizes = [1], strides = [1]} : vector<16xf32> to vector<1xf32>
      %squeeze3A_544 = vector.extract %slice3A_543[0] : f32 from vector<1xf32>
      %add3A_545 = vector.broadcast %squeeze3A_544 : f32 to vector<16xf32>
      %add3A_546 = arith.addf %select_n3A_402, %add3A_545 : vector<16xf32>
      %sub3A_547 = arith.subf %add3A_546, %select_n3A_542 : vector<16xf32>
      %div3A_548 = arith.divf %select_n3A_542, %sub3A_547 : vector<16xf32>
      %lt3A_549 = arith.constant 2.000000e+00 : f32
      %lt3A_550 = arith.cmpf olt, %lt3A_549, %add3A_120 : f32
      %select_n3A_551 = arith.select %lt3A_550, %div3A_548, %broadcast_in_dim3A_7 : vector<16xf32>
      %max3A_552 = arith.maximumf %max3A_500, %select_n3A_551 : vector<16xf32>
      %slice3A_553 = vector.extract_strided_slice %convert_element_type3A_412 {offsets = [2], sizes = [1], strides = [1]} : vector<16xf32> to vector<1xf32>
      %squeeze3A_554 = vector.extract %slice3A_553[0] : f32 from vector<1xf32>
      %eq3A_555 = vector.broadcast %squeeze3A_554 : f32 to vector<16xf32>
      %eq3A_556 = arith.cmpf oeq, %convert_element_type3A_412, %eq3A_555 : vector<16xf32>
      %lt3A_557 = arith.constant 2.000000e+00 : f32
      %lt3A_558 = vector.broadcast %lt3A_557 : f32 to vector<16xf32>
      %lt3A_559 = arith.cmpf olt, %convert_element_type3A, %lt3A_558 : vector<16xf32>
      %and3A_560 = arith.andi %eq3A_556, %lt3A_559 : vector<16xi1>
      %jit3A_561 = arith.constant 1.000000e+00 : f32
      %jit3A_562 = arith.constant 0.000000e+00 : f32
      %broadcast_in_dim3A_563 = vector.broadcast %jit3A_561 : f32 to vector<16xf32>
      %broadcast_in_dim3A_564 = vector.broadcast %jit3A_562 : f32 to vector<16xf32>
      %select_n3A_565 = arith.select %and3A_560, %broadcast_in_dim3A_563, %broadcast_in_dim3A_564 : vector<16xi1>, vector<16xf32>
      %jit3A_566 = arith.constant 0.000000e+00 : f32
      %broadcast_in_dim3A_567 = vector.broadcast %jit3A_566 : f32 to vector<16xf32>
      %select_n3A_568 = arith.select %lt3A_550, %select_n3A_565, %broadcast_in_dim3A_567 : vector<16xf32>
      %max3A_569 = arith.maximumf %max3A_517, %select_n3A_568 : vector<16xf32>
      %slice3A_570 = vector.extract_strided_slice %sub3A {offsets = [3], sizes = [1], strides = [1]} : vector<16xf32> to vector<1xf32>
      %squeeze3A_571 = vector.extract %slice3A_570[0] : f32 from vector<1xf32>
      %max3A_572 = vector.broadcast %squeeze3A_571 : f32 to vector<16xf32>
      %max3A_573 = arith.maximumf %select_n3A_398, %max3A_572 : vector<16xf32>
      %slice3A_574 = vector.extract_strided_slice %add3A_308 {offsets = [3], sizes = [1], strides = [1]} : vector<16xf32> to vector<1xf32>
      %squeeze3A_575 = vector.extract %slice3A_574[0] : f32 from vector<1xf32>
      %min3A_576 = vector.broadcast %squeeze3A_575 : f32 to vector<16xf32>
      %min3A_577 = arith.minimumf %select_n3A_399, %min3A_576 : vector<16xf32>
      %slice3A_578 = vector.extract_strided_slice %sub3A_312 {offsets = [3], sizes = [1], strides = [1]} : vector<16xf32> to vector<1xf32>
      %squeeze3A_579 = vector.extract %slice3A_578[0] : f32 from vector<1xf32>
      %max3A_580 = vector.broadcast %squeeze3A_579 : f32 to vector<16xf32>
      %max3A_581 = arith.maximumf %select_n3A_400, %max3A_580 : vector<16xf32>
      %slice3A_582 = vector.extract_strided_slice %add3A_316 {offsets = [3], sizes = [1], strides = [1]} : vector<16xf32> to vector<1xf32>
      %squeeze3A_583 = vector.extract %slice3A_582[0] : f32 from vector<1xf32>
      %min3A_584 = vector.broadcast %squeeze3A_583 : f32 to vector<16xf32>
      %min3A_585 = arith.minimumf %select_n3A_401, %min3A_584 : vector<16xf32>
      %lt3A_586 = arith.cmpf olt, %max3A_573, %min3A_577 : vector<16xf32>
      %lt3A_587 = arith.cmpf olt, %max3A_581, %min3A_585 : vector<16xf32>
      %and3A_588 = arith.andi %lt3A_586, %lt3A_587 : vector<16xi1>
      %sub3A_589 = arith.subf %min3A_577, %max3A_573 : vector<16xf32>
      %sub3A_590 = arith.subf %min3A_585, %max3A_581 : vector<16xf32>
      %mul3A_591 = arith.mulf %sub3A_589, %sub3A_590 : vector<16xf32>
      %jit3A_592 = arith.constant 0.000000e+00 : f32
      %broadcast_in_dim3A_593 = vector.broadcast %jit3A_592 : f32 to vector<16xf32>
      %select_n3A_594 = arith.select %and3A_588, %mul3A_591, %broadcast_in_dim3A_593 : vector<16xi1>, vector<16xf32>
      %slice3A_595 = vector.extract_strided_slice %mul3A_317 {offsets = [3], sizes = [1], strides = [1]} : vector<16xf32> to vector<1xf32>
      %squeeze3A_596 = vector.extract %slice3A_595[0] : f32 from vector<1xf32>
      %add3A_597 = vector.broadcast %squeeze3A_596 : f32 to vector<16xf32>
      %add3A_598 = arith.addf %select_n3A_402, %add3A_597 : vector<16xf32>
      %sub3A_599 = arith.subf %add3A_598, %select_n3A_594 : vector<16xf32>
      %div3A_600 = arith.divf %select_n3A_594, %sub3A_599 : vector<16xf32>
      %lt3A_601 = arith.constant 3.000000e+00 : f32
      %lt3A_602 = arith.cmpf olt, %lt3A_601, %add3A_120 : f32
      %select_n3A_603 = arith.select %lt3A_602, %div3A_600, %broadcast_in_dim3A_7 : vector<16xf32>
      %max3A_604 = arith.maximumf %max3A_552, %select_n3A_603 : vector<16xf32>
      %slice3A_605 = vector.extract_strided_slice %convert_element_type3A_412 {offsets = [3], sizes = [1], strides = [1]} : vector<16xf32> to vector<1xf32>
      %squeeze3A_606 = vector.extract %slice3A_605[0] : f32 from vector<1xf32>
      %eq3A_607 = vector.broadcast %squeeze3A_606 : f32 to vector<16xf32>
      %eq3A_608 = arith.cmpf oeq, %convert_element_type3A_412, %eq3A_607 : vector<16xf32>
      %lt3A_609 = arith.constant 3.000000e+00 : f32
      %lt3A_610 = vector.broadcast %lt3A_609 : f32 to vector<16xf32>
      %lt3A_611 = arith.cmpf olt, %convert_element_type3A, %lt3A_610 : vector<16xf32>
      %and3A_612 = arith.andi %eq3A_608, %lt3A_611 : vector<16xi1>
      %jit3A_613 = arith.constant 1.000000e+00 : f32
      %jit3A_614 = arith.constant 0.000000e+00 : f32
      %broadcast_in_dim3A_615 = vector.broadcast %jit3A_613 : f32 to vector<16xf32>
      %broadcast_in_dim3A_616 = vector.broadcast %jit3A_614 : f32 to vector<16xf32>
      %select_n3A_617 = arith.select %and3A_612, %broadcast_in_dim3A_615, %broadcast_in_dim3A_616 : vector<16xi1>, vector<16xf32>
      %jit3A_618 = arith.constant 0.000000e+00 : f32
      %broadcast_in_dim3A_619 = vector.broadcast %jit3A_618 : f32 to vector<16xf32>
      %select_n3A_620 = arith.select %lt3A_602, %select_n3A_617, %broadcast_in_dim3A_619 : vector<16xf32>
      %max3A_621 = arith.maximumf %max3A_569, %select_n3A_620 : vector<16xf32>
      %slice3A_622 = vector.extract_strided_slice %sub3A {offsets = [4], sizes = [1], strides = [1]} : vector<16xf32> to vector<1xf32>
      %squeeze3A_623 = vector.extract %slice3A_622[0] : f32 from vector<1xf32>
      %max3A_624 = vector.broadcast %squeeze3A_623 : f32 to vector<16xf32>
      %max3A_625 = arith.maximumf %select_n3A_398, %max3A_624 : vector<16xf32>
      %slice3A_626 = vector.extract_strided_slice %add3A_308 {offsets = [4], sizes = [1], strides = [1]} : vector<16xf32> to vector<1xf32>
      %squeeze3A_627 = vector.extract %slice3A_626[0] : f32 from vector<1xf32>
      %min3A_628 = vector.broadcast %squeeze3A_627 : f32 to vector<16xf32>
      %min3A_629 = arith.minimumf %select_n3A_399, %min3A_628 : vector<16xf32>
      %slice3A_630 = vector.extract_strided_slice %sub3A_312 {offsets = [4], sizes = [1], strides = [1]} : vector<16xf32> to vector<1xf32>
      %squeeze3A_631 = vector.extract %slice3A_630[0] : f32 from vector<1xf32>
      %max3A_632 = vector.broadcast %squeeze3A_631 : f32 to vector<16xf32>
      %max3A_633 = arith.maximumf %select_n3A_400, %max3A_632 : vector<16xf32>
      %slice3A_634 = vector.extract_strided_slice %add3A_316 {offsets = [4], sizes = [1], strides = [1]} : vector<16xf32> to vector<1xf32>
      %squeeze3A_635 = vector.extract %slice3A_634[0] : f32 from vector<1xf32>
      %min3A_636 = vector.broadcast %squeeze3A_635 : f32 to vector<16xf32>
      %min3A_637 = arith.minimumf %select_n3A_401, %min3A_636 : vector<16xf32>
      %lt3A_638 = arith.cmpf olt, %max3A_625, %min3A_629 : vector<16xf32>
      %lt3A_639 = arith.cmpf olt, %max3A_633, %min3A_637 : vector<16xf32>
      %and3A_640 = arith.andi %lt3A_638, %lt3A_639 : vector<16xi1>
      %sub3A_641 = arith.subf %min3A_629, %max3A_625 : vector<16xf32>
      %sub3A_642 = arith.subf %min3A_637, %max3A_633 : vector<16xf32>
      %mul3A_643 = arith.mulf %sub3A_641, %sub3A_642 : vector<16xf32>
      %jit3A_644 = arith.constant 0.000000e+00 : f32
      %broadcast_in_dim3A_645 = vector.broadcast %jit3A_644 : f32 to vector<16xf32>
      %select_n3A_646 = arith.select %and3A_640, %mul3A_643, %broadcast_in_dim3A_645 : vector<16xi1>, vector<16xf32>
      %slice3A_647 = vector.extract_strided_slice %mul3A_317 {offsets = [4], sizes = [1], strides = [1]} : vector<16xf32> to vector<1xf32>
      %squeeze3A_648 = vector.extract %slice3A_647[0] : f32 from vector<1xf32>
      %add3A_649 = vector.broadcast %squeeze3A_648 : f32 to vector<16xf32>
      %add3A_650 = arith.addf %select_n3A_402, %add3A_649 : vector<16xf32>
      %sub3A_651 = arith.subf %add3A_650, %select_n3A_646 : vector<16xf32>
      %div3A_652 = arith.divf %select_n3A_646, %sub3A_651 : vector<16xf32>
      %lt3A_653 = arith.constant 4.000000e+00 : f32
      %lt3A_654 = arith.cmpf olt, %lt3A_653, %add3A_120 : f32
      %select_n3A_655 = arith.select %lt3A_654, %div3A_652, %broadcast_in_dim3A_7 : vector<16xf32>
      %max3A_656 = arith.maximumf %max3A_604, %select_n3A_655 : vector<16xf32>
      %slice3A_657 = vector.extract_strided_slice %convert_element_type3A_412 {offsets = [4], sizes = [1], strides = [1]} : vector<16xf32> to vector<1xf32>
      %squeeze3A_658 = vector.extract %slice3A_657[0] : f32 from vector<1xf32>
      %eq3A_659 = vector.broadcast %squeeze3A_658 : f32 to vector<16xf32>
      %eq3A_660 = arith.cmpf oeq, %convert_element_type3A_412, %eq3A_659 : vector<16xf32>
      %lt3A_661 = arith.constant 4.000000e+00 : f32
      %lt3A_662 = vector.broadcast %lt3A_661 : f32 to vector<16xf32>
      %lt3A_663 = arith.cmpf olt, %convert_element_type3A, %lt3A_662 : vector<16xf32>
      %and3A_664 = arith.andi %eq3A_660, %lt3A_663 : vector<16xi1>
      %jit3A_665 = arith.constant 1.000000e+00 : f32
      %jit3A_666 = arith.constant 0.000000e+00 : f32
      %broadcast_in_dim3A_667 = vector.broadcast %jit3A_665 : f32 to vector<16xf32>
      %broadcast_in_dim3A_668 = vector.broadcast %jit3A_666 : f32 to vector<16xf32>
      %select_n3A_669 = arith.select %and3A_664, %broadcast_in_dim3A_667, %broadcast_in_dim3A_668 : vector<16xi1>, vector<16xf32>
      %jit3A_670 = arith.constant 0.000000e+00 : f32
      %broadcast_in_dim3A_671 = vector.broadcast %jit3A_670 : f32 to vector<16xf32>
      %select_n3A_672 = arith.select %lt3A_654, %select_n3A_669, %broadcast_in_dim3A_671 : vector<16xf32>
      %max3A_673 = arith.maximumf %max3A_621, %select_n3A_672 : vector<16xf32>
      %slice3A_674 = vector.extract_strided_slice %sub3A {offsets = [5], sizes = [1], strides = [1]} : vector<16xf32> to vector<1xf32>
      %squeeze3A_675 = vector.extract %slice3A_674[0] : f32 from vector<1xf32>
      %max3A_676 = vector.broadcast %squeeze3A_675 : f32 to vector<16xf32>
      %max3A_677 = arith.maximumf %select_n3A_398, %max3A_676 : vector<16xf32>
      %slice3A_678 = vector.extract_strided_slice %add3A_308 {offsets = [5], sizes = [1], strides = [1]} : vector<16xf32> to vector<1xf32>
      %squeeze3A_679 = vector.extract %slice3A_678[0] : f32 from vector<1xf32>
      %min3A_680 = vector.broadcast %squeeze3A_679 : f32 to vector<16xf32>
      %min3A_681 = arith.minimumf %select_n3A_399, %min3A_680 : vector<16xf32>
      %slice3A_682 = vector.extract_strided_slice %sub3A_312 {offsets = [5], sizes = [1], strides = [1]} : vector<16xf32> to vector<1xf32>
      %squeeze3A_683 = vector.extract %slice3A_682[0] : f32 from vector<1xf32>
      %max3A_684 = vector.broadcast %squeeze3A_683 : f32 to vector<16xf32>
      %max3A_685 = arith.maximumf %select_n3A_400, %max3A_684 : vector<16xf32>
      %slice3A_686 = vector.extract_strided_slice %add3A_316 {offsets = [5], sizes = [1], strides = [1]} : vector<16xf32> to vector<1xf32>
      %squeeze3A_687 = vector.extract %slice3A_686[0] : f32 from vector<1xf32>
      %min3A_688 = vector.broadcast %squeeze3A_687 : f32 to vector<16xf32>
      %min3A_689 = arith.minimumf %select_n3A_401, %min3A_688 : vector<16xf32>
      %lt3A_690 = arith.cmpf olt, %max3A_677, %min3A_681 : vector<16xf32>
      %lt3A_691 = arith.cmpf olt, %max3A_685, %min3A_689 : vector<16xf32>
      %and3A_692 = arith.andi %lt3A_690, %lt3A_691 : vector<16xi1>
      %sub3A_693 = arith.subf %min3A_681, %max3A_677 : vector<16xf32>
      %sub3A_694 = arith.subf %min3A_689, %max3A_685 : vector<16xf32>
      %mul3A_695 = arith.mulf %sub3A_693, %sub3A_694 : vector<16xf32>
      %jit3A_696 = arith.constant 0.000000e+00 : f32
      %broadcast_in_dim3A_697 = vector.broadcast %jit3A_696 : f32 to vector<16xf32>
      %select_n3A_698 = arith.select %and3A_692, %mul3A_695, %broadcast_in_dim3A_697 : vector<16xi1>, vector<16xf32>
      %slice3A_699 = vector.extract_strided_slice %mul3A_317 {offsets = [5], sizes = [1], strides = [1]} : vector<16xf32> to vector<1xf32>
      %squeeze3A_700 = vector.extract %slice3A_699[0] : f32 from vector<1xf32>
      %add3A_701 = vector.broadcast %squeeze3A_700 : f32 to vector<16xf32>
      %add3A_702 = arith.addf %select_n3A_402, %add3A_701 : vector<16xf32>
      %sub3A_703 = arith.subf %add3A_702, %select_n3A_698 : vector<16xf32>
      %div3A_704 = arith.divf %select_n3A_698, %sub3A_703 : vector<16xf32>
      %lt3A_705 = arith.constant 5.000000e+00 : f32
      %lt3A_706 = arith.cmpf olt, %lt3A_705, %add3A_120 : f32
      %select_n3A_707 = arith.select %lt3A_706, %div3A_704, %broadcast_in_dim3A_7 : vector<16xf32>
      %max3A_708 = arith.maximumf %max3A_656, %select_n3A_707 : vector<16xf32>
      %slice3A_709 = vector.extract_strided_slice %convert_element_type3A_412 {offsets = [5], sizes = [1], strides = [1]} : vector<16xf32> to vector<1xf32>
      %squeeze3A_710 = vector.extract %slice3A_709[0] : f32 from vector<1xf32>
      %eq3A_711 = vector.broadcast %squeeze3A_710 : f32 to vector<16xf32>
      %eq3A_712 = arith.cmpf oeq, %convert_element_type3A_412, %eq3A_711 : vector<16xf32>
      %lt3A_713 = arith.constant 5.000000e+00 : f32
      %lt3A_714 = vector.broadcast %lt3A_713 : f32 to vector<16xf32>
      %lt3A_715 = arith.cmpf olt, %convert_element_type3A, %lt3A_714 : vector<16xf32>
      %and3A_716 = arith.andi %eq3A_712, %lt3A_715 : vector<16xi1>
      %jit3A_717 = arith.constant 1.000000e+00 : f32
      %jit3A_718 = arith.constant 0.000000e+00 : f32
      %broadcast_in_dim3A_719 = vector.broadcast %jit3A_717 : f32 to vector<16xf32>
      %broadcast_in_dim3A_720 = vector.broadcast %jit3A_718 : f32 to vector<16xf32>
      %select_n3A_721 = arith.select %and3A_716, %broadcast_in_dim3A_719, %broadcast_in_dim3A_720 : vector<16xi1>, vector<16xf32>
      %jit3A_722 = arith.constant 0.000000e+00 : f32
      %broadcast_in_dim3A_723 = vector.broadcast %jit3A_722 : f32 to vector<16xf32>
      %select_n3A_724 = arith.select %lt3A_706, %select_n3A_721, %broadcast_in_dim3A_723 : vector<16xf32>
      %max3A_725 = arith.maximumf %max3A_673, %select_n3A_724 : vector<16xf32>
      %slice3A_726 = vector.extract_strided_slice %sub3A {offsets = [6], sizes = [1], strides = [1]} : vector<16xf32> to vector<1xf32>
      %squeeze3A_727 = vector.extract %slice3A_726[0] : f32 from vector<1xf32>
      %max3A_728 = vector.broadcast %squeeze3A_727 : f32 to vector<16xf32>
      %max3A_729 = arith.maximumf %select_n3A_398, %max3A_728 : vector<16xf32>
      %slice3A_730 = vector.extract_strided_slice %add3A_308 {offsets = [6], sizes = [1], strides = [1]} : vector<16xf32> to vector<1xf32>
      %squeeze3A_731 = vector.extract %slice3A_730[0] : f32 from vector<1xf32>
      %min3A_732 = vector.broadcast %squeeze3A_731 : f32 to vector<16xf32>
      %min3A_733 = arith.minimumf %select_n3A_399, %min3A_732 : vector<16xf32>
      %slice3A_734 = vector.extract_strided_slice %sub3A_312 {offsets = [6], sizes = [1], strides = [1]} : vector<16xf32> to vector<1xf32>
      %squeeze3A_735 = vector.extract %slice3A_734[0] : f32 from vector<1xf32>
      %max3A_736 = vector.broadcast %squeeze3A_735 : f32 to vector<16xf32>
      %max3A_737 = arith.maximumf %select_n3A_400, %max3A_736 : vector<16xf32>
      %slice3A_738 = vector.extract_strided_slice %add3A_316 {offsets = [6], sizes = [1], strides = [1]} : vector<16xf32> to vector<1xf32>
      %squeeze3A_739 = vector.extract %slice3A_738[0] : f32 from vector<1xf32>
      %min3A_740 = vector.broadcast %squeeze3A_739 : f32 to vector<16xf32>
      %min3A_741 = arith.minimumf %select_n3A_401, %min3A_740 : vector<16xf32>
      %lt3A_742 = arith.cmpf olt, %max3A_729, %min3A_733 : vector<16xf32>
      %lt3A_743 = arith.cmpf olt, %max3A_737, %min3A_741 : vector<16xf32>
      %and3A_744 = arith.andi %lt3A_742, %lt3A_743 : vector<16xi1>
      %sub3A_745 = arith.subf %min3A_733, %max3A_729 : vector<16xf32>
      %sub3A_746 = arith.subf %min3A_741, %max3A_737 : vector<16xf32>
      %mul3A_747 = arith.mulf %sub3A_745, %sub3A_746 : vector<16xf32>
      %jit3A_748 = arith.constant 0.000000e+00 : f32
      %broadcast_in_dim3A_749 = vector.broadcast %jit3A_748 : f32 to vector<16xf32>
      %select_n3A_750 = arith.select %and3A_744, %mul3A_747, %broadcast_in_dim3A_749 : vector<16xi1>, vector<16xf32>
      %slice3A_751 = vector.extract_strided_slice %mul3A_317 {offsets = [6], sizes = [1], strides = [1]} : vector<16xf32> to vector<1xf32>
      %squeeze3A_752 = vector.extract %slice3A_751[0] : f32 from vector<1xf32>
      %add3A_753 = vector.broadcast %squeeze3A_752 : f32 to vector<16xf32>
      %add3A_754 = arith.addf %select_n3A_402, %add3A_753 : vector<16xf32>
      %sub3A_755 = arith.subf %add3A_754, %select_n3A_750 : vector<16xf32>
      %div3A_756 = arith.divf %select_n3A_750, %sub3A_755 : vector<16xf32>
      %lt3A_757 = arith.constant 6.000000e+00 : f32
      %lt3A_758 = arith.cmpf olt, %lt3A_757, %add3A_120 : f32
      %select_n3A_759 = arith.select %lt3A_758, %div3A_756, %broadcast_in_dim3A_7 : vector<16xf32>
      %max3A_760 = arith.maximumf %max3A_708, %select_n3A_759 : vector<16xf32>
      %slice3A_761 = vector.extract_strided_slice %convert_element_type3A_412 {offsets = [6], sizes = [1], strides = [1]} : vector<16xf32> to vector<1xf32>
      %squeeze3A_762 = vector.extract %slice3A_761[0] : f32 from vector<1xf32>
      %eq3A_763 = vector.broadcast %squeeze3A_762 : f32 to vector<16xf32>
      %eq3A_764 = arith.cmpf oeq, %convert_element_type3A_412, %eq3A_763 : vector<16xf32>
      %lt3A_765 = arith.constant 6.000000e+00 : f32
      %lt3A_766 = vector.broadcast %lt3A_765 : f32 to vector<16xf32>
      %lt3A_767 = arith.cmpf olt, %convert_element_type3A, %lt3A_766 : vector<16xf32>
      %and3A_768 = arith.andi %eq3A_764, %lt3A_767 : vector<16xi1>
      %jit3A_769 = arith.constant 1.000000e+00 : f32
      %jit3A_770 = arith.constant 0.000000e+00 : f32
      %broadcast_in_dim3A_771 = vector.broadcast %jit3A_769 : f32 to vector<16xf32>
      %broadcast_in_dim3A_772 = vector.broadcast %jit3A_770 : f32 to vector<16xf32>
      %select_n3A_773 = arith.select %and3A_768, %broadcast_in_dim3A_771, %broadcast_in_dim3A_772 : vector<16xi1>, vector<16xf32>
      %jit3A_774 = arith.constant 0.000000e+00 : f32
      %broadcast_in_dim3A_775 = vector.broadcast %jit3A_774 : f32 to vector<16xf32>
      %select_n3A_776 = arith.select %lt3A_758, %select_n3A_773, %broadcast_in_dim3A_775 : vector<16xf32>
      %max3A_777 = arith.maximumf %max3A_725, %select_n3A_776 : vector<16xf32>
      %slice3A_778 = vector.extract_strided_slice %sub3A {offsets = [7], sizes = [1], strides = [1]} : vector<16xf32> to vector<1xf32>
      %squeeze3A_779 = vector.extract %slice3A_778[0] : f32 from vector<1xf32>
      %max3A_780 = vector.broadcast %squeeze3A_779 : f32 to vector<16xf32>
      %max3A_781 = arith.maximumf %select_n3A_398, %max3A_780 : vector<16xf32>
      %slice3A_782 = vector.extract_strided_slice %add3A_308 {offsets = [7], sizes = [1], strides = [1]} : vector<16xf32> to vector<1xf32>
      %squeeze3A_783 = vector.extract %slice3A_782[0] : f32 from vector<1xf32>
      %min3A_784 = vector.broadcast %squeeze3A_783 : f32 to vector<16xf32>
      %min3A_785 = arith.minimumf %select_n3A_399, %min3A_784 : vector<16xf32>
      %slice3A_786 = vector.extract_strided_slice %sub3A_312 {offsets = [7], sizes = [1], strides = [1]} : vector<16xf32> to vector<1xf32>
      %squeeze3A_787 = vector.extract %slice3A_786[0] : f32 from vector<1xf32>
      %max3A_788 = vector.broadcast %squeeze3A_787 : f32 to vector<16xf32>
      %max3A_789 = arith.maximumf %select_n3A_400, %max3A_788 : vector<16xf32>
      %slice3A_790 = vector.extract_strided_slice %add3A_316 {offsets = [7], sizes = [1], strides = [1]} : vector<16xf32> to vector<1xf32>
      %squeeze3A_791 = vector.extract %slice3A_790[0] : f32 from vector<1xf32>
      %min3A_792 = vector.broadcast %squeeze3A_791 : f32 to vector<16xf32>
      %min3A_793 = arith.minimumf %select_n3A_401, %min3A_792 : vector<16xf32>
      %lt3A_794 = arith.cmpf olt, %max3A_781, %min3A_785 : vector<16xf32>
      %lt3A_795 = arith.cmpf olt, %max3A_789, %min3A_793 : vector<16xf32>
      %and3A_796 = arith.andi %lt3A_794, %lt3A_795 : vector<16xi1>
      %sub3A_797 = arith.subf %min3A_785, %max3A_781 : vector<16xf32>
      %sub3A_798 = arith.subf %min3A_793, %max3A_789 : vector<16xf32>
      %mul3A_799 = arith.mulf %sub3A_797, %sub3A_798 : vector<16xf32>
      %jit3A_800 = arith.constant 0.000000e+00 : f32
      %broadcast_in_dim3A_801 = vector.broadcast %jit3A_800 : f32 to vector<16xf32>
      %select_n3A_802 = arith.select %and3A_796, %mul3A_799, %broadcast_in_dim3A_801 : vector<16xi1>, vector<16xf32>
      %slice3A_803 = vector.extract_strided_slice %mul3A_317 {offsets = [7], sizes = [1], strides = [1]} : vector<16xf32> to vector<1xf32>
      %squeeze3A_804 = vector.extract %slice3A_803[0] : f32 from vector<1xf32>
      %add3A_805 = vector.broadcast %squeeze3A_804 : f32 to vector<16xf32>
      %add3A_806 = arith.addf %select_n3A_402, %add3A_805 : vector<16xf32>
      %sub3A_807 = arith.subf %add3A_806, %select_n3A_802 : vector<16xf32>
      %div3A_808 = arith.divf %select_n3A_802, %sub3A_807 : vector<16xf32>
      %lt3A_809 = arith.constant 7.000000e+00 : f32
      %lt3A_810 = arith.cmpf olt, %lt3A_809, %add3A_120 : f32
      %select_n3A_811 = arith.select %lt3A_810, %div3A_808, %broadcast_in_dim3A_7 : vector<16xf32>
      %max3A_812 = arith.maximumf %max3A_760, %select_n3A_811 : vector<16xf32>
      %slice3A_813 = vector.extract_strided_slice %convert_element_type3A_412 {offsets = [7], sizes = [1], strides = [1]} : vector<16xf32> to vector<1xf32>
      %squeeze3A_814 = vector.extract %slice3A_813[0] : f32 from vector<1xf32>
      %eq3A_815 = vector.broadcast %squeeze3A_814 : f32 to vector<16xf32>
      %eq3A_816 = arith.cmpf oeq, %convert_element_type3A_412, %eq3A_815 : vector<16xf32>
      %lt3A_817 = arith.constant 7.000000e+00 : f32
      %lt3A_818 = vector.broadcast %lt3A_817 : f32 to vector<16xf32>
      %lt3A_819 = arith.cmpf olt, %convert_element_type3A, %lt3A_818 : vector<16xf32>
      %and3A_820 = arith.andi %eq3A_816, %lt3A_819 : vector<16xi1>
      %jit3A_821 = arith.constant 1.000000e+00 : f32
      %jit3A_822 = arith.constant 0.000000e+00 : f32
      %broadcast_in_dim3A_823 = vector.broadcast %jit3A_821 : f32 to vector<16xf32>
      %broadcast_in_dim3A_824 = vector.broadcast %jit3A_822 : f32 to vector<16xf32>
      %select_n3A_825 = arith.select %and3A_820, %broadcast_in_dim3A_823, %broadcast_in_dim3A_824 : vector<16xi1>, vector<16xf32>
      %jit3A_826 = arith.constant 0.000000e+00 : f32
      %broadcast_in_dim3A_827 = vector.broadcast %jit3A_826 : f32 to vector<16xf32>
      %select_n3A_828 = arith.select %lt3A_810, %select_n3A_825, %broadcast_in_dim3A_827 : vector<16xf32>
      %max3A_829 = arith.maximumf %max3A_777, %select_n3A_828 : vector<16xf32>
      %slice3A_830 = vector.extract_strided_slice %sub3A {offsets = [8], sizes = [1], strides = [1]} : vector<16xf32> to vector<1xf32>
      %squeeze3A_831 = vector.extract %slice3A_830[0] : f32 from vector<1xf32>
      %max3A_832 = vector.broadcast %squeeze3A_831 : f32 to vector<16xf32>
      %max3A_833 = arith.maximumf %select_n3A_398, %max3A_832 : vector<16xf32>
      %slice3A_834 = vector.extract_strided_slice %add3A_308 {offsets = [8], sizes = [1], strides = [1]} : vector<16xf32> to vector<1xf32>
      %squeeze3A_835 = vector.extract %slice3A_834[0] : f32 from vector<1xf32>
      %min3A_836 = vector.broadcast %squeeze3A_835 : f32 to vector<16xf32>
      %min3A_837 = arith.minimumf %select_n3A_399, %min3A_836 : vector<16xf32>
      %slice3A_838 = vector.extract_strided_slice %sub3A_312 {offsets = [8], sizes = [1], strides = [1]} : vector<16xf32> to vector<1xf32>
      %squeeze3A_839 = vector.extract %slice3A_838[0] : f32 from vector<1xf32>
      %max3A_840 = vector.broadcast %squeeze3A_839 : f32 to vector<16xf32>
      %max3A_841 = arith.maximumf %select_n3A_400, %max3A_840 : vector<16xf32>
      %slice3A_842 = vector.extract_strided_slice %add3A_316 {offsets = [8], sizes = [1], strides = [1]} : vector<16xf32> to vector<1xf32>
      %squeeze3A_843 = vector.extract %slice3A_842[0] : f32 from vector<1xf32>
      %min3A_844 = vector.broadcast %squeeze3A_843 : f32 to vector<16xf32>
      %min3A_845 = arith.minimumf %select_n3A_401, %min3A_844 : vector<16xf32>
      %lt3A_846 = arith.cmpf olt, %max3A_833, %min3A_837 : vector<16xf32>
      %lt3A_847 = arith.cmpf olt, %max3A_841, %min3A_845 : vector<16xf32>
      %and3A_848 = arith.andi %lt3A_846, %lt3A_847 : vector<16xi1>
      %sub3A_849 = arith.subf %min3A_837, %max3A_833 : vector<16xf32>
      %sub3A_850 = arith.subf %min3A_845, %max3A_841 : vector<16xf32>
      %mul3A_851 = arith.mulf %sub3A_849, %sub3A_850 : vector<16xf32>
      %jit3A_852 = arith.constant 0.000000e+00 : f32
      %broadcast_in_dim3A_853 = vector.broadcast %jit3A_852 : f32 to vector<16xf32>
      %select_n3A_854 = arith.select %and3A_848, %mul3A_851, %broadcast_in_dim3A_853 : vector<16xi1>, vector<16xf32>
      %slice3A_855 = vector.extract_strided_slice %mul3A_317 {offsets = [8], sizes = [1], strides = [1]} : vector<16xf32> to vector<1xf32>
      %squeeze3A_856 = vector.extract %slice3A_855[0] : f32 from vector<1xf32>
      %add3A_857 = vector.broadcast %squeeze3A_856 : f32 to vector<16xf32>
      %add3A_858 = arith.addf %select_n3A_402, %add3A_857 : vector<16xf32>
      %sub3A_859 = arith.subf %add3A_858, %select_n3A_854 : vector<16xf32>
      %div3A_860 = arith.divf %select_n3A_854, %sub3A_859 : vector<16xf32>
      %lt3A_861 = arith.constant 8.000000e+00 : f32
      %lt3A_862 = arith.cmpf olt, %lt3A_861, %add3A_120 : f32
      %select_n3A_863 = arith.select %lt3A_862, %div3A_860, %broadcast_in_dim3A_7 : vector<16xf32>
      %max3A_864 = arith.maximumf %max3A_812, %select_n3A_863 : vector<16xf32>
      %slice3A_865 = vector.extract_strided_slice %convert_element_type3A_412 {offsets = [8], sizes = [1], strides = [1]} : vector<16xf32> to vector<1xf32>
      %squeeze3A_866 = vector.extract %slice3A_865[0] : f32 from vector<1xf32>
      %eq3A_867 = vector.broadcast %squeeze3A_866 : f32 to vector<16xf32>
      %eq3A_868 = arith.cmpf oeq, %convert_element_type3A_412, %eq3A_867 : vector<16xf32>
      %lt3A_869 = arith.constant 8.000000e+00 : f32
      %lt3A_870 = vector.broadcast %lt3A_869 : f32 to vector<16xf32>
      %lt3A_871 = arith.cmpf olt, %convert_element_type3A, %lt3A_870 : vector<16xf32>
      %and3A_872 = arith.andi %eq3A_868, %lt3A_871 : vector<16xi1>
      %jit3A_873 = arith.constant 1.000000e+00 : f32
      %jit3A_874 = arith.constant 0.000000e+00 : f32
      %broadcast_in_dim3A_875 = vector.broadcast %jit3A_873 : f32 to vector<16xf32>
      %broadcast_in_dim3A_876 = vector.broadcast %jit3A_874 : f32 to vector<16xf32>
      %select_n3A_877 = arith.select %and3A_872, %broadcast_in_dim3A_875, %broadcast_in_dim3A_876 : vector<16xi1>, vector<16xf32>
      %jit3A_878 = arith.constant 0.000000e+00 : f32
      %broadcast_in_dim3A_879 = vector.broadcast %jit3A_878 : f32 to vector<16xf32>
      %select_n3A_880 = arith.select %lt3A_862, %select_n3A_877, %broadcast_in_dim3A_879 : vector<16xf32>
      %max3A_881 = arith.maximumf %max3A_829, %select_n3A_880 : vector<16xf32>
      %slice3A_882 = vector.extract_strided_slice %sub3A {offsets = [9], sizes = [1], strides = [1]} : vector<16xf32> to vector<1xf32>
      %squeeze3A_883 = vector.extract %slice3A_882[0] : f32 from vector<1xf32>
      %max3A_884 = vector.broadcast %squeeze3A_883 : f32 to vector<16xf32>
      %max3A_885 = arith.maximumf %select_n3A_398, %max3A_884 : vector<16xf32>
      %slice3A_886 = vector.extract_strided_slice %add3A_308 {offsets = [9], sizes = [1], strides = [1]} : vector<16xf32> to vector<1xf32>
      %squeeze3A_887 = vector.extract %slice3A_886[0] : f32 from vector<1xf32>
      %min3A_888 = vector.broadcast %squeeze3A_887 : f32 to vector<16xf32>
      %min3A_889 = arith.minimumf %select_n3A_399, %min3A_888 : vector<16xf32>
      %slice3A_890 = vector.extract_strided_slice %sub3A_312 {offsets = [9], sizes = [1], strides = [1]} : vector<16xf32> to vector<1xf32>
      %squeeze3A_891 = vector.extract %slice3A_890[0] : f32 from vector<1xf32>
      %max3A_892 = vector.broadcast %squeeze3A_891 : f32 to vector<16xf32>
      %max3A_893 = arith.maximumf %select_n3A_400, %max3A_892 : vector<16xf32>
      %slice3A_894 = vector.extract_strided_slice %add3A_316 {offsets = [9], sizes = [1], strides = [1]} : vector<16xf32> to vector<1xf32>
      %squeeze3A_895 = vector.extract %slice3A_894[0] : f32 from vector<1xf32>
      %min3A_896 = vector.broadcast %squeeze3A_895 : f32 to vector<16xf32>
      %min3A_897 = arith.minimumf %select_n3A_401, %min3A_896 : vector<16xf32>
      %lt3A_898 = arith.cmpf olt, %max3A_885, %min3A_889 : vector<16xf32>
      %lt3A_899 = arith.cmpf olt, %max3A_893, %min3A_897 : vector<16xf32>
      %and3A_900 = arith.andi %lt3A_898, %lt3A_899 : vector<16xi1>
      %sub3A_901 = arith.subf %min3A_889, %max3A_885 : vector<16xf32>
      %sub3A_902 = arith.subf %min3A_897, %max3A_893 : vector<16xf32>
      %mul3A_903 = arith.mulf %sub3A_901, %sub3A_902 : vector<16xf32>
      %jit3A_904 = arith.constant 0.000000e+00 : f32
      %broadcast_in_dim3A_905 = vector.broadcast %jit3A_904 : f32 to vector<16xf32>
      %select_n3A_906 = arith.select %and3A_900, %mul3A_903, %broadcast_in_dim3A_905 : vector<16xi1>, vector<16xf32>
      %slice3A_907 = vector.extract_strided_slice %mul3A_317 {offsets = [9], sizes = [1], strides = [1]} : vector<16xf32> to vector<1xf32>
      %squeeze3A_908 = vector.extract %slice3A_907[0] : f32 from vector<1xf32>
      %add3A_909 = vector.broadcast %squeeze3A_908 : f32 to vector<16xf32>
      %add3A_910 = arith.addf %select_n3A_402, %add3A_909 : vector<16xf32>
      %sub3A_911 = arith.subf %add3A_910, %select_n3A_906 : vector<16xf32>
      %div3A_912 = arith.divf %select_n3A_906, %sub3A_911 : vector<16xf32>
      %lt3A_913 = arith.constant 9.000000e+00 : f32
      %lt3A_914 = arith.cmpf olt, %lt3A_913, %add3A_120 : f32
      %select_n3A_915 = arith.select %lt3A_914, %div3A_912, %broadcast_in_dim3A_7 : vector<16xf32>
      %max3A_916 = arith.maximumf %max3A_864, %select_n3A_915 : vector<16xf32>
      %slice3A_917 = vector.extract_strided_slice %convert_element_type3A_412 {offsets = [9], sizes = [1], strides = [1]} : vector<16xf32> to vector<1xf32>
      %squeeze3A_918 = vector.extract %slice3A_917[0] : f32 from vector<1xf32>
      %eq3A_919 = vector.broadcast %squeeze3A_918 : f32 to vector<16xf32>
      %eq3A_920 = arith.cmpf oeq, %convert_element_type3A_412, %eq3A_919 : vector<16xf32>
      %lt3A_921 = arith.constant 9.000000e+00 : f32
      %lt3A_922 = vector.broadcast %lt3A_921 : f32 to vector<16xf32>
      %lt3A_923 = arith.cmpf olt, %convert_element_type3A, %lt3A_922 : vector<16xf32>
      %and3A_924 = arith.andi %eq3A_920, %lt3A_923 : vector<16xi1>
      %jit3A_925 = arith.constant 1.000000e+00 : f32
      %jit3A_926 = arith.constant 0.000000e+00 : f32
      %broadcast_in_dim3A_927 = vector.broadcast %jit3A_925 : f32 to vector<16xf32>
      %broadcast_in_dim3A_928 = vector.broadcast %jit3A_926 : f32 to vector<16xf32>
      %select_n3A_929 = arith.select %and3A_924, %broadcast_in_dim3A_927, %broadcast_in_dim3A_928 : vector<16xi1>, vector<16xf32>
      %jit3A_930 = arith.constant 0.000000e+00 : f32
      %broadcast_in_dim3A_931 = vector.broadcast %jit3A_930 : f32 to vector<16xf32>
      %select_n3A_932 = arith.select %lt3A_914, %select_n3A_929, %broadcast_in_dim3A_931 : vector<16xf32>
      %max3A_933 = arith.maximumf %max3A_881, %select_n3A_932 : vector<16xf32>
      %slice3A_934 = vector.extract_strided_slice %sub3A {offsets = [10], sizes = [1], strides = [1]} : vector<16xf32> to vector<1xf32>
      %squeeze3A_935 = vector.extract %slice3A_934[0] : f32 from vector<1xf32>
      %max3A_936 = vector.broadcast %squeeze3A_935 : f32 to vector<16xf32>
      %max3A_937 = arith.maximumf %select_n3A_398, %max3A_936 : vector<16xf32>
      %slice3A_938 = vector.extract_strided_slice %add3A_308 {offsets = [10], sizes = [1], strides = [1]} : vector<16xf32> to vector<1xf32>
      %squeeze3A_939 = vector.extract %slice3A_938[0] : f32 from vector<1xf32>
      %min3A_940 = vector.broadcast %squeeze3A_939 : f32 to vector<16xf32>
      %min3A_941 = arith.minimumf %select_n3A_399, %min3A_940 : vector<16xf32>
      %slice3A_942 = vector.extract_strided_slice %sub3A_312 {offsets = [10], sizes = [1], strides = [1]} : vector<16xf32> to vector<1xf32>
      %squeeze3A_943 = vector.extract %slice3A_942[0] : f32 from vector<1xf32>
      %max3A_944 = vector.broadcast %squeeze3A_943 : f32 to vector<16xf32>
      %max3A_945 = arith.maximumf %select_n3A_400, %max3A_944 : vector<16xf32>
      %slice3A_946 = vector.extract_strided_slice %add3A_316 {offsets = [10], sizes = [1], strides = [1]} : vector<16xf32> to vector<1xf32>
      %squeeze3A_947 = vector.extract %slice3A_946[0] : f32 from vector<1xf32>
      %min3A_948 = vector.broadcast %squeeze3A_947 : f32 to vector<16xf32>
      %min3A_949 = arith.minimumf %select_n3A_401, %min3A_948 : vector<16xf32>
      %lt3A_950 = arith.cmpf olt, %max3A_937, %min3A_941 : vector<16xf32>
      %lt3A_951 = arith.cmpf olt, %max3A_945, %min3A_949 : vector<16xf32>
      %and3A_952 = arith.andi %lt3A_950, %lt3A_951 : vector<16xi1>
      %sub3A_953 = arith.subf %min3A_941, %max3A_937 : vector<16xf32>
      %sub3A_954 = arith.subf %min3A_949, %max3A_945 : vector<16xf32>
      %mul3A_955 = arith.mulf %sub3A_953, %sub3A_954 : vector<16xf32>
      %jit3A_956 = arith.constant 0.000000e+00 : f32
      %broadcast_in_dim3A_957 = vector.broadcast %jit3A_956 : f32 to vector<16xf32>
      %select_n3A_958 = arith.select %and3A_952, %mul3A_955, %broadcast_in_dim3A_957 : vector<16xi1>, vector<16xf32>
      %slice3A_959 = vector.extract_strided_slice %mul3A_317 {offsets = [10], sizes = [1], strides = [1]} : vector<16xf32> to vector<1xf32>
      %squeeze3A_960 = vector.extract %slice3A_959[0] : f32 from vector<1xf32>
      %add3A_961 = vector.broadcast %squeeze3A_960 : f32 to vector<16xf32>
      %add3A_962 = arith.addf %select_n3A_402, %add3A_961 : vector<16xf32>
      %sub3A_963 = arith.subf %add3A_962, %select_n3A_958 : vector<16xf32>
      %div3A_964 = arith.divf %select_n3A_958, %sub3A_963 : vector<16xf32>
      %lt3A_965 = arith.constant 1.000000e+01 : f32
      %lt3A_966 = arith.cmpf olt, %lt3A_965, %add3A_120 : f32
      %select_n3A_967 = arith.select %lt3A_966, %div3A_964, %broadcast_in_dim3A_7 : vector<16xf32>
      %max3A_968 = arith.maximumf %max3A_916, %select_n3A_967 : vector<16xf32>
      %slice3A_969 = vector.extract_strided_slice %convert_element_type3A_412 {offsets = [10], sizes = [1], strides = [1]} : vector<16xf32> to vector<1xf32>
      %squeeze3A_970 = vector.extract %slice3A_969[0] : f32 from vector<1xf32>
      %eq3A_971 = vector.broadcast %squeeze3A_970 : f32 to vector<16xf32>
      %eq3A_972 = arith.cmpf oeq, %convert_element_type3A_412, %eq3A_971 : vector<16xf32>
      %lt3A_973 = arith.constant 1.000000e+01 : f32
      %lt3A_974 = vector.broadcast %lt3A_973 : f32 to vector<16xf32>
      %lt3A_975 = arith.cmpf olt, %convert_element_type3A, %lt3A_974 : vector<16xf32>
      %and3A_976 = arith.andi %eq3A_972, %lt3A_975 : vector<16xi1>
      %jit3A_977 = arith.constant 1.000000e+00 : f32
      %jit3A_978 = arith.constant 0.000000e+00 : f32
      %broadcast_in_dim3A_979 = vector.broadcast %jit3A_977 : f32 to vector<16xf32>
      %broadcast_in_dim3A_980 = vector.broadcast %jit3A_978 : f32 to vector<16xf32>
      %select_n3A_981 = arith.select %and3A_976, %broadcast_in_dim3A_979, %broadcast_in_dim3A_980 : vector<16xi1>, vector<16xf32>
      %jit3A_982 = arith.constant 0.000000e+00 : f32
      %broadcast_in_dim3A_983 = vector.broadcast %jit3A_982 : f32 to vector<16xf32>
      %select_n3A_984 = arith.select %lt3A_966, %select_n3A_981, %broadcast_in_dim3A_983 : vector<16xf32>
      %max3A_985 = arith.maximumf %max3A_933, %select_n3A_984 : vector<16xf32>
      %slice3A_986 = vector.extract_strided_slice %sub3A {offsets = [11], sizes = [1], strides = [1]} : vector<16xf32> to vector<1xf32>
      %squeeze3A_987 = vector.extract %slice3A_986[0] : f32 from vector<1xf32>
      %max3A_988 = vector.broadcast %squeeze3A_987 : f32 to vector<16xf32>
      %max3A_989 = arith.maximumf %select_n3A_398, %max3A_988 : vector<16xf32>
      %slice3A_990 = vector.extract_strided_slice %add3A_308 {offsets = [11], sizes = [1], strides = [1]} : vector<16xf32> to vector<1xf32>
      %squeeze3A_991 = vector.extract %slice3A_990[0] : f32 from vector<1xf32>
      %min3A_992 = vector.broadcast %squeeze3A_991 : f32 to vector<16xf32>
      %min3A_993 = arith.minimumf %select_n3A_399, %min3A_992 : vector<16xf32>
      %slice3A_994 = vector.extract_strided_slice %sub3A_312 {offsets = [11], sizes = [1], strides = [1]} : vector<16xf32> to vector<1xf32>
      %squeeze3A_995 = vector.extract %slice3A_994[0] : f32 from vector<1xf32>
      %max3A_996 = vector.broadcast %squeeze3A_995 : f32 to vector<16xf32>
      %max3A_997 = arith.maximumf %select_n3A_400, %max3A_996 : vector<16xf32>
      %slice3A_998 = vector.extract_strided_slice %add3A_316 {offsets = [11], sizes = [1], strides = [1]} : vector<16xf32> to vector<1xf32>
      %squeeze3A_999 = vector.extract %slice3A_998[0] : f32 from vector<1xf32>
      %min3A_1000 = vector.broadcast %squeeze3A_999 : f32 to vector<16xf32>
      %min3A_1001 = arith.minimumf %select_n3A_401, %min3A_1000 : vector<16xf32>
      %lt3A_1002 = arith.cmpf olt, %max3A_989, %min3A_993 : vector<16xf32>
      %lt3A_1003 = arith.cmpf olt, %max3A_997, %min3A_1001 : vector<16xf32>
      %and3A_1004 = arith.andi %lt3A_1002, %lt3A_1003 : vector<16xi1>
      %sub3A_1005 = arith.subf %min3A_993, %max3A_989 : vector<16xf32>
      %sub3A_1006 = arith.subf %min3A_1001, %max3A_997 : vector<16xf32>
      %mul3A_1007 = arith.mulf %sub3A_1005, %sub3A_1006 : vector<16xf32>
      %jit3A_1008 = arith.constant 0.000000e+00 : f32
      %broadcast_in_dim3A_1009 = vector.broadcast %jit3A_1008 : f32 to vector<16xf32>
      %select_n3A_1010 = arith.select %and3A_1004, %mul3A_1007, %broadcast_in_dim3A_1009 : vector<16xi1>, vector<16xf32>
      %slice3A_1011 = vector.extract_strided_slice %mul3A_317 {offsets = [11], sizes = [1], strides = [1]} : vector<16xf32> to vector<1xf32>
      %squeeze3A_1012 = vector.extract %slice3A_1011[0] : f32 from vector<1xf32>
      %add3A_1013 = vector.broadcast %squeeze3A_1012 : f32 to vector<16xf32>
      %add3A_1014 = arith.addf %select_n3A_402, %add3A_1013 : vector<16xf32>
      %sub3A_1015 = arith.subf %add3A_1014, %select_n3A_1010 : vector<16xf32>
      %div3A_1016 = arith.divf %select_n3A_1010, %sub3A_1015 : vector<16xf32>
      %lt3A_1017 = arith.constant 1.100000e+01 : f32
      %lt3A_1018 = arith.cmpf olt, %lt3A_1017, %add3A_120 : f32
      %select_n3A_1019 = arith.select %lt3A_1018, %div3A_1016, %broadcast_in_dim3A_7 : vector<16xf32>
      %max3A_1020 = arith.maximumf %max3A_968, %select_n3A_1019 : vector<16xf32>
      %slice3A_1021 = vector.extract_strided_slice %convert_element_type3A_412 {offsets = [11], sizes = [1], strides = [1]} : vector<16xf32> to vector<1xf32>
      %squeeze3A_1022 = vector.extract %slice3A_1021[0] : f32 from vector<1xf32>
      %eq3A_1023 = vector.broadcast %squeeze3A_1022 : f32 to vector<16xf32>
      %eq3A_1024 = arith.cmpf oeq, %convert_element_type3A_412, %eq3A_1023 : vector<16xf32>
      %lt3A_1025 = arith.constant 1.100000e+01 : f32
      %lt3A_1026 = vector.broadcast %lt3A_1025 : f32 to vector<16xf32>
      %lt3A_1027 = arith.cmpf olt, %convert_element_type3A, %lt3A_1026 : vector<16xf32>
      %and3A_1028 = arith.andi %eq3A_1024, %lt3A_1027 : vector<16xi1>
      %jit3A_1029 = arith.constant 1.000000e+00 : f32
      %jit3A_1030 = arith.constant 0.000000e+00 : f32
      %broadcast_in_dim3A_1031 = vector.broadcast %jit3A_1029 : f32 to vector<16xf32>
      %broadcast_in_dim3A_1032 = vector.broadcast %jit3A_1030 : f32 to vector<16xf32>
      %select_n3A_1033 = arith.select %and3A_1028, %broadcast_in_dim3A_1031, %broadcast_in_dim3A_1032 : vector<16xi1>, vector<16xf32>
      %jit3A_1034 = arith.constant 0.000000e+00 : f32
      %broadcast_in_dim3A_1035 = vector.broadcast %jit3A_1034 : f32 to vector<16xf32>
      %select_n3A_1036 = arith.select %lt3A_1018, %select_n3A_1033, %broadcast_in_dim3A_1035 : vector<16xf32>
      %max3A_1037 = arith.maximumf %max3A_985, %select_n3A_1036 : vector<16xf32>
      %slice3A_1038 = vector.extract_strided_slice %sub3A {offsets = [12], sizes = [1], strides = [1]} : vector<16xf32> to vector<1xf32>
      %squeeze3A_1039 = vector.extract %slice3A_1038[0] : f32 from vector<1xf32>
      %max3A_1040 = vector.broadcast %squeeze3A_1039 : f32 to vector<16xf32>
      %max3A_1041 = arith.maximumf %select_n3A_398, %max3A_1040 : vector<16xf32>
      %slice3A_1042 = vector.extract_strided_slice %add3A_308 {offsets = [12], sizes = [1], strides = [1]} : vector<16xf32> to vector<1xf32>
      %squeeze3A_1043 = vector.extract %slice3A_1042[0] : f32 from vector<1xf32>
      %min3A_1044 = vector.broadcast %squeeze3A_1043 : f32 to vector<16xf32>
      %min3A_1045 = arith.minimumf %select_n3A_399, %min3A_1044 : vector<16xf32>
      %slice3A_1046 = vector.extract_strided_slice %sub3A_312 {offsets = [12], sizes = [1], strides = [1]} : vector<16xf32> to vector<1xf32>
      %squeeze3A_1047 = vector.extract %slice3A_1046[0] : f32 from vector<1xf32>
      %max3A_1048 = vector.broadcast %squeeze3A_1047 : f32 to vector<16xf32>
      %max3A_1049 = arith.maximumf %select_n3A_400, %max3A_1048 : vector<16xf32>
      %slice3A_1050 = vector.extract_strided_slice %add3A_316 {offsets = [12], sizes = [1], strides = [1]} : vector<16xf32> to vector<1xf32>
      %squeeze3A_1051 = vector.extract %slice3A_1050[0] : f32 from vector<1xf32>
      %min3A_1052 = vector.broadcast %squeeze3A_1051 : f32 to vector<16xf32>
      %min3A_1053 = arith.minimumf %select_n3A_401, %min3A_1052 : vector<16xf32>
      %lt3A_1054 = arith.cmpf olt, %max3A_1041, %min3A_1045 : vector<16xf32>
      %lt3A_1055 = arith.cmpf olt, %max3A_1049, %min3A_1053 : vector<16xf32>
      %and3A_1056 = arith.andi %lt3A_1054, %lt3A_1055 : vector<16xi1>
      %sub3A_1057 = arith.subf %min3A_1045, %max3A_1041 : vector<16xf32>
      %sub3A_1058 = arith.subf %min3A_1053, %max3A_1049 : vector<16xf32>
      %mul3A_1059 = arith.mulf %sub3A_1057, %sub3A_1058 : vector<16xf32>
      %jit3A_1060 = arith.constant 0.000000e+00 : f32
      %broadcast_in_dim3A_1061 = vector.broadcast %jit3A_1060 : f32 to vector<16xf32>
      %select_n3A_1062 = arith.select %and3A_1056, %mul3A_1059, %broadcast_in_dim3A_1061 : vector<16xi1>, vector<16xf32>
      %slice3A_1063 = vector.extract_strided_slice %mul3A_317 {offsets = [12], sizes = [1], strides = [1]} : vector<16xf32> to vector<1xf32>
      %squeeze3A_1064 = vector.extract %slice3A_1063[0] : f32 from vector<1xf32>
      %add3A_1065 = vector.broadcast %squeeze3A_1064 : f32 to vector<16xf32>
      %add3A_1066 = arith.addf %select_n3A_402, %add3A_1065 : vector<16xf32>
      %sub3A_1067 = arith.subf %add3A_1066, %select_n3A_1062 : vector<16xf32>
      %div3A_1068 = arith.divf %select_n3A_1062, %sub3A_1067 : vector<16xf32>
      %lt3A_1069 = arith.constant 1.200000e+01 : f32
      %lt3A_1070 = arith.cmpf olt, %lt3A_1069, %add3A_120 : f32
      %select_n3A_1071 = arith.select %lt3A_1070, %div3A_1068, %broadcast_in_dim3A_7 : vector<16xf32>
      %max3A_1072 = arith.maximumf %max3A_1020, %select_n3A_1071 : vector<16xf32>
      %slice3A_1073 = vector.extract_strided_slice %convert_element_type3A_412 {offsets = [12], sizes = [1], strides = [1]} : vector<16xf32> to vector<1xf32>
      %squeeze3A_1074 = vector.extract %slice3A_1073[0] : f32 from vector<1xf32>
      %eq3A_1075 = vector.broadcast %squeeze3A_1074 : f32 to vector<16xf32>
      %eq3A_1076 = arith.cmpf oeq, %convert_element_type3A_412, %eq3A_1075 : vector<16xf32>
      %lt3A_1077 = arith.constant 1.200000e+01 : f32
      %lt3A_1078 = vector.broadcast %lt3A_1077 : f32 to vector<16xf32>
      %lt3A_1079 = arith.cmpf olt, %convert_element_type3A, %lt3A_1078 : vector<16xf32>
      %and3A_1080 = arith.andi %eq3A_1076, %lt3A_1079 : vector<16xi1>
      %jit3A_1081 = arith.constant 1.000000e+00 : f32
      %jit3A_1082 = arith.constant 0.000000e+00 : f32
      %broadcast_in_dim3A_1083 = vector.broadcast %jit3A_1081 : f32 to vector<16xf32>
      %broadcast_in_dim3A_1084 = vector.broadcast %jit3A_1082 : f32 to vector<16xf32>
      %select_n3A_1085 = arith.select %and3A_1080, %broadcast_in_dim3A_1083, %broadcast_in_dim3A_1084 : vector<16xi1>, vector<16xf32>
      %jit3A_1086 = arith.constant 0.000000e+00 : f32
      %broadcast_in_dim3A_1087 = vector.broadcast %jit3A_1086 : f32 to vector<16xf32>
      %select_n3A_1088 = arith.select %lt3A_1070, %select_n3A_1085, %broadcast_in_dim3A_1087 : vector<16xf32>
      %max3A_1089 = arith.maximumf %max3A_1037, %select_n3A_1088 : vector<16xf32>
      %slice3A_1090 = vector.extract_strided_slice %sub3A {offsets = [13], sizes = [1], strides = [1]} : vector<16xf32> to vector<1xf32>
      %squeeze3A_1091 = vector.extract %slice3A_1090[0] : f32 from vector<1xf32>
      %max3A_1092 = vector.broadcast %squeeze3A_1091 : f32 to vector<16xf32>
      %max3A_1093 = arith.maximumf %select_n3A_398, %max3A_1092 : vector<16xf32>
      %slice3A_1094 = vector.extract_strided_slice %add3A_308 {offsets = [13], sizes = [1], strides = [1]} : vector<16xf32> to vector<1xf32>
      %squeeze3A_1095 = vector.extract %slice3A_1094[0] : f32 from vector<1xf32>
      %min3A_1096 = vector.broadcast %squeeze3A_1095 : f32 to vector<16xf32>
      %min3A_1097 = arith.minimumf %select_n3A_399, %min3A_1096 : vector<16xf32>
      %slice3A_1098 = vector.extract_strided_slice %sub3A_312 {offsets = [13], sizes = [1], strides = [1]} : vector<16xf32> to vector<1xf32>
      %squeeze3A_1099 = vector.extract %slice3A_1098[0] : f32 from vector<1xf32>
      %max3A_1100 = vector.broadcast %squeeze3A_1099 : f32 to vector<16xf32>
      %max3A_1101 = arith.maximumf %select_n3A_400, %max3A_1100 : vector<16xf32>
      %slice3A_1102 = vector.extract_strided_slice %add3A_316 {offsets = [13], sizes = [1], strides = [1]} : vector<16xf32> to vector<1xf32>
      %squeeze3A_1103 = vector.extract %slice3A_1102[0] : f32 from vector<1xf32>
      %min3A_1104 = vector.broadcast %squeeze3A_1103 : f32 to vector<16xf32>
      %min3A_1105 = arith.minimumf %select_n3A_401, %min3A_1104 : vector<16xf32>
      %lt3A_1106 = arith.cmpf olt, %max3A_1093, %min3A_1097 : vector<16xf32>
      %lt3A_1107 = arith.cmpf olt, %max3A_1101, %min3A_1105 : vector<16xf32>
      %and3A_1108 = arith.andi %lt3A_1106, %lt3A_1107 : vector<16xi1>
      %sub3A_1109 = arith.subf %min3A_1097, %max3A_1093 : vector<16xf32>
      %sub3A_1110 = arith.subf %min3A_1105, %max3A_1101 : vector<16xf32>
      %mul3A_1111 = arith.mulf %sub3A_1109, %sub3A_1110 : vector<16xf32>
      %jit3A_1112 = arith.constant 0.000000e+00 : f32
      %broadcast_in_dim3A_1113 = vector.broadcast %jit3A_1112 : f32 to vector<16xf32>
      %select_n3A_1114 = arith.select %and3A_1108, %mul3A_1111, %broadcast_in_dim3A_1113 : vector<16xi1>, vector<16xf32>
      %slice3A_1115 = vector.extract_strided_slice %mul3A_317 {offsets = [13], sizes = [1], strides = [1]} : vector<16xf32> to vector<1xf32>
      %squeeze3A_1116 = vector.extract %slice3A_1115[0] : f32 from vector<1xf32>
      %add3A_1117 = vector.broadcast %squeeze3A_1116 : f32 to vector<16xf32>
      %add3A_1118 = arith.addf %select_n3A_402, %add3A_1117 : vector<16xf32>
      %sub3A_1119 = arith.subf %add3A_1118, %select_n3A_1114 : vector<16xf32>
      %div3A_1120 = arith.divf %select_n3A_1114, %sub3A_1119 : vector<16xf32>
      %lt3A_1121 = arith.constant 1.300000e+01 : f32
      %lt3A_1122 = arith.cmpf olt, %lt3A_1121, %add3A_120 : f32
      %select_n3A_1123 = arith.select %lt3A_1122, %div3A_1120, %broadcast_in_dim3A_7 : vector<16xf32>
      %max3A_1124 = arith.maximumf %max3A_1072, %select_n3A_1123 : vector<16xf32>
      %slice3A_1125 = vector.extract_strided_slice %convert_element_type3A_412 {offsets = [13], sizes = [1], strides = [1]} : vector<16xf32> to vector<1xf32>
      %squeeze3A_1126 = vector.extract %slice3A_1125[0] : f32 from vector<1xf32>
      %eq3A_1127 = vector.broadcast %squeeze3A_1126 : f32 to vector<16xf32>
      %eq3A_1128 = arith.cmpf oeq, %convert_element_type3A_412, %eq3A_1127 : vector<16xf32>
      %lt3A_1129 = arith.constant 1.300000e+01 : f32
      %lt3A_1130 = vector.broadcast %lt3A_1129 : f32 to vector<16xf32>
      %lt3A_1131 = arith.cmpf olt, %convert_element_type3A, %lt3A_1130 : vector<16xf32>
      %and3A_1132 = arith.andi %eq3A_1128, %lt3A_1131 : vector<16xi1>
      %jit3A_1133 = arith.constant 1.000000e+00 : f32
      %jit3A_1134 = arith.constant 0.000000e+00 : f32
      %broadcast_in_dim3A_1135 = vector.broadcast %jit3A_1133 : f32 to vector<16xf32>
      %broadcast_in_dim3A_1136 = vector.broadcast %jit3A_1134 : f32 to vector<16xf32>
      %select_n3A_1137 = arith.select %and3A_1132, %broadcast_in_dim3A_1135, %broadcast_in_dim3A_1136 : vector<16xi1>, vector<16xf32>
      %jit3A_1138 = arith.constant 0.000000e+00 : f32
      %broadcast_in_dim3A_1139 = vector.broadcast %jit3A_1138 : f32 to vector<16xf32>
      %select_n3A_1140 = arith.select %lt3A_1122, %select_n3A_1137, %broadcast_in_dim3A_1139 : vector<16xf32>
      %max3A_1141 = arith.maximumf %max3A_1089, %select_n3A_1140 : vector<16xf32>
      %slice3A_1142 = vector.extract_strided_slice %sub3A {offsets = [14], sizes = [1], strides = [1]} : vector<16xf32> to vector<1xf32>
      %squeeze3A_1143 = vector.extract %slice3A_1142[0] : f32 from vector<1xf32>
      %max3A_1144 = vector.broadcast %squeeze3A_1143 : f32 to vector<16xf32>
      %max3A_1145 = arith.maximumf %select_n3A_398, %max3A_1144 : vector<16xf32>
      %slice3A_1146 = vector.extract_strided_slice %add3A_308 {offsets = [14], sizes = [1], strides = [1]} : vector<16xf32> to vector<1xf32>
      %squeeze3A_1147 = vector.extract %slice3A_1146[0] : f32 from vector<1xf32>
      %min3A_1148 = vector.broadcast %squeeze3A_1147 : f32 to vector<16xf32>
      %min3A_1149 = arith.minimumf %select_n3A_399, %min3A_1148 : vector<16xf32>
      %slice3A_1150 = vector.extract_strided_slice %sub3A_312 {offsets = [14], sizes = [1], strides = [1]} : vector<16xf32> to vector<1xf32>
      %squeeze3A_1151 = vector.extract %slice3A_1150[0] : f32 from vector<1xf32>
      %max3A_1152 = vector.broadcast %squeeze3A_1151 : f32 to vector<16xf32>
      %max3A_1153 = arith.maximumf %select_n3A_400, %max3A_1152 : vector<16xf32>
      %slice3A_1154 = vector.extract_strided_slice %add3A_316 {offsets = [14], sizes = [1], strides = [1]} : vector<16xf32> to vector<1xf32>
      %squeeze3A_1155 = vector.extract %slice3A_1154[0] : f32 from vector<1xf32>
      %min3A_1156 = vector.broadcast %squeeze3A_1155 : f32 to vector<16xf32>
      %min3A_1157 = arith.minimumf %select_n3A_401, %min3A_1156 : vector<16xf32>
      %lt3A_1158 = arith.cmpf olt, %max3A_1145, %min3A_1149 : vector<16xf32>
      %lt3A_1159 = arith.cmpf olt, %max3A_1153, %min3A_1157 : vector<16xf32>
      %and3A_1160 = arith.andi %lt3A_1158, %lt3A_1159 : vector<16xi1>
      %sub3A_1161 = arith.subf %min3A_1149, %max3A_1145 : vector<16xf32>
      %sub3A_1162 = arith.subf %min3A_1157, %max3A_1153 : vector<16xf32>
      %mul3A_1163 = arith.mulf %sub3A_1161, %sub3A_1162 : vector<16xf32>
      %jit3A_1164 = arith.constant 0.000000e+00 : f32
      %broadcast_in_dim3A_1165 = vector.broadcast %jit3A_1164 : f32 to vector<16xf32>
      %select_n3A_1166 = arith.select %and3A_1160, %mul3A_1163, %broadcast_in_dim3A_1165 : vector<16xi1>, vector<16xf32>
      %slice3A_1167 = vector.extract_strided_slice %mul3A_317 {offsets = [14], sizes = [1], strides = [1]} : vector<16xf32> to vector<1xf32>
      %squeeze3A_1168 = vector.extract %slice3A_1167[0] : f32 from vector<1xf32>
      %add3A_1169 = vector.broadcast %squeeze3A_1168 : f32 to vector<16xf32>
      %add3A_1170 = arith.addf %select_n3A_402, %add3A_1169 : vector<16xf32>
      %sub3A_1171 = arith.subf %add3A_1170, %select_n3A_1166 : vector<16xf32>
      %div3A_1172 = arith.divf %select_n3A_1166, %sub3A_1171 : vector<16xf32>
      %lt3A_1173 = arith.constant 1.400000e+01 : f32
      %lt3A_1174 = arith.cmpf olt, %lt3A_1173, %add3A_120 : f32
      %select_n3A_1175 = arith.select %lt3A_1174, %div3A_1172, %broadcast_in_dim3A_7 : vector<16xf32>
      %max3A_1176 = arith.maximumf %max3A_1124, %select_n3A_1175 : vector<16xf32>
      %slice3A_1177 = vector.extract_strided_slice %convert_element_type3A_412 {offsets = [14], sizes = [1], strides = [1]} : vector<16xf32> to vector<1xf32>
      %squeeze3A_1178 = vector.extract %slice3A_1177[0] : f32 from vector<1xf32>
      %eq3A_1179 = vector.broadcast %squeeze3A_1178 : f32 to vector<16xf32>
      %eq3A_1180 = arith.cmpf oeq, %convert_element_type3A_412, %eq3A_1179 : vector<16xf32>
      %lt3A_1181 = arith.constant 1.400000e+01 : f32
      %lt3A_1182 = vector.broadcast %lt3A_1181 : f32 to vector<16xf32>
      %lt3A_1183 = arith.cmpf olt, %convert_element_type3A, %lt3A_1182 : vector<16xf32>
      %and3A_1184 = arith.andi %eq3A_1180, %lt3A_1183 : vector<16xi1>
      %jit3A_1185 = arith.constant 1.000000e+00 : f32
      %jit3A_1186 = arith.constant 0.000000e+00 : f32
      %broadcast_in_dim3A_1187 = vector.broadcast %jit3A_1185 : f32 to vector<16xf32>
      %broadcast_in_dim3A_1188 = vector.broadcast %jit3A_1186 : f32 to vector<16xf32>
      %select_n3A_1189 = arith.select %and3A_1184, %broadcast_in_dim3A_1187, %broadcast_in_dim3A_1188 : vector<16xi1>, vector<16xf32>
      %jit3A_1190 = arith.constant 0.000000e+00 : f32
      %broadcast_in_dim3A_1191 = vector.broadcast %jit3A_1190 : f32 to vector<16xf32>
      %select_n3A_1192 = arith.select %lt3A_1174, %select_n3A_1189, %broadcast_in_dim3A_1191 : vector<16xf32>
      %max3A_1193 = arith.maximumf %max3A_1141, %select_n3A_1192 : vector<16xf32>
      %slice3A_1194 = vector.extract_strided_slice %sub3A {offsets = [15], sizes = [1], strides = [1]} : vector<16xf32> to vector<1xf32>
      %squeeze3A_1195 = vector.extract %slice3A_1194[0] : f32 from vector<1xf32>
      %max3A_1196 = vector.broadcast %squeeze3A_1195 : f32 to vector<16xf32>
      %max3A_1197 = arith.maximumf %select_n3A_398, %max3A_1196 : vector<16xf32>
      %slice3A_1198 = vector.extract_strided_slice %add3A_308 {offsets = [15], sizes = [1], strides = [1]} : vector<16xf32> to vector<1xf32>
      %squeeze3A_1199 = vector.extract %slice3A_1198[0] : f32 from vector<1xf32>
      %min3A_1200 = vector.broadcast %squeeze3A_1199 : f32 to vector<16xf32>
      %min3A_1201 = arith.minimumf %select_n3A_399, %min3A_1200 : vector<16xf32>
      %slice3A_1202 = vector.extract_strided_slice %sub3A_312 {offsets = [15], sizes = [1], strides = [1]} : vector<16xf32> to vector<1xf32>
      %squeeze3A_1203 = vector.extract %slice3A_1202[0] : f32 from vector<1xf32>
      %max3A_1204 = vector.broadcast %squeeze3A_1203 : f32 to vector<16xf32>
      %max3A_1205 = arith.maximumf %select_n3A_400, %max3A_1204 : vector<16xf32>
      %slice3A_1206 = vector.extract_strided_slice %add3A_316 {offsets = [15], sizes = [1], strides = [1]} : vector<16xf32> to vector<1xf32>
      %squeeze3A_1207 = vector.extract %slice3A_1206[0] : f32 from vector<1xf32>
      %min3A_1208 = vector.broadcast %squeeze3A_1207 : f32 to vector<16xf32>
      %min3A_1209 = arith.minimumf %select_n3A_401, %min3A_1208 : vector<16xf32>
      %lt3A_1210 = arith.cmpf olt, %max3A_1197, %min3A_1201 : vector<16xf32>
      %lt3A_1211 = arith.cmpf olt, %max3A_1205, %min3A_1209 : vector<16xf32>
      %and3A_1212 = arith.andi %lt3A_1210, %lt3A_1211 : vector<16xi1>
      %sub3A_1213 = arith.subf %min3A_1201, %max3A_1197 : vector<16xf32>
      %sub3A_1214 = arith.subf %min3A_1209, %max3A_1205 : vector<16xf32>
      %mul3A_1215 = arith.mulf %sub3A_1213, %sub3A_1214 : vector<16xf32>
      %jit3A_1216 = arith.constant 0.000000e+00 : f32
      %broadcast_in_dim3A_1217 = vector.broadcast %jit3A_1216 : f32 to vector<16xf32>
      %select_n3A_1218 = arith.select %and3A_1212, %mul3A_1215, %broadcast_in_dim3A_1217 : vector<16xi1>, vector<16xf32>
      %slice3A_1219 = vector.extract_strided_slice %mul3A_317 {offsets = [15], sizes = [1], strides = [1]} : vector<16xf32> to vector<1xf32>
      %squeeze3A_1220 = vector.extract %slice3A_1219[0] : f32 from vector<1xf32>
      %add3A_1221 = vector.broadcast %squeeze3A_1220 : f32 to vector<16xf32>
      %add3A_1222 = arith.addf %select_n3A_402, %add3A_1221 : vector<16xf32>
      %sub3A_1223 = arith.subf %add3A_1222, %select_n3A_1218 : vector<16xf32>
      %div3A_1224 = arith.divf %select_n3A_1218, %sub3A_1223 : vector<16xf32>
      %lt3A_1225 = arith.constant 1.500000e+01 : f32
      %lt3A_1226 = arith.cmpf olt, %lt3A_1225, %add3A_120 : f32
      %select_n3A_1227 = arith.select %lt3A_1226, %div3A_1224, %broadcast_in_dim3A_7 : vector<16xf32>
      %max3A_1228 = arith.maximumf %max3A_1176, %select_n3A_1227 : vector<16xf32>
      %slice3A_1229 = vector.extract_strided_slice %convert_element_type3A_412 {offsets = [15], sizes = [1], strides = [1]} : vector<16xf32> to vector<1xf32>
      %squeeze3A_1230 = vector.extract %slice3A_1229[0] : f32 from vector<1xf32>
      %eq3A_1231 = vector.broadcast %squeeze3A_1230 : f32 to vector<16xf32>
      %eq3A_1232 = arith.cmpf oeq, %convert_element_type3A_412, %eq3A_1231 : vector<16xf32>
      %lt3A_1233 = arith.constant 1.500000e+01 : f32
      %lt3A_1234 = vector.broadcast %lt3A_1233 : f32 to vector<16xf32>
      %lt3A_1235 = arith.cmpf olt, %convert_element_type3A, %lt3A_1234 : vector<16xf32>
      %and3A_1236 = arith.andi %eq3A_1232, %lt3A_1235 : vector<16xi1>
      %jit3A_1237 = arith.constant 1.000000e+00 : f32
      %jit3A_1238 = arith.constant 0.000000e+00 : f32
      %broadcast_in_dim3A_1239 = vector.broadcast %jit3A_1237 : f32 to vector<16xf32>
      %broadcast_in_dim3A_1240 = vector.broadcast %jit3A_1238 : f32 to vector<16xf32>
      %select_n3A_1241 = arith.select %and3A_1236, %broadcast_in_dim3A_1239, %broadcast_in_dim3A_1240 : vector<16xi1>, vector<16xf32>
      %jit3A_1242 = arith.constant 0.000000e+00 : f32
      %broadcast_in_dim3A_1243 = vector.broadcast %jit3A_1242 : f32 to vector<16xf32>
      %select_n3A_1244 = arith.select %lt3A_1226, %select_n3A_1241, %broadcast_in_dim3A_1243 : vector<16xf32>
      %max3A_1245 = arith.maximumf %max3A_1193, %select_n3A_1244 : vector<16xf32>
      %sub3A_1246 = arith.constant 1.000000e+00 : f32
      %sub3A_1247 = vector.broadcast %sub3A_1246 : f32 to vector<16xf32>
      %sub3A_1248 = arith.subf %sub3A_1247, %max3A_1245 : vector<16xf32>
      %mul3A_1249 = arith.mulf %select_n3A_126, %sub3A_1248 : vector<16xf32>
      %select_n3A_1250 = arith.select %gt3A_397, %div3A_301, %div3A_284 : vector<16xi1>, vector<16xf32>
      %gt3A_1251 = arith.constant 5.000000e-01 : f32
      %gt3A_1252 = vector.broadcast %gt3A_1251 : f32 to vector<16xf32>
      %gt3A_1253 = arith.cmpf ogt, %mul3A_1249, %gt3A_1252 : vector<16xf32>
      %jit3A_1254 = arith.constant 0.000000e+00 : f32
      %broadcast_in_dim3A_1255 = vector.broadcast %jit3A_1254 : f32 to vector<16xf32>
      %select_n3A_1256 = arith.select %gt3A_1253, %max3A_1228, %broadcast_in_dim3A_1255 : vector<16xi1>, vector<16xf32>
      %select_n3A_1257 = arith.select %gt3A_397, %div3A_216, %div3A_148 : vector<16xi1>, vector<16xf32>
      %select_n3A_1258 = arith.select %gt3A_397, %div3A_233, %div3A_165 : vector<16xi1>, vector<16xf32>
      %select_n3A_1259 = arith.select %gt3A_397, %div3A_250, %div3A_182 : vector<16xi1>, vector<16xf32>
      %select_n3A_1260 = arith.select %gt3A_397, %div3A_267, %div3A_199 : vector<16xi1>, vector<16xf32>
      %mul3A_1261 = arith.constant 112 : i32
      %mul3A_1262 = arith.muli %scan3A_26, %mul3A_1261 : i32
      %add3A_1263 = arith.constant 0 : i32
      %add3A_1264 = arith.addi %mul3A_1262, %add3A_1263 : i32
      %swap3A = arith.index_cast %add3A_1264 : i32 to index
      %swap3A_1265 = tpu.vector_load %arg7[%swap3A] {strides = array<i32>} : memref<1792xf32, #tpu.memory_space<vmem>>, vector<16xf32>,
      %swap3A_1266 = vector.shape_cast %swap3A_1265 : vector<16xf32> to vector<16xf32>
      %swap3A_1267 = vector.shape_cast %mul3A_1249 : vector<16xf32> to vector<16xf32>
      tpu.vector_store %arg7[%swap3A], %swap3A_1267 {strides = array<i32>} : memref<1792xf32, #tpu.memory_space<vmem>>, vector<16xf32>,
      %add3A_1268 = arith.constant 16 : i32
      %add3A_1269 = arith.addi %mul3A_1262, %add3A_1268 : i32
      %swap3A_1270 = arith.index_cast %add3A_1269 : i32 to index
      %swap3A_1271 = tpu.vector_load %arg7[%swap3A_1270] {strides = array<i32>} : memref<1792xf32, #tpu.memory_space<vmem>>, vector<16xf32>,
      %swap3A_1272 = vector.shape_cast %swap3A_1271 : vector<16xf32> to vector<16xf32>
      %swap3A_1273 = vector.shape_cast %select_n3A_1256 : vector<16xf32> to vector<16xf32>
      tpu.vector_store %arg7[%swap3A_1270], %swap3A_1273 {strides = array<i32>} : memref<1792xf32, #tpu.memory_space<vmem>>, vector<16xf32>,
      %add3A_1274 = arith.constant 32 : i32
      %add3A_1275 = arith.addi %mul3A_1262, %add3A_1274 : i32
      %swap3A_1276 = arith.index_cast %add3A_1275 : i32 to index
      %swap3A_1277 = tpu.vector_load %arg7[%swap3A_1276] {strides = array<i32>} : memref<1792xf32, #tpu.memory_space<vmem>>, vector<16xf32>,
      %swap3A_1278 = vector.shape_cast %swap3A_1277 : vector<16xf32> to vector<16xf32>
      %swap3A_1279 = vector.shape_cast %select_n3A_1250 : vector<16xf32> to vector<16xf32>
      tpu.vector_store %arg7[%swap3A_1276], %swap3A_1279 {strides = array<i32>} : memref<1792xf32, #tpu.memory_space<vmem>>, vector<16xf32>,
      %add3A_1280 = arith.constant 48 : i32
      %add3A_1281 = arith.addi %mul3A_1262, %add3A_1280 : i32
      %swap3A_1282 = arith.index_cast %add3A_1281 : i32 to index
      %swap3A_1283 = tpu.vector_load %arg7[%swap3A_1282] {strides = array<i32>} : memref<1792xf32, #tpu.memory_space<vmem>>, vector<16xf32>,
      %swap3A_1284 = vector.shape_cast %swap3A_1283 : vector<16xf32> to vector<16xf32>
      %swap3A_1285 = vector.shape_cast %select_n3A_1257 : vector<16xf32> to vector<16xf32>
      tpu.vector_store %arg7[%swap3A_1282], %swap3A_1285 {strides = array<i32>} : memref<1792xf32, #tpu.memory_space<vmem>>, vector<16xf32>,
      %add3A_1286 = arith.constant 64 : i32
      %add3A_1287 = arith.addi %mul3A_1262, %add3A_1286 : i32
      %swap3A_1288 = arith.index_cast %add3A_1287 : i32 to index
      %swap3A_1289 = tpu.vector_load %arg7[%swap3A_1288] {strides = array<i32>} : memref<1792xf32, #tpu.memory_space<vmem>>, vector<16xf32>,
      %swap3A_1290 = vector.shape_cast %swap3A_1289 : vector<16xf32> to vector<16xf32>
      %swap3A_1291 = vector.shape_cast %select_n3A_1258 : vector<16xf32> to vector<16xf32>
      tpu.vector_store %arg7[%swap3A_1288], %swap3A_1291 {strides = array<i32>} : memref<1792xf32, #tpu.memory_space<vmem>>, vector<16xf32>,
      %add3A_1292 = arith.constant 80 : i32
      %add3A_1293 = arith.addi %mul3A_1262, %add3A_1292 : i32
      %swap3A_1294 = arith.index_cast %add3A_1293 : i32 to index
      %swap3A_1295 = tpu.vector_load %arg7[%swap3A_1294] {strides = array<i32>} : memref<1792xf32, #tpu.memory_space<vmem>>, vector<16xf32>,
      %swap3A_1296 = vector.shape_cast %swap3A_1295 : vector<16xf32> to vector<16xf32>
      %swap3A_1297 = vector.shape_cast %select_n3A_1259 : vector<16xf32> to vector<16xf32>
      tpu.vector_store %arg7[%swap3A_1294], %swap3A_1297 {strides = array<i32>} : memref<1792xf32, #tpu.memory_space<vmem>>, vector<16xf32>,
      %add3A_1298 = arith.constant 96 : i32
      %add3A_1299 = arith.addi %mul3A_1262, %add3A_1298 : i32
      %swap3A_1300 = arith.index_cast %add3A_1299 : i32 to index
      %swap3A_1301 = tpu.vector_load %arg7[%swap3A_1300] {strides = array<i32>} : memref<1792xf32, #tpu.memory_space<vmem>>, vector<16xf32>,
      %swap3A_1302 = vector.shape_cast %swap3A_1301 : vector<16xf32> to vector<16xf32>
      %swap3A_1303 = vector.shape_cast %select_n3A_1260 : vector<16xf32> to vector<16xf32>
      tpu.vector_store %arg7[%swap3A_1300], %swap3A_1303 {strides = array<i32>} : memref<1792xf32, #tpu.memory_space<vmem>>, vector<16xf32>,
    }
    %scan3A_21 = arith.constant 16 : i32
    %mul3A_22 = arith.constant 7 : i32
    %mul3A_23 = arith.muli %mul3A_2, %mul3A_22 : i32
    %mul3A_24 = arith.constant 16 : i32
    %mul3A_25 = arith.muli %mul3A_23, %mul3A_24 : i32
    "tpu.region"() ({
      %run_scoped3A = tpu.sem_alloc : memref<!tpu.dma_semaphore, #tpu.memory_space<semaphore_mem>>
      %dma_start3A = tpu.memref_slice %arg4[%mul3A_25] : memref<57344xf32, #tpu.memory_space<hbm>> -> memref<1792xf32, #tpu.memory_space<hbm>>
      %dma_start3A_26 = tpu.memref_slice %arg4[%mul3A_25] : memref<57344xf32, #tpu.memory_space<hbm>> -> memref<1792xf32, #tpu.memory_space<hbm>>
      tpu.enqueue_dma source(%arg7 : memref<1792xf32, #tpu.memory_space<vmem>>) target(%dma_start3A_26 : memref<1792xf32, #tpu.memory_space<hbm>>) target_semaphore(%run_scoped3A : memref<!tpu.dma_semaphore, #tpu.memory_space<semaphore_mem>>)
      %dma_wait3A_27 = tpu.memref_slice %arg4[%mul3A_25] : memref<57344xf32, #tpu.memory_space<hbm>> -> memref<1792xf32, #tpu.memory_space<hbm>>
      %dma_wait3A_28 = tpu.memref_slice %arg4[%mul3A_25] : memref<57344xf32, #tpu.memory_space<hbm>> -> memref<1792xf32, #tpu.memory_space<hbm>>
      tpu.wait_dma2 semaphore(%run_scoped3A : memref<!tpu.dma_semaphore, #tpu.memory_space<semaphore_mem>>) src(%arg7 : memref<1792xf32, #tpu.memory_space<vmem>>) dst(%dma_wait3A_28 : memref<1792xf32, #tpu.memory_space<hbm>>)
      tpu.yield
    }) : () -> ()
    return
  }
}

module attributes {stable_mosaic.version = 14 : i64} {
  func.func @_tc1_kernel(%arg0: i32, %arg1: memref<30x49x128xf32, #tpu.memory_space<vmem>>, %arg2: memref<16x5x128xf32, #tpu.memory_space<vmem>>, %arg3: memref<1x1xf32, #tpu.memory_space<smem>>, %arg4: memref<1x128xf32, #tpu.memory_space<vmem>>) attributes {dimension_semantics = [#tpu.dimension_semantics<arbitrary>], iteration_bounds = array<i64: 4>, scalar_prefetch = 0 : i64, scratch_operands = 0 : i64, tpu.core_type = #tpu.core_type<tc>, window_params = [{transform_indices = @transform_0, window_bounds = array<i64: 30, 49, 128>}, {transform_indices = @transform_1, window_bounds = array<i64: 16, 5, 128>}, {transform_indices = @transform_2, window_bounds = array<i64: 1, 1>}, {transform_indices = @transform_3, window_bounds = array<i64: 1, 128>}]} {
    %iota3A = tpu.iota {dimensions = array<i32: 0>} : vector<49x1xi32>
    %convert_element_type3A = arith.sitofp %iota3A : vector<49x1xi32> to vector<49x1xf32>
    %jit3A = arith.constant 7 : i32
    %convert_element_type3A_0 = arith.sitofp %jit3A : i32 to f32
    %rem3A = vector.broadcast %convert_element_type3A_0 : f32 to vector<49x1xf32>
    %rem3A_1 = arith.remf %convert_element_type3A, %rem3A : vector<49x1xf32>
    %ne3A = arith.constant 0.000000e+00 : f32
    %ne3A_2 = vector.broadcast %ne3A : f32 to vector<49x1xf32>
    %ne3A_3 = arith.cmpf one, %rem3A_1, %ne3A_2 : vector<49x1xf32>
    %lt3A = arith.constant 0.000000e+00 : f32
    %lt3A_4 = vector.broadcast %lt3A : f32 to vector<49x1xf32>
    %lt3A_5 = arith.cmpf olt, %rem3A_1, %lt3A_4 : vector<49x1xf32>
    %lt3A_6 = arith.constant 0.000000e+00 : f32
    %lt3A_7 = arith.cmpf olt, %convert_element_type3A_0, %lt3A_6 : f32
    %ne3A_8 = vector.broadcast %lt3A_7 : i1 to vector<49x1xi1>
    %ne3A_9 = vector.broadcast %ne3A_8 : vector<49x1xi1> to vector<49x1xi1>
    %ne3A_10 = arith.xori %lt3A_5, %ne3A_9 : vector<49x1xi1>
    %and3A = arith.andi %ne3A_10, %ne3A_3 : vector<49x1xi1>
    %add3A = vector.broadcast %convert_element_type3A_0 : f32 to vector<49x1xf32>
    %add3A_11 = arith.addf %rem3A_1, %add3A : vector<49x1xf32>
    %select_n3A = arith.select %and3A, %add3A_11, %rem3A_1 : vector<49x1xi1>, vector<49x1xf32>
    %div3A = arith.constant 7.000000e+00 : f32
    %div3A_12 = vector.broadcast %div3A : f32 to vector<49x1xf32>
    %div3A_13 = arith.divf %convert_element_type3A, %div3A_12 : vector<49x1xf32>
    %floor3A = math.floor %div3A_13 : vector<49x1xf32>
    %get3A = arith.constant 0 : index
    %get3A_14 = arith.constant 0 : index
    %get3A_15 = arith.constant 0 : index
    %get3A_16 = vector.load %arg1[%get3A, %get3A_14, %get3A_15] : memref<30x49x128xf32, #tpu.memory_space<vmem>>, vector<1x49x128xf32>
    %get3A_17 = vector.shape_cast %get3A_16 : vector<1x49x128xf32> to vector<49x128xf32>
    %neg3A = arith.constant 0.000000e+00 : f32
    %neg3A_18 = vector.broadcast %neg3A : f32 to vector<49x128xf32>
    %neg3A_19 = arith.subf %neg3A_18, %get3A_17 : vector<49x128xf32>
    %exp3A = math.exp %neg3A_19 : vector<49x128xf32>
    %add3A_20 = arith.constant 1.000000e+00 : f32
    %add3A_21 = vector.broadcast %add3A_20 : f32 to vector<49x128xf32>
    %add3A_22 = arith.addf %add3A_21, %exp3A : vector<49x128xf32>
    %div3A_23 = arith.constant 1.000000e+00 : f32
    %div3A_24 = vector.broadcast %div3A_23 : f32 to vector<49x128xf32>
    %div3A_25 = arith.divf %div3A_24, %add3A_22 : vector<49x128xf32>
    %add3A_26 = vector.broadcast %select_n3A : vector<49x1xf32> to vector<49x128xf32>
    %add3A_27 = arith.addf %div3A_25, %add3A_26 : vector<49x128xf32>
    %get3A_28 = arith.constant 1 : index
    %get3A_29 = arith.constant 0 : index
    %get3A_30 = arith.constant 0 : index
    %get3A_31 = vector.load %arg1[%get3A_28, %get3A_29, %get3A_30] : memref<30x49x128xf32, #tpu.memory_space<vmem>>, vector<1x49x128xf32>
    %get3A_32 = vector.shape_cast %get3A_31 : vector<1x49x128xf32> to vector<49x128xf32>
    %neg3A_33 = arith.constant 0.000000e+00 : f32
    %neg3A_34 = vector.broadcast %neg3A_33 : f32 to vector<49x128xf32>
    %neg3A_35 = arith.subf %neg3A_34, %get3A_32 : vector<49x128xf32>
    %exp3A_36 = math.exp %neg3A_35 : vector<49x128xf32>
    %add3A_37 = arith.constant 1.000000e+00 : f32
    %add3A_38 = vector.broadcast %add3A_37 : f32 to vector<49x128xf32>
    %add3A_39 = arith.addf %add3A_38, %exp3A_36 : vector<49x128xf32>
    %div3A_40 = arith.constant 1.000000e+00 : f32
    %div3A_41 = vector.broadcast %div3A_40 : f32 to vector<49x128xf32>
    %div3A_42 = arith.divf %div3A_41, %add3A_39 : vector<49x128xf32>
    %add3A_43 = vector.broadcast %floor3A : vector<49x1xf32> to vector<49x128xf32>
    %add3A_44 = arith.addf %div3A_42, %add3A_43 : vector<49x128xf32>
    %get3A_45 = arith.constant 2 : index
    %get3A_46 = arith.constant 0 : index
    %get3A_47 = arith.constant 0 : index
    %get3A_48 = vector.load %arg1[%get3A_45, %get3A_46, %get3A_47] : memref<30x49x128xf32, #tpu.memory_space<vmem>>, vector<1x49x128xf32>
    %get3A_49 = vector.shape_cast %get3A_48 : vector<1x49x128xf32> to vector<49x128xf32>
    %neg3A_50 = arith.constant 0.000000e+00 : f32
    %neg3A_51 = vector.broadcast %neg3A_50 : f32 to vector<49x128xf32>
    %neg3A_52 = arith.subf %neg3A_51, %get3A_49 : vector<49x128xf32>
    %exp3A_53 = math.exp %neg3A_52 : vector<49x128xf32>
    %add3A_54 = arith.constant 1.000000e+00 : f32
    %add3A_55 = vector.broadcast %add3A_54 : f32 to vector<49x128xf32>
    %add3A_56 = arith.addf %add3A_55, %exp3A_53 : vector<49x128xf32>
    %div3A_57 = arith.constant 1.000000e+00 : f32
    %div3A_58 = vector.broadcast %div3A_57 : f32 to vector<49x128xf32>
    %div3A_59 = arith.divf %div3A_58, %add3A_56 : vector<49x128xf32>
    %mul3A = arith.constant 7.000000e+00 : f32
    %mul3A_60 = vector.broadcast %mul3A : f32 to vector<49x128xf32>
    %mul3A_61 = arith.mulf %div3A_59, %mul3A_60 : vector<49x128xf32>
    %get3A_62 = arith.constant 3 : index
    %get3A_63 = arith.constant 0 : index
    %get3A_64 = arith.constant 0 : index
    %get3A_65 = vector.load %arg1[%get3A_62, %get3A_63, %get3A_64] : memref<30x49x128xf32, #tpu.memory_space<vmem>>, vector<1x49x128xf32>
    %get3A_66 = vector.shape_cast %get3A_65 : vector<1x49x128xf32> to vector<49x128xf32>
    %neg3A_67 = arith.constant 0.000000e+00 : f32
    %neg3A_68 = vector.broadcast %neg3A_67 : f32 to vector<49x128xf32>
    %neg3A_69 = arith.subf %neg3A_68, %get3A_66 : vector<49x128xf32>
    %exp3A_70 = math.exp %neg3A_69 : vector<49x128xf32>
    %add3A_71 = arith.constant 1.000000e+00 : f32
    %add3A_72 = vector.broadcast %add3A_71 : f32 to vector<49x128xf32>
    %add3A_73 = arith.addf %add3A_72, %exp3A_70 : vector<49x128xf32>
    %div3A_74 = arith.constant 1.000000e+00 : f32
    %div3A_75 = vector.broadcast %div3A_74 : f32 to vector<49x128xf32>
    %div3A_76 = arith.divf %div3A_75, %add3A_73 : vector<49x128xf32>
    %mul3A_77 = arith.constant 7.000000e+00 : f32
    %mul3A_78 = vector.broadcast %mul3A_77 : f32 to vector<49x128xf32>
    %mul3A_79 = arith.mulf %div3A_76, %mul3A_78 : vector<49x128xf32>
    %mul3A_80 = arith.constant 5.000000e-01 : f32
    %mul3A_81 = vector.broadcast %mul3A_80 : f32 to vector<49x128xf32>
    %mul3A_82 = arith.mulf %mul3A_61, %mul3A_81 : vector<49x128xf32>
    %sub3A = arith.subf %add3A_27, %mul3A_82 : vector<49x128xf32>
    %mul3A_83 = arith.constant 5.000000e-01 : f32
    %mul3A_84 = vector.broadcast %mul3A_83 : f32 to vector<49x128xf32>
    %mul3A_85 = arith.mulf %mul3A_61, %mul3A_84 : vector<49x128xf32>
    %add3A_86 = arith.addf %add3A_27, %mul3A_85 : vector<49x128xf32>
    %mul3A_87 = arith.constant 5.000000e-01 : f32
    %mul3A_88 = vector.broadcast %mul3A_87 : f32 to vector<49x128xf32>
    %mul3A_89 = arith.mulf %mul3A_79, %mul3A_88 : vector<49x128xf32>
    %sub3A_90 = arith.subf %add3A_44, %mul3A_89 : vector<49x128xf32>
    %mul3A_91 = arith.constant 5.000000e-01 : f32
    %mul3A_92 = vector.broadcast %mul3A_91 : f32 to vector<49x128xf32>
    %mul3A_93 = arith.mulf %mul3A_79, %mul3A_92 : vector<49x128xf32>
    %add3A_94 = arith.addf %add3A_44, %mul3A_93 : vector<49x128xf32>
    %mul3A_95 = arith.mulf %mul3A_61, %mul3A_79 : vector<49x128xf32>
    %get3A_96 = arith.constant 8 : index
    %get3A_97 = arith.constant 0 : index
    %get3A_98 = arith.constant 0 : index
    %get3A_99 = vector.load %arg1[%get3A_96, %get3A_97, %get3A_98] : memref<30x49x128xf32, #tpu.memory_space<vmem>>, vector<1x49x128xf32>
    %get3A_100 = vector.shape_cast %get3A_99 : vector<1x49x128xf32> to vector<49x128xf32>
    %neg3A_101 = arith.constant 0.000000e+00 : f32
    %neg3A_102 = vector.broadcast %neg3A_101 : f32 to vector<49x128xf32>
    %neg3A_103 = arith.subf %neg3A_102, %get3A_100 : vector<49x128xf32>
    %exp3A_104 = math.exp %neg3A_103 : vector<49x128xf32>
    %add3A_105 = arith.constant 1.000000e+00 : f32
    %add3A_106 = vector.broadcast %add3A_105 : f32 to vector<49x128xf32>
    %add3A_107 = arith.addf %add3A_106, %exp3A_104 : vector<49x128xf32>
    %div3A_108 = arith.constant 1.000000e+00 : f32
    %div3A_109 = vector.broadcast %div3A_108 : f32 to vector<49x128xf32>
    %div3A_110 = arith.divf %div3A_109, %add3A_107 : vector<49x128xf32>
    %get3A_111 = arith.constant 4 : index
    %get3A_112 = arith.constant 0 : index
    %get3A_113 = arith.constant 0 : index
    %get3A_114 = vector.load %arg1[%get3A_111, %get3A_112, %get3A_113] : memref<30x49x128xf32, #tpu.memory_space<vmem>>, vector<1x49x128xf32>
    %get3A_115 = vector.shape_cast %get3A_114 : vector<1x49x128xf32> to vector<49x128xf32>
    %neg3A_116 = arith.constant 0.000000e+00 : f32
    %neg3A_117 = vector.broadcast %neg3A_116 : f32 to vector<49x128xf32>
    %neg3A_118 = arith.subf %neg3A_117, %get3A_115 : vector<49x128xf32>
    %exp3A_119 = math.exp %neg3A_118 : vector<49x128xf32>
    %add3A_120 = arith.constant 1.000000e+00 : f32
    %add3A_121 = vector.broadcast %add3A_120 : f32 to vector<49x128xf32>
    %add3A_122 = arith.addf %add3A_121, %exp3A_119 : vector<49x128xf32>
    %div3A_123 = arith.constant 1.000000e+00 : f32
    %div3A_124 = vector.broadcast %div3A_123 : f32 to vector<49x128xf32>
    %div3A_125 = arith.divf %div3A_124, %add3A_122 : vector<49x128xf32>
    %add3A_126 = vector.broadcast %select_n3A : vector<49x1xf32> to vector<49x128xf32>
    %add3A_127 = arith.addf %div3A_125, %add3A_126 : vector<49x128xf32>
    %get3A_128 = arith.constant 5 : index
    %get3A_129 = arith.constant 0 : index
    %get3A_130 = arith.constant 0 : index
    %get3A_131 = vector.load %arg1[%get3A_128, %get3A_129, %get3A_130] : memref<30x49x128xf32, #tpu.memory_space<vmem>>, vector<1x49x128xf32>
    %get3A_132 = vector.shape_cast %get3A_131 : vector<1x49x128xf32> to vector<49x128xf32>
    %neg3A_133 = arith.constant 0.000000e+00 : f32
    %neg3A_134 = vector.broadcast %neg3A_133 : f32 to vector<49x128xf32>
    %neg3A_135 = arith.subf %neg3A_134, %get3A_132 : vector<49x128xf32>
    %exp3A_136 = math.exp %neg3A_135 : vector<49x128xf32>
    %add3A_137 = arith.constant 1.000000e+00 : f32
    %add3A_138 = vector.broadcast %add3A_137 : f32 to vector<49x128xf32>
    %add3A_139 = arith.addf %add3A_138, %exp3A_136 : vector<49x128xf32>
    %div3A_140 = arith.constant 1.000000e+00 : f32
    %div3A_141 = vector.broadcast %div3A_140 : f32 to vector<49x128xf32>
    %div3A_142 = arith.divf %div3A_141, %add3A_139 : vector<49x128xf32>
    %add3A_143 = vector.broadcast %floor3A : vector<49x1xf32> to vector<49x128xf32>
    %add3A_144 = arith.addf %div3A_142, %add3A_143 : vector<49x128xf32>
    %get3A_145 = arith.constant 6 : index
    %get3A_146 = arith.constant 0 : index
    %get3A_147 = arith.constant 0 : index
    %get3A_148 = vector.load %arg1[%get3A_145, %get3A_146, %get3A_147] : memref<30x49x128xf32, #tpu.memory_space<vmem>>, vector<1x49x128xf32>
    %get3A_149 = vector.shape_cast %get3A_148 : vector<1x49x128xf32> to vector<49x128xf32>
    %neg3A_150 = arith.constant 0.000000e+00 : f32
    %neg3A_151 = vector.broadcast %neg3A_150 : f32 to vector<49x128xf32>
    %neg3A_152 = arith.subf %neg3A_151, %get3A_149 : vector<49x128xf32>
    %exp3A_153 = math.exp %neg3A_152 : vector<49x128xf32>
    %add3A_154 = arith.constant 1.000000e+00 : f32
    %add3A_155 = vector.broadcast %add3A_154 : f32 to vector<49x128xf32>
    %add3A_156 = arith.addf %add3A_155, %exp3A_153 : vector<49x128xf32>
    %div3A_157 = arith.constant 1.000000e+00 : f32
    %div3A_158 = vector.broadcast %div3A_157 : f32 to vector<49x128xf32>
    %div3A_159 = arith.divf %div3A_158, %add3A_156 : vector<49x128xf32>
    %mul3A_160 = arith.constant 7.000000e+00 : f32
    %mul3A_161 = vector.broadcast %mul3A_160 : f32 to vector<49x128xf32>
    %mul3A_162 = arith.mulf %div3A_159, %mul3A_161 : vector<49x128xf32>
    %get3A_163 = arith.constant 7 : index
    %get3A_164 = arith.constant 0 : index
    %get3A_165 = arith.constant 0 : index
    %get3A_166 = vector.load %arg1[%get3A_163, %get3A_164, %get3A_165] : memref<30x49x128xf32, #tpu.memory_space<vmem>>, vector<1x49x128xf32>
    %get3A_167 = vector.shape_cast %get3A_166 : vector<1x49x128xf32> to vector<49x128xf32>
    %neg3A_168 = arith.constant 0.000000e+00 : f32
    %neg3A_169 = vector.broadcast %neg3A_168 : f32 to vector<49x128xf32>
    %neg3A_170 = arith.subf %neg3A_169, %get3A_167 : vector<49x128xf32>
    %exp3A_171 = math.exp %neg3A_170 : vector<49x128xf32>
    %add3A_172 = arith.constant 1.000000e+00 : f32
    %add3A_173 = vector.broadcast %add3A_172 : f32 to vector<49x128xf32>
    %add3A_174 = arith.addf %add3A_173, %exp3A_171 : vector<49x128xf32>
    %div3A_175 = arith.constant 1.000000e+00 : f32
    %div3A_176 = vector.broadcast %div3A_175 : f32 to vector<49x128xf32>
    %div3A_177 = arith.divf %div3A_176, %add3A_174 : vector<49x128xf32>
    %mul3A_178 = arith.constant 7.000000e+00 : f32
    %mul3A_179 = vector.broadcast %mul3A_178 : f32 to vector<49x128xf32>
    %mul3A_180 = arith.mulf %div3A_177, %mul3A_179 : vector<49x128xf32>
    %mul3A_181 = arith.constant 5.000000e-01 : f32
    %mul3A_182 = vector.broadcast %mul3A_181 : f32 to vector<49x128xf32>
    %mul3A_183 = arith.mulf %mul3A_162, %mul3A_182 : vector<49x128xf32>
    %sub3A_184 = arith.subf %add3A_127, %mul3A_183 : vector<49x128xf32>
    %mul3A_185 = arith.constant 5.000000e-01 : f32
    %mul3A_186 = vector.broadcast %mul3A_185 : f32 to vector<49x128xf32>
    %mul3A_187 = arith.mulf %mul3A_162, %mul3A_186 : vector<49x128xf32>
    %add3A_188 = arith.addf %add3A_127, %mul3A_187 : vector<49x128xf32>
    %mul3A_189 = arith.constant 5.000000e-01 : f32
    %mul3A_190 = vector.broadcast %mul3A_189 : f32 to vector<49x128xf32>
    %mul3A_191 = arith.mulf %mul3A_180, %mul3A_190 : vector<49x128xf32>
    %sub3A_192 = arith.subf %add3A_144, %mul3A_191 : vector<49x128xf32>
    %mul3A_193 = arith.constant 5.000000e-01 : f32
    %mul3A_194 = vector.broadcast %mul3A_193 : f32 to vector<49x128xf32>
    %mul3A_195 = arith.mulf %mul3A_180, %mul3A_194 : vector<49x128xf32>
    %add3A_196 = arith.addf %add3A_144, %mul3A_195 : vector<49x128xf32>
    %mul3A_197 = arith.mulf %mul3A_162, %mul3A_180 : vector<49x128xf32>
    %get3A_198 = arith.constant 9 : index
    %get3A_199 = arith.constant 0 : index
    %get3A_200 = arith.constant 0 : index
    %get3A_201 = vector.load %arg1[%get3A_198, %get3A_199, %get3A_200] : memref<30x49x128xf32, #tpu.memory_space<vmem>>, vector<1x49x128xf32>
    %get3A_202 = vector.shape_cast %get3A_201 : vector<1x49x128xf32> to vector<49x128xf32>
    %neg3A_203 = arith.constant 0.000000e+00 : f32
    %neg3A_204 = vector.broadcast %neg3A_203 : f32 to vector<49x128xf32>
    %neg3A_205 = arith.subf %neg3A_204, %get3A_202 : vector<49x128xf32>
    %exp3A_206 = math.exp %neg3A_205 : vector<49x128xf32>
    %add3A_207 = arith.constant 1.000000e+00 : f32
    %add3A_208 = vector.broadcast %add3A_207 : f32 to vector<49x128xf32>
    %add3A_209 = arith.addf %add3A_208, %exp3A_206 : vector<49x128xf32>
    %div3A_210 = arith.constant 1.000000e+00 : f32
    %div3A_211 = vector.broadcast %div3A_210 : f32 to vector<49x128xf32>
    %div3A_212 = arith.divf %div3A_211, %add3A_209 : vector<49x128xf32>
    %get3A_213 = arith.constant 0 : index
    %get3A_214 = arith.constant 0 : index
    %get3A_215 = arith.constant 0 : index
    %get3A_216 = vector.load %arg2[%get3A_213, %get3A_214, %get3A_215] : memref<16x5x128xf32, #tpu.memory_space<vmem>>, vector<16x5x128xf32>
    %reduce_sum3A = arith.constant dense<0.000000e+00> : vector<16x128xf32>
    %reduce_sum3A_217 = vector.multi_reduction <add>, %get3A_216, %reduce_sum3A [1] : vector<16x5x128xf32> to vector<16x128xf32>
    %gt3A = arith.constant 0.000000e+00 : f32
    %gt3A_218 = vector.broadcast %gt3A : f32 to vector<16x128xf32>
    %gt3A_219 = arith.cmpf ogt, %reduce_sum3A_217, %gt3A_218 : vector<16x128xf32>
    %convert_element_type3A_220 = arith.extui %gt3A_219 : vector<16x128xi1> to vector<16x128xi32>
    %convert_element_type3A_221 = arith.sitofp %convert_element_type3A_220 : vector<16x128xi32> to vector<16x128xf32>
    %reduce_sum3A_222 = arith.constant dense<0.000000e+00> : vector<128xf32>
    %reduce_sum3A_223 = vector.multi_reduction <add>, %convert_element_type3A_221, %reduce_sum3A_222 [0] : vector<16x128xf32> to vector<128xf32>
    %broadcast_in_dim3A = vector.shape_cast %reduce_sum3A_223 : vector<128xf32> to vector<1x128xf32>
    %gt3A_224 = arith.constant 0.000000e+00 : f32
    %gt3A_225 = vector.broadcast %gt3A_224 : f32 to vector<1x128xf32>
    %gt3A_226 = arith.cmpf ogt, %broadcast_in_dim3A, %gt3A_225 : vector<1x128xf32>
    %broadcast_in_dim3A_227 = arith.constant 0xFF800000 : f32
    %broadcast_in_dim3A_228 = vector.broadcast %broadcast_in_dim3A_227 : f32 to vector<49x128xf32>
    %broadcast_in_dim3A_229 = arith.constant 0xFF800000 : f32
    %broadcast_in_dim3A_230 = vector.broadcast %broadcast_in_dim3A_229 : f32 to vector<49x128xf32>
    %broadcast_in_dim3A_231 = arith.constant false
    %broadcast_in_dim3A_232 = vector.broadcast %broadcast_in_dim3A_231 : i1 to vector<49x128xi1>
    %broadcast_in_dim3A_233 = arith.constant 0.000000e+00 : f32
    %broadcast_in_dim3A_234 = vector.broadcast %broadcast_in_dim3A_233 : f32 to vector<49x128xf32>
    %get3A_235 = arith.constant 0 : index
    %get3A_236 = arith.constant 0 : index
    %get3A_237 = arith.constant 0 : index
    %get3A_238 = vector.load %arg2[%get3A_235, %get3A_236, %get3A_237] : memref<16x5x128xf32, #tpu.memory_space<vmem>>, vector<1x5x128xf32>
    %get3A_239 = vector.shape_cast %get3A_238 : vector<1x5x128xf32> to vector<5x128xf32>
    %slice3A = vector.extract_strided_slice %get3A_239 {offsets = [0, 0], sizes = [1, 128], strides = [1, 1]} : vector<5x128xf32> to vector<1x128xf32>
    %mul3A_240 = arith.constant 7.000000e+00 : f32
    %mul3A_241 = vector.broadcast %mul3A_240 : f32 to vector<1x128xf32>
    %mul3A_242 = arith.mulf %slice3A, %mul3A_241 : vector<1x128xf32>
    %slice3A_243 = vector.extract_strided_slice %get3A_239 {offsets = [1, 0], sizes = [1, 128], strides = [1, 1]} : vector<5x128xf32> to vector<1x128xf32>
    %mul3A_244 = arith.constant 7.000000e+00 : f32
    %mul3A_245 = vector.broadcast %mul3A_244 : f32 to vector<1x128xf32>
    %mul3A_246 = arith.mulf %slice3A_243, %mul3A_245 : vector<1x128xf32>
    %slice3A_247 = vector.extract_strided_slice %get3A_239 {offsets = [2, 0], sizes = [1, 128], strides = [1, 1]} : vector<5x128xf32> to vector<1x128xf32>
    %mul3A_248 = arith.constant 7.000000e+00 : f32
    %mul3A_249 = vector.broadcast %mul3A_248 : f32 to vector<1x128xf32>
    %mul3A_250 = arith.mulf %slice3A_247, %mul3A_249 : vector<1x128xf32>
    %slice3A_251 = vector.extract_strided_slice %get3A_239 {offsets = [3, 0], sizes = [1, 128], strides = [1, 1]} : vector<5x128xf32> to vector<1x128xf32>
    %mul3A_252 = arith.constant 7.000000e+00 : f32
    %mul3A_253 = vector.broadcast %mul3A_252 : f32 to vector<1x128xf32>
    %mul3A_254 = arith.mulf %slice3A_251, %mul3A_253 : vector<1x128xf32>
    %slice3A_255 = vector.extract_strided_slice %get3A_239 {offsets = [4, 0], sizes = [1, 128], strides = [1, 1]} : vector<5x128xf32> to vector<1x128xf32>
    %floor3A_256 = math.floor %slice3A_255 : vector<1x128xf32>
    %gt3A_257 = arith.constant 0.000000e+00 : f32
    %gt3A_258 = vector.broadcast %gt3A_257 : f32 to vector<1x128xf32>
    %gt3A_259 = arith.cmpf ogt, %broadcast_in_dim3A, %gt3A_258 : vector<1x128xf32>
    %mul3A_260 = arith.constant 5.000000e-01 : f32
    %mul3A_261 = vector.broadcast %mul3A_260 : f32 to vector<1x128xf32>
    %mul3A_262 = arith.mulf %mul3A_250, %mul3A_261 : vector<1x128xf32>
    %sub3A_263 = arith.subf %mul3A_242, %mul3A_262 : vector<1x128xf32>
    %mul3A_264 = arith.constant 5.000000e-01 : f32
    %mul3A_265 = vector.broadcast %mul3A_264 : f32 to vector<1x128xf32>
    %mul3A_266 = arith.mulf %mul3A_250, %mul3A_265 : vector<1x128xf32>
    %add3A_267 = arith.addf %mul3A_242, %mul3A_266 : vector<1x128xf32>
    %mul3A_268 = arith.constant 5.000000e-01 : f32
    %mul3A_269 = vector.broadcast %mul3A_268 : f32 to vector<1x128xf32>
    %mul3A_270 = arith.mulf %mul3A_254, %mul3A_269 : vector<1x128xf32>
    %sub3A_271 = arith.subf %mul3A_246, %mul3A_270 : vector<1x128xf32>
    %mul3A_272 = arith.constant 5.000000e-01 : f32
    %mul3A_273 = vector.broadcast %mul3A_272 : f32 to vector<1x128xf32>
    %mul3A_274 = arith.mulf %mul3A_254, %mul3A_273 : vector<1x128xf32>
    %add3A_275 = arith.addf %mul3A_246, %mul3A_274 : vector<1x128xf32>
    %mul3A_276 = arith.mulf %mul3A_250, %mul3A_254 : vector<1x128xf32>
    %max3A = vector.broadcast %sub3A_263 : vector<1x128xf32> to vector<49x128xf32>
    %max3A_277 = arith.maximumf %sub3A, %max3A : vector<49x128xf32>
    %min3A = vector.broadcast %add3A_267 : vector<1x128xf32> to vector<49x128xf32>
    %min3A_278 = arith.minimumf %add3A_86, %min3A : vector<49x128xf32>
    %max3A_279 = vector.broadcast %sub3A_271 : vector<1x128xf32> to vector<49x128xf32>
    %max3A_280 = arith.maximumf %sub3A_90, %max3A_279 : vector<49x128xf32>
    %min3A_281 = vector.broadcast %add3A_275 : vector<1x128xf32> to vector<49x128xf32>
    %min3A_282 = arith.minimumf %add3A_94, %min3A_281 : vector<49x128xf32>
    %lt3A_283 = arith.cmpf olt, %max3A_277, %min3A_278 : vector<49x128xf32>
    %lt3A_284 = arith.cmpf olt, %max3A_280, %min3A_282 : vector<49x128xf32>
    %and3A_285 = arith.andi %lt3A_283, %lt3A_284 : vector<49x128xi1>
    %sub3A_286 = arith.subf %min3A_278, %max3A_277 : vector<49x128xf32>
    %sub3A_287 = arith.subf %min3A_282, %max3A_280 : vector<49x128xf32>
    %mul3A_288 = arith.mulf %sub3A_286, %sub3A_287 : vector<49x128xf32>
    %jit3A_289 = arith.constant 0.000000e+00 : f32
    %broadcast_in_dim3A_290 = vector.broadcast %jit3A_289 : f32 to vector<49x128xf32>
    %select_n3A_291 = arith.select %and3A_285, %mul3A_288, %broadcast_in_dim3A_290 : vector<49x128xi1>, vector<49x128xf32>
    %add3A_292 = vector.broadcast %mul3A_276 : vector<1x128xf32> to vector<49x128xf32>
    %add3A_293 = arith.addf %mul3A_95, %add3A_292 : vector<49x128xf32>
    %sub3A_294 = arith.subf %add3A_293, %select_n3A_291 : vector<49x128xf32>
    %div3A_295 = arith.divf %select_n3A_291, %sub3A_294 : vector<49x128xf32>
    %jit3A_296 = arith.constant 0xFF800000 : f32
    %broadcast_in_dim3A_297 = vector.shape_cast %gt3A_259 : vector<1x128xi1> to vector<1x128xi1>
    %broadcast_in_dim3A_298 = vector.broadcast %broadcast_in_dim3A_297 : vector<1x128xi1> to vector<49x128xi1>
    %broadcast_in_dim3A_299 = vector.broadcast %jit3A_296 : f32 to vector<49x128xf32>
    %select_n3A_300 = arith.select %broadcast_in_dim3A_298, %div3A_295, %broadcast_in_dim3A_299 : vector<49x128xi1>, vector<49x128xf32>
    %max3A_301 = arith.maximumf %broadcast_in_dim3A_228, %select_n3A_300 : vector<49x128xf32>
    %max3A_302 = vector.broadcast %sub3A_263 : vector<1x128xf32> to vector<49x128xf32>
    %max3A_303 = arith.maximumf %sub3A_184, %max3A_302 : vector<49x128xf32>
    %min3A_304 = vector.broadcast %add3A_267 : vector<1x128xf32> to vector<49x128xf32>
    %min3A_305 = arith.minimumf %add3A_188, %min3A_304 : vector<49x128xf32>
    %max3A_306 = vector.broadcast %sub3A_271 : vector<1x128xf32> to vector<49x128xf32>
    %max3A_307 = arith.maximumf %sub3A_192, %max3A_306 : vector<49x128xf32>
    %min3A_308 = vector.broadcast %add3A_275 : vector<1x128xf32> to vector<49x128xf32>
    %min3A_309 = arith.minimumf %add3A_196, %min3A_308 : vector<49x128xf32>
    %lt3A_310 = arith.cmpf olt, %max3A_303, %min3A_305 : vector<49x128xf32>
    %lt3A_311 = arith.cmpf olt, %max3A_307, %min3A_309 : vector<49x128xf32>
    %and3A_312 = arith.andi %lt3A_310, %lt3A_311 : vector<49x128xi1>
    %sub3A_313 = arith.subf %min3A_305, %max3A_303 : vector<49x128xf32>
    %sub3A_314 = arith.subf %min3A_309, %max3A_307 : vector<49x128xf32>
    %mul3A_315 = arith.mulf %sub3A_313, %sub3A_314 : vector<49x128xf32>
    %jit3A_316 = arith.constant 0.000000e+00 : f32
    %broadcast_in_dim3A_317 = vector.broadcast %jit3A_316 : f32 to vector<49x128xf32>
    %select_n3A_318 = arith.select %and3A_312, %mul3A_315, %broadcast_in_dim3A_317 : vector<49x128xi1>, vector<49x128xf32>
    %add3A_319 = vector.broadcast %mul3A_276 : vector<1x128xf32> to vector<49x128xf32>
    %add3A_320 = arith.addf %mul3A_197, %add3A_319 : vector<49x128xf32>
    %sub3A_321 = arith.subf %add3A_320, %select_n3A_318 : vector<49x128xf32>
    %div3A_322 = arith.divf %select_n3A_318, %sub3A_321 : vector<49x128xf32>
    %jit3A_323 = arith.constant 0xFF800000 : f32
    %broadcast_in_dim3A_324 = vector.shape_cast %gt3A_259 : vector<1x128xi1> to vector<1x128xi1>
    %broadcast_in_dim3A_325 = vector.broadcast %broadcast_in_dim3A_324 : vector<1x128xi1> to vector<49x128xi1>
    %broadcast_in_dim3A_326 = vector.broadcast %jit3A_323 : f32 to vector<49x128xf32>
    %select_n3A_327 = arith.select %broadcast_in_dim3A_325, %div3A_322, %broadcast_in_dim3A_326 : vector<49x128xi1>, vector<49x128xf32>
    %max3A_328 = arith.maximumf %broadcast_in_dim3A_230, %select_n3A_327 : vector<49x128xf32>
    %floor3A_329 = math.floor %mul3A_246 : vector<1x128xf32>
    %mul3A_330 = arith.constant 7.000000e+00 : f32
    %mul3A_331 = vector.broadcast %mul3A_330 : f32 to vector<1x128xf32>
    %mul3A_332 = arith.mulf %floor3A_329, %mul3A_331 : vector<1x128xf32>
    %floor3A_333 = math.floor %mul3A_242 : vector<1x128xf32>
    %add3A_334 = arith.addf %mul3A_332, %floor3A_333 : vector<1x128xf32>
    %eq3A = vector.broadcast %convert_element_type3A : vector<49x1xf32> to vector<49x128xf32>
    %eq3A_335 = vector.broadcast %add3A_334 : vector<1x128xf32> to vector<49x128xf32>
    %eq3A_336 = arith.cmpf oeq, %eq3A, %eq3A_335 : vector<49x128xf32>
    %and3A_337 = vector.broadcast %gt3A_259 : vector<1x128xi1> to vector<49x128xi1>
    %and3A_338 = arith.andi %eq3A_336, %and3A_337 : vector<49x128xi1>
    %or3A = arith.ori %broadcast_in_dim3A_232, %and3A_338 : vector<49x128xi1>
    %broadcast_in_dim3A_339 = vector.shape_cast %floor3A_256 : vector<1x128xf32> to vector<1x128xf32>
    %broadcast_in_dim3A_340 = vector.broadcast %broadcast_in_dim3A_339 : vector<1x128xf32> to vector<49x128xf32>
    %select_n3A_341 = arith.select %and3A_338, %broadcast_in_dim3A_340, %broadcast_in_dim3A_234 : vector<49x128xi1>, vector<49x128xf32>
    %get3A_342 = arith.constant 1 : index
    %get3A_343 = arith.constant 0 : index
    %get3A_344 = arith.constant 0 : index
    %get3A_345 = vector.load %arg2[%get3A_342, %get3A_343, %get3A_344] : memref<16x5x128xf32, #tpu.memory_space<vmem>>, vector<1x5x128xf32>
    %get3A_346 = vector.shape_cast %get3A_345 : vector<1x5x128xf32> to vector<5x128xf32>
    %slice3A_347 = vector.extract_strided_slice %get3A_346 {offsets = [0, 0], sizes = [1, 128], strides = [1, 1]} : vector<5x128xf32> to vector<1x128xf32>
    %mul3A_348 = arith.constant 7.000000e+00 : f32
    %mul3A_349 = vector.broadcast %mul3A_348 : f32 to vector<1x128xf32>
    %mul3A_350 = arith.mulf %slice3A_347, %mul3A_349 : vector<1x128xf32>
    %slice3A_351 = vector.extract_strided_slice %get3A_346 {offsets = [1, 0], sizes = [1, 128], strides = [1, 1]} : vector<5x128xf32> to vector<1x128xf32>
    %mul3A_352 = arith.constant 7.000000e+00 : f32
    %mul3A_353 = vector.broadcast %mul3A_352 : f32 to vector<1x128xf32>
    %mul3A_354 = arith.mulf %slice3A_351, %mul3A_353 : vector<1x128xf32>
    %slice3A_355 = vector.extract_strided_slice %get3A_346 {offsets = [2, 0], sizes = [1, 128], strides = [1, 1]} : vector<5x128xf32> to vector<1x128xf32>
    %mul3A_356 = arith.constant 7.000000e+00 : f32
    %mul3A_357 = vector.broadcast %mul3A_356 : f32 to vector<1x128xf32>
    %mul3A_358 = arith.mulf %slice3A_355, %mul3A_357 : vector<1x128xf32>
    %slice3A_359 = vector.extract_strided_slice %get3A_346 {offsets = [3, 0], sizes = [1, 128], strides = [1, 1]} : vector<5x128xf32> to vector<1x128xf32>
    %mul3A_360 = arith.constant 7.000000e+00 : f32
    %mul3A_361 = vector.broadcast %mul3A_360 : f32 to vector<1x128xf32>
    %mul3A_362 = arith.mulf %slice3A_359, %mul3A_361 : vector<1x128xf32>
    %slice3A_363 = vector.extract_strided_slice %get3A_346 {offsets = [4, 0], sizes = [1, 128], strides = [1, 1]} : vector<5x128xf32> to vector<1x128xf32>
    %floor3A_364 = math.floor %slice3A_363 : vector<1x128xf32>
    %gt3A_365 = arith.constant 1.000000e+00 : f32
    %gt3A_366 = vector.broadcast %gt3A_365 : f32 to vector<1x128xf32>
    %gt3A_367 = arith.cmpf ogt, %broadcast_in_dim3A, %gt3A_366 : vector<1x128xf32>
    %mul3A_368 = arith.constant 5.000000e-01 : f32
    %mul3A_369 = vector.broadcast %mul3A_368 : f32 to vector<1x128xf32>
    %mul3A_370 = arith.mulf %mul3A_358, %mul3A_369 : vector<1x128xf32>
    %sub3A_371 = arith.subf %mul3A_350, %mul3A_370 : vector<1x128xf32>
    %mul3A_372 = arith.constant 5.000000e-01 : f32
    %mul3A_373 = vector.broadcast %mul3A_372 : f32 to vector<1x128xf32>
    %mul3A_374 = arith.mulf %mul3A_358, %mul3A_373 : vector<1x128xf32>
    %add3A_375 = arith.addf %mul3A_350, %mul3A_374 : vector<1x128xf32>
    %mul3A_376 = arith.constant 5.000000e-01 : f32
    %mul3A_377 = vector.broadcast %mul3A_376 : f32 to vector<1x128xf32>
    %mul3A_378 = arith.mulf %mul3A_362, %mul3A_377 : vector<1x128xf32>
    %sub3A_379 = arith.subf %mul3A_354, %mul3A_378 : vector<1x128xf32>
    %mul3A_380 = arith.constant 5.000000e-01 : f32
    %mul3A_381 = vector.broadcast %mul3A_380 : f32 to vector<1x128xf32>
    %mul3A_382 = arith.mulf %mul3A_362, %mul3A_381 : vector<1x128xf32>
    %add3A_383 = arith.addf %mul3A_354, %mul3A_382 : vector<1x128xf32>
    %mul3A_384 = arith.mulf %mul3A_358, %mul3A_362 : vector<1x128xf32>
    %max3A_385 = vector.broadcast %sub3A_371 : vector<1x128xf32> to vector<49x128xf32>
    %max3A_386 = arith.maximumf %sub3A, %max3A_385 : vector<49x128xf32>
    %min3A_387 = vector.broadcast %add3A_375 : vector<1x128xf32> to vector<49x128xf32>
    %min3A_388 = arith.minimumf %add3A_86, %min3A_387 : vector<49x128xf32>
    %max3A_389 = vector.broadcast %sub3A_379 : vector<1x128xf32> to vector<49x128xf32>
    %max3A_390 = arith.maximumf %sub3A_90, %max3A_389 : vector<49x128xf32>
    %min3A_391 = vector.broadcast %add3A_383 : vector<1x128xf32> to vector<49x128xf32>
    %min3A_392 = arith.minimumf %add3A_94, %min3A_391 : vector<49x128xf32>
    %lt3A_393 = arith.cmpf olt, %max3A_386, %min3A_388 : vector<49x128xf32>
    %lt3A_394 = arith.cmpf olt, %max3A_390, %min3A_392 : vector<49x128xf32>
    %and3A_395 = arith.andi %lt3A_393, %lt3A_394 : vector<49x128xi1>
    %sub3A_396 = arith.subf %min3A_388, %max3A_386 : vector<49x128xf32>
    %sub3A_397 = arith.subf %min3A_392, %max3A_390 : vector<49x128xf32>
    %mul3A_398 = arith.mulf %sub3A_396, %sub3A_397 : vector<49x128xf32>
    %jit3A_399 = arith.constant 0.000000e+00 : f32
    %broadcast_in_dim3A_400 = vector.broadcast %jit3A_399 : f32 to vector<49x128xf32>
    %select_n3A_401 = arith.select %and3A_395, %mul3A_398, %broadcast_in_dim3A_400 : vector<49x128xi1>, vector<49x128xf32>
    %add3A_402 = vector.broadcast %mul3A_384 : vector<1x128xf32> to vector<49x128xf32>
    %add3A_403 = arith.addf %mul3A_95, %add3A_402 : vector<49x128xf32>
    %sub3A_404 = arith.subf %add3A_403, %select_n3A_401 : vector<49x128xf32>
    %div3A_405 = arith.divf %select_n3A_401, %sub3A_404 : vector<49x128xf32>
    %jit3A_406 = arith.constant 0xFF800000 : f32
    %broadcast_in_dim3A_407 = vector.shape_cast %gt3A_367 : vector<1x128xi1> to vector<1x128xi1>
    %broadcast_in_dim3A_408 = vector.broadcast %broadcast_in_dim3A_407 : vector<1x128xi1> to vector<49x128xi1>
    %broadcast_in_dim3A_409 = vector.broadcast %jit3A_406 : f32 to vector<49x128xf32>
    %select_n3A_410 = arith.select %broadcast_in_dim3A_408, %div3A_405, %broadcast_in_dim3A_409 : vector<49x128xi1>, vector<49x128xf32>
    %max3A_411 = arith.maximumf %max3A_301, %select_n3A_410 : vector<49x128xf32>
    %max3A_412 = vector.broadcast %sub3A_371 : vector<1x128xf32> to vector<49x128xf32>
    %max3A_413 = arith.maximumf %sub3A_184, %max3A_412 : vector<49x128xf32>
    %min3A_414 = vector.broadcast %add3A_375 : vector<1x128xf32> to vector<49x128xf32>
    %min3A_415 = arith.minimumf %add3A_188, %min3A_414 : vector<49x128xf32>
    %max3A_416 = vector.broadcast %sub3A_379 : vector<1x128xf32> to vector<49x128xf32>
    %max3A_417 = arith.maximumf %sub3A_192, %max3A_416 : vector<49x128xf32>
    %min3A_418 = vector.broadcast %add3A_383 : vector<1x128xf32> to vector<49x128xf32>
    %min3A_419 = arith.minimumf %add3A_196, %min3A_418 : vector<49x128xf32>
    %lt3A_420 = arith.cmpf olt, %max3A_413, %min3A_415 : vector<49x128xf32>
    %lt3A_421 = arith.cmpf olt, %max3A_417, %min3A_419 : vector<49x128xf32>
    %and3A_422 = arith.andi %lt3A_420, %lt3A_421 : vector<49x128xi1>
    %sub3A_423 = arith.subf %min3A_415, %max3A_413 : vector<49x128xf32>
    %sub3A_424 = arith.subf %min3A_419, %max3A_417 : vector<49x128xf32>
    %mul3A_425 = arith.mulf %sub3A_423, %sub3A_424 : vector<49x128xf32>
    %jit3A_426 = arith.constant 0.000000e+00 : f32
    %broadcast_in_dim3A_427 = vector.broadcast %jit3A_426 : f32 to vector<49x128xf32>
    %select_n3A_428 = arith.select %and3A_422, %mul3A_425, %broadcast_in_dim3A_427 : vector<49x128xi1>, vector<49x128xf32>
    %add3A_429 = vector.broadcast %mul3A_384 : vector<1x128xf32> to vector<49x128xf32>
    %add3A_430 = arith.addf %mul3A_197, %add3A_429 : vector<49x128xf32>
    %sub3A_431 = arith.subf %add3A_430, %select_n3A_428 : vector<49x128xf32>
    %div3A_432 = arith.divf %select_n3A_428, %sub3A_431 : vector<49x128xf32>
    %jit3A_433 = arith.constant 0xFF800000 : f32
    %broadcast_in_dim3A_434 = vector.shape_cast %gt3A_367 : vector<1x128xi1> to vector<1x128xi1>
    %broadcast_in_dim3A_435 = vector.broadcast %broadcast_in_dim3A_434 : vector<1x128xi1> to vector<49x128xi1>
    %broadcast_in_dim3A_436 = vector.broadcast %jit3A_433 : f32 to vector<49x128xf32>
    %select_n3A_437 = arith.select %broadcast_in_dim3A_435, %div3A_432, %broadcast_in_dim3A_436 : vector<49x128xi1>, vector<49x128xf32>
    %max3A_438 = arith.maximumf %max3A_328, %select_n3A_437 : vector<49x128xf32>
    %floor3A_439 = math.floor %mul3A_354 : vector<1x128xf32>
    %mul3A_440 = arith.constant 7.000000e+00 : f32
    %mul3A_441 = vector.broadcast %mul3A_440 : f32 to vector<1x128xf32>
    %mul3A_442 = arith.mulf %floor3A_439, %mul3A_441 : vector<1x128xf32>
    %floor3A_443 = math.floor %mul3A_350 : vector<1x128xf32>
    %add3A_444 = arith.addf %mul3A_442, %floor3A_443 : vector<1x128xf32>
    %eq3A_445 = vector.broadcast %convert_element_type3A : vector<49x1xf32> to vector<49x128xf32>
    %eq3A_446 = vector.broadcast %add3A_444 : vector<1x128xf32> to vector<49x128xf32>
    %eq3A_447 = arith.cmpf oeq, %eq3A_445, %eq3A_446 : vector<49x128xf32>
    %and3A_448 = vector.broadcast %gt3A_367 : vector<1x128xi1> to vector<49x128xi1>
    %and3A_449 = arith.andi %eq3A_447, %and3A_448 : vector<49x128xi1>
    %or3A_450 = arith.ori %or3A, %and3A_449 : vector<49x128xi1>
    %broadcast_in_dim3A_451 = vector.shape_cast %floor3A_364 : vector<1x128xf32> to vector<1x128xf32>
    %broadcast_in_dim3A_452 = vector.broadcast %broadcast_in_dim3A_451 : vector<1x128xf32> to vector<49x128xf32>
    %select_n3A_453 = arith.select %and3A_449, %broadcast_in_dim3A_452, %select_n3A_341 : vector<49x128xi1>, vector<49x128xf32>
    %get3A_454 = arith.constant 2 : index
    %get3A_455 = arith.constant 0 : index
    %get3A_456 = arith.constant 0 : index
    %get3A_457 = vector.load %arg2[%get3A_454, %get3A_455, %get3A_456] : memref<16x5x128xf32, #tpu.memory_space<vmem>>, vector<1x5x128xf32>
    %get3A_458 = vector.shape_cast %get3A_457 : vector<1x5x128xf32> to vector<5x128xf32>
    %slice3A_459 = vector.extract_strided_slice %get3A_458 {offsets = [0, 0], sizes = [1, 128], strides = [1, 1]} : vector<5x128xf32> to vector<1x128xf32>
    %mul3A_460 = arith.constant 7.000000e+00 : f32
    %mul3A_461 = vector.broadcast %mul3A_460 : f32 to vector<1x128xf32>
    %mul3A_462 = arith.mulf %slice3A_459, %mul3A_461 : vector<1x128xf32>
    %slice3A_463 = vector.extract_strided_slice %get3A_458 {offsets = [1, 0], sizes = [1, 128], strides = [1, 1]} : vector<5x128xf32> to vector<1x128xf32>
    %mul3A_464 = arith.constant 7.000000e+00 : f32
    %mul3A_465 = vector.broadcast %mul3A_464 : f32 to vector<1x128xf32>
    %mul3A_466 = arith.mulf %slice3A_463, %mul3A_465 : vector<1x128xf32>
    %slice3A_467 = vector.extract_strided_slice %get3A_458 {offsets = [2, 0], sizes = [1, 128], strides = [1, 1]} : vector<5x128xf32> to vector<1x128xf32>
    %mul3A_468 = arith.constant 7.000000e+00 : f32
    %mul3A_469 = vector.broadcast %mul3A_468 : f32 to vector<1x128xf32>
    %mul3A_470 = arith.mulf %slice3A_467, %mul3A_469 : vector<1x128xf32>
    %slice3A_471 = vector.extract_strided_slice %get3A_458 {offsets = [3, 0], sizes = [1, 128], strides = [1, 1]} : vector<5x128xf32> to vector<1x128xf32>
    %mul3A_472 = arith.constant 7.000000e+00 : f32
    %mul3A_473 = vector.broadcast %mul3A_472 : f32 to vector<1x128xf32>
    %mul3A_474 = arith.mulf %slice3A_471, %mul3A_473 : vector<1x128xf32>
    %slice3A_475 = vector.extract_strided_slice %get3A_458 {offsets = [4, 0], sizes = [1, 128], strides = [1, 1]} : vector<5x128xf32> to vector<1x128xf32>
    %floor3A_476 = math.floor %slice3A_475 : vector<1x128xf32>
    %gt3A_477 = arith.constant 2.000000e+00 : f32
    %gt3A_478 = vector.broadcast %gt3A_477 : f32 to vector<1x128xf32>
    %gt3A_479 = arith.cmpf ogt, %broadcast_in_dim3A, %gt3A_478 : vector<1x128xf32>
    %mul3A_480 = arith.constant 5.000000e-01 : f32
    %mul3A_481 = vector.broadcast %mul3A_480 : f32 to vector<1x128xf32>
    %mul3A_482 = arith.mulf %mul3A_470, %mul3A_481 : vector<1x128xf32>
    %sub3A_483 = arith.subf %mul3A_462, %mul3A_482 : vector<1x128xf32>
    %mul3A_484 = arith.constant 5.000000e-01 : f32
    %mul3A_485 = vector.broadcast %mul3A_484 : f32 to vector<1x128xf32>
    %mul3A_486 = arith.mulf %mul3A_470, %mul3A_485 : vector<1x128xf32>
    %add3A_487 = arith.addf %mul3A_462, %mul3A_486 : vector<1x128xf32>
    %mul3A_488 = arith.constant 5.000000e-01 : f32
    %mul3A_489 = vector.broadcast %mul3A_488 : f32 to vector<1x128xf32>
    %mul3A_490 = arith.mulf %mul3A_474, %mul3A_489 : vector<1x128xf32>
    %sub3A_491 = arith.subf %mul3A_466, %mul3A_490 : vector<1x128xf32>
    %mul3A_492 = arith.constant 5.000000e-01 : f32
    %mul3A_493 = vector.broadcast %mul3A_492 : f32 to vector<1x128xf32>
    %mul3A_494 = arith.mulf %mul3A_474, %mul3A_493 : vector<1x128xf32>
    %add3A_495 = arith.addf %mul3A_466, %mul3A_494 : vector<1x128xf32>
    %mul3A_496 = arith.mulf %mul3A_470, %mul3A_474 : vector<1x128xf32>
    %max3A_497 = vector.broadcast %sub3A_483 : vector<1x128xf32> to vector<49x128xf32>
    %max3A_498 = arith.maximumf %sub3A, %max3A_497 : vector<49x128xf32>
    %min3A_499 = vector.broadcast %add3A_487 : vector<1x128xf32> to vector<49x128xf32>
    %min3A_500 = arith.minimumf %add3A_86, %min3A_499 : vector<49x128xf32>
    %max3A_501 = vector.broadcast %sub3A_491 : vector<1x128xf32> to vector<49x128xf32>
    %max3A_502 = arith.maximumf %sub3A_90, %max3A_501 : vector<49x128xf32>
    %min3A_503 = vector.broadcast %add3A_495 : vector<1x128xf32> to vector<49x128xf32>
    %min3A_504 = arith.minimumf %add3A_94, %min3A_503 : vector<49x128xf32>
    %lt3A_505 = arith.cmpf olt, %max3A_498, %min3A_500 : vector<49x128xf32>
    %lt3A_506 = arith.cmpf olt, %max3A_502, %min3A_504 : vector<49x128xf32>
    %and3A_507 = arith.andi %lt3A_505, %lt3A_506 : vector<49x128xi1>
    %sub3A_508 = arith.subf %min3A_500, %max3A_498 : vector<49x128xf32>
    %sub3A_509 = arith.subf %min3A_504, %max3A_502 : vector<49x128xf32>
    %mul3A_510 = arith.mulf %sub3A_508, %sub3A_509 : vector<49x128xf32>
    %jit3A_511 = arith.constant 0.000000e+00 : f32
    %broadcast_in_dim3A_512 = vector.broadcast %jit3A_511 : f32 to vector<49x128xf32>
    %select_n3A_513 = arith.select %and3A_507, %mul3A_510, %broadcast_in_dim3A_512 : vector<49x128xi1>, vector<49x128xf32>
    %add3A_514 = vector.broadcast %mul3A_496 : vector<1x128xf32> to vector<49x128xf32>
    %add3A_515 = arith.addf %mul3A_95, %add3A_514 : vector<49x128xf32>
    %sub3A_516 = arith.subf %add3A_515, %select_n3A_513 : vector<49x128xf32>
    %div3A_517 = arith.divf %select_n3A_513, %sub3A_516 : vector<49x128xf32>
    %jit3A_518 = arith.constant 0xFF800000 : f32
    %broadcast_in_dim3A_519 = vector.shape_cast %gt3A_479 : vector<1x128xi1> to vector<1x128xi1>
    %broadcast_in_dim3A_520 = vector.broadcast %broadcast_in_dim3A_519 : vector<1x128xi1> to vector<49x128xi1>
    %broadcast_in_dim3A_521 = vector.broadcast %jit3A_518 : f32 to vector<49x128xf32>
    %select_n3A_522 = arith.select %broadcast_in_dim3A_520, %div3A_517, %broadcast_in_dim3A_521 : vector<49x128xi1>, vector<49x128xf32>
    %max3A_523 = arith.maximumf %max3A_411, %select_n3A_522 : vector<49x128xf32>
    %max3A_524 = vector.broadcast %sub3A_483 : vector<1x128xf32> to vector<49x128xf32>
    %max3A_525 = arith.maximumf %sub3A_184, %max3A_524 : vector<49x128xf32>
    %min3A_526 = vector.broadcast %add3A_487 : vector<1x128xf32> to vector<49x128xf32>
    %min3A_527 = arith.minimumf %add3A_188, %min3A_526 : vector<49x128xf32>
    %max3A_528 = vector.broadcast %sub3A_491 : vector<1x128xf32> to vector<49x128xf32>
    %max3A_529 = arith.maximumf %sub3A_192, %max3A_528 : vector<49x128xf32>
    %min3A_530 = vector.broadcast %add3A_495 : vector<1x128xf32> to vector<49x128xf32>
    %min3A_531 = arith.minimumf %add3A_196, %min3A_530 : vector<49x128xf32>
    %lt3A_532 = arith.cmpf olt, %max3A_525, %min3A_527 : vector<49x128xf32>
    %lt3A_533 = arith.cmpf olt, %max3A_529, %min3A_531 : vector<49x128xf32>
    %and3A_534 = arith.andi %lt3A_532, %lt3A_533 : vector<49x128xi1>
    %sub3A_535 = arith.subf %min3A_527, %max3A_525 : vector<49x128xf32>
    %sub3A_536 = arith.subf %min3A_531, %max3A_529 : vector<49x128xf32>
    %mul3A_537 = arith.mulf %sub3A_535, %sub3A_536 : vector<49x128xf32>
    %jit3A_538 = arith.constant 0.000000e+00 : f32
    %broadcast_in_dim3A_539 = vector.broadcast %jit3A_538 : f32 to vector<49x128xf32>
    %select_n3A_540 = arith.select %and3A_534, %mul3A_537, %broadcast_in_dim3A_539 : vector<49x128xi1>, vector<49x128xf32>
    %add3A_541 = vector.broadcast %mul3A_496 : vector<1x128xf32> to vector<49x128xf32>
    %add3A_542 = arith.addf %mul3A_197, %add3A_541 : vector<49x128xf32>
    %sub3A_543 = arith.subf %add3A_542, %select_n3A_540 : vector<49x128xf32>
    %div3A_544 = arith.divf %select_n3A_540, %sub3A_543 : vector<49x128xf32>
    %jit3A_545 = arith.constant 0xFF800000 : f32
    %broadcast_in_dim3A_546 = vector.shape_cast %gt3A_479 : vector<1x128xi1> to vector<1x128xi1>
    %broadcast_in_dim3A_547 = vector.broadcast %broadcast_in_dim3A_546 : vector<1x128xi1> to vector<49x128xi1>
    %broadcast_in_dim3A_548 = vector.broadcast %jit3A_545 : f32 to vector<49x128xf32>
    %select_n3A_549 = arith.select %broadcast_in_dim3A_547, %div3A_544, %broadcast_in_dim3A_548 : vector<49x128xi1>, vector<49x128xf32>
    %max3A_550 = arith.maximumf %max3A_438, %select_n3A_549 : vector<49x128xf32>
    %floor3A_551 = math.floor %mul3A_466 : vector<1x128xf32>
    %mul3A_552 = arith.constant 7.000000e+00 : f32
    %mul3A_553 = vector.broadcast %mul3A_552 : f32 to vector<1x128xf32>
    %mul3A_554 = arith.mulf %floor3A_551, %mul3A_553 : vector<1x128xf32>
    %floor3A_555 = math.floor %mul3A_462 : vector<1x128xf32>
    %add3A_556 = arith.addf %mul3A_554, %floor3A_555 : vector<1x128xf32>
    %eq3A_557 = vector.broadcast %convert_element_type3A : vector<49x1xf32> to vector<49x128xf32>
    %eq3A_558 = vector.broadcast %add3A_556 : vector<1x128xf32> to vector<49x128xf32>
    %eq3A_559 = arith.cmpf oeq, %eq3A_557, %eq3A_558 : vector<49x128xf32>
    %and3A_560 = vector.broadcast %gt3A_479 : vector<1x128xi1> to vector<49x128xi1>
    %and3A_561 = arith.andi %eq3A_559, %and3A_560 : vector<49x128xi1>
    %or3A_562 = arith.ori %or3A_450, %and3A_561 : vector<49x128xi1>
    %broadcast_in_dim3A_563 = vector.shape_cast %floor3A_476 : vector<1x128xf32> to vector<1x128xf32>
    %broadcast_in_dim3A_564 = vector.broadcast %broadcast_in_dim3A_563 : vector<1x128xf32> to vector<49x128xf32>
    %select_n3A_565 = arith.select %and3A_561, %broadcast_in_dim3A_564, %select_n3A_453 : vector<49x128xi1>, vector<49x128xf32>
    %get3A_566 = arith.constant 3 : index
    %get3A_567 = arith.constant 0 : index
    %get3A_568 = arith.constant 0 : index
    %get3A_569 = vector.load %arg2[%get3A_566, %get3A_567, %get3A_568] : memref<16x5x128xf32, #tpu.memory_space<vmem>>, vector<1x5x128xf32>
    %get3A_570 = vector.shape_cast %get3A_569 : vector<1x5x128xf32> to vector<5x128xf32>
    %slice3A_571 = vector.extract_strided_slice %get3A_570 {offsets = [0, 0], sizes = [1, 128], strides = [1, 1]} : vector<5x128xf32> to vector<1x128xf32>
    %mul3A_572 = arith.constant 7.000000e+00 : f32
    %mul3A_573 = vector.broadcast %mul3A_572 : f32 to vector<1x128xf32>
    %mul3A_574 = arith.mulf %slice3A_571, %mul3A_573 : vector<1x128xf32>
    %slice3A_575 = vector.extract_strided_slice %get3A_570 {offsets = [1, 0], sizes = [1, 128], strides = [1, 1]} : vector<5x128xf32> to vector<1x128xf32>
    %mul3A_576 = arith.constant 7.000000e+00 : f32
    %mul3A_577 = vector.broadcast %mul3A_576 : f32 to vector<1x128xf32>
    %mul3A_578 = arith.mulf %slice3A_575, %mul3A_577 : vector<1x128xf32>
    %slice3A_579 = vector.extract_strided_slice %get3A_570 {offsets = [2, 0], sizes = [1, 128], strides = [1, 1]} : vector<5x128xf32> to vector<1x128xf32>
    %mul3A_580 = arith.constant 7.000000e+00 : f32
    %mul3A_581 = vector.broadcast %mul3A_580 : f32 to vector<1x128xf32>
    %mul3A_582 = arith.mulf %slice3A_579, %mul3A_581 : vector<1x128xf32>
    %slice3A_583 = vector.extract_strided_slice %get3A_570 {offsets = [3, 0], sizes = [1, 128], strides = [1, 1]} : vector<5x128xf32> to vector<1x128xf32>
    %mul3A_584 = arith.constant 7.000000e+00 : f32
    %mul3A_585 = vector.broadcast %mul3A_584 : f32 to vector<1x128xf32>
    %mul3A_586 = arith.mulf %slice3A_583, %mul3A_585 : vector<1x128xf32>
    %slice3A_587 = vector.extract_strided_slice %get3A_570 {offsets = [4, 0], sizes = [1, 128], strides = [1, 1]} : vector<5x128xf32> to vector<1x128xf32>
    %floor3A_588 = math.floor %slice3A_587 : vector<1x128xf32>
    %gt3A_589 = arith.constant 3.000000e+00 : f32
    %gt3A_590 = vector.broadcast %gt3A_589 : f32 to vector<1x128xf32>
    %gt3A_591 = arith.cmpf ogt, %broadcast_in_dim3A, %gt3A_590 : vector<1x128xf32>
    %mul3A_592 = arith.constant 5.000000e-01 : f32
    %mul3A_593 = vector.broadcast %mul3A_592 : f32 to vector<1x128xf32>
    %mul3A_594 = arith.mulf %mul3A_582, %mul3A_593 : vector<1x128xf32>
    %sub3A_595 = arith.subf %mul3A_574, %mul3A_594 : vector<1x128xf32>
    %mul3A_596 = arith.constant 5.000000e-01 : f32
    %mul3A_597 = vector.broadcast %mul3A_596 : f32 to vector<1x128xf32>
    %mul3A_598 = arith.mulf %mul3A_582, %mul3A_597 : vector<1x128xf32>
    %add3A_599 = arith.addf %mul3A_574, %mul3A_598 : vector<1x128xf32>
    %mul3A_600 = arith.constant 5.000000e-01 : f32
    %mul3A_601 = vector.broadcast %mul3A_600 : f32 to vector<1x128xf32>
    %mul3A_602 = arith.mulf %mul3A_586, %mul3A_601 : vector<1x128xf32>
    %sub3A_603 = arith.subf %mul3A_578, %mul3A_602 : vector<1x128xf32>
    %mul3A_604 = arith.constant 5.000000e-01 : f32
    %mul3A_605 = vector.broadcast %mul3A_604 : f32 to vector<1x128xf32>
    %mul3A_606 = arith.mulf %mul3A_586, %mul3A_605 : vector<1x128xf32>
    %add3A_607 = arith.addf %mul3A_578, %mul3A_606 : vector<1x128xf32>
    %mul3A_608 = arith.mulf %mul3A_582, %mul3A_586 : vector<1x128xf32>
    %max3A_609 = vector.broadcast %sub3A_595 : vector<1x128xf32> to vector<49x128xf32>
    %max3A_610 = arith.maximumf %sub3A, %max3A_609 : vector<49x128xf32>
    %min3A_611 = vector.broadcast %add3A_599 : vector<1x128xf32> to vector<49x128xf32>
    %min3A_612 = arith.minimumf %add3A_86, %min3A_611 : vector<49x128xf32>
    %max3A_613 = vector.broadcast %sub3A_603 : vector<1x128xf32> to vector<49x128xf32>
    %max3A_614 = arith.maximumf %sub3A_90, %max3A_613 : vector<49x128xf32>
    %min3A_615 = vector.broadcast %add3A_607 : vector<1x128xf32> to vector<49x128xf32>
    %min3A_616 = arith.minimumf %add3A_94, %min3A_615 : vector<49x128xf32>
    %lt3A_617 = arith.cmpf olt, %max3A_610, %min3A_612 : vector<49x128xf32>
    %lt3A_618 = arith.cmpf olt, %max3A_614, %min3A_616 : vector<49x128xf32>
    %and3A_619 = arith.andi %lt3A_617, %lt3A_618 : vector<49x128xi1>
    %sub3A_620 = arith.subf %min3A_612, %max3A_610 : vector<49x128xf32>
    %sub3A_621 = arith.subf %min3A_616, %max3A_614 : vector<49x128xf32>
    %mul3A_622 = arith.mulf %sub3A_620, %sub3A_621 : vector<49x128xf32>
    %jit3A_623 = arith.constant 0.000000e+00 : f32
    %broadcast_in_dim3A_624 = vector.broadcast %jit3A_623 : f32 to vector<49x128xf32>
    %select_n3A_625 = arith.select %and3A_619, %mul3A_622, %broadcast_in_dim3A_624 : vector<49x128xi1>, vector<49x128xf32>
    %add3A_626 = vector.broadcast %mul3A_608 : vector<1x128xf32> to vector<49x128xf32>
    %add3A_627 = arith.addf %mul3A_95, %add3A_626 : vector<49x128xf32>
    %sub3A_628 = arith.subf %add3A_627, %select_n3A_625 : vector<49x128xf32>
    %div3A_629 = arith.divf %select_n3A_625, %sub3A_628 : vector<49x128xf32>
    %jit3A_630 = arith.constant 0xFF800000 : f32
    %broadcast_in_dim3A_631 = vector.shape_cast %gt3A_591 : vector<1x128xi1> to vector<1x128xi1>
    %broadcast_in_dim3A_632 = vector.broadcast %broadcast_in_dim3A_631 : vector<1x128xi1> to vector<49x128xi1>
    %broadcast_in_dim3A_633 = vector.broadcast %jit3A_630 : f32 to vector<49x128xf32>
    %select_n3A_634 = arith.select %broadcast_in_dim3A_632, %div3A_629, %broadcast_in_dim3A_633 : vector<49x128xi1>, vector<49x128xf32>
    %max3A_635 = arith.maximumf %max3A_523, %select_n3A_634 : vector<49x128xf32>
    %max3A_636 = vector.broadcast %sub3A_595 : vector<1x128xf32> to vector<49x128xf32>
    %max3A_637 = arith.maximumf %sub3A_184, %max3A_636 : vector<49x128xf32>
    %min3A_638 = vector.broadcast %add3A_599 : vector<1x128xf32> to vector<49x128xf32>
    %min3A_639 = arith.minimumf %add3A_188, %min3A_638 : vector<49x128xf32>
    %max3A_640 = vector.broadcast %sub3A_603 : vector<1x128xf32> to vector<49x128xf32>
    %max3A_641 = arith.maximumf %sub3A_192, %max3A_640 : vector<49x128xf32>
    %min3A_642 = vector.broadcast %add3A_607 : vector<1x128xf32> to vector<49x128xf32>
    %min3A_643 = arith.minimumf %add3A_196, %min3A_642 : vector<49x128xf32>
    %lt3A_644 = arith.cmpf olt, %max3A_637, %min3A_639 : vector<49x128xf32>
    %lt3A_645 = arith.cmpf olt, %max3A_641, %min3A_643 : vector<49x128xf32>
    %and3A_646 = arith.andi %lt3A_644, %lt3A_645 : vector<49x128xi1>
    %sub3A_647 = arith.subf %min3A_639, %max3A_637 : vector<49x128xf32>
    %sub3A_648 = arith.subf %min3A_643, %max3A_641 : vector<49x128xf32>
    %mul3A_649 = arith.mulf %sub3A_647, %sub3A_648 : vector<49x128xf32>
    %jit3A_650 = arith.constant 0.000000e+00 : f32
    %broadcast_in_dim3A_651 = vector.broadcast %jit3A_650 : f32 to vector<49x128xf32>
    %select_n3A_652 = arith.select %and3A_646, %mul3A_649, %broadcast_in_dim3A_651 : vector<49x128xi1>, vector<49x128xf32>
    %add3A_653 = vector.broadcast %mul3A_608 : vector<1x128xf32> to vector<49x128xf32>
    %add3A_654 = arith.addf %mul3A_197, %add3A_653 : vector<49x128xf32>
    %sub3A_655 = arith.subf %add3A_654, %select_n3A_652 : vector<49x128xf32>
    %div3A_656 = arith.divf %select_n3A_652, %sub3A_655 : vector<49x128xf32>
    %jit3A_657 = arith.constant 0xFF800000 : f32
    %broadcast_in_dim3A_658 = vector.shape_cast %gt3A_591 : vector<1x128xi1> to vector<1x128xi1>
    %broadcast_in_dim3A_659 = vector.broadcast %broadcast_in_dim3A_658 : vector<1x128xi1> to vector<49x128xi1>
    %broadcast_in_dim3A_660 = vector.broadcast %jit3A_657 : f32 to vector<49x128xf32>
    %select_n3A_661 = arith.select %broadcast_in_dim3A_659, %div3A_656, %broadcast_in_dim3A_660 : vector<49x128xi1>, vector<49x128xf32>
    %max3A_662 = arith.maximumf %max3A_550, %select_n3A_661 : vector<49x128xf32>
    %floor3A_663 = math.floor %mul3A_578 : vector<1x128xf32>
    %mul3A_664 = arith.constant 7.000000e+00 : f32
    %mul3A_665 = vector.broadcast %mul3A_664 : f32 to vector<1x128xf32>
    %mul3A_666 = arith.mulf %floor3A_663, %mul3A_665 : vector<1x128xf32>
    %floor3A_667 = math.floor %mul3A_574 : vector<1x128xf32>
    %add3A_668 = arith.addf %mul3A_666, %floor3A_667 : vector<1x128xf32>
    %eq3A_669 = vector.broadcast %convert_element_type3A : vector<49x1xf32> to vector<49x128xf32>
    %eq3A_670 = vector.broadcast %add3A_668 : vector<1x128xf32> to vector<49x128xf32>
    %eq3A_671 = arith.cmpf oeq, %eq3A_669, %eq3A_670 : vector<49x128xf32>
    %and3A_672 = vector.broadcast %gt3A_591 : vector<1x128xi1> to vector<49x128xi1>
    %and3A_673 = arith.andi %eq3A_671, %and3A_672 : vector<49x128xi1>
    %or3A_674 = arith.ori %or3A_562, %and3A_673 : vector<49x128xi1>
    %broadcast_in_dim3A_675 = vector.shape_cast %floor3A_588 : vector<1x128xf32> to vector<1x128xf32>
    %broadcast_in_dim3A_676 = vector.broadcast %broadcast_in_dim3A_675 : vector<1x128xf32> to vector<49x128xf32>
    %select_n3A_677 = arith.select %and3A_673, %broadcast_in_dim3A_676, %select_n3A_565 : vector<49x128xi1>, vector<49x128xf32>
    %get3A_678 = arith.constant 4 : index
    %get3A_679 = arith.constant 0 : index
    %get3A_680 = arith.constant 0 : index
    %get3A_681 = vector.load %arg2[%get3A_678, %get3A_679, %get3A_680] : memref<16x5x128xf32, #tpu.memory_space<vmem>>, vector<1x5x128xf32>
    %get3A_682 = vector.shape_cast %get3A_681 : vector<1x5x128xf32> to vector<5x128xf32>
    %slice3A_683 = vector.extract_strided_slice %get3A_682 {offsets = [0, 0], sizes = [1, 128], strides = [1, 1]} : vector<5x128xf32> to vector<1x128xf32>
    %mul3A_684 = arith.constant 7.000000e+00 : f32
    %mul3A_685 = vector.broadcast %mul3A_684 : f32 to vector<1x128xf32>
    %mul3A_686 = arith.mulf %slice3A_683, %mul3A_685 : vector<1x128xf32>
    %slice3A_687 = vector.extract_strided_slice %get3A_682 {offsets = [1, 0], sizes = [1, 128], strides = [1, 1]} : vector<5x128xf32> to vector<1x128xf32>
    %mul3A_688 = arith.constant 7.000000e+00 : f32
    %mul3A_689 = vector.broadcast %mul3A_688 : f32 to vector<1x128xf32>
    %mul3A_690 = arith.mulf %slice3A_687, %mul3A_689 : vector<1x128xf32>
    %slice3A_691 = vector.extract_strided_slice %get3A_682 {offsets = [2, 0], sizes = [1, 128], strides = [1, 1]} : vector<5x128xf32> to vector<1x128xf32>
    %mul3A_692 = arith.constant 7.000000e+00 : f32
    %mul3A_693 = vector.broadcast %mul3A_692 : f32 to vector<1x128xf32>
    %mul3A_694 = arith.mulf %slice3A_691, %mul3A_693 : vector<1x128xf32>
    %slice3A_695 = vector.extract_strided_slice %get3A_682 {offsets = [3, 0], sizes = [1, 128], strides = [1, 1]} : vector<5x128xf32> to vector<1x128xf32>
    %mul3A_696 = arith.constant 7.000000e+00 : f32
    %mul3A_697 = vector.broadcast %mul3A_696 : f32 to vector<1x128xf32>
    %mul3A_698 = arith.mulf %slice3A_695, %mul3A_697 : vector<1x128xf32>
    %slice3A_699 = vector.extract_strided_slice %get3A_682 {offsets = [4, 0], sizes = [1, 128], strides = [1, 1]} : vector<5x128xf32> to vector<1x128xf32>
    %floor3A_700 = math.floor %slice3A_699 : vector<1x128xf32>
    %gt3A_701 = arith.constant 4.000000e+00 : f32
    %gt3A_702 = vector.broadcast %gt3A_701 : f32 to vector<1x128xf32>
    %gt3A_703 = arith.cmpf ogt, %broadcast_in_dim3A, %gt3A_702 : vector<1x128xf32>
    %mul3A_704 = arith.constant 5.000000e-01 : f32
    %mul3A_705 = vector.broadcast %mul3A_704 : f32 to vector<1x128xf32>
    %mul3A_706 = arith.mulf %mul3A_694, %mul3A_705 : vector<1x128xf32>
    %sub3A_707 = arith.subf %mul3A_686, %mul3A_706 : vector<1x128xf32>
    %mul3A_708 = arith.constant 5.000000e-01 : f32
    %mul3A_709 = vector.broadcast %mul3A_708 : f32 to vector<1x128xf32>
    %mul3A_710 = arith.mulf %mul3A_694, %mul3A_709 : vector<1x128xf32>
    %add3A_711 = arith.addf %mul3A_686, %mul3A_710 : vector<1x128xf32>
    %mul3A_712 = arith.constant 5.000000e-01 : f32
    %mul3A_713 = vector.broadcast %mul3A_712 : f32 to vector<1x128xf32>
    %mul3A_714 = arith.mulf %mul3A_698, %mul3A_713 : vector<1x128xf32>
    %sub3A_715 = arith.subf %mul3A_690, %mul3A_714 : vector<1x128xf32>
    %mul3A_716 = arith.constant 5.000000e-01 : f32
    %mul3A_717 = vector.broadcast %mul3A_716 : f32 to vector<1x128xf32>
    %mul3A_718 = arith.mulf %mul3A_698, %mul3A_717 : vector<1x128xf32>
    %add3A_719 = arith.addf %mul3A_690, %mul3A_718 : vector<1x128xf32>
    %mul3A_720 = arith.mulf %mul3A_694, %mul3A_698 : vector<1x128xf32>
    %max3A_721 = vector.broadcast %sub3A_707 : vector<1x128xf32> to vector<49x128xf32>
    %max3A_722 = arith.maximumf %sub3A, %max3A_721 : vector<49x128xf32>
    %min3A_723 = vector.broadcast %add3A_711 : vector<1x128xf32> to vector<49x128xf32>
    %min3A_724 = arith.minimumf %add3A_86, %min3A_723 : vector<49x128xf32>
    %max3A_725 = vector.broadcast %sub3A_715 : vector<1x128xf32> to vector<49x128xf32>
    %max3A_726 = arith.maximumf %sub3A_90, %max3A_725 : vector<49x128xf32>
    %min3A_727 = vector.broadcast %add3A_719 : vector<1x128xf32> to vector<49x128xf32>
    %min3A_728 = arith.minimumf %add3A_94, %min3A_727 : vector<49x128xf32>
    %lt3A_729 = arith.cmpf olt, %max3A_722, %min3A_724 : vector<49x128xf32>
    %lt3A_730 = arith.cmpf olt, %max3A_726, %min3A_728 : vector<49x128xf32>
    %and3A_731 = arith.andi %lt3A_729, %lt3A_730 : vector<49x128xi1>
    %sub3A_732 = arith.subf %min3A_724, %max3A_722 : vector<49x128xf32>
    %sub3A_733 = arith.subf %min3A_728, %max3A_726 : vector<49x128xf32>
    %mul3A_734 = arith.mulf %sub3A_732, %sub3A_733 : vector<49x128xf32>
    %jit3A_735 = arith.constant 0.000000e+00 : f32
    %broadcast_in_dim3A_736 = vector.broadcast %jit3A_735 : f32 to vector<49x128xf32>
    %select_n3A_737 = arith.select %and3A_731, %mul3A_734, %broadcast_in_dim3A_736 : vector<49x128xi1>, vector<49x128xf32>
    %add3A_738 = vector.broadcast %mul3A_720 : vector<1x128xf32> to vector<49x128xf32>
    %add3A_739 = arith.addf %mul3A_95, %add3A_738 : vector<49x128xf32>
    %sub3A_740 = arith.subf %add3A_739, %select_n3A_737 : vector<49x128xf32>
    %div3A_741 = arith.divf %select_n3A_737, %sub3A_740 : vector<49x128xf32>
    %jit3A_742 = arith.constant 0xFF800000 : f32
    %broadcast_in_dim3A_743 = vector.shape_cast %gt3A_703 : vector<1x128xi1> to vector<1x128xi1>
    %broadcast_in_dim3A_744 = vector.broadcast %broadcast_in_dim3A_743 : vector<1x128xi1> to vector<49x128xi1>
    %broadcast_in_dim3A_745 = vector.broadcast %jit3A_742 : f32 to vector<49x128xf32>
    %select_n3A_746 = arith.select %broadcast_in_dim3A_744, %div3A_741, %broadcast_in_dim3A_745 : vector<49x128xi1>, vector<49x128xf32>
    %max3A_747 = arith.maximumf %max3A_635, %select_n3A_746 : vector<49x128xf32>
    %max3A_748 = vector.broadcast %sub3A_707 : vector<1x128xf32> to vector<49x128xf32>
    %max3A_749 = arith.maximumf %sub3A_184, %max3A_748 : vector<49x128xf32>
    %min3A_750 = vector.broadcast %add3A_711 : vector<1x128xf32> to vector<49x128xf32>
    %min3A_751 = arith.minimumf %add3A_188, %min3A_750 : vector<49x128xf32>
    %max3A_752 = vector.broadcast %sub3A_715 : vector<1x128xf32> to vector<49x128xf32>
    %max3A_753 = arith.maximumf %sub3A_192, %max3A_752 : vector<49x128xf32>
    %min3A_754 = vector.broadcast %add3A_719 : vector<1x128xf32> to vector<49x128xf32>
    %min3A_755 = arith.minimumf %add3A_196, %min3A_754 : vector<49x128xf32>
    %lt3A_756 = arith.cmpf olt, %max3A_749, %min3A_751 : vector<49x128xf32>
    %lt3A_757 = arith.cmpf olt, %max3A_753, %min3A_755 : vector<49x128xf32>
    %and3A_758 = arith.andi %lt3A_756, %lt3A_757 : vector<49x128xi1>
    %sub3A_759 = arith.subf %min3A_751, %max3A_749 : vector<49x128xf32>
    %sub3A_760 = arith.subf %min3A_755, %max3A_753 : vector<49x128xf32>
    %mul3A_761 = arith.mulf %sub3A_759, %sub3A_760 : vector<49x128xf32>
    %jit3A_762 = arith.constant 0.000000e+00 : f32
    %broadcast_in_dim3A_763 = vector.broadcast %jit3A_762 : f32 to vector<49x128xf32>
    %select_n3A_764 = arith.select %and3A_758, %mul3A_761, %broadcast_in_dim3A_763 : vector<49x128xi1>, vector<49x128xf32>
    %add3A_765 = vector.broadcast %mul3A_720 : vector<1x128xf32> to vector<49x128xf32>
    %add3A_766 = arith.addf %mul3A_197, %add3A_765 : vector<49x128xf32>
    %sub3A_767 = arith.subf %add3A_766, %select_n3A_764 : vector<49x128xf32>
    %div3A_768 = arith.divf %select_n3A_764, %sub3A_767 : vector<49x128xf32>
    %jit3A_769 = arith.constant 0xFF800000 : f32
    %broadcast_in_dim3A_770 = vector.shape_cast %gt3A_703 : vector<1x128xi1> to vector<1x128xi1>
    %broadcast_in_dim3A_771 = vector.broadcast %broadcast_in_dim3A_770 : vector<1x128xi1> to vector<49x128xi1>
    %broadcast_in_dim3A_772 = vector.broadcast %jit3A_769 : f32 to vector<49x128xf32>
    %select_n3A_773 = arith.select %broadcast_in_dim3A_771, %div3A_768, %broadcast_in_dim3A_772 : vector<49x128xi1>, vector<49x128xf32>
    %max3A_774 = arith.maximumf %max3A_662, %select_n3A_773 : vector<49x128xf32>
    %floor3A_775 = math.floor %mul3A_690 : vector<1x128xf32>
    %mul3A_776 = arith.constant 7.000000e+00 : f32
    %mul3A_777 = vector.broadcast %mul3A_776 : f32 to vector<1x128xf32>
    %mul3A_778 = arith.mulf %floor3A_775, %mul3A_777 : vector<1x128xf32>
    %floor3A_779 = math.floor %mul3A_686 : vector<1x128xf32>
    %add3A_780 = arith.addf %mul3A_778, %floor3A_779 : vector<1x128xf32>
    %eq3A_781 = vector.broadcast %convert_element_type3A : vector<49x1xf32> to vector<49x128xf32>
    %eq3A_782 = vector.broadcast %add3A_780 : vector<1x128xf32> to vector<49x128xf32>
    %eq3A_783 = arith.cmpf oeq, %eq3A_781, %eq3A_782 : vector<49x128xf32>
    %and3A_784 = vector.broadcast %gt3A_703 : vector<1x128xi1> to vector<49x128xi1>
    %and3A_785 = arith.andi %eq3A_783, %and3A_784 : vector<49x128xi1>
    %or3A_786 = arith.ori %or3A_674, %and3A_785 : vector<49x128xi1>
    %broadcast_in_dim3A_787 = vector.shape_cast %floor3A_700 : vector<1x128xf32> to vector<1x128xf32>
    %broadcast_in_dim3A_788 = vector.broadcast %broadcast_in_dim3A_787 : vector<1x128xf32> to vector<49x128xf32>
    %select_n3A_789 = arith.select %and3A_785, %broadcast_in_dim3A_788, %select_n3A_677 : vector<49x128xi1>, vector<49x128xf32>
    %get3A_790 = arith.constant 5 : index
    %get3A_791 = arith.constant 0 : index
    %get3A_792 = arith.constant 0 : index
    %get3A_793 = vector.load %arg2[%get3A_790, %get3A_791, %get3A_792] : memref<16x5x128xf32, #tpu.memory_space<vmem>>, vector<1x5x128xf32>
    %get3A_794 = vector.shape_cast %get3A_793 : vector<1x5x128xf32> to vector<5x128xf32>
    %slice3A_795 = vector.extract_strided_slice %get3A_794 {offsets = [0, 0], sizes = [1, 128], strides = [1, 1]} : vector<5x128xf32> to vector<1x128xf32>
    %mul3A_796 = arith.constant 7.000000e+00 : f32
    %mul3A_797 = vector.broadcast %mul3A_796 : f32 to vector<1x128xf32>
    %mul3A_798 = arith.mulf %slice3A_795, %mul3A_797 : vector<1x128xf32>
    %slice3A_799 = vector.extract_strided_slice %get3A_794 {offsets = [1, 0], sizes = [1, 128], strides = [1, 1]} : vector<5x128xf32> to vector<1x128xf32>
    %mul3A_800 = arith.constant 7.000000e+00 : f32
    %mul3A_801 = vector.broadcast %mul3A_800 : f32 to vector<1x128xf32>
    %mul3A_802 = arith.mulf %slice3A_799, %mul3A_801 : vector<1x128xf32>
    %slice3A_803 = vector.extract_strided_slice %get3A_794 {offsets = [2, 0], sizes = [1, 128], strides = [1, 1]} : vector<5x128xf32> to vector<1x128xf32>
    %mul3A_804 = arith.constant 7.000000e+00 : f32
    %mul3A_805 = vector.broadcast %mul3A_804 : f32 to vector<1x128xf32>
    %mul3A_806 = arith.mulf %slice3A_803, %mul3A_805 : vector<1x128xf32>
    %slice3A_807 = vector.extract_strided_slice %get3A_794 {offsets = [3, 0], sizes = [1, 128], strides = [1, 1]} : vector<5x128xf32> to vector<1x128xf32>
    %mul3A_808 = arith.constant 7.000000e+00 : f32
    %mul3A_809 = vector.broadcast %mul3A_808 : f32 to vector<1x128xf32>
    %mul3A_810 = arith.mulf %slice3A_807, %mul3A_809 : vector<1x128xf32>
    %slice3A_811 = vector.extract_strided_slice %get3A_794 {offsets = [4, 0], sizes = [1, 128], strides = [1, 1]} : vector<5x128xf32> to vector<1x128xf32>
    %floor3A_812 = math.floor %slice3A_811 : vector<1x128xf32>
    %gt3A_813 = arith.constant 5.000000e+00 : f32
    %gt3A_814 = vector.broadcast %gt3A_813 : f32 to vector<1x128xf32>
    %gt3A_815 = arith.cmpf ogt, %broadcast_in_dim3A, %gt3A_814 : vector<1x128xf32>
    %mul3A_816 = arith.constant 5.000000e-01 : f32
    %mul3A_817 = vector.broadcast %mul3A_816 : f32 to vector<1x128xf32>
    %mul3A_818 = arith.mulf %mul3A_806, %mul3A_817 : vector<1x128xf32>
    %sub3A_819 = arith.subf %mul3A_798, %mul3A_818 : vector<1x128xf32>
    %mul3A_820 = arith.constant 5.000000e-01 : f32
    %mul3A_821 = vector.broadcast %mul3A_820 : f32 to vector<1x128xf32>
    %mul3A_822 = arith.mulf %mul3A_806, %mul3A_821 : vector<1x128xf32>
    %add3A_823 = arith.addf %mul3A_798, %mul3A_822 : vector<1x128xf32>
    %mul3A_824 = arith.constant 5.000000e-01 : f32
    %mul3A_825 = vector.broadcast %mul3A_824 : f32 to vector<1x128xf32>
    %mul3A_826 = arith.mulf %mul3A_810, %mul3A_825 : vector<1x128xf32>
    %sub3A_827 = arith.subf %mul3A_802, %mul3A_826 : vector<1x128xf32>
    %mul3A_828 = arith.constant 5.000000e-01 : f32
    %mul3A_829 = vector.broadcast %mul3A_828 : f32 to vector<1x128xf32>
    %mul3A_830 = arith.mulf %mul3A_810, %mul3A_829 : vector<1x128xf32>
    %add3A_831 = arith.addf %mul3A_802, %mul3A_830 : vector<1x128xf32>
    %mul3A_832 = arith.mulf %mul3A_806, %mul3A_810 : vector<1x128xf32>
    %max3A_833 = vector.broadcast %sub3A_819 : vector<1x128xf32> to vector<49x128xf32>
    %max3A_834 = arith.maximumf %sub3A, %max3A_833 : vector<49x128xf32>
    %min3A_835 = vector.broadcast %add3A_823 : vector<1x128xf32> to vector<49x128xf32>
    %min3A_836 = arith.minimumf %add3A_86, %min3A_835 : vector<49x128xf32>
    %max3A_837 = vector.broadcast %sub3A_827 : vector<1x128xf32> to vector<49x128xf32>
    %max3A_838 = arith.maximumf %sub3A_90, %max3A_837 : vector<49x128xf32>
    %min3A_839 = vector.broadcast %add3A_831 : vector<1x128xf32> to vector<49x128xf32>
    %min3A_840 = arith.minimumf %add3A_94, %min3A_839 : vector<49x128xf32>
    %lt3A_841 = arith.cmpf olt, %max3A_834, %min3A_836 : vector<49x128xf32>
    %lt3A_842 = arith.cmpf olt, %max3A_838, %min3A_840 : vector<49x128xf32>
    %and3A_843 = arith.andi %lt3A_841, %lt3A_842 : vector<49x128xi1>
    %sub3A_844 = arith.subf %min3A_836, %max3A_834 : vector<49x128xf32>
    %sub3A_845 = arith.subf %min3A_840, %max3A_838 : vector<49x128xf32>
    %mul3A_846 = arith.mulf %sub3A_844, %sub3A_845 : vector<49x128xf32>
    %jit3A_847 = arith.constant 0.000000e+00 : f32
    %broadcast_in_dim3A_848 = vector.broadcast %jit3A_847 : f32 to vector<49x128xf32>
    %select_n3A_849 = arith.select %and3A_843, %mul3A_846, %broadcast_in_dim3A_848 : vector<49x128xi1>, vector<49x128xf32>
    %add3A_850 = vector.broadcast %mul3A_832 : vector<1x128xf32> to vector<49x128xf32>
    %add3A_851 = arith.addf %mul3A_95, %add3A_850 : vector<49x128xf32>
    %sub3A_852 = arith.subf %add3A_851, %select_n3A_849 : vector<49x128xf32>
    %div3A_853 = arith.divf %select_n3A_849, %sub3A_852 : vector<49x128xf32>
    %jit3A_854 = arith.constant 0xFF800000 : f32
    %broadcast_in_dim3A_855 = vector.shape_cast %gt3A_815 : vector<1x128xi1> to vector<1x128xi1>
    %broadcast_in_dim3A_856 = vector.broadcast %broadcast_in_dim3A_855 : vector<1x128xi1> to vector<49x128xi1>
    %broadcast_in_dim3A_857 = vector.broadcast %jit3A_854 : f32 to vector<49x128xf32>
    %select_n3A_858 = arith.select %broadcast_in_dim3A_856, %div3A_853, %broadcast_in_dim3A_857 : vector<49x128xi1>, vector<49x128xf32>
    %max3A_859 = arith.maximumf %max3A_747, %select_n3A_858 : vector<49x128xf32>
    %max3A_860 = vector.broadcast %sub3A_819 : vector<1x128xf32> to vector<49x128xf32>
    %max3A_861 = arith.maximumf %sub3A_184, %max3A_860 : vector<49x128xf32>
    %min3A_862 = vector.broadcast %add3A_823 : vector<1x128xf32> to vector<49x128xf32>
    %min3A_863 = arith.minimumf %add3A_188, %min3A_862 : vector<49x128xf32>
    %max3A_864 = vector.broadcast %sub3A_827 : vector<1x128xf32> to vector<49x128xf32>
    %max3A_865 = arith.maximumf %sub3A_192, %max3A_864 : vector<49x128xf32>
    %min3A_866 = vector.broadcast %add3A_831 : vector<1x128xf32> to vector<49x128xf32>
    %min3A_867 = arith.minimumf %add3A_196, %min3A_866 : vector<49x128xf32>
    %lt3A_868 = arith.cmpf olt, %max3A_861, %min3A_863 : vector<49x128xf32>
    %lt3A_869 = arith.cmpf olt, %max3A_865, %min3A_867 : vector<49x128xf32>
    %and3A_870 = arith.andi %lt3A_868, %lt3A_869 : vector<49x128xi1>
    %sub3A_871 = arith.subf %min3A_863, %max3A_861 : vector<49x128xf32>
    %sub3A_872 = arith.subf %min3A_867, %max3A_865 : vector<49x128xf32>
    %mul3A_873 = arith.mulf %sub3A_871, %sub3A_872 : vector<49x128xf32>
    %jit3A_874 = arith.constant 0.000000e+00 : f32
    %broadcast_in_dim3A_875 = vector.broadcast %jit3A_874 : f32 to vector<49x128xf32>
    %select_n3A_876 = arith.select %and3A_870, %mul3A_873, %broadcast_in_dim3A_875 : vector<49x128xi1>, vector<49x128xf32>
    %add3A_877 = vector.broadcast %mul3A_832 : vector<1x128xf32> to vector<49x128xf32>
    %add3A_878 = arith.addf %mul3A_197, %add3A_877 : vector<49x128xf32>
    %sub3A_879 = arith.subf %add3A_878, %select_n3A_876 : vector<49x128xf32>
    %div3A_880 = arith.divf %select_n3A_876, %sub3A_879 : vector<49x128xf32>
    %jit3A_881 = arith.constant 0xFF800000 : f32
    %broadcast_in_dim3A_882 = vector.shape_cast %gt3A_815 : vector<1x128xi1> to vector<1x128xi1>
    %broadcast_in_dim3A_883 = vector.broadcast %broadcast_in_dim3A_882 : vector<1x128xi1> to vector<49x128xi1>
    %broadcast_in_dim3A_884 = vector.broadcast %jit3A_881 : f32 to vector<49x128xf32>
    %select_n3A_885 = arith.select %broadcast_in_dim3A_883, %div3A_880, %broadcast_in_dim3A_884 : vector<49x128xi1>, vector<49x128xf32>
    %max3A_886 = arith.maximumf %max3A_774, %select_n3A_885 : vector<49x128xf32>
    %floor3A_887 = math.floor %mul3A_802 : vector<1x128xf32>
    %mul3A_888 = arith.constant 7.000000e+00 : f32
    %mul3A_889 = vector.broadcast %mul3A_888 : f32 to vector<1x128xf32>
    %mul3A_890 = arith.mulf %floor3A_887, %mul3A_889 : vector<1x128xf32>
    %floor3A_891 = math.floor %mul3A_798 : vector<1x128xf32>
    %add3A_892 = arith.addf %mul3A_890, %floor3A_891 : vector<1x128xf32>
    %eq3A_893 = vector.broadcast %convert_element_type3A : vector<49x1xf32> to vector<49x128xf32>
    %eq3A_894 = vector.broadcast %add3A_892 : vector<1x128xf32> to vector<49x128xf32>
    %eq3A_895 = arith.cmpf oeq, %eq3A_893, %eq3A_894 : vector<49x128xf32>
    %and3A_896 = vector.broadcast %gt3A_815 : vector<1x128xi1> to vector<49x128xi1>
    %and3A_897 = arith.andi %eq3A_895, %and3A_896 : vector<49x128xi1>
    %or3A_898 = arith.ori %or3A_786, %and3A_897 : vector<49x128xi1>
    %broadcast_in_dim3A_899 = vector.shape_cast %floor3A_812 : vector<1x128xf32> to vector<1x128xf32>
    %broadcast_in_dim3A_900 = vector.broadcast %broadcast_in_dim3A_899 : vector<1x128xf32> to vector<49x128xf32>
    %select_n3A_901 = arith.select %and3A_897, %broadcast_in_dim3A_900, %select_n3A_789 : vector<49x128xi1>, vector<49x128xf32>
    %get3A_902 = arith.constant 6 : index
    %get3A_903 = arith.constant 0 : index
    %get3A_904 = arith.constant 0 : index
    %get3A_905 = vector.load %arg2[%get3A_902, %get3A_903, %get3A_904] : memref<16x5x128xf32, #tpu.memory_space<vmem>>, vector<1x5x128xf32>
    %get3A_906 = vector.shape_cast %get3A_905 : vector<1x5x128xf32> to vector<5x128xf32>
    %slice3A_907 = vector.extract_strided_slice %get3A_906 {offsets = [0, 0], sizes = [1, 128], strides = [1, 1]} : vector<5x128xf32> to vector<1x128xf32>
    %mul3A_908 = arith.constant 7.000000e+00 : f32
    %mul3A_909 = vector.broadcast %mul3A_908 : f32 to vector<1x128xf32>
    %mul3A_910 = arith.mulf %slice3A_907, %mul3A_909 : vector<1x128xf32>
    %slice3A_911 = vector.extract_strided_slice %get3A_906 {offsets = [1, 0], sizes = [1, 128], strides = [1, 1]} : vector<5x128xf32> to vector<1x128xf32>
    %mul3A_912 = arith.constant 7.000000e+00 : f32
    %mul3A_913 = vector.broadcast %mul3A_912 : f32 to vector<1x128xf32>
    %mul3A_914 = arith.mulf %slice3A_911, %mul3A_913 : vector<1x128xf32>
    %slice3A_915 = vector.extract_strided_slice %get3A_906 {offsets = [2, 0], sizes = [1, 128], strides = [1, 1]} : vector<5x128xf32> to vector<1x128xf32>
    %mul3A_916 = arith.constant 7.000000e+00 : f32
    %mul3A_917 = vector.broadcast %mul3A_916 : f32 to vector<1x128xf32>
    %mul3A_918 = arith.mulf %slice3A_915, %mul3A_917 : vector<1x128xf32>
    %slice3A_919 = vector.extract_strided_slice %get3A_906 {offsets = [3, 0], sizes = [1, 128], strides = [1, 1]} : vector<5x128xf32> to vector<1x128xf32>
    %mul3A_920 = arith.constant 7.000000e+00 : f32
    %mul3A_921 = vector.broadcast %mul3A_920 : f32 to vector<1x128xf32>
    %mul3A_922 = arith.mulf %slice3A_919, %mul3A_921 : vector<1x128xf32>
    %slice3A_923 = vector.extract_strided_slice %get3A_906 {offsets = [4, 0], sizes = [1, 128], strides = [1, 1]} : vector<5x128xf32> to vector<1x128xf32>
    %floor3A_924 = math.floor %slice3A_923 : vector<1x128xf32>
    %gt3A_925 = arith.constant 6.000000e+00 : f32
    %gt3A_926 = vector.broadcast %gt3A_925 : f32 to vector<1x128xf32>
    %gt3A_927 = arith.cmpf ogt, %broadcast_in_dim3A, %gt3A_926 : vector<1x128xf32>
    %mul3A_928 = arith.constant 5.000000e-01 : f32
    %mul3A_929 = vector.broadcast %mul3A_928 : f32 to vector<1x128xf32>
    %mul3A_930 = arith.mulf %mul3A_918, %mul3A_929 : vector<1x128xf32>
    %sub3A_931 = arith.subf %mul3A_910, %mul3A_930 : vector<1x128xf32>
    %mul3A_932 = arith.constant 5.000000e-01 : f32
    %mul3A_933 = vector.broadcast %mul3A_932 : f32 to vector<1x128xf32>
    %mul3A_934 = arith.mulf %mul3A_918, %mul3A_933 : vector<1x128xf32>
    %add3A_935 = arith.addf %mul3A_910, %mul3A_934 : vector<1x128xf32>
    %mul3A_936 = arith.constant 5.000000e-01 : f32
    %mul3A_937 = vector.broadcast %mul3A_936 : f32 to vector<1x128xf32>
    %mul3A_938 = arith.mulf %mul3A_922, %mul3A_937 : vector<1x128xf32>
    %sub3A_939 = arith.subf %mul3A_914, %mul3A_938 : vector<1x128xf32>
    %mul3A_940 = arith.constant 5.000000e-01 : f32
    %mul3A_941 = vector.broadcast %mul3A_940 : f32 to vector<1x128xf32>
    %mul3A_942 = arith.mulf %mul3A_922, %mul3A_941 : vector<1x128xf32>
    %add3A_943 = arith.addf %mul3A_914, %mul3A_942 : vector<1x128xf32>
    %mul3A_944 = arith.mulf %mul3A_918, %mul3A_922 : vector<1x128xf32>
    %max3A_945 = vector.broadcast %sub3A_931 : vector<1x128xf32> to vector<49x128xf32>
    %max3A_946 = arith.maximumf %sub3A, %max3A_945 : vector<49x128xf32>
    %min3A_947 = vector.broadcast %add3A_935 : vector<1x128xf32> to vector<49x128xf32>
    %min3A_948 = arith.minimumf %add3A_86, %min3A_947 : vector<49x128xf32>
    %max3A_949 = vector.broadcast %sub3A_939 : vector<1x128xf32> to vector<49x128xf32>
    %max3A_950 = arith.maximumf %sub3A_90, %max3A_949 : vector<49x128xf32>
    %min3A_951 = vector.broadcast %add3A_943 : vector<1x128xf32> to vector<49x128xf32>
    %min3A_952 = arith.minimumf %add3A_94, %min3A_951 : vector<49x128xf32>
    %lt3A_953 = arith.cmpf olt, %max3A_946, %min3A_948 : vector<49x128xf32>
    %lt3A_954 = arith.cmpf olt, %max3A_950, %min3A_952 : vector<49x128xf32>
    %and3A_955 = arith.andi %lt3A_953, %lt3A_954 : vector<49x128xi1>
    %sub3A_956 = arith.subf %min3A_948, %max3A_946 : vector<49x128xf32>
    %sub3A_957 = arith.subf %min3A_952, %max3A_950 : vector<49x128xf32>
    %mul3A_958 = arith.mulf %sub3A_956, %sub3A_957 : vector<49x128xf32>
    %jit3A_959 = arith.constant 0.000000e+00 : f32
    %broadcast_in_dim3A_960 = vector.broadcast %jit3A_959 : f32 to vector<49x128xf32>
    %select_n3A_961 = arith.select %and3A_955, %mul3A_958, %broadcast_in_dim3A_960 : vector<49x128xi1>, vector<49x128xf32>
    %add3A_962 = vector.broadcast %mul3A_944 : vector<1x128xf32> to vector<49x128xf32>
    %add3A_963 = arith.addf %mul3A_95, %add3A_962 : vector<49x128xf32>
    %sub3A_964 = arith.subf %add3A_963, %select_n3A_961 : vector<49x128xf32>
    %div3A_965 = arith.divf %select_n3A_961, %sub3A_964 : vector<49x128xf32>
    %jit3A_966 = arith.constant 0xFF800000 : f32
    %broadcast_in_dim3A_967 = vector.shape_cast %gt3A_927 : vector<1x128xi1> to vector<1x128xi1>
    %broadcast_in_dim3A_968 = vector.broadcast %broadcast_in_dim3A_967 : vector<1x128xi1> to vector<49x128xi1>
    %broadcast_in_dim3A_969 = vector.broadcast %jit3A_966 : f32 to vector<49x128xf32>
    %select_n3A_970 = arith.select %broadcast_in_dim3A_968, %div3A_965, %broadcast_in_dim3A_969 : vector<49x128xi1>, vector<49x128xf32>
    %max3A_971 = arith.maximumf %max3A_859, %select_n3A_970 : vector<49x128xf32>
    %max3A_972 = vector.broadcast %sub3A_931 : vector<1x128xf32> to vector<49x128xf32>
    %max3A_973 = arith.maximumf %sub3A_184, %max3A_972 : vector<49x128xf32>
    %min3A_974 = vector.broadcast %add3A_935 : vector<1x128xf32> to vector<49x128xf32>
    %min3A_975 = arith.minimumf %add3A_188, %min3A_974 : vector<49x128xf32>
    %max3A_976 = vector.broadcast %sub3A_939 : vector<1x128xf32> to vector<49x128xf32>
    %max3A_977 = arith.maximumf %sub3A_192, %max3A_976 : vector<49x128xf32>
    %min3A_978 = vector.broadcast %add3A_943 : vector<1x128xf32> to vector<49x128xf32>
    %min3A_979 = arith.minimumf %add3A_196, %min3A_978 : vector<49x128xf32>
    %lt3A_980 = arith.cmpf olt, %max3A_973, %min3A_975 : vector<49x128xf32>
    %lt3A_981 = arith.cmpf olt, %max3A_977, %min3A_979 : vector<49x128xf32>
    %and3A_982 = arith.andi %lt3A_980, %lt3A_981 : vector<49x128xi1>
    %sub3A_983 = arith.subf %min3A_975, %max3A_973 : vector<49x128xf32>
    %sub3A_984 = arith.subf %min3A_979, %max3A_977 : vector<49x128xf32>
    %mul3A_985 = arith.mulf %sub3A_983, %sub3A_984 : vector<49x128xf32>
    %jit3A_986 = arith.constant 0.000000e+00 : f32
    %broadcast_in_dim3A_987 = vector.broadcast %jit3A_986 : f32 to vector<49x128xf32>
    %select_n3A_988 = arith.select %and3A_982, %mul3A_985, %broadcast_in_dim3A_987 : vector<49x128xi1>, vector<49x128xf32>
    %add3A_989 = vector.broadcast %mul3A_944 : vector<1x128xf32> to vector<49x128xf32>
    %add3A_990 = arith.addf %mul3A_197, %add3A_989 : vector<49x128xf32>
    %sub3A_991 = arith.subf %add3A_990, %select_n3A_988 : vector<49x128xf32>
    %div3A_992 = arith.divf %select_n3A_988, %sub3A_991 : vector<49x128xf32>
    %jit3A_993 = arith.constant 0xFF800000 : f32
    %broadcast_in_dim3A_994 = vector.shape_cast %gt3A_927 : vector<1x128xi1> to vector<1x128xi1>
    %broadcast_in_dim3A_995 = vector.broadcast %broadcast_in_dim3A_994 : vector<1x128xi1> to vector<49x128xi1>
    %broadcast_in_dim3A_996 = vector.broadcast %jit3A_993 : f32 to vector<49x128xf32>
    %select_n3A_997 = arith.select %broadcast_in_dim3A_995, %div3A_992, %broadcast_in_dim3A_996 : vector<49x128xi1>, vector<49x128xf32>
    %max3A_998 = arith.maximumf %max3A_886, %select_n3A_997 : vector<49x128xf32>
    %floor3A_999 = math.floor %mul3A_914 : vector<1x128xf32>
    %mul3A_1000 = arith.constant 7.000000e+00 : f32
    %mul3A_1001 = vector.broadcast %mul3A_1000 : f32 to vector<1x128xf32>
    %mul3A_1002 = arith.mulf %floor3A_999, %mul3A_1001 : vector<1x128xf32>
    %floor3A_1003 = math.floor %mul3A_910 : vector<1x128xf32>
    %add3A_1004 = arith.addf %mul3A_1002, %floor3A_1003 : vector<1x128xf32>
    %eq3A_1005 = vector.broadcast %convert_element_type3A : vector<49x1xf32> to vector<49x128xf32>
    %eq3A_1006 = vector.broadcast %add3A_1004 : vector<1x128xf32> to vector<49x128xf32>
    %eq3A_1007 = arith.cmpf oeq, %eq3A_1005, %eq3A_1006 : vector<49x128xf32>
    %and3A_1008 = vector.broadcast %gt3A_927 : vector<1x128xi1> to vector<49x128xi1>
    %and3A_1009 = arith.andi %eq3A_1007, %and3A_1008 : vector<49x128xi1>
    %or3A_1010 = arith.ori %or3A_898, %and3A_1009 : vector<49x128xi1>
    %broadcast_in_dim3A_1011 = vector.shape_cast %floor3A_924 : vector<1x128xf32> to vector<1x128xf32>
    %broadcast_in_dim3A_1012 = vector.broadcast %broadcast_in_dim3A_1011 : vector<1x128xf32> to vector<49x128xf32>
    %select_n3A_1013 = arith.select %and3A_1009, %broadcast_in_dim3A_1012, %select_n3A_901 : vector<49x128xi1>, vector<49x128xf32>
    %get3A_1014 = arith.constant 7 : index
    %get3A_1015 = arith.constant 0 : index
    %get3A_1016 = arith.constant 0 : index
    %get3A_1017 = vector.load %arg2[%get3A_1014, %get3A_1015, %get3A_1016] : memref<16x5x128xf32, #tpu.memory_space<vmem>>, vector<1x5x128xf32>
    %get3A_1018 = vector.shape_cast %get3A_1017 : vector<1x5x128xf32> to vector<5x128xf32>
    %slice3A_1019 = vector.extract_strided_slice %get3A_1018 {offsets = [0, 0], sizes = [1, 128], strides = [1, 1]} : vector<5x128xf32> to vector<1x128xf32>
    %mul3A_1020 = arith.constant 7.000000e+00 : f32
    %mul3A_1021 = vector.broadcast %mul3A_1020 : f32 to vector<1x128xf32>
    %mul3A_1022 = arith.mulf %slice3A_1019, %mul3A_1021 : vector<1x128xf32>
    %slice3A_1023 = vector.extract_strided_slice %get3A_1018 {offsets = [1, 0], sizes = [1, 128], strides = [1, 1]} : vector<5x128xf32> to vector<1x128xf32>
    %mul3A_1024 = arith.constant 7.000000e+00 : f32
    %mul3A_1025 = vector.broadcast %mul3A_1024 : f32 to vector<1x128xf32>
    %mul3A_1026 = arith.mulf %slice3A_1023, %mul3A_1025 : vector<1x128xf32>
    %slice3A_1027 = vector.extract_strided_slice %get3A_1018 {offsets = [2, 0], sizes = [1, 128], strides = [1, 1]} : vector<5x128xf32> to vector<1x128xf32>
    %mul3A_1028 = arith.constant 7.000000e+00 : f32
    %mul3A_1029 = vector.broadcast %mul3A_1028 : f32 to vector<1x128xf32>
    %mul3A_1030 = arith.mulf %slice3A_1027, %mul3A_1029 : vector<1x128xf32>
    %slice3A_1031 = vector.extract_strided_slice %get3A_1018 {offsets = [3, 0], sizes = [1, 128], strides = [1, 1]} : vector<5x128xf32> to vector<1x128xf32>
    %mul3A_1032 = arith.constant 7.000000e+00 : f32
    %mul3A_1033 = vector.broadcast %mul3A_1032 : f32 to vector<1x128xf32>
    %mul3A_1034 = arith.mulf %slice3A_1031, %mul3A_1033 : vector<1x128xf32>
    %slice3A_1035 = vector.extract_strided_slice %get3A_1018 {offsets = [4, 0], sizes = [1, 128], strides = [1, 1]} : vector<5x128xf32> to vector<1x128xf32>
    %floor3A_1036 = math.floor %slice3A_1035 : vector<1x128xf32>
    %gt3A_1037 = arith.constant 7.000000e+00 : f32
    %gt3A_1038 = vector.broadcast %gt3A_1037 : f32 to vector<1x128xf32>
    %gt3A_1039 = arith.cmpf ogt, %broadcast_in_dim3A, %gt3A_1038 : vector<1x128xf32>
    %mul3A_1040 = arith.constant 5.000000e-01 : f32
    %mul3A_1041 = vector.broadcast %mul3A_1040 : f32 to vector<1x128xf32>
    %mul3A_1042 = arith.mulf %mul3A_1030, %mul3A_1041 : vector<1x128xf32>
    %sub3A_1043 = arith.subf %mul3A_1022, %mul3A_1042 : vector<1x128xf32>
    %mul3A_1044 = arith.constant 5.000000e-01 : f32
    %mul3A_1045 = vector.broadcast %mul3A_1044 : f32 to vector<1x128xf32>
    %mul3A_1046 = arith.mulf %mul3A_1030, %mul3A_1045 : vector<1x128xf32>
    %add3A_1047 = arith.addf %mul3A_1022, %mul3A_1046 : vector<1x128xf32>
    %mul3A_1048 = arith.constant 5.000000e-01 : f32
    %mul3A_1049 = vector.broadcast %mul3A_1048 : f32 to vector<1x128xf32>
    %mul3A_1050 = arith.mulf %mul3A_1034, %mul3A_1049 : vector<1x128xf32>
    %sub3A_1051 = arith.subf %mul3A_1026, %mul3A_1050 : vector<1x128xf32>
    %mul3A_1052 = arith.constant 5.000000e-01 : f32
    %mul3A_1053 = vector.broadcast %mul3A_1052 : f32 to vector<1x128xf32>
    %mul3A_1054 = arith.mulf %mul3A_1034, %mul3A_1053 : vector<1x128xf32>
    %add3A_1055 = arith.addf %mul3A_1026, %mul3A_1054 : vector<1x128xf32>
    %mul3A_1056 = arith.mulf %mul3A_1030, %mul3A_1034 : vector<1x128xf32>
    %max3A_1057 = vector.broadcast %sub3A_1043 : vector<1x128xf32> to vector<49x128xf32>
    %max3A_1058 = arith.maximumf %sub3A, %max3A_1057 : vector<49x128xf32>
    %min3A_1059 = vector.broadcast %add3A_1047 : vector<1x128xf32> to vector<49x128xf32>
    %min3A_1060 = arith.minimumf %add3A_86, %min3A_1059 : vector<49x128xf32>
    %max3A_1061 = vector.broadcast %sub3A_1051 : vector<1x128xf32> to vector<49x128xf32>
    %max3A_1062 = arith.maximumf %sub3A_90, %max3A_1061 : vector<49x128xf32>
    %min3A_1063 = vector.broadcast %add3A_1055 : vector<1x128xf32> to vector<49x128xf32>
    %min3A_1064 = arith.minimumf %add3A_94, %min3A_1063 : vector<49x128xf32>
    %lt3A_1065 = arith.cmpf olt, %max3A_1058, %min3A_1060 : vector<49x128xf32>
    %lt3A_1066 = arith.cmpf olt, %max3A_1062, %min3A_1064 : vector<49x128xf32>
    %and3A_1067 = arith.andi %lt3A_1065, %lt3A_1066 : vector<49x128xi1>
    %sub3A_1068 = arith.subf %min3A_1060, %max3A_1058 : vector<49x128xf32>
    %sub3A_1069 = arith.subf %min3A_1064, %max3A_1062 : vector<49x128xf32>
    %mul3A_1070 = arith.mulf %sub3A_1068, %sub3A_1069 : vector<49x128xf32>
    %jit3A_1071 = arith.constant 0.000000e+00 : f32
    %broadcast_in_dim3A_1072 = vector.broadcast %jit3A_1071 : f32 to vector<49x128xf32>
    %select_n3A_1073 = arith.select %and3A_1067, %mul3A_1070, %broadcast_in_dim3A_1072 : vector<49x128xi1>, vector<49x128xf32>
    %add3A_1074 = vector.broadcast %mul3A_1056 : vector<1x128xf32> to vector<49x128xf32>
    %add3A_1075 = arith.addf %mul3A_95, %add3A_1074 : vector<49x128xf32>
    %sub3A_1076 = arith.subf %add3A_1075, %select_n3A_1073 : vector<49x128xf32>
    %div3A_1077 = arith.divf %select_n3A_1073, %sub3A_1076 : vector<49x128xf32>
    %jit3A_1078 = arith.constant 0xFF800000 : f32
    %broadcast_in_dim3A_1079 = vector.shape_cast %gt3A_1039 : vector<1x128xi1> to vector<1x128xi1>
    %broadcast_in_dim3A_1080 = vector.broadcast %broadcast_in_dim3A_1079 : vector<1x128xi1> to vector<49x128xi1>
    %broadcast_in_dim3A_1081 = vector.broadcast %jit3A_1078 : f32 to vector<49x128xf32>
    %select_n3A_1082 = arith.select %broadcast_in_dim3A_1080, %div3A_1077, %broadcast_in_dim3A_1081 : vector<49x128xi1>, vector<49x128xf32>
    %max3A_1083 = arith.maximumf %max3A_971, %select_n3A_1082 : vector<49x128xf32>
    %max3A_1084 = vector.broadcast %sub3A_1043 : vector<1x128xf32> to vector<49x128xf32>
    %max3A_1085 = arith.maximumf %sub3A_184, %max3A_1084 : vector<49x128xf32>
    %min3A_1086 = vector.broadcast %add3A_1047 : vector<1x128xf32> to vector<49x128xf32>
    %min3A_1087 = arith.minimumf %add3A_188, %min3A_1086 : vector<49x128xf32>
    %max3A_1088 = vector.broadcast %sub3A_1051 : vector<1x128xf32> to vector<49x128xf32>
    %max3A_1089 = arith.maximumf %sub3A_192, %max3A_1088 : vector<49x128xf32>
    %min3A_1090 = vector.broadcast %add3A_1055 : vector<1x128xf32> to vector<49x128xf32>
    %min3A_1091 = arith.minimumf %add3A_196, %min3A_1090 : vector<49x128xf32>
    %lt3A_1092 = arith.cmpf olt, %max3A_1085, %min3A_1087 : vector<49x128xf32>
    %lt3A_1093 = arith.cmpf olt, %max3A_1089, %min3A_1091 : vector<49x128xf32>
    %and3A_1094 = arith.andi %lt3A_1092, %lt3A_1093 : vector<49x128xi1>
    %sub3A_1095 = arith.subf %min3A_1087, %max3A_1085 : vector<49x128xf32>
    %sub3A_1096 = arith.subf %min3A_1091, %max3A_1089 : vector<49x128xf32>
    %mul3A_1097 = arith.mulf %sub3A_1095, %sub3A_1096 : vector<49x128xf32>
    %jit3A_1098 = arith.constant 0.000000e+00 : f32
    %broadcast_in_dim3A_1099 = vector.broadcast %jit3A_1098 : f32 to vector<49x128xf32>
    %select_n3A_1100 = arith.select %and3A_1094, %mul3A_1097, %broadcast_in_dim3A_1099 : vector<49x128xi1>, vector<49x128xf32>
    %add3A_1101 = vector.broadcast %mul3A_1056 : vector<1x128xf32> to vector<49x128xf32>
    %add3A_1102 = arith.addf %mul3A_197, %add3A_1101 : vector<49x128xf32>
    %sub3A_1103 = arith.subf %add3A_1102, %select_n3A_1100 : vector<49x128xf32>
    %div3A_1104 = arith.divf %select_n3A_1100, %sub3A_1103 : vector<49x128xf32>
    %jit3A_1105 = arith.constant 0xFF800000 : f32
    %broadcast_in_dim3A_1106 = vector.shape_cast %gt3A_1039 : vector<1x128xi1> to vector<1x128xi1>
    %broadcast_in_dim3A_1107 = vector.broadcast %broadcast_in_dim3A_1106 : vector<1x128xi1> to vector<49x128xi1>
    %broadcast_in_dim3A_1108 = vector.broadcast %jit3A_1105 : f32 to vector<49x128xf32>
    %select_n3A_1109 = arith.select %broadcast_in_dim3A_1107, %div3A_1104, %broadcast_in_dim3A_1108 : vector<49x128xi1>, vector<49x128xf32>
    %max3A_1110 = arith.maximumf %max3A_998, %select_n3A_1109 : vector<49x128xf32>
    %floor3A_1111 = math.floor %mul3A_1026 : vector<1x128xf32>
    %mul3A_1112 = arith.constant 7.000000e+00 : f32
    %mul3A_1113 = vector.broadcast %mul3A_1112 : f32 to vector<1x128xf32>
    %mul3A_1114 = arith.mulf %floor3A_1111, %mul3A_1113 : vector<1x128xf32>
    %floor3A_1115 = math.floor %mul3A_1022 : vector<1x128xf32>
    %add3A_1116 = arith.addf %mul3A_1114, %floor3A_1115 : vector<1x128xf32>
    %eq3A_1117 = vector.broadcast %convert_element_type3A : vector<49x1xf32> to vector<49x128xf32>
    %eq3A_1118 = vector.broadcast %add3A_1116 : vector<1x128xf32> to vector<49x128xf32>
    %eq3A_1119 = arith.cmpf oeq, %eq3A_1117, %eq3A_1118 : vector<49x128xf32>
    %and3A_1120 = vector.broadcast %gt3A_1039 : vector<1x128xi1> to vector<49x128xi1>
    %and3A_1121 = arith.andi %eq3A_1119, %and3A_1120 : vector<49x128xi1>
    %or3A_1122 = arith.ori %or3A_1010, %and3A_1121 : vector<49x128xi1>
    %broadcast_in_dim3A_1123 = vector.shape_cast %floor3A_1036 : vector<1x128xf32> to vector<1x128xf32>
    %broadcast_in_dim3A_1124 = vector.broadcast %broadcast_in_dim3A_1123 : vector<1x128xf32> to vector<49x128xf32>
    %select_n3A_1125 = arith.select %and3A_1121, %broadcast_in_dim3A_1124, %select_n3A_1013 : vector<49x128xi1>, vector<49x128xf32>
    %get3A_1126 = arith.constant 8 : index
    %get3A_1127 = arith.constant 0 : index
    %get3A_1128 = arith.constant 0 : index
    %get3A_1129 = vector.load %arg2[%get3A_1126, %get3A_1127, %get3A_1128] : memref<16x5x128xf32, #tpu.memory_space<vmem>>, vector<1x5x128xf32>
    %get3A_1130 = vector.shape_cast %get3A_1129 : vector<1x5x128xf32> to vector<5x128xf32>
    %slice3A_1131 = vector.extract_strided_slice %get3A_1130 {offsets = [0, 0], sizes = [1, 128], strides = [1, 1]} : vector<5x128xf32> to vector<1x128xf32>
    %mul3A_1132 = arith.constant 7.000000e+00 : f32
    %mul3A_1133 = vector.broadcast %mul3A_1132 : f32 to vector<1x128xf32>
    %mul3A_1134 = arith.mulf %slice3A_1131, %mul3A_1133 : vector<1x128xf32>
    %slice3A_1135 = vector.extract_strided_slice %get3A_1130 {offsets = [1, 0], sizes = [1, 128], strides = [1, 1]} : vector<5x128xf32> to vector<1x128xf32>
    %mul3A_1136 = arith.constant 7.000000e+00 : f32
    %mul3A_1137 = vector.broadcast %mul3A_1136 : f32 to vector<1x128xf32>
    %mul3A_1138 = arith.mulf %slice3A_1135, %mul3A_1137 : vector<1x128xf32>
    %slice3A_1139 = vector.extract_strided_slice %get3A_1130 {offsets = [2, 0], sizes = [1, 128], strides = [1, 1]} : vector<5x128xf32> to vector<1x128xf32>
    %mul3A_1140 = arith.constant 7.000000e+00 : f32
    %mul3A_1141 = vector.broadcast %mul3A_1140 : f32 to vector<1x128xf32>
    %mul3A_1142 = arith.mulf %slice3A_1139, %mul3A_1141 : vector<1x128xf32>
    %slice3A_1143 = vector.extract_strided_slice %get3A_1130 {offsets = [3, 0], sizes = [1, 128], strides = [1, 1]} : vector<5x128xf32> to vector<1x128xf32>
    %mul3A_1144 = arith.constant 7.000000e+00 : f32
    %mul3A_1145 = vector.broadcast %mul3A_1144 : f32 to vector<1x128xf32>
    %mul3A_1146 = arith.mulf %slice3A_1143, %mul3A_1145 : vector<1x128xf32>
    %slice3A_1147 = vector.extract_strided_slice %get3A_1130 {offsets = [4, 0], sizes = [1, 128], strides = [1, 1]} : vector<5x128xf32> to vector<1x128xf32>
    %floor3A_1148 = math.floor %slice3A_1147 : vector<1x128xf32>
    %gt3A_1149 = arith.constant 8.000000e+00 : f32
    %gt3A_1150 = vector.broadcast %gt3A_1149 : f32 to vector<1x128xf32>
    %gt3A_1151 = arith.cmpf ogt, %broadcast_in_dim3A, %gt3A_1150 : vector<1x128xf32>
    %mul3A_1152 = arith.constant 5.000000e-01 : f32
    %mul3A_1153 = vector.broadcast %mul3A_1152 : f32 to vector<1x128xf32>
    %mul3A_1154 = arith.mulf %mul3A_1142, %mul3A_1153 : vector<1x128xf32>
    %sub3A_1155 = arith.subf %mul3A_1134, %mul3A_1154 : vector<1x128xf32>
    %mul3A_1156 = arith.constant 5.000000e-01 : f32
    %mul3A_1157 = vector.broadcast %mul3A_1156 : f32 to vector<1x128xf32>
    %mul3A_1158 = arith.mulf %mul3A_1142, %mul3A_1157 : vector<1x128xf32>
    %add3A_1159 = arith.addf %mul3A_1134, %mul3A_1158 : vector<1x128xf32>
    %mul3A_1160 = arith.constant 5.000000e-01 : f32
    %mul3A_1161 = vector.broadcast %mul3A_1160 : f32 to vector<1x128xf32>
    %mul3A_1162 = arith.mulf %mul3A_1146, %mul3A_1161 : vector<1x128xf32>
    %sub3A_1163 = arith.subf %mul3A_1138, %mul3A_1162 : vector<1x128xf32>
    %mul3A_1164 = arith.constant 5.000000e-01 : f32
    %mul3A_1165 = vector.broadcast %mul3A_1164 : f32 to vector<1x128xf32>
    %mul3A_1166 = arith.mulf %mul3A_1146, %mul3A_1165 : vector<1x128xf32>
    %add3A_1167 = arith.addf %mul3A_1138, %mul3A_1166 : vector<1x128xf32>
    %mul3A_1168 = arith.mulf %mul3A_1142, %mul3A_1146 : vector<1x128xf32>
    %max3A_1169 = vector.broadcast %sub3A_1155 : vector<1x128xf32> to vector<49x128xf32>
    %max3A_1170 = arith.maximumf %sub3A, %max3A_1169 : vector<49x128xf32>
    %min3A_1171 = vector.broadcast %add3A_1159 : vector<1x128xf32> to vector<49x128xf32>
    %min3A_1172 = arith.minimumf %add3A_86, %min3A_1171 : vector<49x128xf32>
    %max3A_1173 = vector.broadcast %sub3A_1163 : vector<1x128xf32> to vector<49x128xf32>
    %max3A_1174 = arith.maximumf %sub3A_90, %max3A_1173 : vector<49x128xf32>
    %min3A_1175 = vector.broadcast %add3A_1167 : vector<1x128xf32> to vector<49x128xf32>
    %min3A_1176 = arith.minimumf %add3A_94, %min3A_1175 : vector<49x128xf32>
    %lt3A_1177 = arith.cmpf olt, %max3A_1170, %min3A_1172 : vector<49x128xf32>
    %lt3A_1178 = arith.cmpf olt, %max3A_1174, %min3A_1176 : vector<49x128xf32>
    %and3A_1179 = arith.andi %lt3A_1177, %lt3A_1178 : vector<49x128xi1>
    %sub3A_1180 = arith.subf %min3A_1172, %max3A_1170 : vector<49x128xf32>
    %sub3A_1181 = arith.subf %min3A_1176, %max3A_1174 : vector<49x128xf32>
    %mul3A_1182 = arith.mulf %sub3A_1180, %sub3A_1181 : vector<49x128xf32>
    %jit3A_1183 = arith.constant 0.000000e+00 : f32
    %broadcast_in_dim3A_1184 = vector.broadcast %jit3A_1183 : f32 to vector<49x128xf32>
    %select_n3A_1185 = arith.select %and3A_1179, %mul3A_1182, %broadcast_in_dim3A_1184 : vector<49x128xi1>, vector<49x128xf32>
    %add3A_1186 = vector.broadcast %mul3A_1168 : vector<1x128xf32> to vector<49x128xf32>
    %add3A_1187 = arith.addf %mul3A_95, %add3A_1186 : vector<49x128xf32>
    %sub3A_1188 = arith.subf %add3A_1187, %select_n3A_1185 : vector<49x128xf32>
    %div3A_1189 = arith.divf %select_n3A_1185, %sub3A_1188 : vector<49x128xf32>
    %jit3A_1190 = arith.constant 0xFF800000 : f32
    %broadcast_in_dim3A_1191 = vector.shape_cast %gt3A_1151 : vector<1x128xi1> to vector<1x128xi1>
    %broadcast_in_dim3A_1192 = vector.broadcast %broadcast_in_dim3A_1191 : vector<1x128xi1> to vector<49x128xi1>
    %broadcast_in_dim3A_1193 = vector.broadcast %jit3A_1190 : f32 to vector<49x128xf32>
    %select_n3A_1194 = arith.select %broadcast_in_dim3A_1192, %div3A_1189, %broadcast_in_dim3A_1193 : vector<49x128xi1>, vector<49x128xf32>
    %max3A_1195 = arith.maximumf %max3A_1083, %select_n3A_1194 : vector<49x128xf32>
    %max3A_1196 = vector.broadcast %sub3A_1155 : vector<1x128xf32> to vector<49x128xf32>
    %max3A_1197 = arith.maximumf %sub3A_184, %max3A_1196 : vector<49x128xf32>
    %min3A_1198 = vector.broadcast %add3A_1159 : vector<1x128xf32> to vector<49x128xf32>
    %min3A_1199 = arith.minimumf %add3A_188, %min3A_1198 : vector<49x128xf32>
    %max3A_1200 = vector.broadcast %sub3A_1163 : vector<1x128xf32> to vector<49x128xf32>
    %max3A_1201 = arith.maximumf %sub3A_192, %max3A_1200 : vector<49x128xf32>
    %min3A_1202 = vector.broadcast %add3A_1167 : vector<1x128xf32> to vector<49x128xf32>
    %min3A_1203 = arith.minimumf %add3A_196, %min3A_1202 : vector<49x128xf32>
    %lt3A_1204 = arith.cmpf olt, %max3A_1197, %min3A_1199 : vector<49x128xf32>
    %lt3A_1205 = arith.cmpf olt, %max3A_1201, %min3A_1203 : vector<49x128xf32>
    %and3A_1206 = arith.andi %lt3A_1204, %lt3A_1205 : vector<49x128xi1>
    %sub3A_1207 = arith.subf %min3A_1199, %max3A_1197 : vector<49x128xf32>
    %sub3A_1208 = arith.subf %min3A_1203, %max3A_1201 : vector<49x128xf32>
    %mul3A_1209 = arith.mulf %sub3A_1207, %sub3A_1208 : vector<49x128xf32>
    %jit3A_1210 = arith.constant 0.000000e+00 : f32
    %broadcast_in_dim3A_1211 = vector.broadcast %jit3A_1210 : f32 to vector<49x128xf32>
    %select_n3A_1212 = arith.select %and3A_1206, %mul3A_1209, %broadcast_in_dim3A_1211 : vector<49x128xi1>, vector<49x128xf32>
    %add3A_1213 = vector.broadcast %mul3A_1168 : vector<1x128xf32> to vector<49x128xf32>
    %add3A_1214 = arith.addf %mul3A_197, %add3A_1213 : vector<49x128xf32>
    %sub3A_1215 = arith.subf %add3A_1214, %select_n3A_1212 : vector<49x128xf32>
    %div3A_1216 = arith.divf %select_n3A_1212, %sub3A_1215 : vector<49x128xf32>
    %jit3A_1217 = arith.constant 0xFF800000 : f32
    %broadcast_in_dim3A_1218 = vector.shape_cast %gt3A_1151 : vector<1x128xi1> to vector<1x128xi1>
    %broadcast_in_dim3A_1219 = vector.broadcast %broadcast_in_dim3A_1218 : vector<1x128xi1> to vector<49x128xi1>
    %broadcast_in_dim3A_1220 = vector.broadcast %jit3A_1217 : f32 to vector<49x128xf32>
    %select_n3A_1221 = arith.select %broadcast_in_dim3A_1219, %div3A_1216, %broadcast_in_dim3A_1220 : vector<49x128xi1>, vector<49x128xf32>
    %max3A_1222 = arith.maximumf %max3A_1110, %select_n3A_1221 : vector<49x128xf32>
    %floor3A_1223 = math.floor %mul3A_1138 : vector<1x128xf32>
    %mul3A_1224 = arith.constant 7.000000e+00 : f32
    %mul3A_1225 = vector.broadcast %mul3A_1224 : f32 to vector<1x128xf32>
    %mul3A_1226 = arith.mulf %floor3A_1223, %mul3A_1225 : vector<1x128xf32>
    %floor3A_1227 = math.floor %mul3A_1134 : vector<1x128xf32>
    %add3A_1228 = arith.addf %mul3A_1226, %floor3A_1227 : vector<1x128xf32>
    %eq3A_1229 = vector.broadcast %convert_element_type3A : vector<49x1xf32> to vector<49x128xf32>
    %eq3A_1230 = vector.broadcast %add3A_1228 : vector<1x128xf32> to vector<49x128xf32>
    %eq3A_1231 = arith.cmpf oeq, %eq3A_1229, %eq3A_1230 : vector<49x128xf32>
    %and3A_1232 = vector.broadcast %gt3A_1151 : vector<1x128xi1> to vector<49x128xi1>
    %and3A_1233 = arith.andi %eq3A_1231, %and3A_1232 : vector<49x128xi1>
    %or3A_1234 = arith.ori %or3A_1122, %and3A_1233 : vector<49x128xi1>
    %broadcast_in_dim3A_1235 = vector.shape_cast %floor3A_1148 : vector<1x128xf32> to vector<1x128xf32>
    %broadcast_in_dim3A_1236 = vector.broadcast %broadcast_in_dim3A_1235 : vector<1x128xf32> to vector<49x128xf32>
    %select_n3A_1237 = arith.select %and3A_1233, %broadcast_in_dim3A_1236, %select_n3A_1125 : vector<49x128xi1>, vector<49x128xf32>
    %get3A_1238 = arith.constant 9 : index
    %get3A_1239 = arith.constant 0 : index
    %get3A_1240 = arith.constant 0 : index
    %get3A_1241 = vector.load %arg2[%get3A_1238, %get3A_1239, %get3A_1240] : memref<16x5x128xf32, #tpu.memory_space<vmem>>, vector<1x5x128xf32>
    %get3A_1242 = vector.shape_cast %get3A_1241 : vector<1x5x128xf32> to vector<5x128xf32>
    %slice3A_1243 = vector.extract_strided_slice %get3A_1242 {offsets = [0, 0], sizes = [1, 128], strides = [1, 1]} : vector<5x128xf32> to vector<1x128xf32>
    %mul3A_1244 = arith.constant 7.000000e+00 : f32
    %mul3A_1245 = vector.broadcast %mul3A_1244 : f32 to vector<1x128xf32>
    %mul3A_1246 = arith.mulf %slice3A_1243, %mul3A_1245 : vector<1x128xf32>
    %slice3A_1247 = vector.extract_strided_slice %get3A_1242 {offsets = [1, 0], sizes = [1, 128], strides = [1, 1]} : vector<5x128xf32> to vector<1x128xf32>
    %mul3A_1248 = arith.constant 7.000000e+00 : f32
    %mul3A_1249 = vector.broadcast %mul3A_1248 : f32 to vector<1x128xf32>
    %mul3A_1250 = arith.mulf %slice3A_1247, %mul3A_1249 : vector<1x128xf32>
    %slice3A_1251 = vector.extract_strided_slice %get3A_1242 {offsets = [2, 0], sizes = [1, 128], strides = [1, 1]} : vector<5x128xf32> to vector<1x128xf32>
    %mul3A_1252 = arith.constant 7.000000e+00 : f32
    %mul3A_1253 = vector.broadcast %mul3A_1252 : f32 to vector<1x128xf32>
    %mul3A_1254 = arith.mulf %slice3A_1251, %mul3A_1253 : vector<1x128xf32>
    %slice3A_1255 = vector.extract_strided_slice %get3A_1242 {offsets = [3, 0], sizes = [1, 128], strides = [1, 1]} : vector<5x128xf32> to vector<1x128xf32>
    %mul3A_1256 = arith.constant 7.000000e+00 : f32
    %mul3A_1257 = vector.broadcast %mul3A_1256 : f32 to vector<1x128xf32>
    %mul3A_1258 = arith.mulf %slice3A_1255, %mul3A_1257 : vector<1x128xf32>
    %slice3A_1259 = vector.extract_strided_slice %get3A_1242 {offsets = [4, 0], sizes = [1, 128], strides = [1, 1]} : vector<5x128xf32> to vector<1x128xf32>
    %floor3A_1260 = math.floor %slice3A_1259 : vector<1x128xf32>
    %gt3A_1261 = arith.constant 9.000000e+00 : f32
    %gt3A_1262 = vector.broadcast %gt3A_1261 : f32 to vector<1x128xf32>
    %gt3A_1263 = arith.cmpf ogt, %broadcast_in_dim3A, %gt3A_1262 : vector<1x128xf32>
    %mul3A_1264 = arith.constant 5.000000e-01 : f32
    %mul3A_1265 = vector.broadcast %mul3A_1264 : f32 to vector<1x128xf32>
    %mul3A_1266 = arith.mulf %mul3A_1254, %mul3A_1265 : vector<1x128xf32>
    %sub3A_1267 = arith.subf %mul3A_1246, %mul3A_1266 : vector<1x128xf32>
    %mul3A_1268 = arith.constant 5.000000e-01 : f32
    %mul3A_1269 = vector.broadcast %mul3A_1268 : f32 to vector<1x128xf32>
    %mul3A_1270 = arith.mulf %mul3A_1254, %mul3A_1269 : vector<1x128xf32>
    %add3A_1271 = arith.addf %mul3A_1246, %mul3A_1270 : vector<1x128xf32>
    %mul3A_1272 = arith.constant 5.000000e-01 : f32
    %mul3A_1273 = vector.broadcast %mul3A_1272 : f32 to vector<1x128xf32>
    %mul3A_1274 = arith.mulf %mul3A_1258, %mul3A_1273 : vector<1x128xf32>
    %sub3A_1275 = arith.subf %mul3A_1250, %mul3A_1274 : vector<1x128xf32>
    %mul3A_1276 = arith.constant 5.000000e-01 : f32
    %mul3A_1277 = vector.broadcast %mul3A_1276 : f32 to vector<1x128xf32>
    %mul3A_1278 = arith.mulf %mul3A_1258, %mul3A_1277 : vector<1x128xf32>
    %add3A_1279 = arith.addf %mul3A_1250, %mul3A_1278 : vector<1x128xf32>
    %mul3A_1280 = arith.mulf %mul3A_1254, %mul3A_1258 : vector<1x128xf32>
    %max3A_1281 = vector.broadcast %sub3A_1267 : vector<1x128xf32> to vector<49x128xf32>
    %max3A_1282 = arith.maximumf %sub3A, %max3A_1281 : vector<49x128xf32>
    %min3A_1283 = vector.broadcast %add3A_1271 : vector<1x128xf32> to vector<49x128xf32>
    %min3A_1284 = arith.minimumf %add3A_86, %min3A_1283 : vector<49x128xf32>
    %max3A_1285 = vector.broadcast %sub3A_1275 : vector<1x128xf32> to vector<49x128xf32>
    %max3A_1286 = arith.maximumf %sub3A_90, %max3A_1285 : vector<49x128xf32>
    %min3A_1287 = vector.broadcast %add3A_1279 : vector<1x128xf32> to vector<49x128xf32>
    %min3A_1288 = arith.minimumf %add3A_94, %min3A_1287 : vector<49x128xf32>
    %lt3A_1289 = arith.cmpf olt, %max3A_1282, %min3A_1284 : vector<49x128xf32>
    %lt3A_1290 = arith.cmpf olt, %max3A_1286, %min3A_1288 : vector<49x128xf32>
    %and3A_1291 = arith.andi %lt3A_1289, %lt3A_1290 : vector<49x128xi1>
    %sub3A_1292 = arith.subf %min3A_1284, %max3A_1282 : vector<49x128xf32>
    %sub3A_1293 = arith.subf %min3A_1288, %max3A_1286 : vector<49x128xf32>
    %mul3A_1294 = arith.mulf %sub3A_1292, %sub3A_1293 : vector<49x128xf32>
    %jit3A_1295 = arith.constant 0.000000e+00 : f32
    %broadcast_in_dim3A_1296 = vector.broadcast %jit3A_1295 : f32 to vector<49x128xf32>
    %select_n3A_1297 = arith.select %and3A_1291, %mul3A_1294, %broadcast_in_dim3A_1296 : vector<49x128xi1>, vector<49x128xf32>
    %add3A_1298 = vector.broadcast %mul3A_1280 : vector<1x128xf32> to vector<49x128xf32>
    %add3A_1299 = arith.addf %mul3A_95, %add3A_1298 : vector<49x128xf32>
    %sub3A_1300 = arith.subf %add3A_1299, %select_n3A_1297 : vector<49x128xf32>
    %div3A_1301 = arith.divf %select_n3A_1297, %sub3A_1300 : vector<49x128xf32>
    %jit3A_1302 = arith.constant 0xFF800000 : f32
    %broadcast_in_dim3A_1303 = vector.shape_cast %gt3A_1263 : vector<1x128xi1> to vector<1x128xi1>
    %broadcast_in_dim3A_1304 = vector.broadcast %broadcast_in_dim3A_1303 : vector<1x128xi1> to vector<49x128xi1>
    %broadcast_in_dim3A_1305 = vector.broadcast %jit3A_1302 : f32 to vector<49x128xf32>
    %select_n3A_1306 = arith.select %broadcast_in_dim3A_1304, %div3A_1301, %broadcast_in_dim3A_1305 : vector<49x128xi1>, vector<49x128xf32>
    %max3A_1307 = arith.maximumf %max3A_1195, %select_n3A_1306 : vector<49x128xf32>
    %max3A_1308 = vector.broadcast %sub3A_1267 : vector<1x128xf32> to vector<49x128xf32>
    %max3A_1309 = arith.maximumf %sub3A_184, %max3A_1308 : vector<49x128xf32>
    %min3A_1310 = vector.broadcast %add3A_1271 : vector<1x128xf32> to vector<49x128xf32>
    %min3A_1311 = arith.minimumf %add3A_188, %min3A_1310 : vector<49x128xf32>
    %max3A_1312 = vector.broadcast %sub3A_1275 : vector<1x128xf32> to vector<49x128xf32>
    %max3A_1313 = arith.maximumf %sub3A_192, %max3A_1312 : vector<49x128xf32>
    %min3A_1314 = vector.broadcast %add3A_1279 : vector<1x128xf32> to vector<49x128xf32>
    %min3A_1315 = arith.minimumf %add3A_196, %min3A_1314 : vector<49x128xf32>
    %lt3A_1316 = arith.cmpf olt, %max3A_1309, %min3A_1311 : vector<49x128xf32>
    %lt3A_1317 = arith.cmpf olt, %max3A_1313, %min3A_1315 : vector<49x128xf32>
    %and3A_1318 = arith.andi %lt3A_1316, %lt3A_1317 : vector<49x128xi1>
    %sub3A_1319 = arith.subf %min3A_1311, %max3A_1309 : vector<49x128xf32>
    %sub3A_1320 = arith.subf %min3A_1315, %max3A_1313 : vector<49x128xf32>
    %mul3A_1321 = arith.mulf %sub3A_1319, %sub3A_1320 : vector<49x128xf32>
    %jit3A_1322 = arith.constant 0.000000e+00 : f32
    %broadcast_in_dim3A_1323 = vector.broadcast %jit3A_1322 : f32 to vector<49x128xf32>
    %select_n3A_1324 = arith.select %and3A_1318, %mul3A_1321, %broadcast_in_dim3A_1323 : vector<49x128xi1>, vector<49x128xf32>
    %add3A_1325 = vector.broadcast %mul3A_1280 : vector<1x128xf32> to vector<49x128xf32>
    %add3A_1326 = arith.addf %mul3A_197, %add3A_1325 : vector<49x128xf32>
    %sub3A_1327 = arith.subf %add3A_1326, %select_n3A_1324 : vector<49x128xf32>
    %div3A_1328 = arith.divf %select_n3A_1324, %sub3A_1327 : vector<49x128xf32>
    %jit3A_1329 = arith.constant 0xFF800000 : f32
    %broadcast_in_dim3A_1330 = vector.shape_cast %gt3A_1263 : vector<1x128xi1> to vector<1x128xi1>
    %broadcast_in_dim3A_1331 = vector.broadcast %broadcast_in_dim3A_1330 : vector<1x128xi1> to vector<49x128xi1>
    %broadcast_in_dim3A_1332 = vector.broadcast %jit3A_1329 : f32 to vector<49x128xf32>
    %select_n3A_1333 = arith.select %broadcast_in_dim3A_1331, %div3A_1328, %broadcast_in_dim3A_1332 : vector<49x128xi1>, vector<49x128xf32>
    %max3A_1334 = arith.maximumf %max3A_1222, %select_n3A_1333 : vector<49x128xf32>
    %floor3A_1335 = math.floor %mul3A_1250 : vector<1x128xf32>
    %mul3A_1336 = arith.constant 7.000000e+00 : f32
    %mul3A_1337 = vector.broadcast %mul3A_1336 : f32 to vector<1x128xf32>
    %mul3A_1338 = arith.mulf %floor3A_1335, %mul3A_1337 : vector<1x128xf32>
    %floor3A_1339 = math.floor %mul3A_1246 : vector<1x128xf32>
    %add3A_1340 = arith.addf %mul3A_1338, %floor3A_1339 : vector<1x128xf32>
    %eq3A_1341 = vector.broadcast %convert_element_type3A : vector<49x1xf32> to vector<49x128xf32>
    %eq3A_1342 = vector.broadcast %add3A_1340 : vector<1x128xf32> to vector<49x128xf32>
    %eq3A_1343 = arith.cmpf oeq, %eq3A_1341, %eq3A_1342 : vector<49x128xf32>
    %and3A_1344 = vector.broadcast %gt3A_1263 : vector<1x128xi1> to vector<49x128xi1>
    %and3A_1345 = arith.andi %eq3A_1343, %and3A_1344 : vector<49x128xi1>
    %or3A_1346 = arith.ori %or3A_1234, %and3A_1345 : vector<49x128xi1>
    %broadcast_in_dim3A_1347 = vector.shape_cast %floor3A_1260 : vector<1x128xf32> to vector<1x128xf32>
    %broadcast_in_dim3A_1348 = vector.broadcast %broadcast_in_dim3A_1347 : vector<1x128xf32> to vector<49x128xf32>
    %select_n3A_1349 = arith.select %and3A_1345, %broadcast_in_dim3A_1348, %select_n3A_1237 : vector<49x128xi1>, vector<49x128xf32>
    %get3A_1350 = arith.constant 10 : index
    %get3A_1351 = arith.constant 0 : index
    %get3A_1352 = arith.constant 0 : index
    %get3A_1353 = vector.load %arg2[%get3A_1350, %get3A_1351, %get3A_1352] : memref<16x5x128xf32, #tpu.memory_space<vmem>>, vector<1x5x128xf32>
    %get3A_1354 = vector.shape_cast %get3A_1353 : vector<1x5x128xf32> to vector<5x128xf32>
    %slice3A_1355 = vector.extract_strided_slice %get3A_1354 {offsets = [0, 0], sizes = [1, 128], strides = [1, 1]} : vector<5x128xf32> to vector<1x128xf32>
    %mul3A_1356 = arith.constant 7.000000e+00 : f32
    %mul3A_1357 = vector.broadcast %mul3A_1356 : f32 to vector<1x128xf32>
    %mul3A_1358 = arith.mulf %slice3A_1355, %mul3A_1357 : vector<1x128xf32>
    %slice3A_1359 = vector.extract_strided_slice %get3A_1354 {offsets = [1, 0], sizes = [1, 128], strides = [1, 1]} : vector<5x128xf32> to vector<1x128xf32>
    %mul3A_1360 = arith.constant 7.000000e+00 : f32
    %mul3A_1361 = vector.broadcast %mul3A_1360 : f32 to vector<1x128xf32>
    %mul3A_1362 = arith.mulf %slice3A_1359, %mul3A_1361 : vector<1x128xf32>
    %slice3A_1363 = vector.extract_strided_slice %get3A_1354 {offsets = [2, 0], sizes = [1, 128], strides = [1, 1]} : vector<5x128xf32> to vector<1x128xf32>
    %mul3A_1364 = arith.constant 7.000000e+00 : f32
    %mul3A_1365 = vector.broadcast %mul3A_1364 : f32 to vector<1x128xf32>
    %mul3A_1366 = arith.mulf %slice3A_1363, %mul3A_1365 : vector<1x128xf32>
    %slice3A_1367 = vector.extract_strided_slice %get3A_1354 {offsets = [3, 0], sizes = [1, 128], strides = [1, 1]} : vector<5x128xf32> to vector<1x128xf32>
    %mul3A_1368 = arith.constant 7.000000e+00 : f32
    %mul3A_1369 = vector.broadcast %mul3A_1368 : f32 to vector<1x128xf32>
    %mul3A_1370 = arith.mulf %slice3A_1367, %mul3A_1369 : vector<1x128xf32>
    %slice3A_1371 = vector.extract_strided_slice %get3A_1354 {offsets = [4, 0], sizes = [1, 128], strides = [1, 1]} : vector<5x128xf32> to vector<1x128xf32>
    %floor3A_1372 = math.floor %slice3A_1371 : vector<1x128xf32>
    %gt3A_1373 = arith.constant 1.000000e+01 : f32
    %gt3A_1374 = vector.broadcast %gt3A_1373 : f32 to vector<1x128xf32>
    %gt3A_1375 = arith.cmpf ogt, %broadcast_in_dim3A, %gt3A_1374 : vector<1x128xf32>
    %mul3A_1376 = arith.constant 5.000000e-01 : f32
    %mul3A_1377 = vector.broadcast %mul3A_1376 : f32 to vector<1x128xf32>
    %mul3A_1378 = arith.mulf %mul3A_1366, %mul3A_1377 : vector<1x128xf32>
    %sub3A_1379 = arith.subf %mul3A_1358, %mul3A_1378 : vector<1x128xf32>
    %mul3A_1380 = arith.constant 5.000000e-01 : f32
    %mul3A_1381 = vector.broadcast %mul3A_1380 : f32 to vector<1x128xf32>
    %mul3A_1382 = arith.mulf %mul3A_1366, %mul3A_1381 : vector<1x128xf32>
    %add3A_1383 = arith.addf %mul3A_1358, %mul3A_1382 : vector<1x128xf32>
    %mul3A_1384 = arith.constant 5.000000e-01 : f32
    %mul3A_1385 = vector.broadcast %mul3A_1384 : f32 to vector<1x128xf32>
    %mul3A_1386 = arith.mulf %mul3A_1370, %mul3A_1385 : vector<1x128xf32>
    %sub3A_1387 = arith.subf %mul3A_1362, %mul3A_1386 : vector<1x128xf32>
    %mul3A_1388 = arith.constant 5.000000e-01 : f32
    %mul3A_1389 = vector.broadcast %mul3A_1388 : f32 to vector<1x128xf32>
    %mul3A_1390 = arith.mulf %mul3A_1370, %mul3A_1389 : vector<1x128xf32>
    %add3A_1391 = arith.addf %mul3A_1362, %mul3A_1390 : vector<1x128xf32>
    %mul3A_1392 = arith.mulf %mul3A_1366, %mul3A_1370 : vector<1x128xf32>
    %max3A_1393 = vector.broadcast %sub3A_1379 : vector<1x128xf32> to vector<49x128xf32>
    %max3A_1394 = arith.maximumf %sub3A, %max3A_1393 : vector<49x128xf32>
    %min3A_1395 = vector.broadcast %add3A_1383 : vector<1x128xf32> to vector<49x128xf32>
    %min3A_1396 = arith.minimumf %add3A_86, %min3A_1395 : vector<49x128xf32>
    %max3A_1397 = vector.broadcast %sub3A_1387 : vector<1x128xf32> to vector<49x128xf32>
    %max3A_1398 = arith.maximumf %sub3A_90, %max3A_1397 : vector<49x128xf32>
    %min3A_1399 = vector.broadcast %add3A_1391 : vector<1x128xf32> to vector<49x128xf32>
    %min3A_1400 = arith.minimumf %add3A_94, %min3A_1399 : vector<49x128xf32>
    %lt3A_1401 = arith.cmpf olt, %max3A_1394, %min3A_1396 : vector<49x128xf32>
    %lt3A_1402 = arith.cmpf olt, %max3A_1398, %min3A_1400 : vector<49x128xf32>
    %and3A_1403 = arith.andi %lt3A_1401, %lt3A_1402 : vector<49x128xi1>
    %sub3A_1404 = arith.subf %min3A_1396, %max3A_1394 : vector<49x128xf32>
    %sub3A_1405 = arith.subf %min3A_1400, %max3A_1398 : vector<49x128xf32>
    %mul3A_1406 = arith.mulf %sub3A_1404, %sub3A_1405 : vector<49x128xf32>
    %jit3A_1407 = arith.constant 0.000000e+00 : f32
    %broadcast_in_dim3A_1408 = vector.broadcast %jit3A_1407 : f32 to vector<49x128xf32>
    %select_n3A_1409 = arith.select %and3A_1403, %mul3A_1406, %broadcast_in_dim3A_1408 : vector<49x128xi1>, vector<49x128xf32>
    %add3A_1410 = vector.broadcast %mul3A_1392 : vector<1x128xf32> to vector<49x128xf32>
    %add3A_1411 = arith.addf %mul3A_95, %add3A_1410 : vector<49x128xf32>
    %sub3A_1412 = arith.subf %add3A_1411, %select_n3A_1409 : vector<49x128xf32>
    %div3A_1413 = arith.divf %select_n3A_1409, %sub3A_1412 : vector<49x128xf32>
    %jit3A_1414 = arith.constant 0xFF800000 : f32
    %broadcast_in_dim3A_1415 = vector.shape_cast %gt3A_1375 : vector<1x128xi1> to vector<1x128xi1>
    %broadcast_in_dim3A_1416 = vector.broadcast %broadcast_in_dim3A_1415 : vector<1x128xi1> to vector<49x128xi1>
    %broadcast_in_dim3A_1417 = vector.broadcast %jit3A_1414 : f32 to vector<49x128xf32>
    %select_n3A_1418 = arith.select %broadcast_in_dim3A_1416, %div3A_1413, %broadcast_in_dim3A_1417 : vector<49x128xi1>, vector<49x128xf32>
    %max3A_1419 = arith.maximumf %max3A_1307, %select_n3A_1418 : vector<49x128xf32>
    %max3A_1420 = vector.broadcast %sub3A_1379 : vector<1x128xf32> to vector<49x128xf32>
    %max3A_1421 = arith.maximumf %sub3A_184, %max3A_1420 : vector<49x128xf32>
    %min3A_1422 = vector.broadcast %add3A_1383 : vector<1x128xf32> to vector<49x128xf32>
    %min3A_1423 = arith.minimumf %add3A_188, %min3A_1422 : vector<49x128xf32>
    %max3A_1424 = vector.broadcast %sub3A_1387 : vector<1x128xf32> to vector<49x128xf32>
    %max3A_1425 = arith.maximumf %sub3A_192, %max3A_1424 : vector<49x128xf32>
    %min3A_1426 = vector.broadcast %add3A_1391 : vector<1x128xf32> to vector<49x128xf32>
    %min3A_1427 = arith.minimumf %add3A_196, %min3A_1426 : vector<49x128xf32>
    %lt3A_1428 = arith.cmpf olt, %max3A_1421, %min3A_1423 : vector<49x128xf32>
    %lt3A_1429 = arith.cmpf olt, %max3A_1425, %min3A_1427 : vector<49x128xf32>
    %and3A_1430 = arith.andi %lt3A_1428, %lt3A_1429 : vector<49x128xi1>
    %sub3A_1431 = arith.subf %min3A_1423, %max3A_1421 : vector<49x128xf32>
    %sub3A_1432 = arith.subf %min3A_1427, %max3A_1425 : vector<49x128xf32>
    %mul3A_1433 = arith.mulf %sub3A_1431, %sub3A_1432 : vector<49x128xf32>
    %jit3A_1434 = arith.constant 0.000000e+00 : f32
    %broadcast_in_dim3A_1435 = vector.broadcast %jit3A_1434 : f32 to vector<49x128xf32>
    %select_n3A_1436 = arith.select %and3A_1430, %mul3A_1433, %broadcast_in_dim3A_1435 : vector<49x128xi1>, vector<49x128xf32>
    %add3A_1437 = vector.broadcast %mul3A_1392 : vector<1x128xf32> to vector<49x128xf32>
    %add3A_1438 = arith.addf %mul3A_197, %add3A_1437 : vector<49x128xf32>
    %sub3A_1439 = arith.subf %add3A_1438, %select_n3A_1436 : vector<49x128xf32>
    %div3A_1440 = arith.divf %select_n3A_1436, %sub3A_1439 : vector<49x128xf32>
    %jit3A_1441 = arith.constant 0xFF800000 : f32
    %broadcast_in_dim3A_1442 = vector.shape_cast %gt3A_1375 : vector<1x128xi1> to vector<1x128xi1>
    %broadcast_in_dim3A_1443 = vector.broadcast %broadcast_in_dim3A_1442 : vector<1x128xi1> to vector<49x128xi1>
    %broadcast_in_dim3A_1444 = vector.broadcast %jit3A_1441 : f32 to vector<49x128xf32>
    %select_n3A_1445 = arith.select %broadcast_in_dim3A_1443, %div3A_1440, %broadcast_in_dim3A_1444 : vector<49x128xi1>, vector<49x128xf32>
    %max3A_1446 = arith.maximumf %max3A_1334, %select_n3A_1445 : vector<49x128xf32>
    %floor3A_1447 = math.floor %mul3A_1362 : vector<1x128xf32>
    %mul3A_1448 = arith.constant 7.000000e+00 : f32
    %mul3A_1449 = vector.broadcast %mul3A_1448 : f32 to vector<1x128xf32>
    %mul3A_1450 = arith.mulf %floor3A_1447, %mul3A_1449 : vector<1x128xf32>
    %floor3A_1451 = math.floor %mul3A_1358 : vector<1x128xf32>
    %add3A_1452 = arith.addf %mul3A_1450, %floor3A_1451 : vector<1x128xf32>
    %eq3A_1453 = vector.broadcast %convert_element_type3A : vector<49x1xf32> to vector<49x128xf32>
    %eq3A_1454 = vector.broadcast %add3A_1452 : vector<1x128xf32> to vector<49x128xf32>
    %eq3A_1455 = arith.cmpf oeq, %eq3A_1453, %eq3A_1454 : vector<49x128xf32>
    %and3A_1456 = vector.broadcast %gt3A_1375 : vector<1x128xi1> to vector<49x128xi1>
    %and3A_1457 = arith.andi %eq3A_1455, %and3A_1456 : vector<49x128xi1>
    %or3A_1458 = arith.ori %or3A_1346, %and3A_1457 : vector<49x128xi1>
    %broadcast_in_dim3A_1459 = vector.shape_cast %floor3A_1372 : vector<1x128xf32> to vector<1x128xf32>
    %broadcast_in_dim3A_1460 = vector.broadcast %broadcast_in_dim3A_1459 : vector<1x128xf32> to vector<49x128xf32>
    %select_n3A_1461 = arith.select %and3A_1457, %broadcast_in_dim3A_1460, %select_n3A_1349 : vector<49x128xi1>, vector<49x128xf32>
    %get3A_1462 = arith.constant 11 : index
    %get3A_1463 = arith.constant 0 : index
    %get3A_1464 = arith.constant 0 : index
    %get3A_1465 = vector.load %arg2[%get3A_1462, %get3A_1463, %get3A_1464] : memref<16x5x128xf32, #tpu.memory_space<vmem>>, vector<1x5x128xf32>
    %get3A_1466 = vector.shape_cast %get3A_1465 : vector<1x5x128xf32> to vector<5x128xf32>
    %slice3A_1467 = vector.extract_strided_slice %get3A_1466 {offsets = [0, 0], sizes = [1, 128], strides = [1, 1]} : vector<5x128xf32> to vector<1x128xf32>
    %mul3A_1468 = arith.constant 7.000000e+00 : f32
    %mul3A_1469 = vector.broadcast %mul3A_1468 : f32 to vector<1x128xf32>
    %mul3A_1470 = arith.mulf %slice3A_1467, %mul3A_1469 : vector<1x128xf32>
    %slice3A_1471 = vector.extract_strided_slice %get3A_1466 {offsets = [1, 0], sizes = [1, 128], strides = [1, 1]} : vector<5x128xf32> to vector<1x128xf32>
    %mul3A_1472 = arith.constant 7.000000e+00 : f32
    %mul3A_1473 = vector.broadcast %mul3A_1472 : f32 to vector<1x128xf32>
    %mul3A_1474 = arith.mulf %slice3A_1471, %mul3A_1473 : vector<1x128xf32>
    %slice3A_1475 = vector.extract_strided_slice %get3A_1466 {offsets = [2, 0], sizes = [1, 128], strides = [1, 1]} : vector<5x128xf32> to vector<1x128xf32>
    %mul3A_1476 = arith.constant 7.000000e+00 : f32
    %mul3A_1477 = vector.broadcast %mul3A_1476 : f32 to vector<1x128xf32>
    %mul3A_1478 = arith.mulf %slice3A_1475, %mul3A_1477 : vector<1x128xf32>
    %slice3A_1479 = vector.extract_strided_slice %get3A_1466 {offsets = [3, 0], sizes = [1, 128], strides = [1, 1]} : vector<5x128xf32> to vector<1x128xf32>
    %mul3A_1480 = arith.constant 7.000000e+00 : f32
    %mul3A_1481 = vector.broadcast %mul3A_1480 : f32 to vector<1x128xf32>
    %mul3A_1482 = arith.mulf %slice3A_1479, %mul3A_1481 : vector<1x128xf32>
    %slice3A_1483 = vector.extract_strided_slice %get3A_1466 {offsets = [4, 0], sizes = [1, 128], strides = [1, 1]} : vector<5x128xf32> to vector<1x128xf32>
    %floor3A_1484 = math.floor %slice3A_1483 : vector<1x128xf32>
    %gt3A_1485 = arith.constant 1.100000e+01 : f32
    %gt3A_1486 = vector.broadcast %gt3A_1485 : f32 to vector<1x128xf32>
    %gt3A_1487 = arith.cmpf ogt, %broadcast_in_dim3A, %gt3A_1486 : vector<1x128xf32>
    %mul3A_1488 = arith.constant 5.000000e-01 : f32
    %mul3A_1489 = vector.broadcast %mul3A_1488 : f32 to vector<1x128xf32>
    %mul3A_1490 = arith.mulf %mul3A_1478, %mul3A_1489 : vector<1x128xf32>
    %sub3A_1491 = arith.subf %mul3A_1470, %mul3A_1490 : vector<1x128xf32>
    %mul3A_1492 = arith.constant 5.000000e-01 : f32
    %mul3A_1493 = vector.broadcast %mul3A_1492 : f32 to vector<1x128xf32>
    %mul3A_1494 = arith.mulf %mul3A_1478, %mul3A_1493 : vector<1x128xf32>
    %add3A_1495 = arith.addf %mul3A_1470, %mul3A_1494 : vector<1x128xf32>
    %mul3A_1496 = arith.constant 5.000000e-01 : f32
    %mul3A_1497 = vector.broadcast %mul3A_1496 : f32 to vector<1x128xf32>
    %mul3A_1498 = arith.mulf %mul3A_1482, %mul3A_1497 : vector<1x128xf32>
    %sub3A_1499 = arith.subf %mul3A_1474, %mul3A_1498 : vector<1x128xf32>
    %mul3A_1500 = arith.constant 5.000000e-01 : f32
    %mul3A_1501 = vector.broadcast %mul3A_1500 : f32 to vector<1x128xf32>
    %mul3A_1502 = arith.mulf %mul3A_1482, %mul3A_1501 : vector<1x128xf32>
    %add3A_1503 = arith.addf %mul3A_1474, %mul3A_1502 : vector<1x128xf32>
    %mul3A_1504 = arith.mulf %mul3A_1478, %mul3A_1482 : vector<1x128xf32>
    %max3A_1505 = vector.broadcast %sub3A_1491 : vector<1x128xf32> to vector<49x128xf32>
    %max3A_1506 = arith.maximumf %sub3A, %max3A_1505 : vector<49x128xf32>
    %min3A_1507 = vector.broadcast %add3A_1495 : vector<1x128xf32> to vector<49x128xf32>
    %min3A_1508 = arith.minimumf %add3A_86, %min3A_1507 : vector<49x128xf32>
    %max3A_1509 = vector.broadcast %sub3A_1499 : vector<1x128xf32> to vector<49x128xf32>
    %max3A_1510 = arith.maximumf %sub3A_90, %max3A_1509 : vector<49x128xf32>
    %min3A_1511 = vector.broadcast %add3A_1503 : vector<1x128xf32> to vector<49x128xf32>
    %min3A_1512 = arith.minimumf %add3A_94, %min3A_1511 : vector<49x128xf32>
    %lt3A_1513 = arith.cmpf olt, %max3A_1506, %min3A_1508 : vector<49x128xf32>
    %lt3A_1514 = arith.cmpf olt, %max3A_1510, %min3A_1512 : vector<49x128xf32>
    %and3A_1515 = arith.andi %lt3A_1513, %lt3A_1514 : vector<49x128xi1>
    %sub3A_1516 = arith.subf %min3A_1508, %max3A_1506 : vector<49x128xf32>
    %sub3A_1517 = arith.subf %min3A_1512, %max3A_1510 : vector<49x128xf32>
    %mul3A_1518 = arith.mulf %sub3A_1516, %sub3A_1517 : vector<49x128xf32>
    %jit3A_1519 = arith.constant 0.000000e+00 : f32
    %broadcast_in_dim3A_1520 = vector.broadcast %jit3A_1519 : f32 to vector<49x128xf32>
    %select_n3A_1521 = arith.select %and3A_1515, %mul3A_1518, %broadcast_in_dim3A_1520 : vector<49x128xi1>, vector<49x128xf32>
    %add3A_1522 = vector.broadcast %mul3A_1504 : vector<1x128xf32> to vector<49x128xf32>
    %add3A_1523 = arith.addf %mul3A_95, %add3A_1522 : vector<49x128xf32>
    %sub3A_1524 = arith.subf %add3A_1523, %select_n3A_1521 : vector<49x128xf32>
    %div3A_1525 = arith.divf %select_n3A_1521, %sub3A_1524 : vector<49x128xf32>
    %jit3A_1526 = arith.constant 0xFF800000 : f32
    %broadcast_in_dim3A_1527 = vector.shape_cast %gt3A_1487 : vector<1x128xi1> to vector<1x128xi1>
    %broadcast_in_dim3A_1528 = vector.broadcast %broadcast_in_dim3A_1527 : vector<1x128xi1> to vector<49x128xi1>
    %broadcast_in_dim3A_1529 = vector.broadcast %jit3A_1526 : f32 to vector<49x128xf32>
    %select_n3A_1530 = arith.select %broadcast_in_dim3A_1528, %div3A_1525, %broadcast_in_dim3A_1529 : vector<49x128xi1>, vector<49x128xf32>
    %max3A_1531 = arith.maximumf %max3A_1419, %select_n3A_1530 : vector<49x128xf32>
    %max3A_1532 = vector.broadcast %sub3A_1491 : vector<1x128xf32> to vector<49x128xf32>
    %max3A_1533 = arith.maximumf %sub3A_184, %max3A_1532 : vector<49x128xf32>
    %min3A_1534 = vector.broadcast %add3A_1495 : vector<1x128xf32> to vector<49x128xf32>
    %min3A_1535 = arith.minimumf %add3A_188, %min3A_1534 : vector<49x128xf32>
    %max3A_1536 = vector.broadcast %sub3A_1499 : vector<1x128xf32> to vector<49x128xf32>
    %max3A_1537 = arith.maximumf %sub3A_192, %max3A_1536 : vector<49x128xf32>
    %min3A_1538 = vector.broadcast %add3A_1503 : vector<1x128xf32> to vector<49x128xf32>
    %min3A_1539 = arith.minimumf %add3A_196, %min3A_1538 : vector<49x128xf32>
    %lt3A_1540 = arith.cmpf olt, %max3A_1533, %min3A_1535 : vector<49x128xf32>
    %lt3A_1541 = arith.cmpf olt, %max3A_1537, %min3A_1539 : vector<49x128xf32>
    %and3A_1542 = arith.andi %lt3A_1540, %lt3A_1541 : vector<49x128xi1>
    %sub3A_1543 = arith.subf %min3A_1535, %max3A_1533 : vector<49x128xf32>
    %sub3A_1544 = arith.subf %min3A_1539, %max3A_1537 : vector<49x128xf32>
    %mul3A_1545 = arith.mulf %sub3A_1543, %sub3A_1544 : vector<49x128xf32>
    %jit3A_1546 = arith.constant 0.000000e+00 : f32
    %broadcast_in_dim3A_1547 = vector.broadcast %jit3A_1546 : f32 to vector<49x128xf32>
    %select_n3A_1548 = arith.select %and3A_1542, %mul3A_1545, %broadcast_in_dim3A_1547 : vector<49x128xi1>, vector<49x128xf32>
    %add3A_1549 = vector.broadcast %mul3A_1504 : vector<1x128xf32> to vector<49x128xf32>
    %add3A_1550 = arith.addf %mul3A_197, %add3A_1549 : vector<49x128xf32>
    %sub3A_1551 = arith.subf %add3A_1550, %select_n3A_1548 : vector<49x128xf32>
    %div3A_1552 = arith.divf %select_n3A_1548, %sub3A_1551 : vector<49x128xf32>
    %jit3A_1553 = arith.constant 0xFF800000 : f32
    %broadcast_in_dim3A_1554 = vector.shape_cast %gt3A_1487 : vector<1x128xi1> to vector<1x128xi1>
    %broadcast_in_dim3A_1555 = vector.broadcast %broadcast_in_dim3A_1554 : vector<1x128xi1> to vector<49x128xi1>
    %broadcast_in_dim3A_1556 = vector.broadcast %jit3A_1553 : f32 to vector<49x128xf32>
    %select_n3A_1557 = arith.select %broadcast_in_dim3A_1555, %div3A_1552, %broadcast_in_dim3A_1556 : vector<49x128xi1>, vector<49x128xf32>
    %max3A_1558 = arith.maximumf %max3A_1446, %select_n3A_1557 : vector<49x128xf32>
    %floor3A_1559 = math.floor %mul3A_1474 : vector<1x128xf32>
    %mul3A_1560 = arith.constant 7.000000e+00 : f32
    %mul3A_1561 = vector.broadcast %mul3A_1560 : f32 to vector<1x128xf32>
    %mul3A_1562 = arith.mulf %floor3A_1559, %mul3A_1561 : vector<1x128xf32>
    %floor3A_1563 = math.floor %mul3A_1470 : vector<1x128xf32>
    %add3A_1564 = arith.addf %mul3A_1562, %floor3A_1563 : vector<1x128xf32>
    %eq3A_1565 = vector.broadcast %convert_element_type3A : vector<49x1xf32> to vector<49x128xf32>
    %eq3A_1566 = vector.broadcast %add3A_1564 : vector<1x128xf32> to vector<49x128xf32>
    %eq3A_1567 = arith.cmpf oeq, %eq3A_1565, %eq3A_1566 : vector<49x128xf32>
    %and3A_1568 = vector.broadcast %gt3A_1487 : vector<1x128xi1> to vector<49x128xi1>
    %and3A_1569 = arith.andi %eq3A_1567, %and3A_1568 : vector<49x128xi1>
    %or3A_1570 = arith.ori %or3A_1458, %and3A_1569 : vector<49x128xi1>
    %broadcast_in_dim3A_1571 = vector.shape_cast %floor3A_1484 : vector<1x128xf32> to vector<1x128xf32>
    %broadcast_in_dim3A_1572 = vector.broadcast %broadcast_in_dim3A_1571 : vector<1x128xf32> to vector<49x128xf32>
    %select_n3A_1573 = arith.select %and3A_1569, %broadcast_in_dim3A_1572, %select_n3A_1461 : vector<49x128xi1>, vector<49x128xf32>
    %get3A_1574 = arith.constant 12 : index
    %get3A_1575 = arith.constant 0 : index
    %get3A_1576 = arith.constant 0 : index
    %get3A_1577 = vector.load %arg2[%get3A_1574, %get3A_1575, %get3A_1576] : memref<16x5x128xf32, #tpu.memory_space<vmem>>, vector<1x5x128xf32>
    %get3A_1578 = vector.shape_cast %get3A_1577 : vector<1x5x128xf32> to vector<5x128xf32>
    %slice3A_1579 = vector.extract_strided_slice %get3A_1578 {offsets = [0, 0], sizes = [1, 128], strides = [1, 1]} : vector<5x128xf32> to vector<1x128xf32>
    %mul3A_1580 = arith.constant 7.000000e+00 : f32
    %mul3A_1581 = vector.broadcast %mul3A_1580 : f32 to vector<1x128xf32>
    %mul3A_1582 = arith.mulf %slice3A_1579, %mul3A_1581 : vector<1x128xf32>
    %slice3A_1583 = vector.extract_strided_slice %get3A_1578 {offsets = [1, 0], sizes = [1, 128], strides = [1, 1]} : vector<5x128xf32> to vector<1x128xf32>
    %mul3A_1584 = arith.constant 7.000000e+00 : f32
    %mul3A_1585 = vector.broadcast %mul3A_1584 : f32 to vector<1x128xf32>
    %mul3A_1586 = arith.mulf %slice3A_1583, %mul3A_1585 : vector<1x128xf32>
    %slice3A_1587 = vector.extract_strided_slice %get3A_1578 {offsets = [2, 0], sizes = [1, 128], strides = [1, 1]} : vector<5x128xf32> to vector<1x128xf32>
    %mul3A_1588 = arith.constant 7.000000e+00 : f32
    %mul3A_1589 = vector.broadcast %mul3A_1588 : f32 to vector<1x128xf32>
    %mul3A_1590 = arith.mulf %slice3A_1587, %mul3A_1589 : vector<1x128xf32>
    %slice3A_1591 = vector.extract_strided_slice %get3A_1578 {offsets = [3, 0], sizes = [1, 128], strides = [1, 1]} : vector<5x128xf32> to vector<1x128xf32>
    %mul3A_1592 = arith.constant 7.000000e+00 : f32
    %mul3A_1593 = vector.broadcast %mul3A_1592 : f32 to vector<1x128xf32>
    %mul3A_1594 = arith.mulf %slice3A_1591, %mul3A_1593 : vector<1x128xf32>
    %slice3A_1595 = vector.extract_strided_slice %get3A_1578 {offsets = [4, 0], sizes = [1, 128], strides = [1, 1]} : vector<5x128xf32> to vector<1x128xf32>
    %floor3A_1596 = math.floor %slice3A_1595 : vector<1x128xf32>
    %gt3A_1597 = arith.constant 1.200000e+01 : f32
    %gt3A_1598 = vector.broadcast %gt3A_1597 : f32 to vector<1x128xf32>
    %gt3A_1599 = arith.cmpf ogt, %broadcast_in_dim3A, %gt3A_1598 : vector<1x128xf32>
    %mul3A_1600 = arith.constant 5.000000e-01 : f32
    %mul3A_1601 = vector.broadcast %mul3A_1600 : f32 to vector<1x128xf32>
    %mul3A_1602 = arith.mulf %mul3A_1590, %mul3A_1601 : vector<1x128xf32>
    %sub3A_1603 = arith.subf %mul3A_1582, %mul3A_1602 : vector<1x128xf32>
    %mul3A_1604 = arith.constant 5.000000e-01 : f32
    %mul3A_1605 = vector.broadcast %mul3A_1604 : f32 to vector<1x128xf32>
    %mul3A_1606 = arith.mulf %mul3A_1590, %mul3A_1605 : vector<1x128xf32>
    %add3A_1607 = arith.addf %mul3A_1582, %mul3A_1606 : vector<1x128xf32>
    %mul3A_1608 = arith.constant 5.000000e-01 : f32
    %mul3A_1609 = vector.broadcast %mul3A_1608 : f32 to vector<1x128xf32>
    %mul3A_1610 = arith.mulf %mul3A_1594, %mul3A_1609 : vector<1x128xf32>
    %sub3A_1611 = arith.subf %mul3A_1586, %mul3A_1610 : vector<1x128xf32>
    %mul3A_1612 = arith.constant 5.000000e-01 : f32
    %mul3A_1613 = vector.broadcast %mul3A_1612 : f32 to vector<1x128xf32>
    %mul3A_1614 = arith.mulf %mul3A_1594, %mul3A_1613 : vector<1x128xf32>
    %add3A_1615 = arith.addf %mul3A_1586, %mul3A_1614 : vector<1x128xf32>
    %mul3A_1616 = arith.mulf %mul3A_1590, %mul3A_1594 : vector<1x128xf32>
    %max3A_1617 = vector.broadcast %sub3A_1603 : vector<1x128xf32> to vector<49x128xf32>
    %max3A_1618 = arith.maximumf %sub3A, %max3A_1617 : vector<49x128xf32>
    %min3A_1619 = vector.broadcast %add3A_1607 : vector<1x128xf32> to vector<49x128xf32>
    %min3A_1620 = arith.minimumf %add3A_86, %min3A_1619 : vector<49x128xf32>
    %max3A_1621 = vector.broadcast %sub3A_1611 : vector<1x128xf32> to vector<49x128xf32>
    %max3A_1622 = arith.maximumf %sub3A_90, %max3A_1621 : vector<49x128xf32>
    %min3A_1623 = vector.broadcast %add3A_1615 : vector<1x128xf32> to vector<49x128xf32>
    %min3A_1624 = arith.minimumf %add3A_94, %min3A_1623 : vector<49x128xf32>
    %lt3A_1625 = arith.cmpf olt, %max3A_1618, %min3A_1620 : vector<49x128xf32>
    %lt3A_1626 = arith.cmpf olt, %max3A_1622, %min3A_1624 : vector<49x128xf32>
    %and3A_1627 = arith.andi %lt3A_1625, %lt3A_1626 : vector<49x128xi1>
    %sub3A_1628 = arith.subf %min3A_1620, %max3A_1618 : vector<49x128xf32>
    %sub3A_1629 = arith.subf %min3A_1624, %max3A_1622 : vector<49x128xf32>
    %mul3A_1630 = arith.mulf %sub3A_1628, %sub3A_1629 : vector<49x128xf32>
    %jit3A_1631 = arith.constant 0.000000e+00 : f32
    %broadcast_in_dim3A_1632 = vector.broadcast %jit3A_1631 : f32 to vector<49x128xf32>
    %select_n3A_1633 = arith.select %and3A_1627, %mul3A_1630, %broadcast_in_dim3A_1632 : vector<49x128xi1>, vector<49x128xf32>
    %add3A_1634 = vector.broadcast %mul3A_1616 : vector<1x128xf32> to vector<49x128xf32>
    %add3A_1635 = arith.addf %mul3A_95, %add3A_1634 : vector<49x128xf32>
    %sub3A_1636 = arith.subf %add3A_1635, %select_n3A_1633 : vector<49x128xf32>
    %div3A_1637 = arith.divf %select_n3A_1633, %sub3A_1636 : vector<49x128xf32>
    %jit3A_1638 = arith.constant 0xFF800000 : f32
    %broadcast_in_dim3A_1639 = vector.shape_cast %gt3A_1599 : vector<1x128xi1> to vector<1x128xi1>
    %broadcast_in_dim3A_1640 = vector.broadcast %broadcast_in_dim3A_1639 : vector<1x128xi1> to vector<49x128xi1>
    %broadcast_in_dim3A_1641 = vector.broadcast %jit3A_1638 : f32 to vector<49x128xf32>
    %select_n3A_1642 = arith.select %broadcast_in_dim3A_1640, %div3A_1637, %broadcast_in_dim3A_1641 : vector<49x128xi1>, vector<49x128xf32>
    %max3A_1643 = arith.maximumf %max3A_1531, %select_n3A_1642 : vector<49x128xf32>
    %max3A_1644 = vector.broadcast %sub3A_1603 : vector<1x128xf32> to vector<49x128xf32>
    %max3A_1645 = arith.maximumf %sub3A_184, %max3A_1644 : vector<49x128xf32>
    %min3A_1646 = vector.broadcast %add3A_1607 : vector<1x128xf32> to vector<49x128xf32>
    %min3A_1647 = arith.minimumf %add3A_188, %min3A_1646 : vector<49x128xf32>
    %max3A_1648 = vector.broadcast %sub3A_1611 : vector<1x128xf32> to vector<49x128xf32>
    %max3A_1649 = arith.maximumf %sub3A_192, %max3A_1648 : vector<49x128xf32>
    %min3A_1650 = vector.broadcast %add3A_1615 : vector<1x128xf32> to vector<49x128xf32>
    %min3A_1651 = arith.minimumf %add3A_196, %min3A_1650 : vector<49x128xf32>
    %lt3A_1652 = arith.cmpf olt, %max3A_1645, %min3A_1647 : vector<49x128xf32>
    %lt3A_1653 = arith.cmpf olt, %max3A_1649, %min3A_1651 : vector<49x128xf32>
    %and3A_1654 = arith.andi %lt3A_1652, %lt3A_1653 : vector<49x128xi1>
    %sub3A_1655 = arith.subf %min3A_1647, %max3A_1645 : vector<49x128xf32>
    %sub3A_1656 = arith.subf %min3A_1651, %max3A_1649 : vector<49x128xf32>
    %mul3A_1657 = arith.mulf %sub3A_1655, %sub3A_1656 : vector<49x128xf32>
    %jit3A_1658 = arith.constant 0.000000e+00 : f32
    %broadcast_in_dim3A_1659 = vector.broadcast %jit3A_1658 : f32 to vector<49x128xf32>
    %select_n3A_1660 = arith.select %and3A_1654, %mul3A_1657, %broadcast_in_dim3A_1659 : vector<49x128xi1>, vector<49x128xf32>
    %add3A_1661 = vector.broadcast %mul3A_1616 : vector<1x128xf32> to vector<49x128xf32>
    %add3A_1662 = arith.addf %mul3A_197, %add3A_1661 : vector<49x128xf32>
    %sub3A_1663 = arith.subf %add3A_1662, %select_n3A_1660 : vector<49x128xf32>
    %div3A_1664 = arith.divf %select_n3A_1660, %sub3A_1663 : vector<49x128xf32>
    %jit3A_1665 = arith.constant 0xFF800000 : f32
    %broadcast_in_dim3A_1666 = vector.shape_cast %gt3A_1599 : vector<1x128xi1> to vector<1x128xi1>
    %broadcast_in_dim3A_1667 = vector.broadcast %broadcast_in_dim3A_1666 : vector<1x128xi1> to vector<49x128xi1>
    %broadcast_in_dim3A_1668 = vector.broadcast %jit3A_1665 : f32 to vector<49x128xf32>
    %select_n3A_1669 = arith.select %broadcast_in_dim3A_1667, %div3A_1664, %broadcast_in_dim3A_1668 : vector<49x128xi1>, vector<49x128xf32>
    %max3A_1670 = arith.maximumf %max3A_1558, %select_n3A_1669 : vector<49x128xf32>
    %floor3A_1671 = math.floor %mul3A_1586 : vector<1x128xf32>
    %mul3A_1672 = arith.constant 7.000000e+00 : f32
    %mul3A_1673 = vector.broadcast %mul3A_1672 : f32 to vector<1x128xf32>
    %mul3A_1674 = arith.mulf %floor3A_1671, %mul3A_1673 : vector<1x128xf32>
    %floor3A_1675 = math.floor %mul3A_1582 : vector<1x128xf32>
    %add3A_1676 = arith.addf %mul3A_1674, %floor3A_1675 : vector<1x128xf32>
    %eq3A_1677 = vector.broadcast %convert_element_type3A : vector<49x1xf32> to vector<49x128xf32>
    %eq3A_1678 = vector.broadcast %add3A_1676 : vector<1x128xf32> to vector<49x128xf32>
    %eq3A_1679 = arith.cmpf oeq, %eq3A_1677, %eq3A_1678 : vector<49x128xf32>
    %and3A_1680 = vector.broadcast %gt3A_1599 : vector<1x128xi1> to vector<49x128xi1>
    %and3A_1681 = arith.andi %eq3A_1679, %and3A_1680 : vector<49x128xi1>
    %or3A_1682 = arith.ori %or3A_1570, %and3A_1681 : vector<49x128xi1>
    %broadcast_in_dim3A_1683 = vector.shape_cast %floor3A_1596 : vector<1x128xf32> to vector<1x128xf32>
    %broadcast_in_dim3A_1684 = vector.broadcast %broadcast_in_dim3A_1683 : vector<1x128xf32> to vector<49x128xf32>
    %select_n3A_1685 = arith.select %and3A_1681, %broadcast_in_dim3A_1684, %select_n3A_1573 : vector<49x128xi1>, vector<49x128xf32>
    %get3A_1686 = arith.constant 13 : index
    %get3A_1687 = arith.constant 0 : index
    %get3A_1688 = arith.constant 0 : index
    %get3A_1689 = vector.load %arg2[%get3A_1686, %get3A_1687, %get3A_1688] : memref<16x5x128xf32, #tpu.memory_space<vmem>>, vector<1x5x128xf32>
    %get3A_1690 = vector.shape_cast %get3A_1689 : vector<1x5x128xf32> to vector<5x128xf32>
    %slice3A_1691 = vector.extract_strided_slice %get3A_1690 {offsets = [0, 0], sizes = [1, 128], strides = [1, 1]} : vector<5x128xf32> to vector<1x128xf32>
    %mul3A_1692 = arith.constant 7.000000e+00 : f32
    %mul3A_1693 = vector.broadcast %mul3A_1692 : f32 to vector<1x128xf32>
    %mul3A_1694 = arith.mulf %slice3A_1691, %mul3A_1693 : vector<1x128xf32>
    %slice3A_1695 = vector.extract_strided_slice %get3A_1690 {offsets = [1, 0], sizes = [1, 128], strides = [1, 1]} : vector<5x128xf32> to vector<1x128xf32>
    %mul3A_1696 = arith.constant 7.000000e+00 : f32
    %mul3A_1697 = vector.broadcast %mul3A_1696 : f32 to vector<1x128xf32>
    %mul3A_1698 = arith.mulf %slice3A_1695, %mul3A_1697 : vector<1x128xf32>
    %slice3A_1699 = vector.extract_strided_slice %get3A_1690 {offsets = [2, 0], sizes = [1, 128], strides = [1, 1]} : vector<5x128xf32> to vector<1x128xf32>
    %mul3A_1700 = arith.constant 7.000000e+00 : f32
    %mul3A_1701 = vector.broadcast %mul3A_1700 : f32 to vector<1x128xf32>
    %mul3A_1702 = arith.mulf %slice3A_1699, %mul3A_1701 : vector<1x128xf32>
    %slice3A_1703 = vector.extract_strided_slice %get3A_1690 {offsets = [3, 0], sizes = [1, 128], strides = [1, 1]} : vector<5x128xf32> to vector<1x128xf32>
    %mul3A_1704 = arith.constant 7.000000e+00 : f32
    %mul3A_1705 = vector.broadcast %mul3A_1704 : f32 to vector<1x128xf32>
    %mul3A_1706 = arith.mulf %slice3A_1703, %mul3A_1705 : vector<1x128xf32>
    %slice3A_1707 = vector.extract_strided_slice %get3A_1690 {offsets = [4, 0], sizes = [1, 128], strides = [1, 1]} : vector<5x128xf32> to vector<1x128xf32>
    %floor3A_1708 = math.floor %slice3A_1707 : vector<1x128xf32>
    %gt3A_1709 = arith.constant 1.300000e+01 : f32
    %gt3A_1710 = vector.broadcast %gt3A_1709 : f32 to vector<1x128xf32>
    %gt3A_1711 = arith.cmpf ogt, %broadcast_in_dim3A, %gt3A_1710 : vector<1x128xf32>
    %mul3A_1712 = arith.constant 5.000000e-01 : f32
    %mul3A_1713 = vector.broadcast %mul3A_1712 : f32 to vector<1x128xf32>
    %mul3A_1714 = arith.mulf %mul3A_1702, %mul3A_1713 : vector<1x128xf32>
    %sub3A_1715 = arith.subf %mul3A_1694, %mul3A_1714 : vector<1x128xf32>
    %mul3A_1716 = arith.constant 5.000000e-01 : f32
    %mul3A_1717 = vector.broadcast %mul3A_1716 : f32 to vector<1x128xf32>
    %mul3A_1718 = arith.mulf %mul3A_1702, %mul3A_1717 : vector<1x128xf32>
    %add3A_1719 = arith.addf %mul3A_1694, %mul3A_1718 : vector<1x128xf32>
    %mul3A_1720 = arith.constant 5.000000e-01 : f32
    %mul3A_1721 = vector.broadcast %mul3A_1720 : f32 to vector<1x128xf32>
    %mul3A_1722 = arith.mulf %mul3A_1706, %mul3A_1721 : vector<1x128xf32>
    %sub3A_1723 = arith.subf %mul3A_1698, %mul3A_1722 : vector<1x128xf32>
    %mul3A_1724 = arith.constant 5.000000e-01 : f32
    %mul3A_1725 = vector.broadcast %mul3A_1724 : f32 to vector<1x128xf32>
    %mul3A_1726 = arith.mulf %mul3A_1706, %mul3A_1725 : vector<1x128xf32>
    %add3A_1727 = arith.addf %mul3A_1698, %mul3A_1726 : vector<1x128xf32>
    %mul3A_1728 = arith.mulf %mul3A_1702, %mul3A_1706 : vector<1x128xf32>
    %max3A_1729 = vector.broadcast %sub3A_1715 : vector<1x128xf32> to vector<49x128xf32>
    %max3A_1730 = arith.maximumf %sub3A, %max3A_1729 : vector<49x128xf32>
    %min3A_1731 = vector.broadcast %add3A_1719 : vector<1x128xf32> to vector<49x128xf32>
    %min3A_1732 = arith.minimumf %add3A_86, %min3A_1731 : vector<49x128xf32>
    %max3A_1733 = vector.broadcast %sub3A_1723 : vector<1x128xf32> to vector<49x128xf32>
    %max3A_1734 = arith.maximumf %sub3A_90, %max3A_1733 : vector<49x128xf32>
    %min3A_1735 = vector.broadcast %add3A_1727 : vector<1x128xf32> to vector<49x128xf32>
    %min3A_1736 = arith.minimumf %add3A_94, %min3A_1735 : vector<49x128xf32>
    %lt3A_1737 = arith.cmpf olt, %max3A_1730, %min3A_1732 : vector<49x128xf32>
    %lt3A_1738 = arith.cmpf olt, %max3A_1734, %min3A_1736 : vector<49x128xf32>
    %and3A_1739 = arith.andi %lt3A_1737, %lt3A_1738 : vector<49x128xi1>
    %sub3A_1740 = arith.subf %min3A_1732, %max3A_1730 : vector<49x128xf32>
    %sub3A_1741 = arith.subf %min3A_1736, %max3A_1734 : vector<49x128xf32>
    %mul3A_1742 = arith.mulf %sub3A_1740, %sub3A_1741 : vector<49x128xf32>
    %jit3A_1743 = arith.constant 0.000000e+00 : f32
    %broadcast_in_dim3A_1744 = vector.broadcast %jit3A_1743 : f32 to vector<49x128xf32>
    %select_n3A_1745 = arith.select %and3A_1739, %mul3A_1742, %broadcast_in_dim3A_1744 : vector<49x128xi1>, vector<49x128xf32>
    %add3A_1746 = vector.broadcast %mul3A_1728 : vector<1x128xf32> to vector<49x128xf32>
    %add3A_1747 = arith.addf %mul3A_95, %add3A_1746 : vector<49x128xf32>
    %sub3A_1748 = arith.subf %add3A_1747, %select_n3A_1745 : vector<49x128xf32>
    %div3A_1749 = arith.divf %select_n3A_1745, %sub3A_1748 : vector<49x128xf32>
    %jit3A_1750 = arith.constant 0xFF800000 : f32
    %broadcast_in_dim3A_1751 = vector.shape_cast %gt3A_1711 : vector<1x128xi1> to vector<1x128xi1>
    %broadcast_in_dim3A_1752 = vector.broadcast %broadcast_in_dim3A_1751 : vector<1x128xi1> to vector<49x128xi1>
    %broadcast_in_dim3A_1753 = vector.broadcast %jit3A_1750 : f32 to vector<49x128xf32>
    %select_n3A_1754 = arith.select %broadcast_in_dim3A_1752, %div3A_1749, %broadcast_in_dim3A_1753 : vector<49x128xi1>, vector<49x128xf32>
    %max3A_1755 = arith.maximumf %max3A_1643, %select_n3A_1754 : vector<49x128xf32>
    %max3A_1756 = vector.broadcast %sub3A_1715 : vector<1x128xf32> to vector<49x128xf32>
    %max3A_1757 = arith.maximumf %sub3A_184, %max3A_1756 : vector<49x128xf32>
    %min3A_1758 = vector.broadcast %add3A_1719 : vector<1x128xf32> to vector<49x128xf32>
    %min3A_1759 = arith.minimumf %add3A_188, %min3A_1758 : vector<49x128xf32>
    %max3A_1760 = vector.broadcast %sub3A_1723 : vector<1x128xf32> to vector<49x128xf32>
    %max3A_1761 = arith.maximumf %sub3A_192, %max3A_1760 : vector<49x128xf32>
    %min3A_1762 = vector.broadcast %add3A_1727 : vector<1x128xf32> to vector<49x128xf32>
    %min3A_1763 = arith.minimumf %add3A_196, %min3A_1762 : vector<49x128xf32>
    %lt3A_1764 = arith.cmpf olt, %max3A_1757, %min3A_1759 : vector<49x128xf32>
    %lt3A_1765 = arith.cmpf olt, %max3A_1761, %min3A_1763 : vector<49x128xf32>
    %and3A_1766 = arith.andi %lt3A_1764, %lt3A_1765 : vector<49x128xi1>
    %sub3A_1767 = arith.subf %min3A_1759, %max3A_1757 : vector<49x128xf32>
    %sub3A_1768 = arith.subf %min3A_1763, %max3A_1761 : vector<49x128xf32>
    %mul3A_1769 = arith.mulf %sub3A_1767, %sub3A_1768 : vector<49x128xf32>
    %jit3A_1770 = arith.constant 0.000000e+00 : f32
    %broadcast_in_dim3A_1771 = vector.broadcast %jit3A_1770 : f32 to vector<49x128xf32>
    %select_n3A_1772 = arith.select %and3A_1766, %mul3A_1769, %broadcast_in_dim3A_1771 : vector<49x128xi1>, vector<49x128xf32>
    %add3A_1773 = vector.broadcast %mul3A_1728 : vector<1x128xf32> to vector<49x128xf32>
    %add3A_1774 = arith.addf %mul3A_197, %add3A_1773 : vector<49x128xf32>
    %sub3A_1775 = arith.subf %add3A_1774, %select_n3A_1772 : vector<49x128xf32>
    %div3A_1776 = arith.divf %select_n3A_1772, %sub3A_1775 : vector<49x128xf32>
    %jit3A_1777 = arith.constant 0xFF800000 : f32
    %broadcast_in_dim3A_1778 = vector.shape_cast %gt3A_1711 : vector<1x128xi1> to vector<1x128xi1>
    %broadcast_in_dim3A_1779 = vector.broadcast %broadcast_in_dim3A_1778 : vector<1x128xi1> to vector<49x128xi1>
    %broadcast_in_dim3A_1780 = vector.broadcast %jit3A_1777 : f32 to vector<49x128xf32>
    %select_n3A_1781 = arith.select %broadcast_in_dim3A_1779, %div3A_1776, %broadcast_in_dim3A_1780 : vector<49x128xi1>, vector<49x128xf32>
    %max3A_1782 = arith.maximumf %max3A_1670, %select_n3A_1781 : vector<49x128xf32>
    %floor3A_1783 = math.floor %mul3A_1698 : vector<1x128xf32>
    %mul3A_1784 = arith.constant 7.000000e+00 : f32
    %mul3A_1785 = vector.broadcast %mul3A_1784 : f32 to vector<1x128xf32>
    %mul3A_1786 = arith.mulf %floor3A_1783, %mul3A_1785 : vector<1x128xf32>
    %floor3A_1787 = math.floor %mul3A_1694 : vector<1x128xf32>
    %add3A_1788 = arith.addf %mul3A_1786, %floor3A_1787 : vector<1x128xf32>
    %eq3A_1789 = vector.broadcast %convert_element_type3A : vector<49x1xf32> to vector<49x128xf32>
    %eq3A_1790 = vector.broadcast %add3A_1788 : vector<1x128xf32> to vector<49x128xf32>
    %eq3A_1791 = arith.cmpf oeq, %eq3A_1789, %eq3A_1790 : vector<49x128xf32>
    %and3A_1792 = vector.broadcast %gt3A_1711 : vector<1x128xi1> to vector<49x128xi1>
    %and3A_1793 = arith.andi %eq3A_1791, %and3A_1792 : vector<49x128xi1>
    %or3A_1794 = arith.ori %or3A_1682, %and3A_1793 : vector<49x128xi1>
    %broadcast_in_dim3A_1795 = vector.shape_cast %floor3A_1708 : vector<1x128xf32> to vector<1x128xf32>
    %broadcast_in_dim3A_1796 = vector.broadcast %broadcast_in_dim3A_1795 : vector<1x128xf32> to vector<49x128xf32>
    %select_n3A_1797 = arith.select %and3A_1793, %broadcast_in_dim3A_1796, %select_n3A_1685 : vector<49x128xi1>, vector<49x128xf32>
    %get3A_1798 = arith.constant 14 : index
    %get3A_1799 = arith.constant 0 : index
    %get3A_1800 = arith.constant 0 : index
    %get3A_1801 = vector.load %arg2[%get3A_1798, %get3A_1799, %get3A_1800] : memref<16x5x128xf32, #tpu.memory_space<vmem>>, vector<1x5x128xf32>
    %get3A_1802 = vector.shape_cast %get3A_1801 : vector<1x5x128xf32> to vector<5x128xf32>
    %slice3A_1803 = vector.extract_strided_slice %get3A_1802 {offsets = [0, 0], sizes = [1, 128], strides = [1, 1]} : vector<5x128xf32> to vector<1x128xf32>
    %mul3A_1804 = arith.constant 7.000000e+00 : f32
    %mul3A_1805 = vector.broadcast %mul3A_1804 : f32 to vector<1x128xf32>
    %mul3A_1806 = arith.mulf %slice3A_1803, %mul3A_1805 : vector<1x128xf32>
    %slice3A_1807 = vector.extract_strided_slice %get3A_1802 {offsets = [1, 0], sizes = [1, 128], strides = [1, 1]} : vector<5x128xf32> to vector<1x128xf32>
    %mul3A_1808 = arith.constant 7.000000e+00 : f32
    %mul3A_1809 = vector.broadcast %mul3A_1808 : f32 to vector<1x128xf32>
    %mul3A_1810 = arith.mulf %slice3A_1807, %mul3A_1809 : vector<1x128xf32>
    %slice3A_1811 = vector.extract_strided_slice %get3A_1802 {offsets = [2, 0], sizes = [1, 128], strides = [1, 1]} : vector<5x128xf32> to vector<1x128xf32>
    %mul3A_1812 = arith.constant 7.000000e+00 : f32
    %mul3A_1813 = vector.broadcast %mul3A_1812 : f32 to vector<1x128xf32>
    %mul3A_1814 = arith.mulf %slice3A_1811, %mul3A_1813 : vector<1x128xf32>
    %slice3A_1815 = vector.extract_strided_slice %get3A_1802 {offsets = [3, 0], sizes = [1, 128], strides = [1, 1]} : vector<5x128xf32> to vector<1x128xf32>
    %mul3A_1816 = arith.constant 7.000000e+00 : f32
    %mul3A_1817 = vector.broadcast %mul3A_1816 : f32 to vector<1x128xf32>
    %mul3A_1818 = arith.mulf %slice3A_1815, %mul3A_1817 : vector<1x128xf32>
    %slice3A_1819 = vector.extract_strided_slice %get3A_1802 {offsets = [4, 0], sizes = [1, 128], strides = [1, 1]} : vector<5x128xf32> to vector<1x128xf32>
    %floor3A_1820 = math.floor %slice3A_1819 : vector<1x128xf32>
    %gt3A_1821 = arith.constant 1.400000e+01 : f32
    %gt3A_1822 = vector.broadcast %gt3A_1821 : f32 to vector<1x128xf32>
    %gt3A_1823 = arith.cmpf ogt, %broadcast_in_dim3A, %gt3A_1822 : vector<1x128xf32>
    %mul3A_1824 = arith.constant 5.000000e-01 : f32
    %mul3A_1825 = vector.broadcast %mul3A_1824 : f32 to vector<1x128xf32>
    %mul3A_1826 = arith.mulf %mul3A_1814, %mul3A_1825 : vector<1x128xf32>
    %sub3A_1827 = arith.subf %mul3A_1806, %mul3A_1826 : vector<1x128xf32>
    %mul3A_1828 = arith.constant 5.000000e-01 : f32
    %mul3A_1829 = vector.broadcast %mul3A_1828 : f32 to vector<1x128xf32>
    %mul3A_1830 = arith.mulf %mul3A_1814, %mul3A_1829 : vector<1x128xf32>
    %add3A_1831 = arith.addf %mul3A_1806, %mul3A_1830 : vector<1x128xf32>
    %mul3A_1832 = arith.constant 5.000000e-01 : f32
    %mul3A_1833 = vector.broadcast %mul3A_1832 : f32 to vector<1x128xf32>
    %mul3A_1834 = arith.mulf %mul3A_1818, %mul3A_1833 : vector<1x128xf32>
    %sub3A_1835 = arith.subf %mul3A_1810, %mul3A_1834 : vector<1x128xf32>
    %mul3A_1836 = arith.constant 5.000000e-01 : f32
    %mul3A_1837 = vector.broadcast %mul3A_1836 : f32 to vector<1x128xf32>
    %mul3A_1838 = arith.mulf %mul3A_1818, %mul3A_1837 : vector<1x128xf32>
    %add3A_1839 = arith.addf %mul3A_1810, %mul3A_1838 : vector<1x128xf32>
    %mul3A_1840 = arith.mulf %mul3A_1814, %mul3A_1818 : vector<1x128xf32>
    %max3A_1841 = vector.broadcast %sub3A_1827 : vector<1x128xf32> to vector<49x128xf32>
    %max3A_1842 = arith.maximumf %sub3A, %max3A_1841 : vector<49x128xf32>
    %min3A_1843 = vector.broadcast %add3A_1831 : vector<1x128xf32> to vector<49x128xf32>
    %min3A_1844 = arith.minimumf %add3A_86, %min3A_1843 : vector<49x128xf32>
    %max3A_1845 = vector.broadcast %sub3A_1835 : vector<1x128xf32> to vector<49x128xf32>
    %max3A_1846 = arith.maximumf %sub3A_90, %max3A_1845 : vector<49x128xf32>
    %min3A_1847 = vector.broadcast %add3A_1839 : vector<1x128xf32> to vector<49x128xf32>
    %min3A_1848 = arith.minimumf %add3A_94, %min3A_1847 : vector<49x128xf32>
    %lt3A_1849 = arith.cmpf olt, %max3A_1842, %min3A_1844 : vector<49x128xf32>
    %lt3A_1850 = arith.cmpf olt, %max3A_1846, %min3A_1848 : vector<49x128xf32>
    %and3A_1851 = arith.andi %lt3A_1849, %lt3A_1850 : vector<49x128xi1>
    %sub3A_1852 = arith.subf %min3A_1844, %max3A_1842 : vector<49x128xf32>
    %sub3A_1853 = arith.subf %min3A_1848, %max3A_1846 : vector<49x128xf32>
    %mul3A_1854 = arith.mulf %sub3A_1852, %sub3A_1853 : vector<49x128xf32>
    %jit3A_1855 = arith.constant 0.000000e+00 : f32
    %broadcast_in_dim3A_1856 = vector.broadcast %jit3A_1855 : f32 to vector<49x128xf32>
    %select_n3A_1857 = arith.select %and3A_1851, %mul3A_1854, %broadcast_in_dim3A_1856 : vector<49x128xi1>, vector<49x128xf32>
    %add3A_1858 = vector.broadcast %mul3A_1840 : vector<1x128xf32> to vector<49x128xf32>
    %add3A_1859 = arith.addf %mul3A_95, %add3A_1858 : vector<49x128xf32>
    %sub3A_1860 = arith.subf %add3A_1859, %select_n3A_1857 : vector<49x128xf32>
    %div3A_1861 = arith.divf %select_n3A_1857, %sub3A_1860 : vector<49x128xf32>
    %jit3A_1862 = arith.constant 0xFF800000 : f32
    %broadcast_in_dim3A_1863 = vector.shape_cast %gt3A_1823 : vector<1x128xi1> to vector<1x128xi1>
    %broadcast_in_dim3A_1864 = vector.broadcast %broadcast_in_dim3A_1863 : vector<1x128xi1> to vector<49x128xi1>
    %broadcast_in_dim3A_1865 = vector.broadcast %jit3A_1862 : f32 to vector<49x128xf32>
    %select_n3A_1866 = arith.select %broadcast_in_dim3A_1864, %div3A_1861, %broadcast_in_dim3A_1865 : vector<49x128xi1>, vector<49x128xf32>
    %max3A_1867 = arith.maximumf %max3A_1755, %select_n3A_1866 : vector<49x128xf32>
    %max3A_1868 = vector.broadcast %sub3A_1827 : vector<1x128xf32> to vector<49x128xf32>
    %max3A_1869 = arith.maximumf %sub3A_184, %max3A_1868 : vector<49x128xf32>
    %min3A_1870 = vector.broadcast %add3A_1831 : vector<1x128xf32> to vector<49x128xf32>
    %min3A_1871 = arith.minimumf %add3A_188, %min3A_1870 : vector<49x128xf32>
    %max3A_1872 = vector.broadcast %sub3A_1835 : vector<1x128xf32> to vector<49x128xf32>
    %max3A_1873 = arith.maximumf %sub3A_192, %max3A_1872 : vector<49x128xf32>
    %min3A_1874 = vector.broadcast %add3A_1839 : vector<1x128xf32> to vector<49x128xf32>
    %min3A_1875 = arith.minimumf %add3A_196, %min3A_1874 : vector<49x128xf32>
    %lt3A_1876 = arith.cmpf olt, %max3A_1869, %min3A_1871 : vector<49x128xf32>
    %lt3A_1877 = arith.cmpf olt, %max3A_1873, %min3A_1875 : vector<49x128xf32>
    %and3A_1878 = arith.andi %lt3A_1876, %lt3A_1877 : vector<49x128xi1>
    %sub3A_1879 = arith.subf %min3A_1871, %max3A_1869 : vector<49x128xf32>
    %sub3A_1880 = arith.subf %min3A_1875, %max3A_1873 : vector<49x128xf32>
    %mul3A_1881 = arith.mulf %sub3A_1879, %sub3A_1880 : vector<49x128xf32>
    %jit3A_1882 = arith.constant 0.000000e+00 : f32
    %broadcast_in_dim3A_1883 = vector.broadcast %jit3A_1882 : f32 to vector<49x128xf32>
    %select_n3A_1884 = arith.select %and3A_1878, %mul3A_1881, %broadcast_in_dim3A_1883 : vector<49x128xi1>, vector<49x128xf32>
    %add3A_1885 = vector.broadcast %mul3A_1840 : vector<1x128xf32> to vector<49x128xf32>
    %add3A_1886 = arith.addf %mul3A_197, %add3A_1885 : vector<49x128xf32>
    %sub3A_1887 = arith.subf %add3A_1886, %select_n3A_1884 : vector<49x128xf32>
    %div3A_1888 = arith.divf %select_n3A_1884, %sub3A_1887 : vector<49x128xf32>
    %jit3A_1889 = arith.constant 0xFF800000 : f32
    %broadcast_in_dim3A_1890 = vector.shape_cast %gt3A_1823 : vector<1x128xi1> to vector<1x128xi1>
    %broadcast_in_dim3A_1891 = vector.broadcast %broadcast_in_dim3A_1890 : vector<1x128xi1> to vector<49x128xi1>
    %broadcast_in_dim3A_1892 = vector.broadcast %jit3A_1889 : f32 to vector<49x128xf32>
    %select_n3A_1893 = arith.select %broadcast_in_dim3A_1891, %div3A_1888, %broadcast_in_dim3A_1892 : vector<49x128xi1>, vector<49x128xf32>
    %max3A_1894 = arith.maximumf %max3A_1782, %select_n3A_1893 : vector<49x128xf32>
    %floor3A_1895 = math.floor %mul3A_1810 : vector<1x128xf32>
    %mul3A_1896 = arith.constant 7.000000e+00 : f32
    %mul3A_1897 = vector.broadcast %mul3A_1896 : f32 to vector<1x128xf32>
    %mul3A_1898 = arith.mulf %floor3A_1895, %mul3A_1897 : vector<1x128xf32>
    %floor3A_1899 = math.floor %mul3A_1806 : vector<1x128xf32>
    %add3A_1900 = arith.addf %mul3A_1898, %floor3A_1899 : vector<1x128xf32>
    %eq3A_1901 = vector.broadcast %convert_element_type3A : vector<49x1xf32> to vector<49x128xf32>
    %eq3A_1902 = vector.broadcast %add3A_1900 : vector<1x128xf32> to vector<49x128xf32>
    %eq3A_1903 = arith.cmpf oeq, %eq3A_1901, %eq3A_1902 : vector<49x128xf32>
    %and3A_1904 = vector.broadcast %gt3A_1823 : vector<1x128xi1> to vector<49x128xi1>
    %and3A_1905 = arith.andi %eq3A_1903, %and3A_1904 : vector<49x128xi1>
    %or3A_1906 = arith.ori %or3A_1794, %and3A_1905 : vector<49x128xi1>
    %broadcast_in_dim3A_1907 = vector.shape_cast %floor3A_1820 : vector<1x128xf32> to vector<1x128xf32>
    %broadcast_in_dim3A_1908 = vector.broadcast %broadcast_in_dim3A_1907 : vector<1x128xf32> to vector<49x128xf32>
    %select_n3A_1909 = arith.select %and3A_1905, %broadcast_in_dim3A_1908, %select_n3A_1797 : vector<49x128xi1>, vector<49x128xf32>
    %get3A_1910 = arith.constant 15 : index
    %get3A_1911 = arith.constant 0 : index
    %get3A_1912 = arith.constant 0 : index
    %get3A_1913 = vector.load %arg2[%get3A_1910, %get3A_1911, %get3A_1912] : memref<16x5x128xf32, #tpu.memory_space<vmem>>, vector<1x5x128xf32>
    %get3A_1914 = vector.shape_cast %get3A_1913 : vector<1x5x128xf32> to vector<5x128xf32>
    %slice3A_1915 = vector.extract_strided_slice %get3A_1914 {offsets = [0, 0], sizes = [1, 128], strides = [1, 1]} : vector<5x128xf32> to vector<1x128xf32>
    %mul3A_1916 = arith.constant 7.000000e+00 : f32
    %mul3A_1917 = vector.broadcast %mul3A_1916 : f32 to vector<1x128xf32>
    %mul3A_1918 = arith.mulf %slice3A_1915, %mul3A_1917 : vector<1x128xf32>
    %slice3A_1919 = vector.extract_strided_slice %get3A_1914 {offsets = [1, 0], sizes = [1, 128], strides = [1, 1]} : vector<5x128xf32> to vector<1x128xf32>
    %mul3A_1920 = arith.constant 7.000000e+00 : f32
    %mul3A_1921 = vector.broadcast %mul3A_1920 : f32 to vector<1x128xf32>
    %mul3A_1922 = arith.mulf %slice3A_1919, %mul3A_1921 : vector<1x128xf32>
    %slice3A_1923 = vector.extract_strided_slice %get3A_1914 {offsets = [2, 0], sizes = [1, 128], strides = [1, 1]} : vector<5x128xf32> to vector<1x128xf32>
    %mul3A_1924 = arith.constant 7.000000e+00 : f32
    %mul3A_1925 = vector.broadcast %mul3A_1924 : f32 to vector<1x128xf32>
    %mul3A_1926 = arith.mulf %slice3A_1923, %mul3A_1925 : vector<1x128xf32>
    %slice3A_1927 = vector.extract_strided_slice %get3A_1914 {offsets = [3, 0], sizes = [1, 128], strides = [1, 1]} : vector<5x128xf32> to vector<1x128xf32>
    %mul3A_1928 = arith.constant 7.000000e+00 : f32
    %mul3A_1929 = vector.broadcast %mul3A_1928 : f32 to vector<1x128xf32>
    %mul3A_1930 = arith.mulf %slice3A_1927, %mul3A_1929 : vector<1x128xf32>
    %slice3A_1931 = vector.extract_strided_slice %get3A_1914 {offsets = [4, 0], sizes = [1, 128], strides = [1, 1]} : vector<5x128xf32> to vector<1x128xf32>
    %floor3A_1932 = math.floor %slice3A_1931 : vector<1x128xf32>
    %gt3A_1933 = arith.constant 1.500000e+01 : f32
    %gt3A_1934 = vector.broadcast %gt3A_1933 : f32 to vector<1x128xf32>
    %gt3A_1935 = arith.cmpf ogt, %broadcast_in_dim3A, %gt3A_1934 : vector<1x128xf32>
    %mul3A_1936 = arith.constant 5.000000e-01 : f32
    %mul3A_1937 = vector.broadcast %mul3A_1936 : f32 to vector<1x128xf32>
    %mul3A_1938 = arith.mulf %mul3A_1926, %mul3A_1937 : vector<1x128xf32>
    %sub3A_1939 = arith.subf %mul3A_1918, %mul3A_1938 : vector<1x128xf32>
    %mul3A_1940 = arith.constant 5.000000e-01 : f32
    %mul3A_1941 = vector.broadcast %mul3A_1940 : f32 to vector<1x128xf32>
    %mul3A_1942 = arith.mulf %mul3A_1926, %mul3A_1941 : vector<1x128xf32>
    %add3A_1943 = arith.addf %mul3A_1918, %mul3A_1942 : vector<1x128xf32>
    %mul3A_1944 = arith.constant 5.000000e-01 : f32
    %mul3A_1945 = vector.broadcast %mul3A_1944 : f32 to vector<1x128xf32>
    %mul3A_1946 = arith.mulf %mul3A_1930, %mul3A_1945 : vector<1x128xf32>
    %sub3A_1947 = arith.subf %mul3A_1922, %mul3A_1946 : vector<1x128xf32>
    %mul3A_1948 = arith.constant 5.000000e-01 : f32
    %mul3A_1949 = vector.broadcast %mul3A_1948 : f32 to vector<1x128xf32>
    %mul3A_1950 = arith.mulf %mul3A_1930, %mul3A_1949 : vector<1x128xf32>
    %add3A_1951 = arith.addf %mul3A_1922, %mul3A_1950 : vector<1x128xf32>
    %mul3A_1952 = arith.mulf %mul3A_1926, %mul3A_1930 : vector<1x128xf32>
    %max3A_1953 = vector.broadcast %sub3A_1939 : vector<1x128xf32> to vector<49x128xf32>
    %max3A_1954 = arith.maximumf %sub3A, %max3A_1953 : vector<49x128xf32>
    %min3A_1955 = vector.broadcast %add3A_1943 : vector<1x128xf32> to vector<49x128xf32>
    %min3A_1956 = arith.minimumf %add3A_86, %min3A_1955 : vector<49x128xf32>
    %max3A_1957 = vector.broadcast %sub3A_1947 : vector<1x128xf32> to vector<49x128xf32>
    %max3A_1958 = arith.maximumf %sub3A_90, %max3A_1957 : vector<49x128xf32>
    %min3A_1959 = vector.broadcast %add3A_1951 : vector<1x128xf32> to vector<49x128xf32>
    %min3A_1960 = arith.minimumf %add3A_94, %min3A_1959 : vector<49x128xf32>
    %lt3A_1961 = arith.cmpf olt, %max3A_1954, %min3A_1956 : vector<49x128xf32>
    %lt3A_1962 = arith.cmpf olt, %max3A_1958, %min3A_1960 : vector<49x128xf32>
    %and3A_1963 = arith.andi %lt3A_1961, %lt3A_1962 : vector<49x128xi1>
    %sub3A_1964 = arith.subf %min3A_1956, %max3A_1954 : vector<49x128xf32>
    %sub3A_1965 = arith.subf %min3A_1960, %max3A_1958 : vector<49x128xf32>
    %mul3A_1966 = arith.mulf %sub3A_1964, %sub3A_1965 : vector<49x128xf32>
    %jit3A_1967 = arith.constant 0.000000e+00 : f32
    %broadcast_in_dim3A_1968 = vector.broadcast %jit3A_1967 : f32 to vector<49x128xf32>
    %select_n3A_1969 = arith.select %and3A_1963, %mul3A_1966, %broadcast_in_dim3A_1968 : vector<49x128xi1>, vector<49x128xf32>
    %add3A_1970 = vector.broadcast %mul3A_1952 : vector<1x128xf32> to vector<49x128xf32>
    %add3A_1971 = arith.addf %mul3A_95, %add3A_1970 : vector<49x128xf32>
    %sub3A_1972 = arith.subf %add3A_1971, %select_n3A_1969 : vector<49x128xf32>
    %div3A_1973 = arith.divf %select_n3A_1969, %sub3A_1972 : vector<49x128xf32>
    %jit3A_1974 = arith.constant 0xFF800000 : f32
    %broadcast_in_dim3A_1975 = vector.shape_cast %gt3A_1935 : vector<1x128xi1> to vector<1x128xi1>
    %broadcast_in_dim3A_1976 = vector.broadcast %broadcast_in_dim3A_1975 : vector<1x128xi1> to vector<49x128xi1>
    %broadcast_in_dim3A_1977 = vector.broadcast %jit3A_1974 : f32 to vector<49x128xf32>
    %select_n3A_1978 = arith.select %broadcast_in_dim3A_1976, %div3A_1973, %broadcast_in_dim3A_1977 : vector<49x128xi1>, vector<49x128xf32>
    %max3A_1979 = arith.maximumf %max3A_1867, %select_n3A_1978 : vector<49x128xf32>
    %max3A_1980 = vector.broadcast %sub3A_1939 : vector<1x128xf32> to vector<49x128xf32>
    %max3A_1981 = arith.maximumf %sub3A_184, %max3A_1980 : vector<49x128xf32>
    %min3A_1982 = vector.broadcast %add3A_1943 : vector<1x128xf32> to vector<49x128xf32>
    %min3A_1983 = arith.minimumf %add3A_188, %min3A_1982 : vector<49x128xf32>
    %max3A_1984 = vector.broadcast %sub3A_1947 : vector<1x128xf32> to vector<49x128xf32>
    %max3A_1985 = arith.maximumf %sub3A_192, %max3A_1984 : vector<49x128xf32>
    %min3A_1986 = vector.broadcast %add3A_1951 : vector<1x128xf32> to vector<49x128xf32>
    %min3A_1987 = arith.minimumf %add3A_196, %min3A_1986 : vector<49x128xf32>
    %lt3A_1988 = arith.cmpf olt, %max3A_1981, %min3A_1983 : vector<49x128xf32>
    %lt3A_1989 = arith.cmpf olt, %max3A_1985, %min3A_1987 : vector<49x128xf32>
    %and3A_1990 = arith.andi %lt3A_1988, %lt3A_1989 : vector<49x128xi1>
    %sub3A_1991 = arith.subf %min3A_1983, %max3A_1981 : vector<49x128xf32>
    %sub3A_1992 = arith.subf %min3A_1987, %max3A_1985 : vector<49x128xf32>
    %mul3A_1993 = arith.mulf %sub3A_1991, %sub3A_1992 : vector<49x128xf32>
    %jit3A_1994 = arith.constant 0.000000e+00 : f32
    %broadcast_in_dim3A_1995 = vector.broadcast %jit3A_1994 : f32 to vector<49x128xf32>
    %select_n3A_1996 = arith.select %and3A_1990, %mul3A_1993, %broadcast_in_dim3A_1995 : vector<49x128xi1>, vector<49x128xf32>
    %add3A_1997 = vector.broadcast %mul3A_1952 : vector<1x128xf32> to vector<49x128xf32>
    %add3A_1998 = arith.addf %mul3A_197, %add3A_1997 : vector<49x128xf32>
    %sub3A_1999 = arith.subf %add3A_1998, %select_n3A_1996 : vector<49x128xf32>
    %div3A_2000 = arith.divf %select_n3A_1996, %sub3A_1999 : vector<49x128xf32>
    %jit3A_2001 = arith.constant 0xFF800000 : f32
    %broadcast_in_dim3A_2002 = vector.shape_cast %gt3A_1935 : vector<1x128xi1> to vector<1x128xi1>
    %broadcast_in_dim3A_2003 = vector.broadcast %broadcast_in_dim3A_2002 : vector<1x128xi1> to vector<49x128xi1>
    %broadcast_in_dim3A_2004 = vector.broadcast %jit3A_2001 : f32 to vector<49x128xf32>
    %select_n3A_2005 = arith.select %broadcast_in_dim3A_2003, %div3A_2000, %broadcast_in_dim3A_2004 : vector<49x128xi1>, vector<49x128xf32>
    %max3A_2006 = arith.maximumf %max3A_1894, %select_n3A_2005 : vector<49x128xf32>
    %floor3A_2007 = math.floor %mul3A_1922 : vector<1x128xf32>
    %mul3A_2008 = arith.constant 7.000000e+00 : f32
    %mul3A_2009 = vector.broadcast %mul3A_2008 : f32 to vector<1x128xf32>
    %mul3A_2010 = arith.mulf %floor3A_2007, %mul3A_2009 : vector<1x128xf32>
    %floor3A_2011 = math.floor %mul3A_1918 : vector<1x128xf32>
    %add3A_2012 = arith.addf %mul3A_2010, %floor3A_2011 : vector<1x128xf32>
    %eq3A_2013 = vector.broadcast %convert_element_type3A : vector<49x1xf32> to vector<49x128xf32>
    %eq3A_2014 = vector.broadcast %add3A_2012 : vector<1x128xf32> to vector<49x128xf32>
    %eq3A_2015 = arith.cmpf oeq, %eq3A_2013, %eq3A_2014 : vector<49x128xf32>
    %and3A_2016 = vector.broadcast %gt3A_1935 : vector<1x128xi1> to vector<49x128xi1>
    %and3A_2017 = arith.andi %eq3A_2015, %and3A_2016 : vector<49x128xi1>
    %or3A_2018 = arith.ori %or3A_1906, %and3A_2017 : vector<49x128xi1>
    %broadcast_in_dim3A_2019 = vector.shape_cast %floor3A_1932 : vector<1x128xf32> to vector<1x128xf32>
    %broadcast_in_dim3A_2020 = vector.broadcast %broadcast_in_dim3A_2019 : vector<1x128xf32> to vector<49x128xf32>
    %select_n3A_2021 = arith.select %and3A_2017, %broadcast_in_dim3A_2020, %select_n3A_1909 : vector<49x128xi1>, vector<49x128xf32>
    %broadcast_in_dim3A_2022 = arith.constant 0.000000e+00 : f32
    %broadcast_in_dim3A_2023 = vector.broadcast %broadcast_in_dim3A_2022 : f32 to vector<1x128xf32>
    %gt3A_2024 = arith.constant 5.000000e-01 : f32
    %gt3A_2025 = vector.broadcast %gt3A_2024 : f32 to vector<49x128xf32>
    %gt3A_2026 = arith.cmpf ogt, %max3A_1979, %gt3A_2025 : vector<49x128xf32>
    %convert_element_type3A_2027 = arith.extui %gt3A_2026 : vector<49x128xi1> to vector<49x128xi32>
    %convert_element_type3A_2028 = arith.sitofp %convert_element_type3A_2027 : vector<49x128xi32> to vector<49x128xf32>
    %reduce_sum3A_2029 = arith.constant dense<0.000000e+00> : vector<128xf32>
    %reduce_sum3A_2030 = vector.multi_reduction <add>, %convert_element_type3A_2028, %reduce_sum3A_2029 [0] : vector<49x128xf32> to vector<128xf32>
    %broadcast_in_dim3A_2031 = vector.shape_cast %reduce_sum3A_2030 : vector<128xf32> to vector<1x128xf32>
    %add3A_2032 = arith.addf %broadcast_in_dim3A_2023, %broadcast_in_dim3A_2031 : vector<1x128xf32>
    %gt3A_2033 = arith.constant 5.000000e-01 : f32
    %gt3A_2034 = vector.broadcast %gt3A_2033 : f32 to vector<49x128xf32>
    %gt3A_2035 = arith.cmpf ogt, %max3A_2006, %gt3A_2034 : vector<49x128xf32>
    %convert_element_type3A_2036 = arith.extui %gt3A_2035 : vector<49x128xi1> to vector<49x128xi32>
    %convert_element_type3A_2037 = arith.sitofp %convert_element_type3A_2036 : vector<49x128xi32> to vector<49x128xf32>
    %reduce_sum3A_2038 = arith.constant dense<0.000000e+00> : vector<128xf32>
    %reduce_sum3A_2039 = vector.multi_reduction <add>, %convert_element_type3A_2037, %reduce_sum3A_2038 [0] : vector<49x128xf32> to vector<128xf32>
    %broadcast_in_dim3A_2040 = vector.shape_cast %reduce_sum3A_2039 : vector<128xf32> to vector<1x128xf32>
    %add3A_2041 = arith.addf %add3A_2032, %broadcast_in_dim3A_2040 : vector<1x128xf32>
    %gt3A_2042 = arith.constant 0.000000e+00 : f32
    %gt3A_2043 = vector.broadcast %gt3A_2042 : f32 to vector<1x128xf32>
    %gt3A_2044 = arith.cmpf ogt, %add3A_2041, %gt3A_2043 : vector<1x128xf32>
    %ge3A = arith.constant 5.000000e-01 : f32
    %ge3A_2045 = vector.broadcast %ge3A : f32 to vector<49x128xf32>
    %ge3A_2046 = arith.cmpf oge, %max3A_1979, %ge3A_2045 : vector<49x128xf32>
    %and3A_2047 = vector.broadcast %gt3A_2044 : vector<1x128xi1> to vector<49x128xi1>
    %and3A_2048 = arith.andi %and3A_2047, %ge3A_2046 : vector<49x128xi1>
    %not3A = arith.constant dense<true> : vector<49x128xi1>
    %not3A_2049 = arith.xori %and3A_2048, %not3A : vector<49x128xi1>
    %and3A_2050 = vector.broadcast %gt3A_226 : vector<1x128xi1> to vector<49x128xi1>
    %and3A_2051 = arith.andi %and3A_2050, %not3A_2049 : vector<49x128xi1>
    %mul3A_2052 = arith.mulf %div3A_110, %div3A_110 : vector<49x128xf32>
    %jit3A_2053 = arith.constant 0.000000e+00 : f32
    %broadcast_in_dim3A_2054 = vector.broadcast %jit3A_2053 : f32 to vector<49x128xf32>
    %select_n3A_2055 = arith.select %and3A_2051, %mul3A_2052, %broadcast_in_dim3A_2054 : vector<49x128xi1>, vector<49x128xf32>
    %reduce_sum3A_2056 = vector.shape_cast %select_n3A_2055 : vector<49x128xf32> to vector<1x49x128xf32>
    %reduce_sum3A_2057 = arith.constant dense<0.000000e+00> : vector<1xf32>
    %reduce_sum3A_2058 = vector.multi_reduction <add>, %reduce_sum3A_2056, %reduce_sum3A_2057 [1, 2] : vector<1x49x128xf32> to vector<1xf32>
    %reduce_sum3A_2059 = vector.shape_cast %reduce_sum3A_2058 : vector<1xf32> to vector<1x1x1xf32>
    %reduce_sum3A_2060 = vector.extract %reduce_sum3A_2059[0, 0, 0] : f32 from vector<1x1x1xf32>
    %add3A_2061 = arith.constant 0.000000e+00 : f32
    %add3A_2062 = arith.addf %add3A_2061, %reduce_sum3A_2060 : f32
    %ge3A_2063 = arith.constant 5.000000e-01 : f32
    %ge3A_2064 = vector.broadcast %ge3A_2063 : f32 to vector<49x128xf32>
    %ge3A_2065 = arith.cmpf oge, %max3A_2006, %ge3A_2064 : vector<49x128xf32>
    %and3A_2066 = vector.broadcast %gt3A_2044 : vector<1x128xi1> to vector<49x128xi1>
    %and3A_2067 = arith.andi %and3A_2066, %ge3A_2065 : vector<49x128xi1>
    %not3A_2068 = arith.constant dense<true> : vector<49x128xi1>
    %not3A_2069 = arith.xori %and3A_2067, %not3A_2068 : vector<49x128xi1>
    %and3A_2070 = vector.broadcast %gt3A_226 : vector<1x128xi1> to vector<49x128xi1>
    %and3A_2071 = arith.andi %and3A_2070, %not3A_2069 : vector<49x128xi1>
    %mul3A_2072 = arith.mulf %div3A_212, %div3A_212 : vector<49x128xf32>
    %jit3A_2073 = arith.constant 0.000000e+00 : f32
    %broadcast_in_dim3A_2074 = vector.broadcast %jit3A_2073 : f32 to vector<49x128xf32>
    %select_n3A_2075 = arith.select %and3A_2071, %mul3A_2072, %broadcast_in_dim3A_2074 : vector<49x128xi1>, vector<49x128xf32>
    %reduce_sum3A_2076 = vector.shape_cast %select_n3A_2075 : vector<49x128xf32> to vector<1x49x128xf32>
    %reduce_sum3A_2077 = arith.constant dense<0.000000e+00> : vector<1xf32>
    %reduce_sum3A_2078 = vector.multi_reduction <add>, %reduce_sum3A_2076, %reduce_sum3A_2077 [1, 2] : vector<1x49x128xf32> to vector<1xf32>
    %reduce_sum3A_2079 = vector.shape_cast %reduce_sum3A_2078 : vector<1xf32> to vector<1x1x1xf32>
    %reduce_sum3A_2080 = vector.extract %reduce_sum3A_2079[0, 0, 0] : f32 from vector<1x1x1xf32>
    %add3A_2081 = arith.addf %add3A_2062, %reduce_sum3A_2080 : f32
    %get3A_2082 = arith.constant 10 : index
    %get3A_2083 = arith.constant 0 : index
    %get3A_2084 = arith.constant 0 : index
    %get3A_2085 = vector.load %arg1[%get3A_2082, %get3A_2083, %get3A_2084] : memref<30x49x128xf32, #tpu.memory_space<vmem>>, vector<1x49x128xf32>
    %get3A_2086 = vector.shape_cast %get3A_2085 : vector<1x49x128xf32> to vector<49x128xf32>
    %get3A_2087 = arith.constant 11 : index
    %get3A_2088 = arith.constant 0 : index
    %get3A_2089 = arith.constant 0 : index
    %get3A_2090 = vector.load %arg1[%get3A_2087, %get3A_2088, %get3A_2089] : memref<30x49x128xf32, #tpu.memory_space<vmem>>, vector<1x49x128xf32>
    %get3A_2091 = vector.shape_cast %get3A_2090 : vector<1x49x128xf32> to vector<49x128xf32>
    %max3A_2092 = arith.maximumf %get3A_2086, %get3A_2091 : vector<49x128xf32>
    %get3A_2093 = arith.constant 12 : index
    %get3A_2094 = arith.constant 0 : index
    %get3A_2095 = arith.constant 0 : index
    %get3A_2096 = vector.load %arg1[%get3A_2093, %get3A_2094, %get3A_2095] : memref<30x49x128xf32, #tpu.memory_space<vmem>>, vector<1x49x128xf32>
    %get3A_2097 = vector.shape_cast %get3A_2096 : vector<1x49x128xf32> to vector<49x128xf32>
    %max3A_2098 = arith.maximumf %max3A_2092, %get3A_2097 : vector<49x128xf32>
    %get3A_2099 = arith.constant 13 : index
    %get3A_2100 = arith.constant 0 : index
    %get3A_2101 = arith.constant 0 : index
    %get3A_2102 = vector.load %arg1[%get3A_2099, %get3A_2100, %get3A_2101] : memref<30x49x128xf32, #tpu.memory_space<vmem>>, vector<1x49x128xf32>
    %get3A_2103 = vector.shape_cast %get3A_2102 : vector<1x49x128xf32> to vector<49x128xf32>
    %max3A_2104 = arith.maximumf %max3A_2098, %get3A_2103 : vector<49x128xf32>
    %get3A_2105 = arith.constant 14 : index
    %get3A_2106 = arith.constant 0 : index
    %get3A_2107 = arith.constant 0 : index
    %get3A_2108 = vector.load %arg1[%get3A_2105, %get3A_2106, %get3A_2107] : memref<30x49x128xf32, #tpu.memory_space<vmem>>, vector<1x49x128xf32>
    %get3A_2109 = vector.shape_cast %get3A_2108 : vector<1x49x128xf32> to vector<49x128xf32>
    %max3A_2110 = arith.maximumf %max3A_2104, %get3A_2109 : vector<49x128xf32>
    %get3A_2111 = arith.constant 15 : index
    %get3A_2112 = arith.constant 0 : index
    %get3A_2113 = arith.constant 0 : index
    %get3A_2114 = vector.load %arg1[%get3A_2111, %get3A_2112, %get3A_2113] : memref<30x49x128xf32, #tpu.memory_space<vmem>>, vector<1x49x128xf32>
    %get3A_2115 = vector.shape_cast %get3A_2114 : vector<1x49x128xf32> to vector<49x128xf32>
    %max3A_2116 = arith.maximumf %max3A_2110, %get3A_2115 : vector<49x128xf32>
    %get3A_2117 = arith.constant 16 : index
    %get3A_2118 = arith.constant 0 : index
    %get3A_2119 = arith.constant 0 : index
    %get3A_2120 = vector.load %arg1[%get3A_2117, %get3A_2118, %get3A_2119] : memref<30x49x128xf32, #tpu.memory_space<vmem>>, vector<1x49x128xf32>
    %get3A_2121 = vector.shape_cast %get3A_2120 : vector<1x49x128xf32> to vector<49x128xf32>
    %max3A_2122 = arith.maximumf %max3A_2116, %get3A_2121 : vector<49x128xf32>
    %get3A_2123 = arith.constant 17 : index
    %get3A_2124 = arith.constant 0 : index
    %get3A_2125 = arith.constant 0 : index
    %get3A_2126 = vector.load %arg1[%get3A_2123, %get3A_2124, %get3A_2125] : memref<30x49x128xf32, #tpu.memory_space<vmem>>, vector<1x49x128xf32>
    %get3A_2127 = vector.shape_cast %get3A_2126 : vector<1x49x128xf32> to vector<49x128xf32>
    %max3A_2128 = arith.maximumf %max3A_2122, %get3A_2127 : vector<49x128xf32>
    %get3A_2129 = arith.constant 18 : index
    %get3A_2130 = arith.constant 0 : index
    %get3A_2131 = arith.constant 0 : index
    %get3A_2132 = vector.load %arg1[%get3A_2129, %get3A_2130, %get3A_2131] : memref<30x49x128xf32, #tpu.memory_space<vmem>>, vector<1x49x128xf32>
    %get3A_2133 = vector.shape_cast %get3A_2132 : vector<1x49x128xf32> to vector<49x128xf32>
    %max3A_2134 = arith.maximumf %max3A_2128, %get3A_2133 : vector<49x128xf32>
    %get3A_2135 = arith.constant 19 : index
    %get3A_2136 = arith.constant 0 : index
    %get3A_2137 = arith.constant 0 : index
    %get3A_2138 = vector.load %arg1[%get3A_2135, %get3A_2136, %get3A_2137] : memref<30x49x128xf32, #tpu.memory_space<vmem>>, vector<1x49x128xf32>
    %get3A_2139 = vector.shape_cast %get3A_2138 : vector<1x49x128xf32> to vector<49x128xf32>
    %max3A_2140 = arith.maximumf %max3A_2134, %get3A_2139 : vector<49x128xf32>
    %get3A_2141 = arith.constant 20 : index
    %get3A_2142 = arith.constant 0 : index
    %get3A_2143 = arith.constant 0 : index
    %get3A_2144 = vector.load %arg1[%get3A_2141, %get3A_2142, %get3A_2143] : memref<30x49x128xf32, #tpu.memory_space<vmem>>, vector<1x49x128xf32>
    %get3A_2145 = vector.shape_cast %get3A_2144 : vector<1x49x128xf32> to vector<49x128xf32>
    %max3A_2146 = arith.maximumf %max3A_2140, %get3A_2145 : vector<49x128xf32>
    %get3A_2147 = arith.constant 21 : index
    %get3A_2148 = arith.constant 0 : index
    %get3A_2149 = arith.constant 0 : index
    %get3A_2150 = vector.load %arg1[%get3A_2147, %get3A_2148, %get3A_2149] : memref<30x49x128xf32, #tpu.memory_space<vmem>>, vector<1x49x128xf32>
    %get3A_2151 = vector.shape_cast %get3A_2150 : vector<1x49x128xf32> to vector<49x128xf32>
    %max3A_2152 = arith.maximumf %max3A_2146, %get3A_2151 : vector<49x128xf32>
    %get3A_2153 = arith.constant 22 : index
    %get3A_2154 = arith.constant 0 : index
    %get3A_2155 = arith.constant 0 : index
    %get3A_2156 = vector.load %arg1[%get3A_2153, %get3A_2154, %get3A_2155] : memref<30x49x128xf32, #tpu.memory_space<vmem>>, vector<1x49x128xf32>
    %get3A_2157 = vector.shape_cast %get3A_2156 : vector<1x49x128xf32> to vector<49x128xf32>
    %max3A_2158 = arith.maximumf %max3A_2152, %get3A_2157 : vector<49x128xf32>
    %get3A_2159 = arith.constant 23 : index
    %get3A_2160 = arith.constant 0 : index
    %get3A_2161 = arith.constant 0 : index
    %get3A_2162 = vector.load %arg1[%get3A_2159, %get3A_2160, %get3A_2161] : memref<30x49x128xf32, #tpu.memory_space<vmem>>, vector<1x49x128xf32>
    %get3A_2163 = vector.shape_cast %get3A_2162 : vector<1x49x128xf32> to vector<49x128xf32>
    %max3A_2164 = arith.maximumf %max3A_2158, %get3A_2163 : vector<49x128xf32>
    %get3A_2165 = arith.constant 24 : index
    %get3A_2166 = arith.constant 0 : index
    %get3A_2167 = arith.constant 0 : index
    %get3A_2168 = vector.load %arg1[%get3A_2165, %get3A_2166, %get3A_2167] : memref<30x49x128xf32, #tpu.memory_space<vmem>>, vector<1x49x128xf32>
    %get3A_2169 = vector.shape_cast %get3A_2168 : vector<1x49x128xf32> to vector<49x128xf32>
    %max3A_2170 = arith.maximumf %max3A_2164, %get3A_2169 : vector<49x128xf32>
    %get3A_2171 = arith.constant 25 : index
    %get3A_2172 = arith.constant 0 : index
    %get3A_2173 = arith.constant 0 : index
    %get3A_2174 = vector.load %arg1[%get3A_2171, %get3A_2172, %get3A_2173] : memref<30x49x128xf32, #tpu.memory_space<vmem>>, vector<1x49x128xf32>
    %get3A_2175 = vector.shape_cast %get3A_2174 : vector<1x49x128xf32> to vector<49x128xf32>
    %max3A_2176 = arith.maximumf %max3A_2170, %get3A_2175 : vector<49x128xf32>
    %get3A_2177 = arith.constant 26 : index
    %get3A_2178 = arith.constant 0 : index
    %get3A_2179 = arith.constant 0 : index
    %get3A_2180 = vector.load %arg1[%get3A_2177, %get3A_2178, %get3A_2179] : memref<30x49x128xf32, #tpu.memory_space<vmem>>, vector<1x49x128xf32>
    %get3A_2181 = vector.shape_cast %get3A_2180 : vector<1x49x128xf32> to vector<49x128xf32>
    %max3A_2182 = arith.maximumf %max3A_2176, %get3A_2181 : vector<49x128xf32>
    %get3A_2183 = arith.constant 27 : index
    %get3A_2184 = arith.constant 0 : index
    %get3A_2185 = arith.constant 0 : index
    %get3A_2186 = vector.load %arg1[%get3A_2183, %get3A_2184, %get3A_2185] : memref<30x49x128xf32, #tpu.memory_space<vmem>>, vector<1x49x128xf32>
    %get3A_2187 = vector.shape_cast %get3A_2186 : vector<1x49x128xf32> to vector<49x128xf32>
    %max3A_2188 = arith.maximumf %max3A_2182, %get3A_2187 : vector<49x128xf32>
    %get3A_2189 = arith.constant 28 : index
    %get3A_2190 = arith.constant 0 : index
    %get3A_2191 = arith.constant 0 : index
    %get3A_2192 = vector.load %arg1[%get3A_2189, %get3A_2190, %get3A_2191] : memref<30x49x128xf32, #tpu.memory_space<vmem>>, vector<1x49x128xf32>
    %get3A_2193 = vector.shape_cast %get3A_2192 : vector<1x49x128xf32> to vector<49x128xf32>
    %max3A_2194 = arith.maximumf %max3A_2188, %get3A_2193 : vector<49x128xf32>
    %get3A_2195 = arith.constant 29 : index
    %get3A_2196 = arith.constant 0 : index
    %get3A_2197 = arith.constant 0 : index
    %get3A_2198 = vector.load %arg1[%get3A_2195, %get3A_2196, %get3A_2197] : memref<30x49x128xf32, #tpu.memory_space<vmem>>, vector<1x49x128xf32>
    %get3A_2199 = vector.shape_cast %get3A_2198 : vector<1x49x128xf32> to vector<49x128xf32>
    %max3A_2200 = arith.maximumf %max3A_2194, %get3A_2199 : vector<49x128xf32>
    %broadcast_in_dim3A_2201 = arith.constant 0.000000e+00 : f32
    %broadcast_in_dim3A_2202 = vector.broadcast %broadcast_in_dim3A_2201 : f32 to vector<49x128xf32>
    %broadcast_in_dim3A_2203 = arith.constant 0.000000e+00 : f32
    %broadcast_in_dim3A_2204 = vector.broadcast %broadcast_in_dim3A_2203 : f32 to vector<49x128xf32>
    %get3A_2205 = arith.constant 10 : index
    %get3A_2206 = arith.constant 0 : index
    %get3A_2207 = arith.constant 0 : index
    %get3A_2208 = vector.load %arg1[%get3A_2205, %get3A_2206, %get3A_2207] : memref<30x49x128xf32, #tpu.memory_space<vmem>>, vector<1x49x128xf32>
    %get3A_2209 = vector.shape_cast %get3A_2208 : vector<1x49x128xf32> to vector<49x128xf32>
    %sub3A_2210 = arith.subf %get3A_2209, %max3A_2200 : vector<49x128xf32>
    %exp3A_2211 = math.exp %sub3A_2210 : vector<49x128xf32>
    %add3A_2212 = arith.addf %broadcast_in_dim3A_2202, %exp3A_2211 : vector<49x128xf32>
    %eq3A_2213 = arith.constant 0.000000e+00 : f32
    %eq3A_2214 = vector.broadcast %eq3A_2213 : f32 to vector<49x128xf32>
    %eq3A_2215 = arith.cmpf oeq, %select_n3A_2021, %eq3A_2214 : vector<49x128xf32>
    %select_n3A_2216 = arith.select %eq3A_2215, %get3A_2209, %broadcast_in_dim3A_2204 : vector<49x128xi1>, vector<49x128xf32>
    %get3A_2217 = arith.constant 11 : index
    %get3A_2218 = arith.constant 0 : index
    %get3A_2219 = arith.constant 0 : index
    %get3A_2220 = vector.load %arg1[%get3A_2217, %get3A_2218, %get3A_2219] : memref<30x49x128xf32, #tpu.memory_space<vmem>>, vector<1x49x128xf32>
    %get3A_2221 = vector.shape_cast %get3A_2220 : vector<1x49x128xf32> to vector<49x128xf32>
    %sub3A_2222 = arith.subf %get3A_2221, %max3A_2200 : vector<49x128xf32>
    %exp3A_2223 = math.exp %sub3A_2222 : vector<49x128xf32>
    %add3A_2224 = arith.addf %add3A_2212, %exp3A_2223 : vector<49x128xf32>
    %eq3A_2225 = arith.constant 1.000000e+00 : f32
    %eq3A_2226 = vector.broadcast %eq3A_2225 : f32 to vector<49x128xf32>
    %eq3A_2227 = arith.cmpf oeq, %select_n3A_2021, %eq3A_2226 : vector<49x128xf32>
    %select_n3A_2228 = arith.select %eq3A_2227, %get3A_2221, %select_n3A_2216 : vector<49x128xi1>, vector<49x128xf32>
    %get3A_2229 = arith.constant 12 : index
    %get3A_2230 = arith.constant 0 : index
    %get3A_2231 = arith.constant 0 : index
    %get3A_2232 = vector.load %arg1[%get3A_2229, %get3A_2230, %get3A_2231] : memref<30x49x128xf32, #tpu.memory_space<vmem>>, vector<1x49x128xf32>
    %get3A_2233 = vector.shape_cast %get3A_2232 : vector<1x49x128xf32> to vector<49x128xf32>
    %sub3A_2234 = arith.subf %get3A_2233, %max3A_2200 : vector<49x128xf32>
    %exp3A_2235 = math.exp %sub3A_2234 : vector<49x128xf32>
    %add3A_2236 = arith.addf %add3A_2224, %exp3A_2235 : vector<49x128xf32>
    %eq3A_2237 = arith.constant 2.000000e+00 : f32
    %eq3A_2238 = vector.broadcast %eq3A_2237 : f32 to vector<49x128xf32>
    %eq3A_2239 = arith.cmpf oeq, %select_n3A_2021, %eq3A_2238 : vector<49x128xf32>
    %select_n3A_2240 = arith.select %eq3A_2239, %get3A_2233, %select_n3A_2228 : vector<49x128xi1>, vector<49x128xf32>
    %get3A_2241 = arith.constant 13 : index
    %get3A_2242 = arith.constant 0 : index
    %get3A_2243 = arith.constant 0 : index
    %get3A_2244 = vector.load %arg1[%get3A_2241, %get3A_2242, %get3A_2243] : memref<30x49x128xf32, #tpu.memory_space<vmem>>, vector<1x49x128xf32>
    %get3A_2245 = vector.shape_cast %get3A_2244 : vector<1x49x128xf32> to vector<49x128xf32>
    %sub3A_2246 = arith.subf %get3A_2245, %max3A_2200 : vector<49x128xf32>
    %exp3A_2247 = math.exp %sub3A_2246 : vector<49x128xf32>
    %add3A_2248 = arith.addf %add3A_2236, %exp3A_2247 : vector<49x128xf32>
    %eq3A_2249 = arith.constant 3.000000e+00 : f32
    %eq3A_2250 = vector.broadcast %eq3A_2249 : f32 to vector<49x128xf32>
    %eq3A_2251 = arith.cmpf oeq, %select_n3A_2021, %eq3A_2250 : vector<49x128xf32>
    %select_n3A_2252 = arith.select %eq3A_2251, %get3A_2245, %select_n3A_2240 : vector<49x128xi1>, vector<49x128xf32>
    %get3A_2253 = arith.constant 14 : index
    %get3A_2254 = arith.constant 0 : index
    %get3A_2255 = arith.constant 0 : index
    %get3A_2256 = vector.load %arg1[%get3A_2253, %get3A_2254, %get3A_2255] : memref<30x49x128xf32, #tpu.memory_space<vmem>>, vector<1x49x128xf32>
    %get3A_2257 = vector.shape_cast %get3A_2256 : vector<1x49x128xf32> to vector<49x128xf32>
    %sub3A_2258 = arith.subf %get3A_2257, %max3A_2200 : vector<49x128xf32>
    %exp3A_2259 = math.exp %sub3A_2258 : vector<49x128xf32>
    %add3A_2260 = arith.addf %add3A_2248, %exp3A_2259 : vector<49x128xf32>
    %eq3A_2261 = arith.constant 4.000000e+00 : f32
    %eq3A_2262 = vector.broadcast %eq3A_2261 : f32 to vector<49x128xf32>
    %eq3A_2263 = arith.cmpf oeq, %select_n3A_2021, %eq3A_2262 : vector<49x128xf32>
    %select_n3A_2264 = arith.select %eq3A_2263, %get3A_2257, %select_n3A_2252 : vector<49x128xi1>, vector<49x128xf32>
    %get3A_2265 = arith.constant 15 : index
    %get3A_2266 = arith.constant 0 : index
    %get3A_2267 = arith.constant 0 : index
    %get3A_2268 = vector.load %arg1[%get3A_2265, %get3A_2266, %get3A_2267] : memref<30x49x128xf32, #tpu.memory_space<vmem>>, vector<1x49x128xf32>
    %get3A_2269 = vector.shape_cast %get3A_2268 : vector<1x49x128xf32> to vector<49x128xf32>
    %sub3A_2270 = arith.subf %get3A_2269, %max3A_2200 : vector<49x128xf32>
    %exp3A_2271 = math.exp %sub3A_2270 : vector<49x128xf32>
    %add3A_2272 = arith.addf %add3A_2260, %exp3A_2271 : vector<49x128xf32>
    %eq3A_2273 = arith.constant 5.000000e+00 : f32
    %eq3A_2274 = vector.broadcast %eq3A_2273 : f32 to vector<49x128xf32>
    %eq3A_2275 = arith.cmpf oeq, %select_n3A_2021, %eq3A_2274 : vector<49x128xf32>
    %select_n3A_2276 = arith.select %eq3A_2275, %get3A_2269, %select_n3A_2264 : vector<49x128xi1>, vector<49x128xf32>
    %get3A_2277 = arith.constant 16 : index
    %get3A_2278 = arith.constant 0 : index
    %get3A_2279 = arith.constant 0 : index
    %get3A_2280 = vector.load %arg1[%get3A_2277, %get3A_2278, %get3A_2279] : memref<30x49x128xf32, #tpu.memory_space<vmem>>, vector<1x49x128xf32>
    %get3A_2281 = vector.shape_cast %get3A_2280 : vector<1x49x128xf32> to vector<49x128xf32>
    %sub3A_2282 = arith.subf %get3A_2281, %max3A_2200 : vector<49x128xf32>
    %exp3A_2283 = math.exp %sub3A_2282 : vector<49x128xf32>
    %add3A_2284 = arith.addf %add3A_2272, %exp3A_2283 : vector<49x128xf32>
    %eq3A_2285 = arith.constant 6.000000e+00 : f32
    %eq3A_2286 = vector.broadcast %eq3A_2285 : f32 to vector<49x128xf32>
    %eq3A_2287 = arith.cmpf oeq, %select_n3A_2021, %eq3A_2286 : vector<49x128xf32>
    %select_n3A_2288 = arith.select %eq3A_2287, %get3A_2281, %select_n3A_2276 : vector<49x128xi1>, vector<49x128xf32>
    %get3A_2289 = arith.constant 17 : index
    %get3A_2290 = arith.constant 0 : index
    %get3A_2291 = arith.constant 0 : index
    %get3A_2292 = vector.load %arg1[%get3A_2289, %get3A_2290, %get3A_2291] : memref<30x49x128xf32, #tpu.memory_space<vmem>>, vector<1x49x128xf32>
    %get3A_2293 = vector.shape_cast %get3A_2292 : vector<1x49x128xf32> to vector<49x128xf32>
    %sub3A_2294 = arith.subf %get3A_2293, %max3A_2200 : vector<49x128xf32>
    %exp3A_2295 = math.exp %sub3A_2294 : vector<49x128xf32>
    %add3A_2296 = arith.addf %add3A_2284, %exp3A_2295 : vector<49x128xf32>
    %eq3A_2297 = arith.constant 7.000000e+00 : f32
    %eq3A_2298 = vector.broadcast %eq3A_2297 : f32 to vector<49x128xf32>
    %eq3A_2299 = arith.cmpf oeq, %select_n3A_2021, %eq3A_2298 : vector<49x128xf32>
    %select_n3A_2300 = arith.select %eq3A_2299, %get3A_2293, %select_n3A_2288 : vector<49x128xi1>, vector<49x128xf32>
    %get3A_2301 = arith.constant 18 : index
    %get3A_2302 = arith.constant 0 : index
    %get3A_2303 = arith.constant 0 : index
    %get3A_2304 = vector.load %arg1[%get3A_2301, %get3A_2302, %get3A_2303] : memref<30x49x128xf32, #tpu.memory_space<vmem>>, vector<1x49x128xf32>
    %get3A_2305 = vector.shape_cast %get3A_2304 : vector<1x49x128xf32> to vector<49x128xf32>
    %sub3A_2306 = arith.subf %get3A_2305, %max3A_2200 : vector<49x128xf32>
    %exp3A_2307 = math.exp %sub3A_2306 : vector<49x128xf32>
    %add3A_2308 = arith.addf %add3A_2296, %exp3A_2307 : vector<49x128xf32>
    %eq3A_2309 = arith.constant 8.000000e+00 : f32
    %eq3A_2310 = vector.broadcast %eq3A_2309 : f32 to vector<49x128xf32>
    %eq3A_2311 = arith.cmpf oeq, %select_n3A_2021, %eq3A_2310 : vector<49x128xf32>
    %select_n3A_2312 = arith.select %eq3A_2311, %get3A_2305, %select_n3A_2300 : vector<49x128xi1>, vector<49x128xf32>
    %get3A_2313 = arith.constant 19 : index
    %get3A_2314 = arith.constant 0 : index
    %get3A_2315 = arith.constant 0 : index
    %get3A_2316 = vector.load %arg1[%get3A_2313, %get3A_2314, %get3A_2315] : memref<30x49x128xf32, #tpu.memory_space<vmem>>, vector<1x49x128xf32>
    %get3A_2317 = vector.shape_cast %get3A_2316 : vector<1x49x128xf32> to vector<49x128xf32>
    %sub3A_2318 = arith.subf %get3A_2317, %max3A_2200 : vector<49x128xf32>
    %exp3A_2319 = math.exp %sub3A_2318 : vector<49x128xf32>
    %add3A_2320 = arith.addf %add3A_2308, %exp3A_2319 : vector<49x128xf32>
    %eq3A_2321 = arith.constant 9.000000e+00 : f32
    %eq3A_2322 = vector.broadcast %eq3A_2321 : f32 to vector<49x128xf32>
    %eq3A_2323 = arith.cmpf oeq, %select_n3A_2021, %eq3A_2322 : vector<49x128xf32>
    %select_n3A_2324 = arith.select %eq3A_2323, %get3A_2317, %select_n3A_2312 : vector<49x128xi1>, vector<49x128xf32>
    %get3A_2325 = arith.constant 20 : index
    %get3A_2326 = arith.constant 0 : index
    %get3A_2327 = arith.constant 0 : index
    %get3A_2328 = vector.load %arg1[%get3A_2325, %get3A_2326, %get3A_2327] : memref<30x49x128xf32, #tpu.memory_space<vmem>>, vector<1x49x128xf32>
    %get3A_2329 = vector.shape_cast %get3A_2328 : vector<1x49x128xf32> to vector<49x128xf32>
    %sub3A_2330 = arith.subf %get3A_2329, %max3A_2200 : vector<49x128xf32>
    %exp3A_2331 = math.exp %sub3A_2330 : vector<49x128xf32>
    %add3A_2332 = arith.addf %add3A_2320, %exp3A_2331 : vector<49x128xf32>
    %eq3A_2333 = arith.constant 1.000000e+01 : f32
    %eq3A_2334 = vector.broadcast %eq3A_2333 : f32 to vector<49x128xf32>
    %eq3A_2335 = arith.cmpf oeq, %select_n3A_2021, %eq3A_2334 : vector<49x128xf32>
    %select_n3A_2336 = arith.select %eq3A_2335, %get3A_2329, %select_n3A_2324 : vector<49x128xi1>, vector<49x128xf32>
    %get3A_2337 = arith.constant 21 : index
    %get3A_2338 = arith.constant 0 : index
    %get3A_2339 = arith.constant 0 : index
    %get3A_2340 = vector.load %arg1[%get3A_2337, %get3A_2338, %get3A_2339] : memref<30x49x128xf32, #tpu.memory_space<vmem>>, vector<1x49x128xf32>
    %get3A_2341 = vector.shape_cast %get3A_2340 : vector<1x49x128xf32> to vector<49x128xf32>
    %sub3A_2342 = arith.subf %get3A_2341, %max3A_2200 : vector<49x128xf32>
    %exp3A_2343 = math.exp %sub3A_2342 : vector<49x128xf32>
    %add3A_2344 = arith.addf %add3A_2332, %exp3A_2343 : vector<49x128xf32>
    %eq3A_2345 = arith.constant 1.100000e+01 : f32
    %eq3A_2346 = vector.broadcast %eq3A_2345 : f32 to vector<49x128xf32>
    %eq3A_2347 = arith.cmpf oeq, %select_n3A_2021, %eq3A_2346 : vector<49x128xf32>
    %select_n3A_2348 = arith.select %eq3A_2347, %get3A_2341, %select_n3A_2336 : vector<49x128xi1>, vector<49x128xf32>
    %get3A_2349 = arith.constant 22 : index
    %get3A_2350 = arith.constant 0 : index
    %get3A_2351 = arith.constant 0 : index
    %get3A_2352 = vector.load %arg1[%get3A_2349, %get3A_2350, %get3A_2351] : memref<30x49x128xf32, #tpu.memory_space<vmem>>, vector<1x49x128xf32>
    %get3A_2353 = vector.shape_cast %get3A_2352 : vector<1x49x128xf32> to vector<49x128xf32>
    %sub3A_2354 = arith.subf %get3A_2353, %max3A_2200 : vector<49x128xf32>
    %exp3A_2355 = math.exp %sub3A_2354 : vector<49x128xf32>
    %add3A_2356 = arith.addf %add3A_2344, %exp3A_2355 : vector<49x128xf32>
    %eq3A_2357 = arith.constant 1.200000e+01 : f32
    %eq3A_2358 = vector.broadcast %eq3A_2357 : f32 to vector<49x128xf32>
    %eq3A_2359 = arith.cmpf oeq, %select_n3A_2021, %eq3A_2358 : vector<49x128xf32>
    %select_n3A_2360 = arith.select %eq3A_2359, %get3A_2353, %select_n3A_2348 : vector<49x128xi1>, vector<49x128xf32>
    %get3A_2361 = arith.constant 23 : index
    %get3A_2362 = arith.constant 0 : index
    %get3A_2363 = arith.constant 0 : index
    %get3A_2364 = vector.load %arg1[%get3A_2361, %get3A_2362, %get3A_2363] : memref<30x49x128xf32, #tpu.memory_space<vmem>>, vector<1x49x128xf32>
    %get3A_2365 = vector.shape_cast %get3A_2364 : vector<1x49x128xf32> to vector<49x128xf32>
    %sub3A_2366 = arith.subf %get3A_2365, %max3A_2200 : vector<49x128xf32>
    %exp3A_2367 = math.exp %sub3A_2366 : vector<49x128xf32>
    %add3A_2368 = arith.addf %add3A_2356, %exp3A_2367 : vector<49x128xf32>
    %eq3A_2369 = arith.constant 1.300000e+01 : f32
    %eq3A_2370 = vector.broadcast %eq3A_2369 : f32 to vector<49x128xf32>
    %eq3A_2371 = arith.cmpf oeq, %select_n3A_2021, %eq3A_2370 : vector<49x128xf32>
    %select_n3A_2372 = arith.select %eq3A_2371, %get3A_2365, %select_n3A_2360 : vector<49x128xi1>, vector<49x128xf32>
    %get3A_2373 = arith.constant 24 : index
    %get3A_2374 = arith.constant 0 : index
    %get3A_2375 = arith.constant 0 : index
    %get3A_2376 = vector.load %arg1[%get3A_2373, %get3A_2374, %get3A_2375] : memref<30x49x128xf32, #tpu.memory_space<vmem>>, vector<1x49x128xf32>
    %get3A_2377 = vector.shape_cast %get3A_2376 : vector<1x49x128xf32> to vector<49x128xf32>
    %sub3A_2378 = arith.subf %get3A_2377, %max3A_2200 : vector<49x128xf32>
    %exp3A_2379 = math.exp %sub3A_2378 : vector<49x128xf32>
    %add3A_2380 = arith.addf %add3A_2368, %exp3A_2379 : vector<49x128xf32>
    %eq3A_2381 = arith.constant 1.400000e+01 : f32
    %eq3A_2382 = vector.broadcast %eq3A_2381 : f32 to vector<49x128xf32>
    %eq3A_2383 = arith.cmpf oeq, %select_n3A_2021, %eq3A_2382 : vector<49x128xf32>
    %select_n3A_2384 = arith.select %eq3A_2383, %get3A_2377, %select_n3A_2372 : vector<49x128xi1>, vector<49x128xf32>
    %get3A_2385 = arith.constant 25 : index
    %get3A_2386 = arith.constant 0 : index
    %get3A_2387 = arith.constant 0 : index
    %get3A_2388 = vector.load %arg1[%get3A_2385, %get3A_2386, %get3A_2387] : memref<30x49x128xf32, #tpu.memory_space<vmem>>, vector<1x49x128xf32>
    %get3A_2389 = vector.shape_cast %get3A_2388 : vector<1x49x128xf32> to vector<49x128xf32>
    %sub3A_2390 = arith.subf %get3A_2389, %max3A_2200 : vector<49x128xf32>
    %exp3A_2391 = math.exp %sub3A_2390 : vector<49x128xf32>
    %add3A_2392 = arith.addf %add3A_2380, %exp3A_2391 : vector<49x128xf32>
    %eq3A_2393 = arith.constant 1.500000e+01 : f32
    %eq3A_2394 = vector.broadcast %eq3A_2393 : f32 to vector<49x128xf32>
    %eq3A_2395 = arith.cmpf oeq, %select_n3A_2021, %eq3A_2394 : vector<49x128xf32>
    %select_n3A_2396 = arith.select %eq3A_2395, %get3A_2389, %select_n3A_2384 : vector<49x128xi1>, vector<49x128xf32>
    %get3A_2397 = arith.constant 26 : index
    %get3A_2398 = arith.constant 0 : index
    %get3A_2399 = arith.constant 0 : index
    %get3A_2400 = vector.load %arg1[%get3A_2397, %get3A_2398, %get3A_2399] : memref<30x49x128xf32, #tpu.memory_space<vmem>>, vector<1x49x128xf32>
    %get3A_2401 = vector.shape_cast %get3A_2400 : vector<1x49x128xf32> to vector<49x128xf32>
    %sub3A_2402 = arith.subf %get3A_2401, %max3A_2200 : vector<49x128xf32>
    %exp3A_2403 = math.exp %sub3A_2402 : vector<49x128xf32>
    %add3A_2404 = arith.addf %add3A_2392, %exp3A_2403 : vector<49x128xf32>
    %eq3A_2405 = arith.constant 1.600000e+01 : f32
    %eq3A_2406 = vector.broadcast %eq3A_2405 : f32 to vector<49x128xf32>
    %eq3A_2407 = arith.cmpf oeq, %select_n3A_2021, %eq3A_2406 : vector<49x128xf32>
    %select_n3A_2408 = arith.select %eq3A_2407, %get3A_2401, %select_n3A_2396 : vector<49x128xi1>, vector<49x128xf32>
    %get3A_2409 = arith.constant 27 : index
    %get3A_2410 = arith.constant 0 : index
    %get3A_2411 = arith.constant 0 : index
    %get3A_2412 = vector.load %arg1[%get3A_2409, %get3A_2410, %get3A_2411] : memref<30x49x128xf32, #tpu.memory_space<vmem>>, vector<1x49x128xf32>
    %get3A_2413 = vector.shape_cast %get3A_2412 : vector<1x49x128xf32> to vector<49x128xf32>
    %sub3A_2414 = arith.subf %get3A_2413, %max3A_2200 : vector<49x128xf32>
    %exp3A_2415 = math.exp %sub3A_2414 : vector<49x128xf32>
    %add3A_2416 = arith.addf %add3A_2404, %exp3A_2415 : vector<49x128xf32>
    %eq3A_2417 = arith.constant 1.700000e+01 : f32
    %eq3A_2418 = vector.broadcast %eq3A_2417 : f32 to vector<49x128xf32>
    %eq3A_2419 = arith.cmpf oeq, %select_n3A_2021, %eq3A_2418 : vector<49x128xf32>
    %select_n3A_2420 = arith.select %eq3A_2419, %get3A_2413, %select_n3A_2408 : vector<49x128xi1>, vector<49x128xf32>
    %get3A_2421 = arith.constant 28 : index
    %get3A_2422 = arith.constant 0 : index
    %get3A_2423 = arith.constant 0 : index
    %get3A_2424 = vector.load %arg1[%get3A_2421, %get3A_2422, %get3A_2423] : memref<30x49x128xf32, #tpu.memory_space<vmem>>, vector<1x49x128xf32>
    %get3A_2425 = vector.shape_cast %get3A_2424 : vector<1x49x128xf32> to vector<49x128xf32>
    %sub3A_2426 = arith.subf %get3A_2425, %max3A_2200 : vector<49x128xf32>
    %exp3A_2427 = math.exp %sub3A_2426 : vector<49x128xf32>
    %add3A_2428 = arith.addf %add3A_2416, %exp3A_2427 : vector<49x128xf32>
    %eq3A_2429 = arith.constant 1.800000e+01 : f32
    %eq3A_2430 = vector.broadcast %eq3A_2429 : f32 to vector<49x128xf32>
    %eq3A_2431 = arith.cmpf oeq, %select_n3A_2021, %eq3A_2430 : vector<49x128xf32>
    %select_n3A_2432 = arith.select %eq3A_2431, %get3A_2425, %select_n3A_2420 : vector<49x128xi1>, vector<49x128xf32>
    %get3A_2433 = arith.constant 29 : index
    %get3A_2434 = arith.constant 0 : index
    %get3A_2435 = arith.constant 0 : index
    %get3A_2436 = vector.load %arg1[%get3A_2433, %get3A_2434, %get3A_2435] : memref<30x49x128xf32, #tpu.memory_space<vmem>>, vector<1x49x128xf32>
    %get3A_2437 = vector.shape_cast %get3A_2436 : vector<1x49x128xf32> to vector<49x128xf32>
    %sub3A_2438 = arith.subf %get3A_2437, %max3A_2200 : vector<49x128xf32>
    %exp3A_2439 = math.exp %sub3A_2438 : vector<49x128xf32>
    %add3A_2440 = arith.addf %add3A_2428, %exp3A_2439 : vector<49x128xf32>
    %eq3A_2441 = arith.constant 1.900000e+01 : f32
    %eq3A_2442 = vector.broadcast %eq3A_2441 : f32 to vector<49x128xf32>
    %eq3A_2443 = arith.cmpf oeq, %select_n3A_2021, %eq3A_2442 : vector<49x128xf32>
    %select_n3A_2444 = arith.select %eq3A_2443, %get3A_2437, %select_n3A_2432 : vector<49x128xi1>, vector<49x128xf32>
    %sub3A_2445 = arith.subf %select_n3A_2444, %max3A_2200 : vector<49x128xf32>
    %log3A = math.log %add3A_2440 : vector<49x128xf32>
    %sub3A_2446 = arith.subf %sub3A_2445, %log3A : vector<49x128xf32>
    %jit3A_2447 = arith.constant 0.000000e+00 : f32
    %broadcast_in_dim3A_2448 = vector.broadcast %jit3A_2447 : f32 to vector<49x128xf32>
    %select_n3A_2449 = arith.select %or3A_2018, %sub3A_2446, %broadcast_in_dim3A_2448 : vector<49x128xi1>, vector<49x128xf32>
    %reduce_sum3A_2450 = vector.shape_cast %select_n3A_2449 : vector<49x128xf32> to vector<1x49x128xf32>
    %reduce_sum3A_2451 = arith.constant dense<0.000000e+00> : vector<1xf32>
    %reduce_sum3A_2452 = vector.multi_reduction <add>, %reduce_sum3A_2450, %reduce_sum3A_2451 [1, 2] : vector<1x49x128xf32> to vector<1xf32>
    %reduce_sum3A_2453 = vector.shape_cast %reduce_sum3A_2452 : vector<1xf32> to vector<1x1x1xf32>
    %reduce_sum3A_2454 = vector.extract %reduce_sum3A_2453[0, 0, 0] : f32 from vector<1x1x1xf32>
    %neg3A_2455 = arith.constant 0.000000e+00 : f32
    %neg3A_2456 = arith.subf %neg3A_2455, %reduce_sum3A_2454 : f32
    %mul3A_2457 = arith.constant 5.000000e-01 : f32
    %mul3A_2458 = arith.mulf %add3A_2081, %mul3A_2457 : f32
    %mul3A_2459 = arith.constant 1.000000e+00 : f32
    %mul3A_2460 = arith.mulf %neg3A_2456, %mul3A_2459 : f32
    %add3A_2461 = arith.addf %mul3A_2458, %mul3A_2460 : f32
    %convert_element_type3A_2462 = arith.extui %gt3A_2044 : vector<1x128xi1> to vector<1x128xi32>
    %convert_element_type3A_2463 = arith.sitofp %convert_element_type3A_2462 : vector<1x128xi32> to vector<1x128xf32>
    %swap3A = arith.constant 0 : index
    %swap3A_2464 = arith.constant 0 : index
    %swap3A_2465 = vector.load %arg4[%swap3A, %swap3A_2464] : memref<1x128xf32, #tpu.memory_space<vmem>>, vector<1x128xf32>
    tpu.vector_store %arg4[%swap3A, %swap3A_2464], %convert_element_type3A_2463 {strides = array<i32>} : memref<1x128xf32, #tpu.memory_space<vmem>>, vector<1x128xf32>,
    %eq3A_2466 = arith.constant 0 : i32
    %eq3A_2467 = arith.cmpi eq, %arg0, %eq3A_2466 : i32
    %convert_element_type3A_2468 = arith.extui %eq3A_2467 : i1 to i32
    %cond3A = arith.constant 0 : i32
    %cond3A_2469 = arith.cmpi ne, %convert_element_type3A_2468, %cond3A : i32
    scf.if %cond3A_2469 {
      %swap3A_2477 = arith.constant 0.000000e+00 : f32
      %swap3A_2478 = arith.constant 0 : index
      %swap3A_2479 = arith.constant 0 : index
      %swap3A_2480 = memref.load %arg3[%swap3A_2478, %swap3A_2479] : memref<1x1xf32, #tpu.memory_space<smem>>
      memref.store %swap3A_2477, %arg3[%swap3A_2478, %swap3A_2479] : memref<1x1xf32, #tpu.memory_space<smem>>
    } else {
    }
    %get3A_2470 = arith.constant 0 : index
    %get3A_2471 = arith.constant 0 : index
    %get3A_2472 = memref.load %arg3[%get3A_2470, %get3A_2471] : memref<1x1xf32, #tpu.memory_space<smem>>
    %add3A_2473 = arith.addf %get3A_2472, %add3A_2461 : f32
    %swap3A_2474 = arith.constant 0 : index
    %swap3A_2475 = arith.constant 0 : index
    %swap3A_2476 = memref.load %arg3[%swap3A_2474, %swap3A_2475] : memref<1x1xf32, #tpu.memory_space<smem>>
    memref.store %add3A_2473, %arg3[%swap3A_2474, %swap3A_2475] : memref<1x1xf32, #tpu.memory_space<smem>>
    return
  }
  func.func @transform_0(%arg0: i32) -> (i32, i32, i32) {
    %c0_i32 = arith.constant 0 : i32
    %c0_i32_0 = arith.constant 0 : i32
    %c0_i32_1 = arith.constant 0 : i32
    return %c0_i32, %c0_i32_0, %arg0 : i32, i32, i32
  }
  func.func @transform_1(%arg0: i32) -> (i32, i32, i32) {
    %c0_i32 = arith.constant 0 : i32
    %c0_i32_0 = arith.constant 0 : i32
    %c0_i32_1 = arith.constant 0 : i32
    return %c0_i32, %c0_i32_0, %arg0 : i32, i32, i32
  }
  func.func @transform_2(%arg0: i32) -> (i32, i32) {
    %c0_i32 = arith.constant 0 : i32
    %c0_i32_0 = arith.constant 0 : i32
    %c0_i32_1 = arith.constant 0 : i32
    return %c0_i32, %c0_i32_0 : i32, i32
  }
  func.func @transform_3(%arg0: i32) -> (i32, i32) {
    %c0_i32 = arith.constant 0 : i32
    %c0_i32_0 = arith.constant 0 : i32
    return %c0_i32, %arg0 : i32, i32
  }
}

module attributes {stable_mosaic.version = 14 : i64} {
  func.func @_tc2_kernel(%arg0: i32, %arg1: memref<112x128xf32, #tpu.memory_space<vmem>>, %arg2: memref<16x5x128xf32, #tpu.memory_space<vmem>>, %arg3: memref<1x128xf32, #tpu.memory_space<vmem>>, %arg4: memref<1x1xf32, #tpu.memory_space<smem>>) attributes {dimension_semantics = [#tpu.dimension_semantics<arbitrary>], iteration_bounds = array<i64: 4>, scalar_prefetch = 0 : i64, scratch_operands = 0 : i64, tpu.core_type = #tpu.core_type<tc>, window_params = [{transform_indices = @transform_0, window_bounds = array<i64: 112, 128>}, {transform_indices = @transform_1, window_bounds = array<i64: 16, 5, 128>}, {transform_indices = @transform_2, window_bounds = array<i64: 1, 128>}, {transform_indices = @transform_3, window_bounds = array<i64: 1, 1>}]} {
    %get3A = arith.constant 0 : index
    %get3A_0 = arith.constant 0 : index
    %get3A_1 = vector.load %arg1[%get3A, %get3A_0] : memref<112x128xf32, #tpu.memory_space<vmem>>, vector<16x128xf32>
    %gt3A = arith.constant 0.000000e+00 : f32
    %gt3A_2 = vector.broadcast %gt3A : f32 to vector<16x128xf32>
    %gt3A_3 = arith.cmpf ogt, %get3A_1, %gt3A_2 : vector<16x128xf32>
    %get3A_4 = arith.constant 16 : index
    %get3A_5 = arith.constant 0 : index
    %get3A_6 = vector.load %arg1[%get3A_4, %get3A_5] : memref<112x128xf32, #tpu.memory_space<vmem>>, vector<16x128xf32>
    %get3A_7 = arith.constant 32 : index
    %get3A_8 = arith.constant 0 : index
    %get3A_9 = vector.load %arg1[%get3A_7, %get3A_8] : memref<112x128xf32, #tpu.memory_space<vmem>>, vector<16x128xf32>
    %get3A_10 = arith.constant 48 : index
    %get3A_11 = arith.constant 0 : index
    %get3A_12 = vector.load %arg1[%get3A_10, %get3A_11] : memref<112x128xf32, #tpu.memory_space<vmem>>, vector<16x128xf32>
    %get3A_13 = arith.constant 64 : index
    %get3A_14 = arith.constant 0 : index
    %get3A_15 = vector.load %arg1[%get3A_13, %get3A_14] : memref<112x128xf32, #tpu.memory_space<vmem>>, vector<16x128xf32>
    %get3A_16 = arith.constant 80 : index
    %get3A_17 = arith.constant 0 : index
    %get3A_18 = vector.load %arg1[%get3A_16, %get3A_17] : memref<112x128xf32, #tpu.memory_space<vmem>>, vector<16x128xf32>
    %get3A_19 = arith.constant 96 : index
    %get3A_20 = arith.constant 0 : index
    %get3A_21 = vector.load %arg1[%get3A_19, %get3A_20] : memref<112x128xf32, #tpu.memory_space<vmem>>, vector<16x128xf32>
    %get3A_22 = arith.constant 0 : index
    %get3A_23 = arith.constant 0 : index
    %get3A_24 = vector.load %arg3[%get3A_22, %get3A_23] : memref<1x128xf32, #tpu.memory_space<vmem>>, vector<1x128xf32>
    %gt3A_25 = arith.constant 0.000000e+00 : f32
    %gt3A_26 = vector.broadcast %gt3A_25 : f32 to vector<1x128xf32>
    %gt3A_27 = arith.cmpf ogt, %get3A_24, %gt3A_26 : vector<1x128xf32>
    %get3A_28 = arith.constant 0 : index
    %get3A_29 = arith.constant 0 : index
    %get3A_30 = arith.constant 0 : index
    %get3A_31 = vector.load %arg2[%get3A_28, %get3A_29, %get3A_30] : memref<16x5x128xf32, #tpu.memory_space<vmem>>, vector<16x1x128xf32>
    %get3A_32 = vector.shape_cast %get3A_31 : vector<16x1x128xf32> to vector<16x128xf32>
    %mul3A = arith.constant 7.000000e+00 : f32
    %mul3A_33 = vector.broadcast %mul3A : f32 to vector<16x128xf32>
    %mul3A_34 = arith.mulf %get3A_32, %mul3A_33 : vector<16x128xf32>
    %get3A_35 = arith.constant 0 : index
    %get3A_36 = arith.constant 1 : index
    %get3A_37 = arith.constant 0 : index
    %get3A_38 = vector.load %arg2[%get3A_35, %get3A_36, %get3A_37] : memref<16x5x128xf32, #tpu.memory_space<vmem>>, vector<16x1x128xf32>
    %get3A_39 = vector.shape_cast %get3A_38 : vector<16x1x128xf32> to vector<16x128xf32>
    %mul3A_40 = arith.constant 7.000000e+00 : f32
    %mul3A_41 = vector.broadcast %mul3A_40 : f32 to vector<16x128xf32>
    %mul3A_42 = arith.mulf %get3A_39, %mul3A_41 : vector<16x128xf32>
    %get3A_43 = arith.constant 0 : index
    %get3A_44 = arith.constant 2 : index
    %get3A_45 = arith.constant 0 : index
    %get3A_46 = vector.load %arg2[%get3A_43, %get3A_44, %get3A_45] : memref<16x5x128xf32, #tpu.memory_space<vmem>>, vector<16x1x128xf32>
    %get3A_47 = vector.shape_cast %get3A_46 : vector<16x1x128xf32> to vector<16x128xf32>
    %mul3A_48 = arith.constant 7.000000e+00 : f32
    %mul3A_49 = vector.broadcast %mul3A_48 : f32 to vector<16x128xf32>
    %mul3A_50 = arith.mulf %get3A_47, %mul3A_49 : vector<16x128xf32>
    %get3A_51 = arith.constant 0 : index
    %get3A_52 = arith.constant 3 : index
    %get3A_53 = arith.constant 0 : index
    %get3A_54 = vector.load %arg2[%get3A_51, %get3A_52, %get3A_53] : memref<16x5x128xf32, #tpu.memory_space<vmem>>, vector<16x1x128xf32>
    %get3A_55 = vector.shape_cast %get3A_54 : vector<16x1x128xf32> to vector<16x128xf32>
    %mul3A_56 = arith.constant 7.000000e+00 : f32
    %mul3A_57 = vector.broadcast %mul3A_56 : f32 to vector<16x128xf32>
    %mul3A_58 = arith.mulf %get3A_55, %mul3A_57 : vector<16x128xf32>
    %floor3A = math.floor %mul3A_34 : vector<16x128xf32>
    %sub3A = arith.subf %mul3A_34, %floor3A : vector<16x128xf32>
    %floor3A_59 = math.floor %mul3A_42 : vector<16x128xf32>
    %sub3A_60 = arith.subf %mul3A_42, %floor3A_59 : vector<16x128xf32>
    %div3A = arith.constant 7.000000e+00 : f32
    %div3A_61 = vector.broadcast %div3A : f32 to vector<16x128xf32>
    %div3A_62 = arith.divf %mul3A_50, %div3A_61 : vector<16x128xf32>
    %div3A_63 = arith.constant 7.000000e+00 : f32
    %div3A_64 = vector.broadcast %div3A_63 : f32 to vector<16x128xf32>
    %div3A_65 = arith.divf %mul3A_58, %div3A_64 : vector<16x128xf32>
    %ge3A = arith.constant 5.000000e-01 : f32
    %ge3A_66 = vector.broadcast %ge3A : f32 to vector<16x128xf32>
    %ge3A_67 = arith.cmpf oge, %get3A_6, %ge3A_66 : vector<16x128xf32>
    %and3A = vector.broadcast %gt3A_27 : vector<1x128xi1> to vector<16x128xi1>
    %and3A_68 = arith.andi %and3A, %ge3A_67 : vector<16x128xi1>
    %not3A = arith.constant dense<true> : vector<16x128xi1>
    %not3A_69 = arith.xori %and3A_68, %not3A : vector<16x128xi1>
    %sub3A_70 = arith.subf %get3A_9, %get3A_6 : vector<16x128xf32>
    %integer_pow3A = arith.mulf %sub3A_70, %sub3A_70 : vector<16x128xf32>
    %jit3A = arith.constant 0.000000e+00 : f32
    %broadcast_in_dim3A = vector.broadcast %jit3A : f32 to vector<16x128xf32>
    %select_n3A = arith.select %gt3A_3, %integer_pow3A, %broadcast_in_dim3A : vector<16x128xi1>, vector<16x128xf32>
    %reduce_sum3A = vector.shape_cast %select_n3A : vector<16x128xf32> to vector<1x16x128xf32>
    %reduce_sum3A_71 = arith.constant dense<0.000000e+00> : vector<1xf32>
    %reduce_sum3A_72 = vector.multi_reduction <add>, %reduce_sum3A, %reduce_sum3A_71 [1, 2] : vector<1x16x128xf32> to vector<1xf32>
    %reduce_sum3A_73 = vector.shape_cast %reduce_sum3A_72 : vector<1xf32> to vector<1x1x1xf32>
    %reduce_sum3A_74 = vector.extract %reduce_sum3A_73[0, 0, 0] : f32 from vector<1x1x1xf32>
    %and3A_75 = arith.andi %gt3A_3, %not3A_69 : vector<16x128xi1>
    %mul3A_76 = arith.mulf %get3A_9, %get3A_9 : vector<16x128xf32>
    %jit3A_77 = arith.constant 0.000000e+00 : f32
    %broadcast_in_dim3A_78 = vector.broadcast %jit3A_77 : f32 to vector<16x128xf32>
    %select_n3A_79 = arith.select %and3A_75, %mul3A_76, %broadcast_in_dim3A_78 : vector<16x128xi1>, vector<16x128xf32>
    %reduce_sum3A_80 = vector.shape_cast %select_n3A_79 : vector<16x128xf32> to vector<1x16x128xf32>
    %reduce_sum3A_81 = arith.constant dense<0.000000e+00> : vector<1xf32>
    %reduce_sum3A_82 = vector.multi_reduction <add>, %reduce_sum3A_80, %reduce_sum3A_81 [1, 2] : vector<1x16x128xf32> to vector<1xf32>
    %reduce_sum3A_83 = vector.shape_cast %reduce_sum3A_82 : vector<1xf32> to vector<1x1x1xf32>
    %reduce_sum3A_84 = vector.extract %reduce_sum3A_83[0, 0, 0] : f32 from vector<1x1x1xf32>
    %sub3A_85 = arith.subf %get3A_12, %sub3A : vector<16x128xf32>
    %integer_pow3A_86 = arith.mulf %sub3A_85, %sub3A_85 : vector<16x128xf32>
    %sub3A_87 = arith.subf %get3A_15, %sub3A_60 : vector<16x128xf32>
    %integer_pow3A_88 = arith.mulf %sub3A_87, %sub3A_87 : vector<16x128xf32>
    %add3A = arith.addf %integer_pow3A_86, %integer_pow3A_88 : vector<16x128xf32>
    %jit3A_89 = arith.constant 0.000000e+00 : f32
    %broadcast_in_dim3A_90 = vector.broadcast %jit3A_89 : f32 to vector<16x128xf32>
    %select_n3A_91 = arith.select %gt3A_3, %add3A, %broadcast_in_dim3A_90 : vector<16x128xi1>, vector<16x128xf32>
    %reduce_sum3A_92 = vector.shape_cast %select_n3A_91 : vector<16x128xf32> to vector<1x16x128xf32>
    %reduce_sum3A_93 = arith.constant dense<0.000000e+00> : vector<1xf32>
    %reduce_sum3A_94 = vector.multi_reduction <add>, %reduce_sum3A_92, %reduce_sum3A_93 [1, 2] : vector<1x16x128xf32> to vector<1xf32>
    %reduce_sum3A_95 = vector.shape_cast %reduce_sum3A_94 : vector<1xf32> to vector<1x1x1xf32>
    %reduce_sum3A_96 = vector.extract %reduce_sum3A_95[0, 0, 0] : f32 from vector<1x1x1xf32>
    %sqrt3A = math.sqrt %get3A_18 : vector<16x128xf32>
    %sqrt3A_97 = math.sqrt %div3A_62 : vector<16x128xf32>
    %sub3A_98 = arith.subf %sqrt3A, %sqrt3A_97 : vector<16x128xf32>
    %integer_pow3A_99 = arith.mulf %sub3A_98, %sub3A_98 : vector<16x128xf32>
    %sqrt3A_100 = math.sqrt %get3A_21 : vector<16x128xf32>
    %sqrt3A_101 = math.sqrt %div3A_65 : vector<16x128xf32>
    %sub3A_102 = arith.subf %sqrt3A_100, %sqrt3A_101 : vector<16x128xf32>
    %integer_pow3A_103 = arith.mulf %sub3A_102, %sub3A_102 : vector<16x128xf32>
    %add3A_104 = arith.addf %integer_pow3A_99, %integer_pow3A_103 : vector<16x128xf32>
    %jit3A_105 = arith.constant 0.000000e+00 : f32
    %broadcast_in_dim3A_106 = vector.broadcast %jit3A_105 : f32 to vector<16x128xf32>
    %select_n3A_107 = arith.select %gt3A_3, %add3A_104, %broadcast_in_dim3A_106 : vector<16x128xi1>, vector<16x128xf32>
    %reduce_sum3A_108 = vector.shape_cast %select_n3A_107 : vector<16x128xf32> to vector<1x16x128xf32>
    %reduce_sum3A_109 = arith.constant dense<0.000000e+00> : vector<1xf32>
    %reduce_sum3A_110 = vector.multi_reduction <add>, %reduce_sum3A_108, %reduce_sum3A_109 [1, 2] : vector<1x16x128xf32> to vector<1xf32>
    %reduce_sum3A_111 = vector.shape_cast %reduce_sum3A_110 : vector<1xf32> to vector<1x1x1xf32>
    %reduce_sum3A_112 = vector.extract %reduce_sum3A_111[0, 0, 0] : f32 from vector<1x1x1xf32>
    %add3A_113 = arith.addf %reduce_sum3A_96, %reduce_sum3A_112 : f32
    %mul3A_114 = arith.constant 5.000000e+00 : f32
    %mul3A_115 = arith.mulf %add3A_113, %mul3A_114 : f32
    %mul3A_116 = arith.constant 1.000000e+00 : f32
    %mul3A_117 = arith.mulf %reduce_sum3A_74, %mul3A_116 : f32
    %add3A_118 = arith.addf %mul3A_115, %mul3A_117 : f32
    %mul3A_119 = arith.constant 5.000000e-01 : f32
    %mul3A_120 = arith.mulf %reduce_sum3A_84, %mul3A_119 : f32
    %sub3A_121 = arith.subf %add3A_118, %mul3A_120 : f32
    %eq3A = arith.constant 0 : i32
    %eq3A_122 = arith.cmpi eq, %arg0, %eq3A : i32
    %convert_element_type3A = arith.extui %eq3A_122 : i1 to i32
    %cond3A = arith.constant 0 : i32
    %cond3A_123 = arith.cmpi ne, %convert_element_type3A, %cond3A : i32
    scf.if %cond3A_123 {
      %swap3A_130 = arith.constant 0.000000e+00 : f32
      %swap3A_131 = arith.constant 0 : index
      %swap3A_132 = arith.constant 0 : index
      %swap3A_133 = memref.load %arg4[%swap3A_131, %swap3A_132] : memref<1x1xf32, #tpu.memory_space<smem>>
      memref.store %swap3A_130, %arg4[%swap3A_131, %swap3A_132] : memref<1x1xf32, #tpu.memory_space<smem>>
    } else {
    }
    %get3A_124 = arith.constant 0 : index
    %get3A_125 = arith.constant 0 : index
    %get3A_126 = memref.load %arg4[%get3A_124, %get3A_125] : memref<1x1xf32, #tpu.memory_space<smem>>
    %add3A_127 = arith.addf %get3A_126, %sub3A_121 : f32
    %swap3A = arith.constant 0 : index
    %swap3A_128 = arith.constant 0 : index
    %swap3A_129 = memref.load %arg4[%swap3A, %swap3A_128] : memref<1x1xf32, #tpu.memory_space<smem>>
    memref.store %add3A_127, %arg4[%swap3A, %swap3A_128] : memref<1x1xf32, #tpu.memory_space<smem>>
    return
  }
  func.func @transform_0(%arg0: i32) -> (i32, i32) {
    %c0_i32 = arith.constant 0 : i32
    %c0_i32_0 = arith.constant 0 : i32
    return %c0_i32, %arg0 : i32, i32
  }
  func.func @transform_1(%arg0: i32) -> (i32, i32, i32) {
    %c0_i32 = arith.constant 0 : i32
    %c0_i32_0 = arith.constant 0 : i32
    %c0_i32_1 = arith.constant 0 : i32
    return %c0_i32, %c0_i32_0, %arg0 : i32, i32, i32
  }
  func.func @transform_2(%arg0: i32) -> (i32, i32) {
    %c0_i32 = arith.constant 0 : i32
    %c0_i32_0 = arith.constant 0 : i32
    return %c0_i32, %arg0 : i32, i32
  }
  func.func @transform_3(%arg0: i32) -> (i32, i32) {
    %c0_i32 = arith.constant 0 : i32
    %c0_i32_0 = arith.constant 0 : i32
    %c0_i32_1 = arith.constant 0 : i32
    return %c0_i32, %c0_i32_0 : i32, i32
  }
}

</mosaic_0001>

<sc_bundles>
// kernel: kernel.5.cloned.1.call-start
scs
__scs_entry_jumppad:
0x0: {  	(pc) =	sbr.rel $0x88, $3  }
0x1: {  	(tag) =	ssettag $0x0;
	lr =	simm.s32 $0x1  }
0x2: {  	[smem:$0x3F9F] =	sst lr;
	_ =	strace $0xD0000000  }
0x3: {  	_ = 	snop  }
0x4: {  	_ = 	snop  }
0x5: {  	_ = 	snop  }
0x6: {  	_ = 	snop  }
0x7: {  	_ = 	snop  }
__scs_overlays_trampoline_lowered:
0x8: {  	[smem:$0x3FAE] =	sst s0  }
0x9: {  	[smem:$0x3FAF] =	sst s1  }
0xa: {  	[smem:$0x3FB0] =	sst s2  }
0xb: {  	[smem:$0x3FB1] =	sst s3  }
0xc: {  	[smem:$0x3FB2] =	sst s4  }
0xd: {  	[smem:$0x3FB3] =	sst s5  }
0xe: {  	[smem:$0x3FB4] =	sst s6  }
0xf: {  	[smem:$0x3FB5] =	sst s7  }
0x10: {  	[smem:$0x3FB6] =	sst s8  }
0x11: {  	[smem:$0x3FB7] =	sst s9;
	s0 =	simm.s32 @!p0 $0x0  }
0x12: {  	s1 =	sld [smem:$0x3F9D];
	s0 =	simm.s32 @p0 $0x1  }
0x13: {  	[smem:$0x3FB8] =	sst s0;
	s0 =	simm.s32 @!p1 $0x0  }
0x14: {  	s2 =	sld [smem:$0x3F9C];
	s0 =	simm.s32 @p1 $0x1  }
0x15: {  	[smem:$0x3FB9] =	sst s0;
	s0 =	simm.s32 @!p2 $0x0  }
0x16: {  	s3 =	sld [smem:$0x3FDB];
	s0 =	simm.s32 @p2 $0x1  }
0x17: {  	s4 =	simm.s32 $0x1BF5;
	[smem:$0x3FBB] =	sst s0  }
0x18: {  	s0 =	sld [smem:$0x3F9E];
	_ =	swait.ge [sflag:s4], $0x0  }
0x19: {  	s7 =	sld [smem:$0x3F9F]  }
0x1a: {  	s8 =	sadd.s32 $0xFFFFE003, lr  }
0x1b: {  	s9 =	sadd.s32 $0xFFFFFEF7, lr;
	s5 =	simm.s32 $0xFFFFFFFF;
	p2 =	slt.u32 s8, $0xFFFFF086  }
0x1c: {  	p1 =	slt.u32 s9, $0xF7A;
	s5 =	simm.s32 @!p2 $0x0  }
0x1d: {  	s5 =	simm.s32 @p1 $0x1;
	p0 =	seq.s32 s7, s2  }
0x1e: {  	s7 =	smul.u32 @!p0 $0xF7A, s2;
	p2 =	seq.s32 @!p0 s5, $0x0  }
0x1f: {  	s9 =	smul.u32 $0xF7A, s1;
	s8 =	simm.s32 @!p0 $0x1BF5;
	p2 =	por !p2, p0  }
0x20: {  	[sflag:s8] =	ssyncset.s32 @!p0 $0xFFFFF086;
	s6 =	sadd.s32 @!p0 s3, s7;
	s7 =	simm.s32 @!p0 $0x108  }
0x21: {  	s3 =	sadd.s32 s3, s9;
	s6 =	sadd.s32 @!p0 $0x88, s6;
	s7 =	simm.s32 @p2 $0x1082  }
0x22: {  	[simem:s7], [sflag:s8] =	dma.local @!p0 [hbm:s6], $0xF7A  }
0x23: {  	s9 =	sor.u32 $0xD0000000, s2;
	s6 =	simm.s32 $0x108;
	_ =	swait.ge @!p0 [sflag:s8], $0x0  }
0x24: {  	s3 =	sadd.s32 $0x88, s3;
	s6 =	simm.s32 @!p1 $0x1082;
	[sflag:s4] =	ssyncset.s32 $0xFFFFF086  }
0x25: {  	[simem:s6], [sflag:s4] =	dma.local [hbm:s3], $0xF7A  }
0x26: {  	[smem:$0x3F9F] =	sst s1;
	(tag) =	ssettag s2;
	_ =	strace s9  }
0x27: {  	s1 =	sld [smem:$0x3FAF]  }
0x28: {  	s2 =	sld [smem:$0x3FB0]  }
0x29: {  	s4 =	sld [smem:$0x3FB2]  }
0x2a: {  	p0 =	seq.s32 s5, $0x0;
	s5 =	sld [smem:$0x3FB3]  }
0x2b: {  	s6 =	sld [smem:$0x3FB4]  }
0x2c: {  	s7 =	sld [smem:$0x3FB5]  }
0x2d: {  	s3 =	simm.s32 $0x108;
	s8 =	sld [smem:$0x3FB6]  }
0x2e: {  	s3 =	simm.s32 @!p0 $0x1082;
	s9 =	sld [smem:$0x3FB7]  }
0x2f: {  	lr =	sadd.s32 s0, s3;
	s0 =	sld [smem:$0x3FAE]  }
0x30: {  	s3 =	sld [smem:$0x3FB1]  }
0x31: {  	[smem:$0x3FBA] =	sst s10  }
0x32: {  	s10 =	sld [smem:$0x3FB8];
	_ =	sdelay $0x3  }
0x33: {  	p0 =	seq.s32 s10, $0x1;
	s10 =	sld [smem:$0x3FBA];
	_ =	sdelay $0x3  }
0x34: {  	[smem:$0x3FBA] =	sst s10  }
0x35: {  	s10 =	sld [smem:$0x3FB9];
	_ =	sdelay $0x3  }
0x36: {  	p1 =	seq.s32 s10, $0x1;
	s10 =	sld [smem:$0x3FBA];
	_ =	sdelay $0x3  }
0x37: {  	[smem:$0x3FBA] =	sst s10  }
0x38: {  	s10 =	sld [smem:$0x3FBB]  }
0x39: {  	_ = 	snop;
	(pc) =	sbr.ind lr, $3  }
0x3a: {  	_ = 	snop  }
0x3b: {  	_ = 	snop  }
0x3c: {  	p2 =	seq.s32 s10, $0x1;
	s10 =	sld [smem:$0x3FBA]  }
0x3d: {  	_ =	shalt  }
0x3e: {  	_ =	shalt  }
0x3f: {  	_ =	shalt  }
0x40: {  	_ =	shalt  }
0x41: {  	_ =	shalt  }
0x42: {  	_ =	shalt  }
0x43: {  	_ =	shalt  }
0x44: {  	_ =	shalt  }
0x45: {  	_ =	shalt  }
0x46: {  	_ =	shalt  }
0x47: {  	_ =	shalt  }
0x48: {  	_ =	shalt  }
0x49: {  	_ =	shalt  }
0x4a: {  	_ =	shalt  }
0x4b: {  	_ =	shalt  }
0x4c: {  	_ =	shalt  }
0x4d: {  	_ =	shalt  }
0x4e: {  	_ =	shalt  }
0x4f: {  	_ =	shalt  }
0x50: {  	_ =	shalt  }
0x51: {  	_ =	shalt  }
0x52: {  	_ =	shalt  }
0x53: {  	_ =	shalt  }
0x54: {  	_ =	shalt  }
0x55: {  	_ =	shalt  }
0x56: {  	_ =	shalt  }
0x57: {  	_ =	shalt  }
0x58: {  	_ =	shalt  }
0x59: {  	_ =	shalt  }
0x5a: {  	_ =	shalt  }
0x5b: {  	_ =	shalt  }
0x5c: {  	_ =	shalt  }
0x5d: {  	_ =	shalt  }
0x5e: {  	_ =	shalt  }
0x5f: {  	_ =	shalt  }
0x60: {  	_ =	shalt  }
0x61: {  	_ =	shalt  }
0x62: {  	_ =	shalt  }
0x63: {  	_ =	shalt  }
0x64: {  	_ =	shalt  }
0x65: {  	_ =	shalt  }
0x66: {  	_ =	shalt  }
0x67: {  	_ =	shalt  }
0x68: {  	_ =	shalt  }
0x69: {  	_ =	shalt  }
0x6a: {  	_ =	shalt  }
0x6b: {  	_ =	shalt  }
0x6c: {  	_ =	shalt  }
0x6d: {  	_ =	shalt  }
0x6e: {  	_ =	shalt  }
0x6f: {  	_ =	shalt  }
0x70: {  	_ =	shalt  }
0x71: {  	_ =	shalt  }
0x72: {  	_ =	shalt  }
0x73: {  	_ =	shalt  }
0x74: {  	_ =	shalt  }
0x75: {  	_ =	shalt  }
0x76: {  	_ =	shalt  }
0x77: {  	_ =	shalt  }
0x78: {  	_ =	shalt  }
0x79: {  	_ =	shalt  }
0x7a: {  	_ =	shalt  }
0x7b: {  	_ =	shalt  }
0x7c: {  	_ =	shalt  }
0x7d: {  	_ =	shalt  }
0x7e: {  	_ =	shalt  }
0x7f: {  	_ =	shalt  }
0x80: {  	_ =	shalt  }
0x81: {  	_ =	shalt  }
0x82: {  	_ =	shalt  }
0x83: {  	_ =	shalt  }
0x84: {  	_ =	shalt  }
0x85: {  	_ =	shalt  }
0x86: {  	_ =	shalt  }
0x87: {  	_ =	shalt  }
.Lfunc_end0:
.L_simem_size_0:
called_computation_lowered:
.L_overlay_start_0:
0x88: {  	s2 =	sld [smem:$0x3FD9]  }
0x89: {  	s3 =	sld [smem:$0x3FFE];
	_ =	sdelay $0x1  }
0x8a: {  	s1 =	srdreg.scid  }
0x8b: {  	s0 =	sand.u32 $0x1, s1  }
0x8c: {  	s16 =	sshll.u32 s0, $0xA;
	s2 =	sadd.s32 s3, s2  }
0x8d: {  	s2 =	sadd.s32 s2, s16  }
0x8e: {  	[smem:$0x3FC6] =	sst s2  }
0x8f: {  	_ = 	snop  }
0x90: {  	(tm) =	ssettm $0x1  }
0x91: {  	s17 =	sld [smem:$0x3FFB];
	_ =	sdelay $0x3  }
0x92: {  	_ =	strace s17  }
0x93: {  	s2 =	sld [smem:$0x3FFC];
	_ =	sdelay $0x3  }
0x94: {  	_ =	strace s2  }
0x95: {  	s2 =	sld [smem:$0x3FFD];
	_ =	sdelay $0x3  }
0x96: {  	_ =	strace s2  }
0x97: {  	_ =	strace $0x8FFFFFFF  }
0x98: {  	s18 =	sld [smem:$0x3FDB];
	_ =	sdelay $0x1  }
0x99: {  	s19 =	simm.s32 $_scs_section_size  }
0x9a: {  	s4 =	simm.s32 $_size__tile_overlayer_lowered;
	s5 =	simm.s32 $_tile_overlayer_lowered  }
0x9b: {  	s22 =	simm.s32 $0x1BFF;
	s21 =	sshll.u32 s5, $0x1;
	s2 =	sadd.s32 s19, s18  }
0x9c: {  	s6 =	simm.s32 $0x0;
	s20 =	sshll.u32 s4, $0x1;
	s4 =	sadd.s32 s21, s2  }
0x9d: {  	[timem:s6], [sflag:s22] =	dma.local [hbm:s4], s20  }
0x9e: {  	_ =	swait.ge [sflag:s22], s20  }
0x9f: {  	s3 =	ssub.s32 $0x0, s20;
	[sflag:s22] =	ssyncset.done $0x0  }
0xa0: {  	[sflag:s22] =	ssyncadd.s32 s3;
	_ =	sdelay $0x1  }
0xa1: {  	s23 =	simm.s32 $0x1B8B  }
0xa2: {  	_ =	swait.ge [sflag:s23], $0x1  }
0xa3: {  	[sflag:s23] =	ssyncset.done $0x0  }
0xa4: {  	s25 =	simm.s32 $0x1B8E;
	s24 =	sld [smem:$0x3FFE];
	[sflag:s23] =	ssyncadd.s32 $0xFFFFFFFF  }
0xa5: {  	s26 =	simm.s32 $execute0_lowered;
	[smem:$0x3FD2] =	sst s25  }
0xa6: {  	s4 =	sshll.u32 s26, $0x1;
	_ =	strace $0x80000046;
	[dreg:$0x1] =	wrdreg $0xFFFFFFFF  }
0xa7: {  	s28 =	simm.s32 $_size_execute0_lowered;
	s2 =	sadd.s32 s2, s4;
	[dreg:$0x0] =	wrdreg $0x0  }
0xa8: {  	s4 =	sshll.u32 s28, $0x1;
	[dreg:$0x2] =	wrdreg s2  }
0xa9: {  	[dreg:$0x3] =	wrdreg s4  }
0xaa: {  	[dreg:$0x4] =	wrdreg $0xC0  }
0xab: {  	_ =	task [dreg:s6], $0x5FFFF  }
0xac: {  	[dreg:$0x1] =	wrdreg $0xFFFFFFFF  }
0xad: {  	[dreg:$0x0] =	wrdreg $0x60  }
0xae: {  	[dreg:$0x2] =	wrdreg s24  }
0xaf: {  	[dreg:$0x3] =	wrdreg $0x9  }
0xb0: {  	_ =	task.clear_ibuf [dreg:s6], $0x4FFFF;
	_ =	strace $0x90000046  }
0xb1: {  	s29 =	simm.s32 $0x9;
	_ =	strace $0x80000048  }
0xb2: {  	_ =	swait.ge [sflag:s29], $0x1  }
0xb3: {  	[sflag:s29] =	ssyncadd.s32 $0xFFFFFFFF  }
0xb4: {  	_ =	strace $0x90000048  }
0xb5: {  	_ =	sfence  }
0xb6: {  	s30 =	sld [smem:$0x0];
	_ =	sdelay $0x2  }
0xb7: {  	s31 =	sshll.u32 s1, $0xD;
	s1 =	sshrl.u32 s1, $0x2  }
0xb8: {  	s3 =	sand.u32 $0x4000, s31;
	s1 =	sadd.s32 s1, s30  }
0xb9: {  	s0 =	sor.u32 s3, s0;
	s1 =	sshll.u32 s1, $0x11  }
0xba: {  	s0 =	sor.u32 s1, s0  }
0xbb: {  	s0 =	sadd.s32 $0x8F2B, s0  }
0xbc: {  	[sflag:s0] =	ssyncadd.remote.s32 $0x1  }
0xbd: {  	_ =	sfence.sel $0xFFFF  }
0xbe: {  	[dreg:$0x0] =	wrdreg $0xFFFFFFFF;
	(pc) =	sbr.abs _section_cstart, $3  }
0xbf: {  	[dreg:$0x1] =	wrdreg $0xFFFFFFFF  }
0xc0: {  	_ =	task.clear_ibuf [dreg:s6], $0x2FFFF;
	_ =	strace $0x9FFFFFFF  }
0xc1: {  	(tm) =	ssettm $0x7FFFFFFF  }
tec
execute0_lowered:
.L_overlay_start_1:
0x0: {  	(tag) =	ssettag $0x1  }
0x1: {  	v0 =	vimm.f32 $1.500000000e+01;
	vm1 =	vcmask $0x300  }
0x2: {  	vm0 =	vcmask $0x704;
	v0 =	vsel vm1, $0x0, v0  }
0x3: {  	v0 =	vsel vm0, $0x3F800000, v0;
	vm0 =	vcmask $0xB08  }
0x4: {  	v0 =	vsel vm0, $0x40000000, v0;
	vm0 =	vcmask $0xF0C  }
0x5: {  	v0 =	vsel vm0, $0x40400000, v0;
	vm0 =	vcmask $0x1310  }
0x6: {  	v0 =	vsel vm0, $0x40800000, v0;
	vm0 =	vcmask $0x1714  }
0x7: {  	v0 =	vsel vm0, $0x40A00000, v0;
	vm0 =	vcmask $0x1B18  }
0x8: {  	v0 =	vsel vm0, $0x40C00000, v0;
	vm0 =	vcmask $0x1F1C  }
0x9: {  	v0 =	vsel vm0, $0x40E00000, v0;
	vm0 =	vcmask $0x2320  }
0xa: {  	v0 =	vsel vm0, $0x41000000, v0;
	vm0 =	vcmask $0x2724  }
0xb: {  	v0 =	vsel vm0, $0x41100000, v0;
	vm0 =	vcmask $0x2B28  }
0xc: {  	v0 =	vsel vm0, $0x41200000, v0;
	vm0 =	vcmask $0x2F2C  }
0xd: {  	v0 =	vsel vm0, $0x41300000, v0;
	vm0 =	vcmask $0x3330  }
0xe: {  	v0 =	vsel vm0, $0x41400000, v0;
	vm0 =	vcmask $0x3734  }
0xf: {  	vm2 =	vcmask $0x3B38;
	v1 =	vsel vm0, $0x41500000, v0  }
0x10: {  	s4 =	rddreg [dreg:$0x0];
	v15 =	vimm.s32 $0x0;
	v0 =	vimm.f32 $0.0e+00;
	v1 =	vsel vm2, $0x41600000, v1  }
0x11: {  	s0 =	rddreg [dreg:$0x1];
	v2 =	vsel vm1, $0x3F800000, v0;
	vm1 =	vcmask $0x700;
	vm2 =	vcmask $0xB00  }
0x12: {  	s3 =	srdreg.scid;
	s1 =	stileid.u32;
	v3 =	vsel vm1, $0x3F800000, v0;
	v4 =	vsel vm2, $0x3F800000, v0;
	vm1 =	vcmask $0xF00  }
0x13: {  	s2 =	simm.s32 $0x0;
	s5 =	sand.u32 $0x1, s3;
	s30 =	sshll.u32 s1, $0x1;
	vm2 =	vcmask $0x1700;
	v5 =	vsel vm1, $0x3F800000, v0;
	vm1 =	vcmask $0x1300  }
0x14: {  	s11 =	simm.s32 $0x0;
	s9 =	smul.u32 $0xB7C0, s1;
	s6 =	sor.u32 s5, s30;
	v7 =	vsel vm2, $0x3F800000, v0;
	v6 =	vsel vm1, $0x3F800000, v0;
	vm1 =	vcmask $0x1B00  }
0x15: {  	[smem:$0x7FF] =	sst s2;
	s3 =	sadd.s32 $0x1E0A00, s4;
	s7 =	smul.u32 $0xA0, s6;
	vm2 =	vcmask $0x2300;
	v8 =	vsel vm1, $0x3F800000, v0;
	vm1 =	vcmask $0x1F00  }
0x16: {  	_ =	strace $0x80000047;
	s8 =	ssub.s32 $0x2, s5;
	s6 =	smul.u32 $0xE0, s6;
	v10 =	vsel vm2, $0x3F800000, v0;
	v9 =	vsel vm1, $0x3F800000, v0;
	vm1 =	vcmask $0x2700  }
0x17: {  	s10 =	smul.u32 $0x5BE0, s5;
	s31 =	sshrl.u32 s8, $0x1;
	s7 =	sadd.s32 s7, s4;
	vm2 =	vcmask $0x2F00;
	v11 =	vsel vm1, $0x3F800000, v0;
	vm1 =	vcmask $0x2B00  }
0x18: {  	s8 =	ssub.s32 s8, s31;
	s6 =	sadd.s32 s6, s4;
	s4 =	sadd.s32 $0xA00, s7;
	v13 =	vsel vm2, $0x3F800000, v0;
	v12 =	vsel vm1, $0x3F800000, v0;
	vm1 =	vcmask $0x3300  }
0x19: {  	s5 =	sadd.s32 $0x1E00, s6;
	s6 =	smax.u32 s8, $0x1;
	s7 =	sadd.s32 s10, s9;
	vm2 =	vcmask $0x3B00;
	v14 =	vsel vm1, $0x3F800000, v0;
	vm1 =	vcmask $0x3700  }
0x1a: {  	s8 =	simm.s32 $0x2;
	s9 =	simm.s32 $0x1;
	s10 =	simm.s32 $0xF00;
	vm0 =	vmmov $0xffff;
	v17 =	vsel vm2, $0x3F800000, v0;
	v16 =	vsel vm1, $0x3F800000, v0  }
.LBB2_1:
0x1b: {  	[tilespmem:s2], [sflag:$0x2] =	stream.linear.gather [hbm4b:s4+s2], $0x500, $0x38;
	[tilespmem:$0x1600] =	vst v63  }
0x1c: {  	_ =	swait.ge [sflag:s8], $0x500  }
0x1d: {  	[sflag:s8] =	ssyncset.done $0x0  }
0x1e: {  	s12 =	simm.s32 $0x10;
	[sflag:s8] =	ssyncadd.s32 $0xFFFFFB00  }
0x1f: {  	v18 =	vld [tilespmem:s12+$0x0]  }
0x20: {  	v19 =	vld [tilespmem:s12+$0xFFFFFFF0];
	_ =	sdelay $0x3  }
0x21: {  	v18 =	vmul.f32 $7.000000000e+00, v18  }
0x22: {  	v19 =	vmul.f32 $7.000000000e+00, v19  }
0x23: {  	v18 =	vtrunc.f32 v18  }
0x24: {  	v19 =	vtrunc.f32 v19;
	v18 =	vcvt.f32.s32 v18  }
0x25: {  	v19 =	vcvt.f32.s32 v19  }
0x26: {  	v18 =	vmul.u32 $0x7, v18  }
0x27: {  	v19 =	vadd.s32 s7, v19  }
0x28: {  	v18 =	vadd.s32 v18, v19;
	_ =	sdelay $0x1  }
0x29: {  	v19 =	vadd.s32 $0x31, v18;
	_ =	sdelay $0x1  }
0x2a: {  	s22 =	simm.s32 $0x500;
	v20 =	vadd.s32 $0x62, v18  }
0x2b: {  	[tilespmem:s22], [sflag:$0x1] =	stream.indirect_vreg.gather [hbm4b:s3+s2], $0x1, v18, vm0, $0xb8;
	[tilespmem:$0x1600] =	vst v63  }
0x2c: {  	s23 =	simm.s32 $0x510;
	v21 =	vadd.s32 $0x93, v18  }
0x2d: {  	[tilespmem:s23], [sflag:$0x1] =	stream.indirect_vreg.gather [hbm4b:s3+s2], $0x1, v19, vm0, $0xb8;
	[tilespmem:$0x1600] =	vst v63  }
0x2e: {  	s24 =	simm.s32 $0x520;
	v19 =	vadd.s32 $0xC4, v18  }
0x2f: {  	[tilespmem:s24], [sflag:$0x1] =	stream.indirect_vreg.gather [hbm4b:s3+s2], $0x1, v20, vm0, $0xb8;
	[tilespmem:$0x1600] =	vst v63  }
0x30: {  	s25 =	simm.s32 $0x530;
	v20 =	vadd.s32 $0xF5, v18  }
0x31: {  	[tilespmem:s25], [sflag:$0x1] =	stream.indirect_vreg.gather [hbm4b:s3+s2], $0x1, v21, vm0, $0xb8;
	[tilespmem:$0x1600] =	vst v63  }
0x32: {  	s26 =	simm.s32 $0x540;
	v63 =	vadd.s32 $0x126, v18  }
0x33: {  	[tilespmem:s26], [sflag:$0x1] =	stream.indirect_vreg.gather [hbm4b:s3+s2], $0x1, v19, vm0, $0xb8;
	[tilespmem:$0x1600] =	vst v63  }
0x34: {  	s28 =	simm.s32 $0x550;
	v19 =	vadd.s32 $0x157, v18  }
0x35: {  	[tilespmem:s28], [sflag:$0x1] =	stream.indirect_vreg.gather [hbm4b:s3+s2], $0x1, v20, vm0, $0xb8;
	[tilespmem:$0x1600] =	vst v63  }
0x36: {  	s29 =	simm.s32 $0x560;
	v20 =	vadd.s32 $0x188, v18  }
0x37: {  	v18 =	vadd.s32 $0x1B9, v18;
	[tilespmem:s29], [sflag:$0x1] =	stream.indirect_vreg.gather [hbm4b:s3+s2], $0x1, v63, vm0, $0xb8;
	[tilespmem:$0x1600] =	vst v63  }
0x38: {  	s30 =	simm.s32 $0x570;
	s31 =	simm.s32 $0x580;
	s15 =	simm.s32 $0x590  }
0x39: {  	[tilespmem:s30], [sflag:$0x1] =	stream.indirect_vreg.gather [hbm4b:s3+s2], $0x1, v19, vm0, $0xb8;
	[tilespmem:$0x1600] =	vst v63  }
0x3a: {  	s13 =	sadd.s32 $0x5BE, s7;
	s14 =	simm.s32 $0x60;
	s12 =	simm.s32 $0x280  }
0x3b: {  	[tilespmem:s31], [sflag:$0x1] =	stream.indirect_vreg.gather [hbm4b:s3+s2], $0x1, v20, vm0, $0xb8;
	[tilespmem:$0x1600] =	vst v63  }
.LBB2_2:
0x3c: {  	[tilespmem:s15], [sflag:$0x1] =	stream.indirect_vreg.gather [hbm4b:s3+s2], $0x1, v18, vm0, $0xb8;
	[tilespmem:$0x1600] =	vst v63  }
0x3d: {  	p0 =	sne.s32 s12, $0x2580;
	s15 =	smov.u32 s12;
	s12 =	sadd.s32 $0x280, s12;
	v18 =	vld [tilespmem:s14+$0x0]  }
0x3e: {  	v19 =	vld [tilespmem:s14+$0xFFFFFFF0];
	_ =	sdelay $0x3  }
0x3f: {  	v18 =	vmul.f32 $7.000000000e+00, v18  }
0x40: {  	v19 =	vmul.f32 $7.000000000e+00, v19  }
0x41: {  	v18 =	vtrunc.f32 v18  }
0x42: {  	v18 =	vcvt.f32.s32 v18;
	v19 =	vtrunc.f32 v19  }
0x43: {  	v19 =	vcvt.f32.s32 v19  }
0x44: {  	v18 =	vmul.u32 $0x7, v18  }
0x45: {  	v19 =	vadd.s32 s13, v19  }
0x46: {  	v18 =	vadd.s32 v18, v19;
	_ =	sdelay $0x1  }
0x47: {  	v19 =	vadd.s32 $0x31, v18  }
0x48: {  	s15 =	sshra.s32 s15, $0x2  }
0x49: {  	s16 =	sadd.s32 $0x500, s15;
	v20 =	vadd.s32 $0x62, v18  }
0x4a: {  	[tilespmem:s16], [sflag:$0x1] =	stream.indirect_vreg.gather [hbm4b:s3+s2], $0x1, v18, vm0, $0xb8;
	[tilespmem:$0x1600] =	vst v63  }
0x4b: {  	v21 =	vadd.s32 $0x93, v18;
	s16 =	sadd.s32 $0x510, s15  }
0x4c: {  	[tilespmem:s16], [sflag:$0x1] =	stream.indirect_vreg.gather [hbm4b:s3+s2], $0x1, v19, vm0, $0xb8;
	[tilespmem:$0x1600] =	vst v63  }
0x4d: {  	s16 =	sadd.s32 $0x520, s15;
	v19 =	vadd.s32 $0xC4, v18  }
0x4e: {  	[tilespmem:s16], [sflag:$0x1] =	stream.indirect_vreg.gather [hbm4b:s3+s2], $0x1, v20, vm0, $0xb8;
	[tilespmem:$0x1600] =	vst v63  }
0x4f: {  	s16 =	sadd.s32 $0x530, s15;
	v20 =	vadd.s32 $0xF5, v18  }
0x50: {  	[tilespmem:s16], [sflag:$0x1] =	stream.indirect_vreg.gather [hbm4b:s3+s2], $0x1, v21, vm0, $0xb8;
	[tilespmem:$0x1600] =	vst v63  }
0x51: {  	s16 =	sadd.s32 $0x540, s15;
	v21 =	vadd.s32 $0x126, v18  }
0x52: {  	[tilespmem:s16], [sflag:$0x1] =	stream.indirect_vreg.gather [hbm4b:s3+s2], $0x1, v19, vm0, $0xb8;
	[tilespmem:$0x1600] =	vst v63  }
0x53: {  	s16 =	sadd.s32 $0x550, s15;
	v19 =	vadd.s32 $0x157, v18  }
0x54: {  	[tilespmem:s16], [sflag:$0x1] =	stream.indirect_vreg.gather [hbm4b:s3+s2], $0x1, v20, vm0, $0xb8;
	[tilespmem:$0x1600] =	vst v63  }
0x55: {  	s16 =	sadd.s32 $0x560, s15;
	v20 =	vadd.s32 $0x188, v18  }
0x56: {  	[tilespmem:s16], [sflag:$0x1] =	stream.indirect_vreg.gather [hbm4b:s3+s2], $0x1, v21, vm0, $0xb8;
	[tilespmem:$0x1600] =	vst v63  }
.Ltmp0:
0x57: {  	v18 =	vadd.s32 $0x1B9, v18;
	s16 =	sadd.s32 $0x570, s15;
	(pc) =	sbr.rel @p0 .LBB2_2-.Ltmp0, $4  }
0x58: {  	[tilespmem:s16], [sflag:$0x1] =	stream.indirect_vreg.gather [hbm4b:s3+s2], $0x1, v19, vm0, $0xb8;
	[tilespmem:$0x1600] =	vst v63  }
0x59: {  	s16 =	sadd.s32 $0x580, s15  }
0x5a: {  	[tilespmem:s16], [sflag:$0x1] =	stream.indirect_vreg.gather [hbm4b:s3+s2], $0x1, v20, vm0, $0xb8;
	[tilespmem:$0x1600] =	vst v63  }
0x5b: {  	s14 =	sadd.s32 $0x50, s14;
	s13 =	sadd.s32 $0x5BE, s13;
	s15 =	sadd.s32 $0x590, s15  }
0x5c: {  	_ =	sdelay $0x3  }
0x5d: {  	[tilespmem:s15], [sflag:$0x1] =	stream.indirect_vreg.gather [hbm4b:s3+s2], $0x1, v18, vm0, $0xb8;
	[tilespmem:$0x1600] =	vst v63  }
0x5e: {  	_ =	swait.ge [sflag:s9], $0xA00  }
0x5f: {  	s12 =	simm.s32 $0x0;
	s13 =	simm.s32 $0xF30;
	[sflag:s9] =	ssyncset.done $0x0  }
0x60: {  	s14 =	simm.s32 $0x20;
	s15 =	simm.s32 $0x550;
	[sflag:s9] =	ssyncadd.s32 $0xFFFFF600  }
.LBB2_4:
0x61: {  	v18 =	vld [tilespmem:s15+$0xFFFFFFB0];
	_ =	sdelay $0x4  }
0x62: {  	v18 =	vsub.f32 $0.0e+00, v18;
	_ =	sdelay $0x1  }
0x63: {  	v18 =	vmul.f32 $1.442695020e+00, v18;
	_ =	sdelay $0x1  }
0x64: {  	(erf) = vpow2.f32 v18;
	_ =	sdelay $0x3  }
0x65: {  	v18 =	vld [tilespmem:s15+$0xFFFFFFC0];
	_ =	sdelay $0x4  }
0x66: {  	v18 =	vsub.f32 $0.0e+00, v18;
	v19 =	vpop (erf)  }
0x67: {  	v19 =	vadd.f32 $1.000000000e+00, v19  }
0x68: {  	v18 =	vmul.f32 $1.442695020e+00, v18  }
0x69: {  	(erf) = vrcp.f32 v19  }
0x6a: {  	(erf) = vpow2.f32 v18;
	_ =	sdelay $0x3  }
0x6b: {  	v19 =	vld [tilespmem:s15+$0xFFFFFFD0];
	_ =	sdelay $0x3  }
0x6c: {  	v18 =	vpop (erf)  }
0x6d: {  	v19 =	vsub.f32 $0.0e+00, v19;
	v20 =	vpop (erf)  }
0x6e: {  	v20 =	vadd.f32 $1.000000000e+00, v20  }
0x6f: {  	v19 =	vmul.f32 $1.442695020e+00, v19  }
0x70: {  	(erf) = vrcp.f32 v20  }
0x71: {  	(erf) = vpow2.f32 v19;
	_ =	sdelay $0x3  }
0x72: {  	v41 =	vld [tilespmem:s15+$0xFFFFFFE0];
	_ =	sdelay $0x3  }
0x73: {  	v19 =	vpop (erf)  }
0x74: {  	v20 =	vsub.f32 $0.0e+00, v41;
	v21 =	vpop (erf)  }
0x75: {  	v21 =	vadd.f32 $1.000000000e+00, v21  }
0x76: {  	v20 =	vmul.f32 $1.442695020e+00, v20  }
0x77: {  	(erf) = vrcp.f32 v21  }
0x78: {  	(erf) = vpow2.f32 v20;
	_ =	sdelay $0x3  }
0x79: {  	v42 =	vld [tilespmem:s15+$0xFFFFFFF0];
	_ =	sdelay $0x3  }
0x7a: {  	v20 =	vpop (erf)  }
0x7b: {  	v21 =	vsub.f32 $0.0e+00, v42;
	v22 =	vpop (erf)  }
0x7c: {  	v22 =	vadd.f32 $1.000000000e+00, v22  }
0x7d: {  	v21 =	vmul.f32 $1.442695020e+00, v21  }
0x7e: {  	(erf) = vrcp.f32 v22  }
0x7f: {  	(erf) = vpow2.f32 v21;
	_ =	sdelay $0x3  }
0x80: {  	v43 =	vld [tilespmem:s15+$0x0];
	_ =	sdelay $0x3  }
0x81: {  	v21 =	vpop (erf)  }
0x82: {  	v22 =	vsub.f32 $0.0e+00, v43;
	v23 =	vpop (erf)  }
0x83: {  	v23 =	vadd.f32 $1.000000000e+00, v23  }
0x84: {  	v22 =	vmul.f32 $1.442695020e+00, v22  }
0x85: {  	(erf) = vrcp.f32 v23  }
0x86: {  	(erf) = vpow2.f32 v22;
	_ =	sdelay $0x3  }
0x87: {  	v44 =	vld [tilespmem:s15+$0x10];
	_ =	sdelay $0x3  }
0x88: {  	v22 =	vpop (erf)  }
0x89: {  	v23 =	vsub.f32 $0.0e+00, v44;
	v24 =	vpop (erf)  }
0x8a: {  	v24 =	vadd.f32 $1.000000000e+00, v24  }
0x8b: {  	v23 =	vmul.f32 $1.442695020e+00, v23  }
0x8c: {  	(erf) = vrcp.f32 v24  }
0x8d: {  	(erf) = vpow2.f32 v23;
	_ =	sdelay $0x3  }
0x8e: {  	v45 =	vld [tilespmem:s15+$0x20];
	_ =	sdelay $0x3  }
0x8f: {  	v23 =	vpop (erf)  }
0x90: {  	v24 =	vsub.f32 $0.0e+00, v45;
	v25 =	vpop (erf)  }
0x91: {  	v25 =	vadd.f32 $1.000000000e+00, v25  }
0x92: {  	v24 =	vmul.f32 $1.442695020e+00, v24  }
0x93: {  	(erf) = vrcp.f32 v25  }
0x94: {  	(erf) = vpow2.f32 v24  }
0x95: {  	v47 =	vld [tilespmem:s14+$0xFFFFFFE0]  }
0x96: {  	v48 =	vld [tilespmem:s14+$0xFFFFFFF0]  }
0x97: {  	s16 =	sand.u32 $0xFE0, s12;
	v27 =	vld [tilespmem:s14+$0x0]  }
0x98: {  	v46 =	vld [tilespmem:s16+$0x580]  }
0x99: {  	v28 =	vld [tilespmem:s14+$0x10];
	_ =	sdelay $0x1  }
0x9a: {  	v29 =	vld [tilespmem:s15+$0x40]  }
0x9b: {  	v24 =	vpop (erf)  }
0x9c: {  	v30 =	vmul.f32 $7.000000000e+00, v47;
	v32 =	vmul.f32 $7.000000000e+00, v48;
	v25 =	vsub.f32 $0.0e+00, v46;
	v26 =	vpop (erf)  }
0x9d: {  	v33 =	vmul.f32 $7.000000000e+00, v27;
	v51 =	vmul.f32 $7.000000000e+00, v28;
	v26 =	vadd.f32 $1.000000000e+00, v26  }
0x9e: {  	v31 =	vtrunc.f32 v30;
	v25 =	vmul.f32 $1.442695020e+00, v25  }
0x9f: {  	v29 =	vsub.f32 $0.0e+00, v29;
	v49 =	vtrunc.f32 v32;
	(erf) = vrcp.f32 v26  }
0xa0: {  	v38 =	vcvt.f32.s32 v31;
	(erf) = vpow2.f32 v25  }
0xa1: {  	v52 =	vmul.f32 $1.442695020e+00, v29;
	v53 =	vmul.f32 $5.000000000e-01, v33  }
0xa2: {  	v36 =	vcvt.s32.f32 v38;
	v40 =	vmul.f32 $7.000000000e+00, v20  }
0xa3: {  	v54 =	vmul.f32 $5.000000000e-01, v51;
	v39 =	vcvt.f32.s32 v49;
	v29 =	vsub.f32 v30, v53  }
0xa4: {  	v30 =	vadd.f32 v53, v30;
	v55 =	vadd.f32 v36, v18;
	v42 =	vmul.f32 $5.000000000e-01, v40  }
0xa5: {  	v31 =	vsub.f32 v32, v54;
	v37 =	vcvt.s32.f32 v39;
	v41 =	vmul.f32 $7.000000000e+00, v21  }
0xa6: {  	v32 =	vadd.f32 v54, v32;
	v44 =	vsub.f32 v55, v42  }
0xa7: {  	v56 =	vadd.f32 v37, v19;
	v43 =	vmul.f32 $5.000000000e-01, v41;
	v26 =	vadd.f32 v48, v47  }
0xa8: {  	v40 =	vmul.f32 v41, v40;
	v42 =	vadd.f32 v42, v55;
	v57 =	vmax.f32 v44, v29;
	v25 =	vpop (erf)  }
0xa9: {  	v36 =	vadd.f32 v36, v22;
	v59 =	vmul.f32 $7.000000000e+00, v24;
	v26 =	vadd.f32 v27, v26;
	v35 =	vpop (erf)  }
0xaa: {  	v58 =	vmin.f32 v42, v30;
	v37 =	vadd.f32 v37, v23;
	v50 =	vadd.f32 $1.000000000e+00, v35  }
0xab: {  	v49 =	vmul.f32 $5.000000000e-01, v59;
	v48 =	vsub.f32 v58, v57;
	v26 =	vadd.f32 v28, v26  }
0xac: {  	v28 =	vmul.f32 v51, v33;
	v33 =	vsub.f32 v56, v43;
	(erf) = vrcp.f32 v50  }
0xad: {  	v34 =	vld [tilespmem:s14+$0x20];
	v43 =	vadd.f32 v43, v56;
	v47 =	vmul.f32 $7.000000000e+00, v25;
	(erf) = vpow2.f32 v52  }
0xae: {  	vm1 =	vlt.f32 v57, v58;
	v41 =	vsub.f32 v36, v49;
	v36 =	vadd.f32 v49, v36  }
0xaf: {  	v45 =	vmax.f32 v33, v31;
	v46 =	vmin.f32 v43, v32;
	v51 =	vmul.f32 $5.000000000e-01, v47  }
0xb0: {  	v61 =	vmax.f32 v41, v29;
	v62 =	vmin.f32 v36, v30;
	v50 =	vsub.f32 v46, v45  }
0xb1: {  	vm2 =	vlt.f32 v45, v46;
	v49 =	vsub.f32 v37, v51;
	v37 =	vadd.f32 v51, v37  }
0xb2: {  	v58 =	vsub.f32 v62, v61;
	v34 =	vadd.f32 v34, v26;
	vm1 =	vmand vm1, vm2  }
0xb3: {  	v60 =	vmul.f32 v50, v48;
	v63 =	vmax.f32 v49, v31;
	v56 =	vmin.f32 v37, v32  }
0xb4: {  	vm2 =	vlt.f32 v61, v62;
	v47 =	vmul.f32 v47, v59;
	v52 =	vsub.f32 v56, v63  }
0xb5: {  	v59 =	vadd.f32 v40, v28;
	vm3 =	vlt.f32 v63, v56;
	v60 =	vnsel vm1, $0x0, v60;
	v26 =	vpop (erf)  }
0xb6: {  	vm1 =	vmand vm2, vm3;
	vm2 =	vgt.f32 v34, $0.0e+00;
	v35 =	vmul.f32 v52, v58;
	v57 =	vpop (erf)  }
0xb7: {  	v61 =	vadd.f32 v47, v28;
	v45 =	vsel vm2, $0x3F800000, v0;
	v51 =	vadd.f32 $1.000000000e+00, v57  }
0xb8: {  	v62 =	vsub.f32 v59, v60;
	(v2sf) =	vpush v45, $0x0;
	v35 =	vnsel vm1, $0x0, v35  }
0xb9: {  	(v2sf) =	vpush v45, $0x1;
	v27 =	vsub.f32 v61, v35;
	(erf) = vrcp.f32 v51  }
0xba: {  	(v2sf) =	vpush v45, $0x2;
	(erf) = vrcp.f32 v62  }
0xbb: {  	(v2sf) =	vpush v45, $0x3;
	(erf) = vrcp.f32 v27  }
0xbc: {  	(v2sf) =	vpush v45, $0x4  }
0xbd: {  	(v2sf) =	vpush v45, $0x5  }
0xbe: {  	(v2sf) =	vpush v45, $0x6  }
0xbf: {  	(v2sf) =	vpush v45, $0x7  }
0xc0: {  	v39 =	vmul.u32 $0x7, v39;
	(v2sf) =	vpush v45, $0x8  }
0xc1: {  	v53 =	vbroadcast v31, $0x0;
	(v2sf) =	vpush v45, $0x9  }
0xc2: {  	v54 =	vbroadcast v32, $0x0;
	v38 =	vadd.s32 v38, v39;
	(v2sf) =	vpush v45, $0xA;
	v27 =	vpop (erf)  }
0xc3: {  	v38 =	vshll.u32 v38, $0x1;
	v59 =	vbroadcast v29, $0x1;
	(v2sf) =	vpush v45, $0xB;
	v34 =	vpop (erf)  }
0xc4: {  	v52 =	vbroadcast v30, $0x0;
	v58 =	vbroadcast v28, $0x0;
	(v2sf) =	vpush v45, $0xC;
	v63 =	vpop (erf)  }
0xc5: {  	(v2sf) =	vpush v45, $0xD;
	v34 =	vmul.f32 v34, v60;
	v35 =	vmul.f32 v63, v35  }
0xc6: {  	v61 =	vbroadcast v31, $0x1;
	v51 =	vbroadcast v29, $0x0;
	(v2sf) =	vpush v45, $0xE  }
0xc7: {  	v62 =	vbroadcast v32, $0x1;
	s30 =	spop (v2sf);
	(v2sf) =	vpush v45, $0xF;
	vm1 =	vgt.f32 v35, v34  }
0xc8: {  	v60 =	vbroadcast v30, $0x1;
	v34 =	vsel vm1, v41, v44;
	v35 =	vsel vm1, v36, v42  }
0xc9: {  	v36 =	vsel vm1, v49, v33;
	v37 =	vsel vm1, v37, v43;
	v33 =	vsel vm1, v47, v40  }
0xca: {  	v26 =	vsel vm1, v27, v26;
	v18 =	vsel vm1, v22, v18;
	v55 =	vmax.f32 v34, v51  }
0xcb: {  	v56 =	vmin.f32 v35, v52;
	v57 =	vmax.f32 v36, v53;
	v43 =	vmin.f32 v37, v54  }
0xcc: {  	v41 =	vadd.f32 v33, v58;
	v63 =	vmax.f32 v34, v59;
	v52 =	vmin.f32 v35, v60  }
0xcd: {  	v42 =	vmax.f32 v36, v61;
	v58 =	vbroadcast v32, $0x2;
	v61 =	vbroadcast v28, $0x1  }
0xce: {  	vm2 =	vlt.f32 v55, v56;
	v40 =	vsub.f32 v56, v55;
	v44 =	vsub.f32 v43, v57  }
0xcf: {  	vm3 =	vlt.f32 v57, v43;
	v43 =	vmin.f32 v37, v62;
	v55 =	vbroadcast v29, $0x2  }
0xd0: {  	v47 =	vsub.f32 v52, v63;
	v56 =	vbroadcast v30, $0x2;
	v57 =	vbroadcast v31, $0x2  }
0xd1: {  	vm2 =	vmand vm2, vm3;
	v53 =	vsub.f32 v43, v42;
	vm3 =	vlt.f32 v42, v43  }
0xd2: {  	v60 =	vmin.f32 v37, v58;
	v58 =	vbroadcast v32, $0x3;
	v40 =	vmul.f32 v44, v40  }
0xd3: {  	s17 =	spop (v2sf);
	v42 =	vmax.f32 v34, v55;
	v43 =	vmin.f32 v35, v56;
	v55 =	vbroadcast v29, $0x3  }
0xd4: {  	s16 =	sadd.f32 s17, s30;
	v59 =	vmax.f32 v36, v57;
	v56 =	vbroadcast v30, $0x3;
	v57 =	vbroadcast v31, $0x3  }
0xd5: {  	s31 =	spop (v2sf);
	v54 =	vmul.f32 v53, v47;
	v62 =	vsub.f32 v43, v42;
	v53 =	vadd.f32 v33, v61  }
0xd6: {  	s16 =	sadd.f32 s16, s31;
	v48 =	vmin.f32 v37, v58;
	v61 =	vbroadcast v28, $0x3;
	v40 =	vnsel vm2, $0x0, v40  }
0xd7: {  	s18 =	spop (v2sf);
	vm2 =	vlt.f32 v63, v52;
	v63 =	vsub.f32 v60, v59;
	v52 =	vbroadcast v28, $0x2  }
0xd8: {  	s16 =	sadd.f32 s16, s18;
	v45 =	vmax.f32 v34, v55;
	v46 =	vmin.f32 v35, v56;
	v47 =	vmax.f32 v36, v57  }
0xd9: {  	s19 =	spop (v2sf);
	v55 =	vbroadcast v32, $0x4;
	v41 =	vsub.f32 v41, v40;
	vm2 =	vmand vm2, vm3  }
0xda: {  	s16 =	sadd.f32 s16, s19;
	vm3 =	vlt.f32 v59, v60;
	v59 =	vsub.f32 v46, v45;
	v60 =	vsub.f32 v48, v47  }
0xdb: {  	s20 =	spop (v2sf);
	(erf) = vrcp.f32 v41;
	v41 =	vnsel vm2, $0x0, v54;
	vm2 =	vlt.f32 v42, v43  }
0xdc: {  	s16 =	sadd.f32 s16, s20;
	v54 =	vmul.f32 v63, v62;
	v42 =	vadd.f32 v33, v52;
	v62 =	vmul.f32 v60, v59  }
0xdd: {  	s21 =	spop (v2sf);
	v63 =	vadd.f32 v33, v61;
	v52 =	vbroadcast v29, $0x4;
	v60 =	vmin.f32 v37, v55  }
0xde: {  	s16 =	sadd.f32 s16, s21;
	vm2 =	vmand vm2, vm3;
	v43 =	vsub.f32 v53, v41;
	vm3 =	vlt.f32 v47, v48  }
0xdf: {  	s22 =	spop (v2sf);
	v53 =	vbroadcast v30, $0x4;
	v44 =	vnsel vm2, $0x0, v54;
	vm2 =	vlt.f32 v45, v46  }
0xe0: {  	s16 =	sadd.f32 s16, s22;
	v54 =	vbroadcast v31, $0x4;
	v57 =	vmax.f32 v34, v52;
	v42 =	vsub.f32 v42, v44  }
0xe1: {  	s23 =	spop (v2sf);
	(erf) = vrcp.f32 v43;
	vm2 =	vmand vm2, vm3;
	v58 =	vmin.f32 v35, v53  }
0xe2: {  	s16 =	sadd.f32 s16, s23;
	v59 =	vmax.f32 v36, v54;
	v61 =	vsub.f32 v58, v57;
	(erf) = vrcp.f32 v42  }
0xe3: {  	s24 =	spop (v2sf);
	v42 =	vnsel vm2, $0x0, v62;
	v48 =	vsub.f32 v60, v59;
	v62 =	vsel vm1, $0x1, v15  }
0xe4: {  	s16 =	sadd.f32 s16, s24;
	vm3 =	vlt.f32 v59, v60;
	v60 =	vbroadcast v29, $0x5;
	v56 =	vsub.f32 v63, v42  }
0xe5: {  	s25 =	spop (v2sf);
	v63 =	vbroadcast v28, $0x4;
	v38 =	vor.u32 v62, v38;
	v62 =	vbroadcast v31, $0x5  }
0xe6: {  	s16 =	sadd.f32 s16, s25;
	vm2 =	vlt.f32 v57, v58;
	v39 =	vmul.f32 v48, v61;
	v38 =	vcvt.s32.f32 v38  }
0xe7: {  	s26 =	spop (v2sf);
	vm2 =	vmand vm2, vm3;
	v61 =	vbroadcast v30, $0x5;
	(erf) = vrcp.f32 v56  }
0xe8: {  	s16 =	sadd.f32 s16, s26;
	v49 =	vadd.f32 v33, v63;
	v63 =	vbroadcast v32, $0x5;
	v52 =	vbroadcast v38, $0x1  }
0xe9: {  	s28 =	spop (v2sf);
	v48 =	vpop (erf);
	v39 =	vnsel vm2, $0x0, v39;
	v53 =	vbroadcast v38, $0x2;
	v57 =	vbroadcast v38, $0x3  }
0xea: {  	s16 =	sadd.f32 s16, s28;
	v40 =	vmul.f32 v48, v40;
	v45 =	vsub.f32 v49, v39;
	vm2 =	veq.f32 v52, v38  }
0xeb: {  	s29 =	spop (v2sf);
	v48 =	vmax.f32 v34, v60;
	v50 =	vpop (erf);
	v54 =	vnsel vm2, $0x0, v2;
	vm2 =	veq.f32 v53, v38  }
0xec: {  	s16 =	sadd.f32 s16, s29;
	v52 =	vmin.f32 v37, v63;
	v41 =	vmul.f32 v50, v41;
	v56 =	vnsel vm2, $0x0, v3  }
0xed: {  	s30 =	spop (v2sf);
	vm2 =	veq.f32 v57, v38;
	v50 =	vmin.f32 v35, v61;
	v57 =	vbroadcast v31, $0x6  }
0xee: {  	s16 =	sadd.f32 s16, s30;
	v51 =	vpop (erf);
	(erf) = vrcp.f32 v45;
	v59 =	vnsel vm2, $0x0, v4;
	v53 =	vsub.f32 v50, v48  }
0xef: {  	s31 =	spop (v2sf);
	vm2 =	vlt.f32 v48, v50;
	v43 =	vmul.f32 v51, v44;
	v41 =	vmax.f32 v40, v41  }
0xf0: {  	s16 =	sadd.f32 s16, s31;
	v51 =	vmax.f32 v36, v62;
	v62 =	vmax.f32 v36, v57;
	v57 =	vbroadcast v29, $0x7  }
0xf1: {  	v47 =	vsub.f32 v52, v51;
	vm3 =	vlt.f32 v51, v52;
	v52 =	vbroadcast v38, $0x4  }
0xf2: {  	v51 =	vbroadcast v28, $0x7;
	p0 =	sgt.f32 s16, $1.000000000e+00;
	p1 =	sgt.f32 s16, $2.000000000e+00;
	v55 =	vpop (erf);
	v44 =	vmax.f32 v34, v57;
	v57 =	vbroadcast v32, $0x8  }
0xf3: {  	vm2 =	vmand vm2, vm3;
	v42 =	vmul.f32 v55, v42;
	v55 =	vbroadcast v29, $0x6  }
0xf4: {  	v40 =	vpsel p0, v41, v40;
	v41 =	vpsel !p0, $0x0, v54;
	v58 =	vpsel !p1, $0x0, v56  }
0xf5: {  	p6 =	sgt.f32 s16, $3.000000000e+00;
	v54 =	vbroadcast v28, $0x5;
	v56 =	vbroadcast v30, $0x6;
	v43 =	vmax.f32 v40, v43  }
0xf6: {  	v41 =	vmax.f32 v41, v58;
	v58 =	vbroadcast v32, $0x6;
	v60 =	vmax.f32 v34, v55  }
0xf7: {  	v55 =	vbroadcast v28, $0x6;
	v40 =	vpsel p1, v43, v40;
	v43 =	vpsel !p6, $0x0, v59  }
0xf8: {  	v61 =	vmin.f32 v35, v56;
	v42 =	vmax.f32 v40, v42;
	v41 =	vmax.f32 v41, v43  }
0xf9: {  	v43 =	vmul.f32 v47, v53;
	v63 =	vmin.f32 v37, v58;
	v53 =	vsub.f32 v61, v60  }
0xfa: {  	v58 =	vbroadcast v30, $0x7;
	v40 =	vpsel p6, v42, v40;
	v49 =	vpop (erf);
	v42 =	vadd.f32 v33, v54  }
0xfb: {  	v54 =	vsub.f32 v63, v62;
	vm3 =	vlt.f32 v62, v63;
	v39 =	vmul.f32 v49, v39  }
0xfc: {  	v43 =	vnsel vm2, $0x0, v43;
	vm2 =	vlt.f32 v60, v61;
	v60 =	vbroadcast v32, $0x7  }
0xfd: {  	v45 =	vmin.f32 v35, v58;
	v59 =	vsub.f32 v42, v43;
	vm2 =	vmand vm2, vm3  }
0xfe: {  	p1 =	sgt.f32 s16, $4.000000000e+00;
	v56 =	vmul.f32 v54, v53;
	v42 =	vadd.f32 v33, v55;
	v62 =	vsub.f32 v45, v44  }
0xff: {  	v53 =	vbroadcast v29, $0x8;
	v54 =	vbroadcast v30, $0x8;
	v39 =	vmax.f32 v40, v39  }
0x100: {  	v61 =	vmin.f32 v37, v60;
	v60 =	vbroadcast v38, $0x5;
	v39 =	vpsel p1, v39, v40  }
0x101: {  	(erf) = vrcp.f32 v59;
	v40 =	vnsel vm2, $0x0, v56;
	v59 =	vbroadcast v31, $0x7  }
0x102: {  	vm2 =	veq.f32 v52, v38;
	v56 =	vbroadcast v31, $0x8;
	v42 =	vsub.f32 v42, v40  }
0x103: {  	v48 =	vnsel vm2, $0x0, v5;
	vm2 =	vlt.f32 v44, v45;
	v44 =	vadd.f32 v33, v51  }
0x104: {  	v45 =	vmax.f32 v34, v53;
	v53 =	vbroadcast v38, $0x6;
	v46 =	vmax.f32 v36, v59  }
0x105: {  	v58 =	vmax.f32 v36, v56;
	v59 =	vmin.f32 v37, v57;
	v48 =	vpsel !p1, $0x0, v48  }
0x106: {  	v56 =	vbroadcast v31, $0x9;
	v57 =	vbroadcast v32, $0x9;
	v63 =	vsub.f32 v61, v46  }
0x107: {  	vm3 =	vlt.f32 v46, v61;
	(erf) = vrcp.f32 v42;
	v46 =	vmin.f32 v35, v54  }
0x108: {  	v41 =	vmax.f32 v41, v48;
	v54 =	vbroadcast v29, $0x9;
	vm2 =	vmand vm2, vm3  }
0x109: {  	v61 =	vsub.f32 v46, v45;
	vm3 =	vlt.f32 v58, v59;
	v47 =	vmax.f32 v36, v56  }
0x10a: {  	v56 =	vbroadcast v38, $0x8;
	v52 =	vmul.f32 v63, v62;
	v62 =	vsub.f32 v59, v58  }
0x10b: {  	v48 =	vmin.f32 v37, v57;
	v57 =	vbroadcast v38, $0x9;
	v63 =	vbroadcast v28, $0x8  }
0x10c: {  	v42 =	vnsel vm2, $0x0, v52;
	vm2 =	vlt.f32 v45, v46;
	v49 =	vmul.f32 v62, v61  }
0x10d: {  	v61 =	vsub.f32 v48, v47;
	v62 =	vbroadcast v38, $0x7;
	vm2 =	vmand vm2, vm3  }
0x10e: {  	v44 =	vsub.f32 v44, v42;
	vm3 =	veq.f32 v60, v38;
	v45 =	vnsel vm2, $0x0, v49  }
0x10f: {  	p2 =	sgt.f32 s16, $5.000000000e+00;
	v55 =	vpop (erf);
	v51 =	vnsel vm3, $0x0, v6;
	vm2 =	veq.f32 v53, v38;
	vm3 =	vlt.f32 v47, v48  }
0x110: {  	p3 =	sgt.f32 s16, $6.000000000e+00;
	v43 =	vmul.f32 v55, v43;
	(erf) = vrcp.f32 v44;
	v44 =	vadd.f32 v33, v63  }
0x111: {  	v52 =	vpsel !p2, $0x0, v51;
	v46 =	vnsel vm2, $0x0, v7;
	v63 =	vbroadcast v28, $0x9  }
0x112: {  	v55 =	vbroadcast v30, $0x9;
	v41 =	vmax.f32 v41, v52;
	v58 =	vpsel !p3, $0x0, v46  }
0x113: {  	v43 =	vmax.f32 v39, v43;
	v50 =	vpop (erf);
	v44 =	vsub.f32 v44, v45;
	v53 =	vadd.f32 v33, v63  }
0x114: {  	v63 =	vbroadcast v29, $0xB;
	v40 =	vmul.f32 v50, v40;
	v39 =	vpsel p2, v43, v39  }
0x115: {  	v43 =	vmax.f32 v34, v54;
	(erf) = vrcp.f32 v44;
	v44 =	vmin.f32 v35, v55  }
0x116: {  	v40 =	vmax.f32 v39, v40;
	v60 =	vsub.f32 v44, v43;
	vm2 =	vlt.f32 v43, v44  }
0x117: {  	v39 =	vpsel p3, v40, v39;
	v40 =	vmax.f32 v41, v58;
	vm2 =	vmand vm2, vm3  }
0x118: {  	p4 =	sgt.f32 s16, $7.000000000e+00;
	vm3 =	veq.f32 v62, v38;
	v58 =	vbroadcast v29, $0xA;
	v62 =	vbroadcast v28, $0xA  }
0x119: {  	v52 =	vmul.f32 v61, v60;
	v54 =	vnsel vm3, $0x0, v8;
	v60 =	vbroadcast v31, $0xA  }
0x11a: {  	v61 =	vbroadcast v32, $0xA;
	v44 =	vpsel !p4, $0x0, v54;
	v54 =	vbroadcast v30, $0xB  }
0x11b: {  	v43 =	vnsel vm2, $0x0, v52;
	v40 =	vmax.f32 v40, v44;
	vm2 =	veq.f32 v56, v38  }
0x11c: {  	v59 =	vpop (erf);
	v47 =	vmin.f32 v37, v61;
	v56 =	vbroadcast v32, $0xB;
	v52 =	vbroadcast v29, $0xE  }
0x11d: {  	v42 =	vmul.f32 v59, v42;
	v41 =	vsub.f32 v53, v43;
	v44 =	vnsel vm2, $0x0, v9  }
0x11e: {  	p5 =	sgt.f32 s16, $8.000000000e+00;
	v59 =	vbroadcast v30, $0xA;
	vm2 =	veq.f32 v57, v38;
	v57 =	vadd.f32 v33, v62  }
0x11f: {  	v53 =	vbroadcast v30, $0xE;
	v48 =	vnsel vm2, $0x0, v10;
	v61 =	vmin.f32 v37, v56  }
0x120: {  	p6 =	sgt.f32 s16, $9.000000000e+00;
	v56 =	vbroadcast v28, $0xB;
	v44 =	vpsel !p5, $0x0, v44;
	v42 =	vmax.f32 v39, v42  }
0x121: {  	v46 =	vmin.f32 v35, v59;
	v59 =	vmin.f32 v35, v54;
	v40 =	vmax.f32 v40, v44  }
0x122: {  	v48 =	vpsel !p6, $0x0, v48;
	v55 =	vpop (erf);
	v39 =	vpsel p4, v42, v39;
	(erf) = vrcp.f32 v41  }
0x123: {  	v41 =	vmax.f32 v36, v60;
	v42 =	vmul.f32 v55, v45;
	v45 =	vmax.f32 v34, v58  }
0x124: {  	vm3 =	vlt.f32 v41, v47;
	v41 =	vsub.f32 v47, v41;
	v55 =	vbroadcast v31, $0xB  }
0x125: {  	v58 =	vmax.f32 v34, v63;
	vm2 =	vlt.f32 v45, v46;
	v45 =	vsub.f32 v46, v45  }
0x126: {  	v40 =	vmax.f32 v40, v48;
	v62 =	vsub.f32 v59, v58;
	v46 =	vadd.f32 v33, v56  }
0x127: {  	vm2 =	vmand vm2, vm3;
	v60 =	vmax.f32 v36, v55;
	v42 =	vmax.f32 v39, v42  }
0x128: {  	v41 =	vmul.f32 v41, v45;
	v63 =	vsub.f32 v61, v60;
	vm3 =	vlt.f32 v60, v61  }
0x129: {  	v60 =	vbroadcast v31, $0xC;
	v61 =	vbroadcast v32, $0xC;
	v39 =	vpsel p5, v42, v39  }
0x12a: {  	v41 =	vnsel vm2, $0x0, v41;
	vm2 =	vlt.f32 v58, v59;
	v58 =	vbroadcast v29, $0xC  }
0x12b: {  	v59 =	vbroadcast v30, $0xC;
	v55 =	vmax.f32 v36, v60;
	v56 =	vmin.f32 v37, v61  }
0x12c: {  	v45 =	vsub.f32 v57, v41;
	vm2 =	vmand vm2, vm3;
	v57 =	vmul.f32 v63, v62  }
0x12d: {  	vm3 =	vlt.f32 v55, v56;
	v50 =	vsub.f32 v56, v55;
	v63 =	vmax.f32 v34, v58  }
0x12e: {  	v54 =	vmin.f32 v35, v59;
	v58 =	vbroadcast v29, $0xD;
	v59 =	vbroadcast v30, $0xD  }
0x12f: {  	v29 =	vbroadcast v29, $0xF;
	v30 =	vbroadcast v30, $0xF;
	v47 =	vnsel vm2, $0x0, v57  }
0x130: {  	(erf) = vrcp.f32 v45;
	vm2 =	vlt.f32 v63, v54;
	v62 =	vsub.f32 v46, v47  }
0x131: {  	v46 =	vsub.f32 v54, v63;
	vm2 =	vmand vm2, vm3;
	v63 =	vbroadcast v31, $0xD  }
0x132: {  	v61 =	vmax.f32 v34, v58;
	v54 =	vbroadcast v32, $0xD;
	v58 =	vbroadcast v28, $0xD;
	v57 =	vpop (erf)  }
0x133: {  	v29 =	vmax.f32 v34, v29;
	v30 =	vmin.f32 v35, v30;
	v43 =	vmul.f32 v57, v43  }
0x134: {  	(erf) = vrcp.f32 v62;
	v60 =	vmul.f32 v50, v46;
	v62 =	vmin.f32 v35, v59  }
0x135: {  	v55 =	vmax.f32 v36, v63;
	v56 =	vmin.f32 v37, v54;
	v57 =	vbroadcast v28, $0xC  }
0x136: {  	v42 =	vadd.f32 v33, v58;
	v50 =	vbroadcast v38, $0xC;
	vm3 =	vlt.f32 v61, v62  }
0x137: {  	v46 =	vsub.f32 v62, v61;
	v49 =	vsub.f32 v56, v55;
	v62 =	vbroadcast v38, $0xA  }
0x138: {  	v45 =	vnsel vm2, $0x0, v60;
	vm2 =	vlt.f32 v55, v56;
	v55 =	vbroadcast v31, $0xE  }
0x139: {  	v60 =	vadd.f32 v33, v57;
	v56 =	vbroadcast v32, $0xE;
	v57 =	vbroadcast v38, $0xB  }
0x13a: {  	v43 =	vmax.f32 v39, v43;
	v31 =	vbroadcast v31, $0xF;
	v32 =	vbroadcast v32, $0xF  }
0x13b: {  	v59 =	vmul.f32 v49, v46;
	vm2 =	vmand vm3, vm2;
	v39 =	vpsel p6, v43, v39  }
0x13c: {  	v43 =	vmin.f32 v35, v53;
	v46 =	vsub.f32 v60, v45;
	v48 =	vmin.f32 v37, v56;
	v61 =	vpop (erf)  }
0x13d: {  	v31 =	vmax.f32 v36, v31;
	v32 =	vmin.f32 v37, v32;
	v41 =	vmul.f32 v61, v41  }
0x13e: {  	p1 =	sgt.f32 s16, $1.000000000e+01;
	v44 =	vnsel vm2, $0x0, v59;
	vm2 =	veq.f32 v62, v38;
	v59 =	vbroadcast v28, $0xE  }
0x13f: {  	v42 =	vsub.f32 v42, v44;
	v54 =	vnsel vm2, $0x0, v11;
	v41 =	vmax.f32 v39, v41;
	v63 =	vpop (erf)  }
0x140: {  	(erf) = vrcp.f32 v46;
	v39 =	vpsel p1, v41, v39;
	v41 =	vmul.f32 v63, v47  }
0x141: {  	(erf) = vrcp.f32 v42;
	v42 =	vmax.f32 v34, v52;
	v47 =	vmax.f32 v36, v55  }
0x142: {  	vm2 =	vlt.f32 v42, v43;
	v42 =	vsub.f32 v43, v42;
	v58 =	vsub.f32 v48, v47  }
0x143: {  	v60 =	vsub.f32 v32, v31;
	v28 =	vbroadcast v28, $0xF;
	v62 =	vadd.f32 v33, v59  }
0x144: {  	v34 =	vsub.f32 v30, v29;
	vm3 =	vlt.f32 v47, v48;
	v42 =	vmul.f32 v58, v42  }
0x145: {  	v28 =	vadd.f32 v33, v28;
	vm2 =	vmand vm2, vm3;
	vm3 =	vlt.f32 v31, v32  }
0x146: {  	v63 =	vmul.f32 v60, v34;
	v61 =	vnsel vm2, $0x0, v42;
	vm2 =	vlt.f32 v29, v30  }
0x147: {  	v46 =	vpsel !p1, $0x0, v54;
	v42 =	vsub.f32 v62, v61;
	vm2 =	vmand vm2, vm3  }
0x148: {  	p2 =	sgt.f32 s16, $1.100000000e+01;
	v56 =	vbroadcast v38, $0xE;
	v43 =	vmax.f32 v40, v46;
	v29 =	vnsel vm2, $0x0, v63  }
0x149: {  	v46 =	vmax.f32 v39, v41;
	(erf) = vrcp.f32 v42;
	v28 =	vsub.f32 v28, v29  }
0x14a: {  	v55 =	vbroadcast v38, $0xD;
	v47 =	vmov s16;
	v32 =	vpsel p2, v46, v39  }
0x14b: {  	vm2 =	veq.f32 v57, v38;
	v57 =	vbroadcast v38, $0xF;
	v48 =	vpop (erf);
	(erf) = vrcp.f32 v28  }
0x14c: {  	v49 =	vnsel vm2, $0x0, v12;
	vm2 =	veq.f32 v50, v38;
	v33 =	vmul.f32 v48, v45  }
0x14d: {  	p3 =	sgt.f32 s16, $1.200000000e+01;
	v30 =	vpsel !p2, $0x0, v49;
	v53 =	vpop (erf);
	v54 =	vnsel vm2, $0x0, v13;
	vm2 =	veq.f32 v55, v38  }
0x14e: {  	p2 =	sgt.f32 s16, $1.300000000e+01;
	v51 =	vmax.f32 v43, v30;
	v31 =	vmul.f32 v53, v44;
	v52 =	vmax.f32 v32, v33  }
0x14f: {  	v33 =	vnsel vm2, $0x0, v14;
	vm2 =	veq.f32 v56, v38;
	v30 =	vpsel p3, v52, v32  }
0x150: {  	p4 =	sgt.f32 s16, $1.400000000e+01;
	v32 =	vpsel !p3, $0x0, v54;
	v33 =	vpsel !p2, $0x0, v33;
	v34 =	vnsel vm2, $0x0, v16  }
0x151: {  	p5 =	sgt.f32 s16, $1.500000000e+01;
	vm2 =	veq.f32 v57, v38;
	v28 =	vmax.f32 v51, v32;
	v31 =	vmax.f32 v30, v31  }
0x152: {  	v59 =	vpsel !p4, $0x0, v34;
	v60 =	vnsel vm2, $0x0, v17;
	v28 =	vmax.f32 v28, v33;
	v58 =	vpop (erf)  }
0x153: {  	v28 =	vmax.f32 v28, v59;
	v32 =	vmul.f32 v58, v61;
	v61 =	vpsel !p5, $0x0, v60  }
0x154: {  	vm2 =	vgt.f32 v47, v1;
	v30 =	vpsel p2, v31, v30;
	v62 =	vpop (erf);
	v28 =	vmax.f32 v28, v61  }
0x155: {  	[tilespmem:s13+$0xFFFFFFF0] =	vst v26;
	v32 =	vmax.f32 v30, v32;
	v29 =	vmul.f32 v62, v29;
	v28 =	vsub.f32 $1.000000000e+00, v28  }
0x156: {  	v19 =	vsel vm1, v23, v19;
	[tilespmem:s13+$0x0] =	vst v18;
	p0 =	sne.s32 s12, $0x960;
	v63 =	vsel vm2, $0x3F800000, v0;
	v30 =	vpsel p4, v32, v30  }
.Ltmp1:
0x157: {  	v18 =	vsel vm1, v24, v20;
	[tilespmem:s13+$0x10] =	vst v19;
	p6 =	sgt.f32 s16, $0.0e+00;
	v29 =	vmax.f32 v30, v29;
	v28 =	vmul.f32 v28, v63;
	(pc) =	sbr.rel @p0 .LBB2_4-.Ltmp1, $4  }
0x158: {  	v19 =	vsel vm1, v25, v21;
	[tilespmem:s13+$0x20] =	vst v18;
	v29 =	vpsel p5, v29, v30  }
0x159: {  	[tilespmem:s13+$0x30] =	vst v19;
	v29 =	vpsel !p6, $0xFF800000, v29;
	vm2 =	vgt.f32 v28, $5.000000000e-01  }
0x15a: {  	s14 =	sadd.s32 $0x50, s14;
	[tilespmem:s13+$0xFFFFFFD0] =	vst v28;
	v29 =	vnsel vm2, $0x0, v29  }
0x15b: {  	s15 =	sadd.s32 $0xA0, s15;
	s12 =	sadd.s32 $0xA0, s12;
	[tilespmem:s13+$0xFFFFFFE0] =	vst v29;
	s13 =	sadd.s32 $0x70, s13  }
0x15c: {  	s11 =	sadd.s32 $0x1, s11  }
0x15d: {  	p0 =	sne.s32 s11, s6  }
.Ltmp2:
0x15e: {  	_ = 	snop;
	(pc) =	sbr.rel @p0 .LBB2_1-.Ltmp2, $4  }
0x15f: {  	[hbm4b:s5+s2] =	stream.linear.scatter [tilespmem:s10], [sflag:$0x2], $0x700, $0x38;
	[tilespmem:$0x1600] =	vst v63  }
0x160: {  	_ =	swait.ge [sflag:s8], $0x700  }
0x161: {  	[sflag:s8] =	ssyncset.done $0x0  }
0x162: {  	[sflag:s8] =	ssyncadd.s32 $0xFFFFF900  }
0x163: {  	_ =	sfence.sel $0x180000  }
0x164: {  	[bflag:$0x0] =	sbarrier.arrive $0xFFFF  }
0x165: {  	p0 =	sne.s32 s1, $0x0;
	_ =	strace $0x90000047  }
0x166: {  	s0 =	sadd.s32 @!p0 $0x100000, s0;
	[bflag:$0x2] =	sbarrier.arrive $0xFFFF  }
0x167: {  	[sflag:s0] =	ssyncadd.tile.s32 @!p0 $0x1;
	_ =	shalt  }
.Lfunc_end2:
_tile_overlayer_lowered:
.L_overlay_start_2:
0x168: {  	(tag) =	ssettag $0x2  }
0x169: {  	s0 =	rddreg [dreg:$0x0];
	s2 =	stileid.u32  }
0x16a: {  	s1 =	rddreg [dreg:$0x1];
	p0 =	sne.s32 s2, $0x0  }
0x16b: {  	s3 =	rddreg [dreg:$0x2];
	[bflag:$0x3] =	sbarrier.arrive $0xFFFF;
	s2 =	simm.s32 @!p0 $0x1C02  }
0x16c: {  	[timem:s3], [sflag:s2] =	dma.local @!p0 [hbm:s0], s1  }
0x16d: {  	s0 =	simm.s32 @!p0 $0x2  }
0x16e: {  	_ =	swait.ge @!p0 [sflag:s0], s1  }
0x16f: {  	s1 =	ssub.s32 @!p0 $0x0, s1;
	[sflag:s0] =	ssyncset.done @!p0 $0x0  }
0x170: {  	[sflag:s0] =	ssyncadd.s32 @!p0 s1  }
0x171: {  	[bflag:$0x3] =	sbarrier.arrive $0xFFFF  }
0x172: {  	_ =	shalt  }

</sc_bundles>
